<compile_context>
chip_gen: v7x
topology: tpu7x:2x2x1
jax: 0.10.2.dev20260603
libtpu: 0.0.44.dev20260713+nightly
codegen_flags: <defaults>
</compile_context>

<pallas_src>
import functools

import jax
import jax.numpy as jnp
from jax import lax
from jax.experimental import pallas as pl
from jax.experimental.pallas import tpu as pltpu
from jax.experimental.pallas import tpu_sc as plsc

L = 16
NW = 32
CHUNK = 2048
GROUPS = CHUNK // L
JROWS = GROUPS // 8


def _body(H, W, F, n_chunks, exp_hbm, loc_hbm, out_hbm,
          loc0, loc1, wx0, wx1, wy0, wy1, idx0, idx1, fb0, fb1,
          o0, o1, sem0, sem1):
    cid = lax.axis_index("c")
    sid = lax.axis_index("s")
    wid = sid * 2 + cid
    ixmax = jnp.full((L,), H - 2, jnp.int32)
    iymax = jnp.full((L,), W - 2, jnp.int32)
    fzero = jnp.zeros((L,), jnp.float32)
    fone = jnp.ones((L,), jnp.float32)
    lane = lax.iota(jnp.int32, L)

    def chunk_base(k):
        return wid * (n_chunks * CHUNK) + k * CHUNK

    def stage_a(k, loc_v, wx_v, wy_v, idx_v, fbuf_v, sem):
        base = chunk_base(k)
        pltpu.sync_copy(loc_hbm.at[pl.ds(2 * base, 2 * CHUNK)], loc_v)

        def a_j(j, c):
            def a_u(u, c2):
                g = j * 8 + u
                off = 256 * j + 16 * u
                x = loc_v[pl.ds(off, L)]
                y = loc_v[pl.ds(off + 128, L)]
                x = jnp.maximum(x, fzero)
                y = jnp.maximum(y, fzero)
                xi = jnp.minimum(x.astype(jnp.int32), ixmax)
                yi = jnp.minimum(y.astype(jnp.int32), iymax)
                wx_v[pl.ds(g * L, L)] = x - xi.astype(jnp.float32)
                wy_v[pl.ds(g * L, L)] = y - yi.astype(jnp.float32)
                idx = xi * W + yi
                idx_v[j, pl.ds(16 * u, L)] = idx
                idx_v[j + JROWS, pl.ds(16 * u, L)] = idx + W
                return c2
            return lax.fori_loop(0, 8, a_u, c)
        lax.fori_loop(0, JROWS, a_j, 0)

        def fire(j, c):
            pltpu.async_copy(exp_hbm.at[idx_v.at[j]],
                             fbuf_v.at[pl.ds(j * 128, 128)], sem)
            return c
        lax.fori_loop(0, 2 * JROWS, fire, 0)

    def stage_b(k, wx_v, wy_v, fbuf_v, out_v, sem):
        def drain(j, c):
            pltpu.make_async_copy(
                exp_hbm.at[pl.ds(0, GROUPS)],
                fbuf_v.at[pl.ds(j * 128, 128)], sem).wait()
            return c
        lax.fori_loop(0, 2 * JROWS, drain, 0)

        def b_j(j, c):
            def b_u(u2, c2):
                for h in range(2):
                    u = u2 * 2 + h
                    g = j * 8 + u
                    wx = wx_v[pl.ds(g * L, L)]
                    wy = wy_v[pl.ds(g * L, L)]
                    w11 = wx * wy
                    w10 = wx - w11
                    w01 = wy - w11
                    w00 = (fone - wx) - w01
                    r0 = g * L + lane
                    r1 = r0 + CHUNK
                    for f in range(F):
                        fv = jnp.full((L,), f, jnp.int32)
                        fv4 = jnp.full((L,), F + f, jnp.int32)
                        c00 = plsc.load_gather(fbuf_v, [r0, fv])
                        c01 = plsc.load_gather(fbuf_v, [r0, fv4])
                        c10 = plsc.load_gather(fbuf_v, [r1, fv])
                        c11 = plsc.load_gather(fbuf_v, [r1, fv4])
                        o = c00 * w00 + c01 * w01 + c10 * w10 + c11 * w11
                        out_v[pl.ds(512 * j + 128 * f + 16 * u, L)] = o
                return c2
            return lax.fori_loop(0, 4, b_u, c)
        lax.fori_loop(0, JROWS, b_j, 0)

        base = chunk_base(k)
        pltpu.sync_copy(out_v, out_hbm.at[pl.ds(F * base, F * CHUNK)])

    def run_a(k, b):
        if b == 0:
            stage_a(k, loc0, wx0, wy0, idx0, fb0, sem0)
        else:
            stage_a(k, loc1, wx1, wy1, idx1, fb1, sem1)

    def run_b(k, b):
        if b == 0:
            stage_b(k, wx0, wy0, fb0, o0, sem0)
        else:
            stage_b(k, wx1, wy1, fb1, o1, sem1)

    run_a(0, 0)

    def pair(k2, carry):
        e = 2 * k2
        run_a(e + 1, 1)
        run_b(e, 0)
        run_a(e + 2, 0)
        run_b(e + 1, 1)
        return carry
    lax.fori_loop(0, n_chunks // 2 - 1, pair, 0)

    run_a(n_chunks - 1, 1)
    run_b(n_chunks - 2, 0)
    run_b(n_chunks - 1, 1)


def kernel(feature_grid, location):
    H, W, F = feature_grid.shape
    N = location.shape[0]
    assert N % (NW * CHUNK) == 0
    n_chunks = N // (NW * CHUNK)
    assert n_chunks % 2 == 0 and n_chunks >= 4

    flat = feature_grid.reshape(H * W, F)
    exp = jnp.concatenate([flat[:-1], flat[1:]], axis=1)
    loc1d = location.reshape(-1, 128, 2).transpose(0, 2, 1).reshape(-1)

    mesh = plsc.VectorSubcoreMesh(core_axis_name="c", subcore_axis_name="s")
    run = pl.kernel(
        functools.partial(_body, H, W, F, n_chunks),
        mesh=mesh,
        out_type=jax.ShapeDtypeStruct((N * F,), jnp.float32),
        compiler_params=pltpu.CompilerParams(
            needs_layout_passes=False, use_tc_tiling_on_sc=False),
        scratch_types=[
            pltpu.VMEM((2 * CHUNK,), jnp.float32),
            pltpu.VMEM((2 * CHUNK,), jnp.float32),
            pltpu.VMEM((CHUNK,), jnp.float32),
            pltpu.VMEM((CHUNK,), jnp.float32),
            pltpu.VMEM((CHUNK,), jnp.float32),
            pltpu.VMEM((CHUNK,), jnp.float32),
            pltpu.VMEM((2 * JROWS, GROUPS), jnp.int32),
            pltpu.VMEM((2 * JROWS, GROUPS), jnp.int32),
            pltpu.VMEM((2 * CHUNK, 2 * F), jnp.float32),
            pltpu.VMEM((2 * CHUNK, 2 * F), jnp.float32),
            pltpu.VMEM((CHUNK * F,), jnp.float32),
            pltpu.VMEM((CHUNK * F,), jnp.float32),
            pltpu.SemaphoreType.DMA,
            pltpu.SemaphoreType.DMA,
        ],
    )
    out1d = run(exp, loc1d)
    return out1d.reshape(-1, F, 128).transpose(0, 2, 1).reshape(N, F)

# --- scband reference (transcript-rebuilt; emitter-appended) ---
"""Pipeline reference for scband-feature-encoding-72816875536993 (READ-ONLY COPY).

The authoritative reference and input builder live on the scoring server;
editing this copy changes nothing except your own understanding.
"""

import jax, jax.numpy as jnp
import numpy as np

GRID_H = 512
GRID_W = 512
NUM_FEATURES = 4
N_LOC = 4194304


def setup_inputs(seed: int = 0) -> dict:
    key = jax.random.key(seed)
    k1, k2 = jax.random.split(key)
    # learned parameter: feature grid [ceil(2048/4), ceil(2048/4), 4]
    feature_grid = jax.random.normal(k1, (GRID_H, GRID_W, NUM_FEATURES), dtype=jnp.float32)
    # continuous sample locations in grid coordinates [0, dim-1]
    loc01 = jax.random.uniform(k2, (N_LOC, 2), dtype=jnp.float32)
    location = loc01 * jnp.array([GRID_H - 1, GRID_W - 1], dtype=jnp.float32)
    return {"feature_grid": feature_grid, "location": location}


def reference(feature_grid, location):
    # Bilinear interpolation of a 2D feature grid at continuous locations
    # (faithful translation of the slang feature_encoding_fwd kernel).
    H, W, F = feature_grid.shape
    x = jnp.clip(location[:, 0], 0.0, H - 1 - 1e-6)
    y = jnp.clip(location[:, 1], 0.0, W - 1 - 1e-6)
    x0 = jnp.floor(x).astype(jnp.int32)
    y0 = jnp.floor(y).astype(jnp.int32)
    x1 = jnp.minimum(x0 + 1, H - 1)
    y1 = jnp.minimum(y0 + 1, W - 1)
    wx = (x - x0.astype(jnp.float32))[:, None]
    wy = (y - y0.astype(jnp.float32))[:, None]
    flat = feature_grid.reshape(H * W, F)
    f00 = jnp.take(flat, x0 * W + y0, axis=0)
    f01 = jnp.take(flat, x0 * W + y1, axis=0)
    f10 = jnp.take(flat, x1 * W + y0, axis=0)
    f11 = jnp.take(flat, x1 * W + y1, axis=0)
    out = (f00 * (1.0 - wx) * (1.0 - wy)
           + f01 * (1.0 - wx) * wy
           + f10 * wx * (1.0 - wy)
           + f11 * wx * wy)
    return out

if __name__ == "__main__":
    import jax
    _d = setup_inputs()
    print(jax.jit(kernel)(*tuple(_d.values())))

</pallas_src>

<mosaic_0001>
#map = affine_map<(d0, d1) -> (0, 0)>
#map1 = affine_map<(d0, d1) -> (0)>
module attributes {stable_mosaic.version = 14 : i64} {
  func.func @_body(%arg0: i32, %arg1: i32, %arg2: memref<262143x8xf32, #tpu.memory_space<hbm>>, %arg3: memref<8388608xf32, #tpu.memory_space<hbm>>, %arg4: memref<16777216xf32, #tpu.memory_space<hbm>>, %arg5: memref<4096xf32, #tpu.memory_space<vmem>>, %arg6: memref<4096xf32, #tpu.memory_space<vmem>>, %arg7: memref<2048xf32, #tpu.memory_space<vmem>>, %arg8: memref<2048xf32, #tpu.memory_space<vmem>>, %arg9: memref<2048xf32, #tpu.memory_space<vmem>>, %arg10: memref<2048xf32, #tpu.memory_space<vmem>>, %arg11: memref<32x128xi32, #tpu.memory_space<vmem>>, %arg12: memref<32x128xi32, #tpu.memory_space<vmem>>, %arg13: memref<4096x8xf32, #tpu.memory_space<vmem>>, %arg14: memref<4096x8xf32, #tpu.memory_space<vmem>>, %arg15: memref<8192xf32, #tpu.memory_space<vmem>>, %arg16: memref<8192xf32, #tpu.memory_space<vmem>>, %arg17: memref<!tpu.dma_semaphore, #tpu.memory_space<semaphore_mem>>, %arg18: memref<!tpu.dma_semaphore, #tpu.memory_space<semaphore_mem>>) attributes {dimension_semantics = [#tpu.dimension_semantics<core_parallel>, #tpu.dimension_semantics<subcore_parallel>], iteration_bounds = array<i64: 2, 16>, scalar_prefetch = 0 : i64, scratch_operands = 14 : i64, tpu.core_type = #tpu.core_type<sc_vector_subcore>, window_params = [{transform_indices = #map}, {transform_indices = #map1}, {transform_indices = #map1}]} {
    %mul3A = arith.constant 2 : i32
    %mul3A_0 = arith.muli %arg1, %mul3A : i32
    %add3A = arith.addi %mul3A_0, %arg0 : i32
    %broadcast_in_dim3A = arith.constant 510 : i32
    %broadcast_in_dim3A_1 = vector.broadcast %broadcast_in_dim3A : i32 to vector<16xi32>
    %broadcast_in_dim3A_2 = arith.constant 510 : i32
    %broadcast_in_dim3A_3 = vector.broadcast %broadcast_in_dim3A_2 : i32 to vector<16xi32>
    %broadcast_in_dim3A_4 = arith.constant 0.000000e+00 : f32
    %broadcast_in_dim3A_5 = vector.broadcast %broadcast_in_dim3A_4 : f32 to vector<16xf32>
    %broadcast_in_dim3A_6 = arith.constant 1.000000e+00 : f32
    %broadcast_in_dim3A_7 = vector.broadcast %broadcast_in_dim3A_6 : f32 to vector<16xf32>
    %iota3A = tpu.iota {dimensions = array<i32: 0>} : vector<16xi32>
    %mul3A_8 = arith.constant 131072 : i32
    %mul3A_9 = arith.muli %add3A, %mul3A_8 : i32
    %add3A_10 = arith.constant 0 : i32
    %add3A_11 = arith.addi %mul3A_9, %add3A_10 : i32
    %mul3A_12 = arith.constant 2 : i32
    %mul3A_13 = arith.muli %mul3A_12, %add3A_11 : i32
    "tpu.region"() ({
      %run_scoped3A = tpu.sem_alloc : memref<!tpu.dma_semaphore, #tpu.memory_space<semaphore_mem>>
      %dma_start3A = tpu.memref_slice %arg3[%mul3A_13] : memref<8388608xf32, #tpu.memory_space<hbm>> -> memref<4096xf32, #tpu.memory_space<hbm>>
      %dma_start3A_85 = tpu.memref_slice %arg3[%mul3A_13] : memref<8388608xf32, #tpu.memory_space<hbm>> -> memref<4096xf32, #tpu.memory_space<hbm>>
      tpu.enqueue_dma source(%dma_start3A_85 : memref<4096xf32, #tpu.memory_space<hbm>>) target(%arg5 : memref<4096xf32, #tpu.memory_space<vmem>>) target_semaphore(%run_scoped3A : memref<!tpu.dma_semaphore, #tpu.memory_space<semaphore_mem>>)
      %dma_wait3A = tpu.memref_slice %arg3[%mul3A_13] : memref<8388608xf32, #tpu.memory_space<hbm>> -> memref<4096xf32, #tpu.memory_space<hbm>>
      %dma_wait3A_86 = tpu.memref_slice %arg3[%mul3A_13] : memref<8388608xf32, #tpu.memory_space<hbm>> -> memref<4096xf32, #tpu.memory_space<hbm>>
      tpu.wait_dma2 semaphore(%run_scoped3A : memref<!tpu.dma_semaphore, #tpu.memory_space<semaphore_mem>>) src(%dma_wait3A_86 : memref<4096xf32, #tpu.memory_space<hbm>>) dst(%arg5 : memref<4096xf32, #tpu.memory_space<vmem>>)
      tpu.yield
    }) : () -> ()
    %scan3A = arith.constant 0 : i32
    %scan3A_14 = arith.constant 0 : i32
    %scan3A_15 = arith.constant 16 : i32
    %scan3A_16 = arith.addi %scan3A_14, %scan3A_15 : i32
    %scan3A_17 = arith.constant 1 : i32
    scf.for %scan3A_85 = %scan3A_14 to %scan3A_16 step %scan3A_17  : i32 {
      %scan3A_86 = arith.constant 0 : i32
      %scan3A_87 = arith.constant 8 : i32
      %scan3A_88 = arith.addi %scan3A_86, %scan3A_87 : i32
      %scan3A_89 = arith.constant 1 : i32
      scf.for %scan3A_91 = %scan3A_86 to %scan3A_88 step %scan3A_89  : i32 {
        %mul3A_92 = arith.constant 8 : i32
        %mul3A_93 = arith.muli %scan3A_85, %mul3A_92 : i32
        %add3A_94 = arith.addi %mul3A_93, %scan3A_91 : i32
        %mul3A_95 = arith.constant 256 : i32
        %mul3A_96 = arith.muli %mul3A_95, %scan3A_85 : i32
        %mul3A_97 = arith.constant 16 : i32
        %mul3A_98 = arith.muli %mul3A_97, %scan3A_91 : i32
        %add3A_99 = arith.addi %mul3A_96, %mul3A_98 : i32
        %get3A = arith.index_cast %add3A_99 : i32 to index
        %get3A_100 = tpu.vector_load %arg5[%get3A] {strides = array<i32>} : memref<4096xf32, #tpu.memory_space<vmem>>, vector<16xf32>,
        %add3A_101 = arith.constant 128 : i32
        %add3A_102 = arith.addi %add3A_99, %add3A_101 : i32
        %get3A_103 = arith.index_cast %add3A_102 : i32 to index
        %get3A_104 = tpu.vector_load %arg5[%get3A_103] {strides = array<i32>} : memref<4096xf32, #tpu.memory_space<vmem>>, vector<16xf32>,
        %max3A = arith.maximumf %get3A_100, %broadcast_in_dim3A_5 : vector<16xf32>
        %max3A_105 = arith.maximumf %get3A_104, %broadcast_in_dim3A_5 : vector<16xf32>
        %convert_element_type3A = arith.fptosi %max3A : vector<16xf32> to vector<16xi32>
        %min3A = arith.minsi %convert_element_type3A, %broadcast_in_dim3A_1 : vector<16xi32>
        %convert_element_type3A_106 = arith.fptosi %max3A_105 : vector<16xf32> to vector<16xi32>
        %min3A_107 = arith.minsi %convert_element_type3A_106, %broadcast_in_dim3A_3 : vector<16xi32>
        %convert_element_type3A_108 = arith.sitofp %min3A : vector<16xi32> to vector<16xf32>
        %sub3A = arith.subf %max3A, %convert_element_type3A_108 : vector<16xf32>
        %mul3A_109 = arith.constant 16 : i32
        %mul3A_110 = arith.muli %add3A_94, %mul3A_109 : i32
        %swap3A = arith.index_cast %mul3A_110 : i32 to index
        %swap3A_111 = tpu.vector_load %arg7[%swap3A] {strides = array<i32>} : memref<2048xf32, #tpu.memory_space<vmem>>, vector<16xf32>,
        tpu.vector_store %arg7[%swap3A], %sub3A {strides = array<i32>} : memref<2048xf32, #tpu.memory_space<vmem>>, vector<16xf32>,
        %convert_element_type3A_112 = arith.sitofp %min3A_107 : vector<16xi32> to vector<16xf32>
        %sub3A_113 = arith.subf %max3A_105, %convert_element_type3A_112 : vector<16xf32>
        %mul3A_114 = arith.constant 16 : i32
        %mul3A_115 = arith.muli %add3A_94, %mul3A_114 : i32
        %swap3A_116 = arith.index_cast %mul3A_115 : i32 to index
        %swap3A_117 = tpu.vector_load %arg9[%swap3A_116] {strides = array<i32>} : memref<2048xf32, #tpu.memory_space<vmem>>, vector<16xf32>,
        tpu.vector_store %arg9[%swap3A_116], %sub3A_113 {strides = array<i32>} : memref<2048xf32, #tpu.memory_space<vmem>>, vector<16xf32>,
        %mul3A_118 = arith.constant 512 : i32
        %mul3A_119 = vector.broadcast %mul3A_118 : i32 to vector<16xi32>
        %mul3A_120 = arith.muli %min3A, %mul3A_119 : vector<16xi32>
        %add3A_121 = arith.addi %mul3A_120, %min3A_107 : vector<16xi32>
        %mul3A_122 = arith.constant 16 : i32
        %mul3A_123 = arith.muli %mul3A_122, %scan3A_91 : i32
        %swap3A_124 = arith.index_cast %scan3A_85 : i32 to index
        %swap3A_125 = arith.index_cast %mul3A_123 : i32 to index
        %swap3A_126 = tpu.vector_load %arg11[%swap3A_124, %swap3A_125] {strides = array<i32>} : memref<32x128xi32, #tpu.memory_space<vmem>>, vector<16xi32>,
        tpu.vector_store %arg11[%swap3A_124, %swap3A_125], %add3A_121 {strides = array<i32>} : memref<32x128xi32, #tpu.memory_space<vmem>>, vector<16xi32>,
        %add3A_127 = arith.constant 512 : i32
        %add3A_128 = vector.broadcast %add3A_127 : i32 to vector<16xi32>
        %add3A_129 = arith.addi %add3A_121, %add3A_128 : vector<16xi32>
        %add3A_130 = arith.constant 16 : i32
        %add3A_131 = arith.addi %scan3A_85, %add3A_130 : i32
        %mul3A_132 = arith.constant 16 : i32
        %mul3A_133 = arith.muli %mul3A_132, %scan3A_91 : i32
        %swap3A_134 = arith.index_cast %add3A_131 : i32 to index
        %swap3A_135 = arith.index_cast %mul3A_133 : i32 to index
        %swap3A_136 = tpu.vector_load %arg11[%swap3A_134, %swap3A_135] {strides = array<i32>} : memref<32x128xi32, #tpu.memory_space<vmem>>, vector<16xi32>,
        tpu.vector_store %arg11[%swap3A_134, %swap3A_135], %add3A_129 {strides = array<i32>} : memref<32x128xi32, #tpu.memory_space<vmem>>, vector<16xi32>,
      }
      %scan3A_90 = arith.constant 8 : i32
    }
    %scan3A_18 = arith.constant 16 : i32
    %scan3A_19 = arith.constant 0 : i32
    %scan3A_20 = arith.constant 0 : i32
    %scan3A_21 = arith.constant 32 : i32
    %scan3A_22 = arith.addi %scan3A_20, %scan3A_21 : i32
    %scan3A_23 = arith.constant 1 : i32
    scf.for %scan3A_85 = %scan3A_20 to %scan3A_22 step %scan3A_23  : i32 {
      %mul3A_86 = arith.constant 128 : i32
      %mul3A_87 = arith.muli %scan3A_85, %mul3A_86 : i32
      %dma_start3A = arith.constant 0 : i32
      %dma_start3A_88 = tpu.memref_slice %arg13[%mul3A_87, %dma_start3A] : memref<4096x8xf32, #tpu.memory_space<vmem>> -> memref<128x8xf32, #tpu.memory_space<vmem>>
      %dma_start3A_89 = arith.constant 0 : i32
      %dma_start3A_90 = tpu.memref_slice %arg11[%scan3A_85, %dma_start3A_89] : memref<32x128xi32, #tpu.memory_space<vmem>> -> memref<1x128xi32, #tpu.memory_space<vmem>>
      %dma_start3A_91 = tpu.memref_squeeze %dma_start3A_90 : memref<1x128xi32, #tpu.memory_space<vmem>> -> memref<128xi32, #tpu.memory_space<vmem>>
      %dma_start3A_92 = arith.constant 0 : i32
      %dma_start3A_93 = arith.constant 0 : i32
      %dma_start3A_94 = tpu.memref_slice %arg2[%dma_start3A_92, %dma_start3A_93] : memref<262143x8xf32, #tpu.memory_space<hbm>> -> memref<262143x8xf32, #tpu.memory_space<hbm>>
      tpu.enqueue_indirect_dma source(%dma_start3A_94 : memref<262143x8xf32, #tpu.memory_space<hbm>>) target(%dma_start3A_88 : memref<128x8xf32, #tpu.memory_space<vmem>>) offsets(%dma_start3A_91 : memref<128xi32, #tpu.memory_space<vmem>>) semaphore(%arg17 : memref<!tpu.dma_semaphore, #tpu.memory_space<semaphore_mem>>)
    }
    %scan3A_24 = arith.constant 32 : i32
    %scan3A_25 = arith.constant 0 : i32
    %scan3A_26 = arith.constant 0 : i32
    %scan3A_27 = arith.constant 31 : i32
    %scan3A_28 = arith.addi %scan3A_26, %scan3A_27 : i32
    %scan3A_29 = arith.constant 1 : i32
    scf.for %scan3A_85 = %scan3A_26 to %scan3A_28 step %scan3A_29  : i32 {
      %mul3A_86 = arith.constant 2 : i32
      %mul3A_87 = arith.muli %mul3A_86, %scan3A_85 : i32
      %add3A_88 = arith.constant 1 : i32
      %add3A_89 = arith.addi %mul3A_87, %add3A_88 : i32
      %mul3A_90 = arith.constant 131072 : i32
      %mul3A_91 = arith.muli %add3A, %mul3A_90 : i32
      %mul3A_92 = arith.constant 2048 : i32
      %mul3A_93 = arith.muli %add3A_89, %mul3A_92 : i32
      %add3A_94 = arith.addi %mul3A_91, %mul3A_93 : i32
      %mul3A_95 = arith.constant 2 : i32
      %mul3A_96 = arith.muli %mul3A_95, %add3A_94 : i32
      "tpu.region"() ({
        %run_scoped3A = tpu.sem_alloc : memref<!tpu.dma_semaphore, #tpu.memory_space<semaphore_mem>>
        %dma_start3A = tpu.memref_slice %arg3[%mul3A_96] : memref<8388608xf32, #tpu.memory_space<hbm>> -> memref<4096xf32, #tpu.memory_space<hbm>>
        %dma_start3A_170 = tpu.memref_slice %arg3[%mul3A_96] : memref<8388608xf32, #tpu.memory_space<hbm>> -> memref<4096xf32, #tpu.memory_space<hbm>>
        tpu.enqueue_dma source(%dma_start3A_170 : memref<4096xf32, #tpu.memory_space<hbm>>) target(%arg6 : memref<4096xf32, #tpu.memory_space<vmem>>) target_semaphore(%run_scoped3A : memref<!tpu.dma_semaphore, #tpu.memory_space<semaphore_mem>>)
        %dma_wait3A = tpu.memref_slice %arg3[%mul3A_96] : memref<8388608xf32, #tpu.memory_space<hbm>> -> memref<4096xf32, #tpu.memory_space<hbm>>
        %dma_wait3A_171 = tpu.memref_slice %arg3[%mul3A_96] : memref<8388608xf32, #tpu.memory_space<hbm>> -> memref<4096xf32, #tpu.memory_space<hbm>>
        tpu.wait_dma2 semaphore(%run_scoped3A : memref<!tpu.dma_semaphore, #tpu.memory_space<semaphore_mem>>) src(%dma_wait3A_171 : memref<4096xf32, #tpu.memory_space<hbm>>) dst(%arg6 : memref<4096xf32, #tpu.memory_space<vmem>>)
        tpu.yield
      }) : () -> ()
      %scan3A_97 = arith.constant 0 : i32
      %scan3A_98 = arith.constant 0 : i32
      %scan3A_99 = arith.constant 16 : i32
      %scan3A_100 = arith.addi %scan3A_98, %scan3A_99 : i32
      %scan3A_101 = arith.constant 1 : i32
      scf.for %scan3A_170 = %scan3A_98 to %scan3A_100 step %scan3A_101  : i32 {
        %scan3A_171 = arith.constant 0 : i32
        %scan3A_172 = arith.constant 8 : i32
        %scan3A_173 = arith.addi %scan3A_171, %scan3A_172 : i32
        %scan3A_174 = arith.constant 1 : i32
        scf.for %scan3A_176 = %scan3A_171 to %scan3A_173 step %scan3A_174  : i32 {
          %mul3A_177 = arith.constant 8 : i32
          %mul3A_178 = arith.muli %scan3A_170, %mul3A_177 : i32
          %add3A_179 = arith.addi %mul3A_178, %scan3A_176 : i32
          %mul3A_180 = arith.constant 256 : i32
          %mul3A_181 = arith.muli %mul3A_180, %scan3A_170 : i32
          %mul3A_182 = arith.constant 16 : i32
          %mul3A_183 = arith.muli %mul3A_182, %scan3A_176 : i32
          %add3A_184 = arith.addi %mul3A_181, %mul3A_183 : i32
          %get3A = arith.index_cast %add3A_184 : i32 to index
          %get3A_185 = tpu.vector_load %arg6[%get3A] {strides = array<i32>} : memref<4096xf32, #tpu.memory_space<vmem>>, vector<16xf32>,
          %add3A_186 = arith.constant 128 : i32
          %add3A_187 = arith.addi %add3A_184, %add3A_186 : i32
          %get3A_188 = arith.index_cast %add3A_187 : i32 to index
          %get3A_189 = tpu.vector_load %arg6[%get3A_188] {strides = array<i32>} : memref<4096xf32, #tpu.memory_space<vmem>>, vector<16xf32>,
          %max3A = arith.maximumf %get3A_185, %broadcast_in_dim3A_5 : vector<16xf32>
          %max3A_190 = arith.maximumf %get3A_189, %broadcast_in_dim3A_5 : vector<16xf32>
          %convert_element_type3A = arith.fptosi %max3A : vector<16xf32> to vector<16xi32>
          %min3A = arith.minsi %convert_element_type3A, %broadcast_in_dim3A_1 : vector<16xi32>
          %convert_element_type3A_191 = arith.fptosi %max3A_190 : vector<16xf32> to vector<16xi32>
          %min3A_192 = arith.minsi %convert_element_type3A_191, %broadcast_in_dim3A_3 : vector<16xi32>
          %convert_element_type3A_193 = arith.sitofp %min3A : vector<16xi32> to vector<16xf32>
          %sub3A = arith.subf %max3A, %convert_element_type3A_193 : vector<16xf32>
          %mul3A_194 = arith.constant 16 : i32
          %mul3A_195 = arith.muli %add3A_179, %mul3A_194 : i32
          %swap3A = arith.index_cast %mul3A_195 : i32 to index
          %swap3A_196 = tpu.vector_load %arg8[%swap3A] {strides = array<i32>} : memref<2048xf32, #tpu.memory_space<vmem>>, vector<16xf32>,
          tpu.vector_store %arg8[%swap3A], %sub3A {strides = array<i32>} : memref<2048xf32, #tpu.memory_space<vmem>>, vector<16xf32>,
          %convert_element_type3A_197 = arith.sitofp %min3A_192 : vector<16xi32> to vector<16xf32>
          %sub3A_198 = arith.subf %max3A_190, %convert_element_type3A_197 : vector<16xf32>
          %mul3A_199 = arith.constant 16 : i32
          %mul3A_200 = arith.muli %add3A_179, %mul3A_199 : i32
          %swap3A_201 = arith.index_cast %mul3A_200 : i32 to index
          %swap3A_202 = tpu.vector_load %arg10[%swap3A_201] {strides = array<i32>} : memref<2048xf32, #tpu.memory_space<vmem>>, vector<16xf32>,
          tpu.vector_store %arg10[%swap3A_201], %sub3A_198 {strides = array<i32>} : memref<2048xf32, #tpu.memory_space<vmem>>, vector<16xf32>,
          %mul3A_203 = arith.constant 512 : i32
          %mul3A_204 = vector.broadcast %mul3A_203 : i32 to vector<16xi32>
          %mul3A_205 = arith.muli %min3A, %mul3A_204 : vector<16xi32>
          %add3A_206 = arith.addi %mul3A_205, %min3A_192 : vector<16xi32>
          %mul3A_207 = arith.constant 16 : i32
          %mul3A_208 = arith.muli %mul3A_207, %scan3A_176 : i32
          %swap3A_209 = arith.index_cast %scan3A_170 : i32 to index
          %swap3A_210 = arith.index_cast %mul3A_208 : i32 to index
          %swap3A_211 = tpu.vector_load %arg12[%swap3A_209, %swap3A_210] {strides = array<i32>} : memref<32x128xi32, #tpu.memory_space<vmem>>, vector<16xi32>,
          tpu.vector_store %arg12[%swap3A_209, %swap3A_210], %add3A_206 {strides = array<i32>} : memref<32x128xi32, #tpu.memory_space<vmem>>, vector<16xi32>,
          %add3A_212 = arith.constant 512 : i32
          %add3A_213 = vector.broadcast %add3A_212 : i32 to vector<16xi32>
          %add3A_214 = arith.addi %add3A_206, %add3A_213 : vector<16xi32>
          %add3A_215 = arith.constant 16 : i32
          %add3A_216 = arith.addi %scan3A_170, %add3A_215 : i32
          %mul3A_217 = arith.constant 16 : i32
          %mul3A_218 = arith.muli %mul3A_217, %scan3A_176 : i32
          %swap3A_219 = arith.index_cast %add3A_216 : i32 to index
          %swap3A_220 = arith.index_cast %mul3A_218 : i32 to index
          %swap3A_221 = tpu.vector_load %arg12[%swap3A_219, %swap3A_220] {strides = array<i32>} : memref<32x128xi32, #tpu.memory_space<vmem>>, vector<16xi32>,
          tpu.vector_store %arg12[%swap3A_219, %swap3A_220], %add3A_214 {strides = array<i32>} : memref<32x128xi32, #tpu.memory_space<vmem>>, vector<16xi32>,
        }
        %scan3A_175 = arith.constant 8 : i32
      }
      %scan3A_102 = arith.constant 16 : i32
      %scan3A_103 = arith.constant 0 : i32
      %scan3A_104 = arith.constant 0 : i32
      %scan3A_105 = arith.constant 32 : i32
      %scan3A_106 = arith.addi %scan3A_104, %scan3A_105 : i32
      %scan3A_107 = arith.constant 1 : i32
      scf.for %scan3A_170 = %scan3A_104 to %scan3A_106 step %scan3A_107  : i32 {
        %mul3A_171 = arith.constant 128 : i32
        %mul3A_172 = arith.muli %scan3A_170, %mul3A_171 : i32
        %dma_start3A = arith.constant 0 : i32
        %dma_start3A_173 = tpu.memref_slice %arg14[%mul3A_172, %dma_start3A] : memref<4096x8xf32, #tpu.memory_space<vmem>> -> memref<128x8xf32, #tpu.memory_space<vmem>>
        %dma_start3A_174 = arith.constant 0 : i32
        %dma_start3A_175 = tpu.memref_slice %arg12[%scan3A_170, %dma_start3A_174] : memref<32x128xi32, #tpu.memory_space<vmem>> -> memref<1x128xi32, #tpu.memory_space<vmem>>
        %dma_start3A_176 = tpu.memref_squeeze %dma_start3A_175 : memref<1x128xi32, #tpu.memory_space<vmem>> -> memref<128xi32, #tpu.memory_space<vmem>>
        %dma_start3A_177 = arith.constant 0 : i32
        %dma_start3A_178 = arith.constant 0 : i32
        %dma_start3A_179 = tpu.memref_slice %arg2[%dma_start3A_177, %dma_start3A_178] : memref<262143x8xf32, #tpu.memory_space<hbm>> -> memref<262143x8xf32, #tpu.memory_space<hbm>>
        tpu.enqueue_indirect_dma source(%dma_start3A_179 : memref<262143x8xf32, #tpu.memory_space<hbm>>) target(%dma_start3A_173 : memref<128x8xf32, #tpu.memory_space<vmem>>) offsets(%dma_start3A_176 : memref<128xi32, #tpu.memory_space<vmem>>) semaphore(%arg18 : memref<!tpu.dma_semaphore, #tpu.memory_space<semaphore_mem>>)
      }
      %scan3A_108 = arith.constant 32 : i32
      %scan3A_109 = arith.constant 0 : i32
      %scan3A_110 = arith.constant 0 : i32
      %scan3A_111 = arith.constant 32 : i32
      %scan3A_112 = arith.addi %scan3A_110, %scan3A_111 : i32
      %scan3A_113 = arith.constant 1 : i32
      scf.for %scan3A_170 = %scan3A_110 to %scan3A_112 step %scan3A_113  : i32 {
        %mul3A_171 = arith.constant 128 : i32
        %mul3A_172 = arith.muli %scan3A_170, %mul3A_171 : i32
        %dma_wait3A = arith.constant 0 : i32
        %dma_wait3A_173 = tpu.memref_slice %arg13[%mul3A_172, %dma_wait3A] : memref<4096x8xf32, #tpu.memory_space<vmem>> -> memref<128x8xf32, #tpu.memory_space<vmem>>
        %dma_wait3A_174 = arith.constant 0 : i32
        %dma_wait3A_175 = arith.constant 0 : i32
        %dma_wait3A_176 = tpu.memref_slice %arg2[%dma_wait3A_174, %dma_wait3A_175] : memref<262143x8xf32, #tpu.memory_space<hbm>> -> memref<128x8xf32, #tpu.memory_space<hbm>>
        %dma_wait3A_177 = arith.constant 0 : i32
        %dma_wait3A_178 = tpu.memref_slice %arg13[%mul3A_172, %dma_wait3A_177] : memref<4096x8xf32, #tpu.memory_space<vmem>> -> memref<128x8xf32, #tpu.memory_space<vmem>>
        %dma_wait3A_179 = arith.constant 0 : i32
        %dma_wait3A_180 = arith.constant 0 : i32
        %dma_wait3A_181 = tpu.memref_slice %arg2[%dma_wait3A_179, %dma_wait3A_180] : memref<262143x8xf32, #tpu.memory_space<hbm>> -> memref<128x8xf32, #tpu.memory_space<hbm>>
        tpu.wait_dma2 semaphore(%arg17 : memref<!tpu.dma_semaphore, #tpu.memory_space<semaphore_mem>>) src(%dma_wait3A_181 : memref<128x8xf32, #tpu.memory_space<hbm>>) dst(%dma_wait3A_178 : memref<128x8xf32, #tpu.memory_space<vmem>>)
      }
      %scan3A_114 = arith.constant 32 : i32
      %scan3A_115 = arith.constant 0 : i32
      %scan3A_116 = arith.constant 0 : i32
      %scan3A_117 = arith.constant 16 : i32
      %scan3A_118 = arith.addi %scan3A_116, %scan3A_117 : i32
      %scan3A_119 = arith.constant 1 : i32
      scf.for %scan3A_170 = %scan3A_116 to %scan3A_118 step %scan3A_119  : i32 {
        %scan3A_171 = arith.constant 0 : i32
        %scan3A_172 = arith.constant 4 : i32
        %scan3A_173 = arith.addi %scan3A_171, %scan3A_172 : i32
        %scan3A_174 = arith.constant 1 : i32
        scf.for %scan3A_176 = %scan3A_171 to %scan3A_173 step %scan3A_174  : i32 {
          %mul3A_177 = arith.constant 2 : i32
          %mul3A_178 = arith.muli %scan3A_176, %mul3A_177 : i32
          %add3A_179 = arith.constant 0 : i32
          %add3A_180 = arith.addi %mul3A_178, %add3A_179 : i32
          %mul3A_181 = arith.constant 8 : i32
          %mul3A_182 = arith.muli %scan3A_170, %mul3A_181 : i32
          %add3A_183 = arith.addi %mul3A_182, %add3A_180 : i32
          %mul3A_184 = arith.constant 16 : i32
          %mul3A_185 = arith.muli %add3A_183, %mul3A_184 : i32
          %get3A = arith.index_cast %mul3A_185 : i32 to index
          %get3A_186 = tpu.vector_load %arg7[%get3A] {strides = array<i32>} : memref<2048xf32, #tpu.memory_space<vmem>>, vector<16xf32>,
          %mul3A_187 = arith.constant 16 : i32
          %mul3A_188 = arith.muli %add3A_183, %mul3A_187 : i32
          %get3A_189 = arith.index_cast %mul3A_188 : i32 to index
          %get3A_190 = tpu.vector_load %arg9[%get3A_189] {strides = array<i32>} : memref<2048xf32, #tpu.memory_space<vmem>>, vector<16xf32>,
          %mul3A_191 = arith.mulf %get3A_186, %get3A_190 : vector<16xf32>
          %sub3A = arith.subf %get3A_186, %mul3A_191 : vector<16xf32>
          %sub3A_192 = arith.subf %get3A_190, %mul3A_191 : vector<16xf32>
          %sub3A_193 = arith.subf %broadcast_in_dim3A_7, %get3A_186 : vector<16xf32>
          %sub3A_194 = arith.subf %sub3A_193, %sub3A_192 : vector<16xf32>
          %mul3A_195 = arith.constant 16 : i32
          %mul3A_196 = arith.muli %add3A_183, %mul3A_195 : i32
          %add3A_197 = vector.broadcast %mul3A_196 : i32 to vector<16xi32>
          %add3A_198 = arith.addi %add3A_197, %iota3A : vector<16xi32>
          %add3A_199 = arith.constant 2048 : i32
          %add3A_200 = vector.broadcast %add3A_199 : i32 to vector<16xi32>
          %add3A_201 = arith.addi %add3A_198, %add3A_200 : vector<16xi32>
          %broadcast_in_dim3A_202 = arith.constant 0 : i32
          %broadcast_in_dim3A_203 = vector.broadcast %broadcast_in_dim3A_202 : i32 to vector<16xi32>
          %broadcast_in_dim3A_204 = arith.constant 4 : i32
          %broadcast_in_dim3A_205 = vector.broadcast %broadcast_in_dim3A_204 : i32 to vector<16xi32>
          %gather3A = tpu.vector_load_idx %arg13[%add3A_198, %broadcast_in_dim3A_203] : memref<4096x8xf32, #tpu.memory_space<vmem>>[vector<16xi32>, vector<16xi32>], vector<16xf32>,
          %gather3A_206 = tpu.vector_load_idx %arg13[%add3A_198, %broadcast_in_dim3A_205] : memref<4096x8xf32, #tpu.memory_space<vmem>>[vector<16xi32>, vector<16xi32>], vector<16xf32>,
          %gather3A_207 = tpu.vector_load_idx %arg13[%add3A_201, %broadcast_in_dim3A_203] : memref<4096x8xf32, #tpu.memory_space<vmem>>[vector<16xi32>, vector<16xi32>], vector<16xf32>,
          %gather3A_208 = tpu.vector_load_idx %arg13[%add3A_201, %broadcast_in_dim3A_205] : memref<4096x8xf32, #tpu.memory_space<vmem>>[vector<16xi32>, vector<16xi32>], vector<16xf32>,
          %mul3A_209 = arith.mulf %gather3A, %sub3A_194 : vector<16xf32>
          %mul3A_210 = arith.mulf %gather3A_206, %sub3A_192 : vector<16xf32>
          %add3A_211 = arith.addf %mul3A_209, %mul3A_210 : vector<16xf32>
          %mul3A_212 = arith.mulf %gather3A_207, %sub3A : vector<16xf32>
          %add3A_213 = arith.addf %add3A_211, %mul3A_212 : vector<16xf32>
          %mul3A_214 = arith.mulf %gather3A_208, %mul3A_191 : vector<16xf32>
          %add3A_215 = arith.addf %add3A_213, %mul3A_214 : vector<16xf32>
          %mul3A_216 = arith.constant 512 : i32
          %mul3A_217 = arith.muli %mul3A_216, %scan3A_170 : i32
          %add3A_218 = arith.constant 0 : i32
          %add3A_219 = arith.addi %mul3A_217, %add3A_218 : i32
          %mul3A_220 = arith.constant 16 : i32
          %mul3A_221 = arith.muli %mul3A_220, %add3A_180 : i32
          %add3A_222 = arith.addi %add3A_219, %mul3A_221 : i32
          %swap3A = arith.index_cast %add3A_222 : i32 to index
          %swap3A_223 = tpu.vector_load %arg15[%swap3A] {strides = array<i32>} : memref<8192xf32, #tpu.memory_space<vmem>>, vector<16xf32>,
          tpu.vector_store %arg15[%swap3A], %add3A_215 {strides = array<i32>} : memref<8192xf32, #tpu.memory_space<vmem>>, vector<16xf32>,
          %broadcast_in_dim3A_224 = arith.constant 1 : i32
          %broadcast_in_dim3A_225 = vector.broadcast %broadcast_in_dim3A_224 : i32 to vector<16xi32>
          %broadcast_in_dim3A_226 = arith.constant 5 : i32
          %broadcast_in_dim3A_227 = vector.broadcast %broadcast_in_dim3A_226 : i32 to vector<16xi32>
          %gather3A_228 = tpu.vector_load_idx %arg13[%add3A_198, %broadcast_in_dim3A_225] : memref<4096x8xf32, #tpu.memory_space<vmem>>[vector<16xi32>, vector<16xi32>], vector<16xf32>,
          %gather3A_229 = tpu.vector_load_idx %arg13[%add3A_198, %broadcast_in_dim3A_227] : memref<4096x8xf32, #tpu.memory_space<vmem>>[vector<16xi32>, vector<16xi32>], vector<16xf32>,
          %gather3A_230 = tpu.vector_load_idx %arg13[%add3A_201, %broadcast_in_dim3A_225] : memref<4096x8xf32, #tpu.memory_space<vmem>>[vector<16xi32>, vector<16xi32>], vector<16xf32>,
          %gather3A_231 = tpu.vector_load_idx %arg13[%add3A_201, %broadcast_in_dim3A_227] : memref<4096x8xf32, #tpu.memory_space<vmem>>[vector<16xi32>, vector<16xi32>], vector<16xf32>,
          %mul3A_232 = arith.mulf %gather3A_228, %sub3A_194 : vector<16xf32>
          %mul3A_233 = arith.mulf %gather3A_229, %sub3A_192 : vector<16xf32>
          %add3A_234 = arith.addf %mul3A_232, %mul3A_233 : vector<16xf32>
          %mul3A_235 = arith.mulf %gather3A_230, %sub3A : vector<16xf32>
          %add3A_236 = arith.addf %add3A_234, %mul3A_235 : vector<16xf32>
          %mul3A_237 = arith.mulf %gather3A_231, %mul3A_191 : vector<16xf32>
          %add3A_238 = arith.addf %add3A_236, %mul3A_237 : vector<16xf32>
          %mul3A_239 = arith.constant 512 : i32
          %mul3A_240 = arith.muli %mul3A_239, %scan3A_170 : i32
          %add3A_241 = arith.constant 128 : i32
          %add3A_242 = arith.addi %mul3A_240, %add3A_241 : i32
          %mul3A_243 = arith.constant 16 : i32
          %mul3A_244 = arith.muli %mul3A_243, %add3A_180 : i32
          %add3A_245 = arith.addi %add3A_242, %mul3A_244 : i32
          %swap3A_246 = arith.index_cast %add3A_245 : i32 to index
          %swap3A_247 = tpu.vector_load %arg15[%swap3A_246] {strides = array<i32>} : memref<8192xf32, #tpu.memory_space<vmem>>, vector<16xf32>,
          tpu.vector_store %arg15[%swap3A_246], %add3A_238 {strides = array<i32>} : memref<8192xf32, #tpu.memory_space<vmem>>, vector<16xf32>,
          %broadcast_in_dim3A_248 = arith.constant 2 : i32
          %broadcast_in_dim3A_249 = vector.broadcast %broadcast_in_dim3A_248 : i32 to vector<16xi32>
          %broadcast_in_dim3A_250 = arith.constant 6 : i32
          %broadcast_in_dim3A_251 = vector.broadcast %broadcast_in_dim3A_250 : i32 to vector<16xi32>
          %gather3A_252 = tpu.vector_load_idx %arg13[%add3A_198, %broadcast_in_dim3A_249] : memref<4096x8xf32, #tpu.memory_space<vmem>>[vector<16xi32>, vector<16xi32>], vector<16xf32>,
          %gather3A_253 = tpu.vector_load_idx %arg13[%add3A_198, %broadcast_in_dim3A_251] : memref<4096x8xf32, #tpu.memory_space<vmem>>[vector<16xi32>, vector<16xi32>], vector<16xf32>,
          %gather3A_254 = tpu.vector_load_idx %arg13[%add3A_201, %broadcast_in_dim3A_249] : memref<4096x8xf32, #tpu.memory_space<vmem>>[vector<16xi32>, vector<16xi32>], vector<16xf32>,
          %gather3A_255 = tpu.vector_load_idx %arg13[%add3A_201, %broadcast_in_dim3A_251] : memref<4096x8xf32, #tpu.memory_space<vmem>>[vector<16xi32>, vector<16xi32>], vector<16xf32>,
          %mul3A_256 = arith.mulf %gather3A_252, %sub3A_194 : vector<16xf32>
          %mul3A_257 = arith.mulf %gather3A_253, %sub3A_192 : vector<16xf32>
          %add3A_258 = arith.addf %mul3A_256, %mul3A_257 : vector<16xf32>
          %mul3A_259 = arith.mulf %gather3A_254, %sub3A : vector<16xf32>
          %add3A_260 = arith.addf %add3A_258, %mul3A_259 : vector<16xf32>
          %mul3A_261 = arith.mulf %gather3A_255, %mul3A_191 : vector<16xf32>
          %add3A_262 = arith.addf %add3A_260, %mul3A_261 : vector<16xf32>
          %mul3A_263 = arith.constant 512 : i32
          %mul3A_264 = arith.muli %mul3A_263, %scan3A_170 : i32
          %add3A_265 = arith.constant 256 : i32
          %add3A_266 = arith.addi %mul3A_264, %add3A_265 : i32
          %mul3A_267 = arith.constant 16 : i32
          %mul3A_268 = arith.muli %mul3A_267, %add3A_180 : i32
          %add3A_269 = arith.addi %add3A_266, %mul3A_268 : i32
          %swap3A_270 = arith.index_cast %add3A_269 : i32 to index
          %swap3A_271 = tpu.vector_load %arg15[%swap3A_270] {strides = array<i32>} : memref<8192xf32, #tpu.memory_space<vmem>>, vector<16xf32>,
          tpu.vector_store %arg15[%swap3A_270], %add3A_262 {strides = array<i32>} : memref<8192xf32, #tpu.memory_space<vmem>>, vector<16xf32>,
          %broadcast_in_dim3A_272 = arith.constant 3 : i32
          %broadcast_in_dim3A_273 = vector.broadcast %broadcast_in_dim3A_272 : i32 to vector<16xi32>
          %broadcast_in_dim3A_274 = arith.constant 7 : i32
          %broadcast_in_dim3A_275 = vector.broadcast %broadcast_in_dim3A_274 : i32 to vector<16xi32>
          %gather3A_276 = tpu.vector_load_idx %arg13[%add3A_198, %broadcast_in_dim3A_273] : memref<4096x8xf32, #tpu.memory_space<vmem>>[vector<16xi32>, vector<16xi32>], vector<16xf32>,
          %gather3A_277 = tpu.vector_load_idx %arg13[%add3A_198, %broadcast_in_dim3A_275] : memref<4096x8xf32, #tpu.memory_space<vmem>>[vector<16xi32>, vector<16xi32>], vector<16xf32>,
          %gather3A_278 = tpu.vector_load_idx %arg13[%add3A_201, %broadcast_in_dim3A_273] : memref<4096x8xf32, #tpu.memory_space<vmem>>[vector<16xi32>, vector<16xi32>], vector<16xf32>,
          %gather3A_279 = tpu.vector_load_idx %arg13[%add3A_201, %broadcast_in_dim3A_275] : memref<4096x8xf32, #tpu.memory_space<vmem>>[vector<16xi32>, vector<16xi32>], vector<16xf32>,
          %mul3A_280 = arith.mulf %gather3A_276, %sub3A_194 : vector<16xf32>
          %mul3A_281 = arith.mulf %gather3A_277, %sub3A_192 : vector<16xf32>
          %add3A_282 = arith.addf %mul3A_280, %mul3A_281 : vector<16xf32>
          %mul3A_283 = arith.mulf %gather3A_278, %sub3A : vector<16xf32>
          %add3A_284 = arith.addf %add3A_282, %mul3A_283 : vector<16xf32>
          %mul3A_285 = arith.mulf %gather3A_279, %mul3A_191 : vector<16xf32>
          %add3A_286 = arith.addf %add3A_284, %mul3A_285 : vector<16xf32>
          %mul3A_287 = arith.constant 512 : i32
          %mul3A_288 = arith.muli %mul3A_287, %scan3A_170 : i32
          %add3A_289 = arith.constant 384 : i32
          %add3A_290 = arith.addi %mul3A_288, %add3A_289 : i32
          %mul3A_291 = arith.constant 16 : i32
          %mul3A_292 = arith.muli %mul3A_291, %add3A_180 : i32
          %add3A_293 = arith.addi %add3A_290, %mul3A_292 : i32
          %swap3A_294 = arith.index_cast %add3A_293 : i32 to index
          %swap3A_295 = tpu.vector_load %arg15[%swap3A_294] {strides = array<i32>} : memref<8192xf32, #tpu.memory_space<vmem>>, vector<16xf32>,
          tpu.vector_store %arg15[%swap3A_294], %add3A_286 {strides = array<i32>} : memref<8192xf32, #tpu.memory_space<vmem>>, vector<16xf32>,
          %mul3A_296 = arith.constant 2 : i32
          %mul3A_297 = arith.muli %scan3A_176, %mul3A_296 : i32
          %add3A_298 = arith.constant 1 : i32
          %add3A_299 = arith.addi %mul3A_297, %add3A_298 : i32
          %mul3A_300 = arith.constant 8 : i32
          %mul3A_301 = arith.muli %scan3A_170, %mul3A_300 : i32
          %add3A_302 = arith.addi %mul3A_301, %add3A_299 : i32
          %mul3A_303 = arith.constant 16 : i32
          %mul3A_304 = arith.muli %add3A_302, %mul3A_303 : i32
          %get3A_305 = arith.index_cast %mul3A_304 : i32 to index
          %get3A_306 = tpu.vector_load %arg7[%get3A_305] {strides = array<i32>} : memref<2048xf32, #tpu.memory_space<vmem>>, vector<16xf32>,
          %mul3A_307 = arith.constant 16 : i32
          %mul3A_308 = arith.muli %add3A_302, %mul3A_307 : i32
          %get3A_309 = arith.index_cast %mul3A_308 : i32 to index
          %get3A_310 = tpu.vector_load %arg9[%get3A_309] {strides = array<i32>} : memref<2048xf32, #tpu.memory_space<vmem>>, vector<16xf32>,
          %mul3A_311 = arith.mulf %get3A_306, %get3A_310 : vector<16xf32>
          %sub3A_312 = arith.subf %get3A_306, %mul3A_311 : vector<16xf32>
          %sub3A_313 = arith.subf %get3A_310, %mul3A_311 : vector<16xf32>
          %sub3A_314 = arith.subf %broadcast_in_dim3A_7, %get3A_306 : vector<16xf32>
          %sub3A_315 = arith.subf %sub3A_314, %sub3A_313 : vector<16xf32>
          %mul3A_316 = arith.constant 16 : i32
          %mul3A_317 = arith.muli %add3A_302, %mul3A_316 : i32
          %add3A_318 = vector.broadcast %mul3A_317 : i32 to vector<16xi32>
          %add3A_319 = arith.addi %add3A_318, %iota3A : vector<16xi32>
          %add3A_320 = arith.constant 2048 : i32
          %add3A_321 = vector.broadcast %add3A_320 : i32 to vector<16xi32>
          %add3A_322 = arith.addi %add3A_319, %add3A_321 : vector<16xi32>
          %broadcast_in_dim3A_323 = arith.constant 0 : i32
          %broadcast_in_dim3A_324 = vector.broadcast %broadcast_in_dim3A_323 : i32 to vector<16xi32>
          %broadcast_in_dim3A_325 = arith.constant 4 : i32
          %broadcast_in_dim3A_326 = vector.broadcast %broadcast_in_dim3A_325 : i32 to vector<16xi32>
          %gather3A_327 = tpu.vector_load_idx %arg13[%add3A_319, %broadcast_in_dim3A_324] : memref<4096x8xf32, #tpu.memory_space<vmem>>[vector<16xi32>, vector<16xi32>], vector<16xf32>,
          %gather3A_328 = tpu.vector_load_idx %arg13[%add3A_319, %broadcast_in_dim3A_326] : memref<4096x8xf32, #tpu.memory_space<vmem>>[vector<16xi32>, vector<16xi32>], vector<16xf32>,
          %gather3A_329 = tpu.vector_load_idx %arg13[%add3A_322, %broadcast_in_dim3A_324] : memref<4096x8xf32, #tpu.memory_space<vmem>>[vector<16xi32>, vector<16xi32>], vector<16xf32>,
          %gather3A_330 = tpu.vector_load_idx %arg13[%add3A_322, %broadcast_in_dim3A_326] : memref<4096x8xf32, #tpu.memory_space<vmem>>[vector<16xi32>, vector<16xi32>], vector<16xf32>,
          %mul3A_331 = arith.mulf %gather3A_327, %sub3A_315 : vector<16xf32>
          %mul3A_332 = arith.mulf %gather3A_328, %sub3A_313 : vector<16xf32>
          %add3A_333 = arith.addf %mul3A_331, %mul3A_332 : vector<16xf32>
          %mul3A_334 = arith.mulf %gather3A_329, %sub3A_312 : vector<16xf32>
          %add3A_335 = arith.addf %add3A_333, %mul3A_334 : vector<16xf32>
          %mul3A_336 = arith.mulf %gather3A_330, %mul3A_311 : vector<16xf32>
          %add3A_337 = arith.addf %add3A_335, %mul3A_336 : vector<16xf32>
          %mul3A_338 = arith.constant 512 : i32
          %mul3A_339 = arith.muli %mul3A_338, %scan3A_170 : i32
          %add3A_340 = arith.constant 0 : i32
          %add3A_341 = arith.addi %mul3A_339, %add3A_340 : i32
          %mul3A_342 = arith.constant 16 : i32
          %mul3A_343 = arith.muli %mul3A_342, %add3A_299 : i32
          %add3A_344 = arith.addi %add3A_341, %mul3A_343 : i32
          %swap3A_345 = arith.index_cast %add3A_344 : i32 to index
          %swap3A_346 = tpu.vector_load %arg15[%swap3A_345] {strides = array<i32>} : memref<8192xf32, #tpu.memory_space<vmem>>, vector<16xf32>,
          tpu.vector_store %arg15[%swap3A_345], %add3A_337 {strides = array<i32>} : memref<8192xf32, #tpu.memory_space<vmem>>, vector<16xf32>,
          %broadcast_in_dim3A_347 = arith.constant 1 : i32
          %broadcast_in_dim3A_348 = vector.broadcast %broadcast_in_dim3A_347 : i32 to vector<16xi32>
          %broadcast_in_dim3A_349 = arith.constant 5 : i32
          %broadcast_in_dim3A_350 = vector.broadcast %broadcast_in_dim3A_349 : i32 to vector<16xi32>
          %gather3A_351 = tpu.vector_load_idx %arg13[%add3A_319, %broadcast_in_dim3A_348] : memref<4096x8xf32, #tpu.memory_space<vmem>>[vector<16xi32>, vector<16xi32>], vector<16xf32>,
          %gather3A_352 = tpu.vector_load_idx %arg13[%add3A_319, %broadcast_in_dim3A_350] : memref<4096x8xf32, #tpu.memory_space<vmem>>[vector<16xi32>, vector<16xi32>], vector<16xf32>,
          %gather3A_353 = tpu.vector_load_idx %arg13[%add3A_322, %broadcast_in_dim3A_348] : memref<4096x8xf32, #tpu.memory_space<vmem>>[vector<16xi32>, vector<16xi32>], vector<16xf32>,
          %gather3A_354 = tpu.vector_load_idx %arg13[%add3A_322, %broadcast_in_dim3A_350] : memref<4096x8xf32, #tpu.memory_space<vmem>>[vector<16xi32>, vector<16xi32>], vector<16xf32>,
          %mul3A_355 = arith.mulf %gather3A_351, %sub3A_315 : vector<16xf32>
          %mul3A_356 = arith.mulf %gather3A_352, %sub3A_313 : vector<16xf32>
          %add3A_357 = arith.addf %mul3A_355, %mul3A_356 : vector<16xf32>
          %mul3A_358 = arith.mulf %gather3A_353, %sub3A_312 : vector<16xf32>
          %add3A_359 = arith.addf %add3A_357, %mul3A_358 : vector<16xf32>
          %mul3A_360 = arith.mulf %gather3A_354, %mul3A_311 : vector<16xf32>
          %add3A_361 = arith.addf %add3A_359, %mul3A_360 : vector<16xf32>
          %mul3A_362 = arith.constant 512 : i32
          %mul3A_363 = arith.muli %mul3A_362, %scan3A_170 : i32
          %add3A_364 = arith.constant 128 : i32
          %add3A_365 = arith.addi %mul3A_363, %add3A_364 : i32
          %mul3A_366 = arith.constant 16 : i32
          %mul3A_367 = arith.muli %mul3A_366, %add3A_299 : i32
          %add3A_368 = arith.addi %add3A_365, %mul3A_367 : i32
          %swap3A_369 = arith.index_cast %add3A_368 : i32 to index
          %swap3A_370 = tpu.vector_load %arg15[%swap3A_369] {strides = array<i32>} : memref<8192xf32, #tpu.memory_space<vmem>>, vector<16xf32>,
          tpu.vector_store %arg15[%swap3A_369], %add3A_361 {strides = array<i32>} : memref<8192xf32, #tpu.memory_space<vmem>>, vector<16xf32>,
          %broadcast_in_dim3A_371 = arith.constant 2 : i32
          %broadcast_in_dim3A_372 = vector.broadcast %broadcast_in_dim3A_371 : i32 to vector<16xi32>
          %broadcast_in_dim3A_373 = arith.constant 6 : i32
          %broadcast_in_dim3A_374 = vector.broadcast %broadcast_in_dim3A_373 : i32 to vector<16xi32>
          %gather3A_375 = tpu.vector_load_idx %arg13[%add3A_319, %broadcast_in_dim3A_372] : memref<4096x8xf32, #tpu.memory_space<vmem>>[vector<16xi32>, vector<16xi32>], vector<16xf32>,
          %gather3A_376 = tpu.vector_load_idx %arg13[%add3A_319, %broadcast_in_dim3A_374] : memref<4096x8xf32, #tpu.memory_space<vmem>>[vector<16xi32>, vector<16xi32>], vector<16xf32>,
          %gather3A_377 = tpu.vector_load_idx %arg13[%add3A_322, %broadcast_in_dim3A_372] : memref<4096x8xf32, #tpu.memory_space<vmem>>[vector<16xi32>, vector<16xi32>], vector<16xf32>,
          %gather3A_378 = tpu.vector_load_idx %arg13[%add3A_322, %broadcast_in_dim3A_374] : memref<4096x8xf32, #tpu.memory_space<vmem>>[vector<16xi32>, vector<16xi32>], vector<16xf32>,
          %mul3A_379 = arith.mulf %gather3A_375, %sub3A_315 : vector<16xf32>
          %mul3A_380 = arith.mulf %gather3A_376, %sub3A_313 : vector<16xf32>
          %add3A_381 = arith.addf %mul3A_379, %mul3A_380 : vector<16xf32>
          %mul3A_382 = arith.mulf %gather3A_377, %sub3A_312 : vector<16xf32>
          %add3A_383 = arith.addf %add3A_381, %mul3A_382 : vector<16xf32>
          %mul3A_384 = arith.mulf %gather3A_378, %mul3A_311 : vector<16xf32>
          %add3A_385 = arith.addf %add3A_383, %mul3A_384 : vector<16xf32>
          %mul3A_386 = arith.constant 512 : i32
          %mul3A_387 = arith.muli %mul3A_386, %scan3A_170 : i32
          %add3A_388 = arith.constant 256 : i32
          %add3A_389 = arith.addi %mul3A_387, %add3A_388 : i32
          %mul3A_390 = arith.constant 16 : i32
          %mul3A_391 = arith.muli %mul3A_390, %add3A_299 : i32
          %add3A_392 = arith.addi %add3A_389, %mul3A_391 : i32
          %swap3A_393 = arith.index_cast %add3A_392 : i32 to index
          %swap3A_394 = tpu.vector_load %arg15[%swap3A_393] {strides = array<i32>} : memref<8192xf32, #tpu.memory_space<vmem>>, vector<16xf32>,
          tpu.vector_store %arg15[%swap3A_393], %add3A_385 {strides = array<i32>} : memref<8192xf32, #tpu.memory_space<vmem>>, vector<16xf32>,
          %broadcast_in_dim3A_395 = arith.constant 3 : i32
          %broadcast_in_dim3A_396 = vector.broadcast %broadcast_in_dim3A_395 : i32 to vector<16xi32>
          %broadcast_in_dim3A_397 = arith.constant 7 : i32
          %broadcast_in_dim3A_398 = vector.broadcast %broadcast_in_dim3A_397 : i32 to vector<16xi32>
          %gather3A_399 = tpu.vector_load_idx %arg13[%add3A_319, %broadcast_in_dim3A_396] : memref<4096x8xf32, #tpu.memory_space<vmem>>[vector<16xi32>, vector<16xi32>], vector<16xf32>,
          %gather3A_400 = tpu.vector_load_idx %arg13[%add3A_319, %broadcast_in_dim3A_398] : memref<4096x8xf32, #tpu.memory_space<vmem>>[vector<16xi32>, vector<16xi32>], vector<16xf32>,
          %gather3A_401 = tpu.vector_load_idx %arg13[%add3A_322, %broadcast_in_dim3A_396] : memref<4096x8xf32, #tpu.memory_space<vmem>>[vector<16xi32>, vector<16xi32>], vector<16xf32>,
          %gather3A_402 = tpu.vector_load_idx %arg13[%add3A_322, %broadcast_in_dim3A_398] : memref<4096x8xf32, #tpu.memory_space<vmem>>[vector<16xi32>, vector<16xi32>], vector<16xf32>,
          %mul3A_403 = arith.mulf %gather3A_399, %sub3A_315 : vector<16xf32>
          %mul3A_404 = arith.mulf %gather3A_400, %sub3A_313 : vector<16xf32>
          %add3A_405 = arith.addf %mul3A_403, %mul3A_404 : vector<16xf32>
          %mul3A_406 = arith.mulf %gather3A_401, %sub3A_312 : vector<16xf32>
          %add3A_407 = arith.addf %add3A_405, %mul3A_406 : vector<16xf32>
          %mul3A_408 = arith.mulf %gather3A_402, %mul3A_311 : vector<16xf32>
          %add3A_409 = arith.addf %add3A_407, %mul3A_408 : vector<16xf32>
          %mul3A_410 = arith.constant 512 : i32
          %mul3A_411 = arith.muli %mul3A_410, %scan3A_170 : i32
          %add3A_412 = arith.constant 384 : i32
          %add3A_413 = arith.addi %mul3A_411, %add3A_412 : i32
          %mul3A_414 = arith.constant 16 : i32
          %mul3A_415 = arith.muli %mul3A_414, %add3A_299 : i32
          %add3A_416 = arith.addi %add3A_413, %mul3A_415 : i32
          %swap3A_417 = arith.index_cast %add3A_416 : i32 to index
          %swap3A_418 = tpu.vector_load %arg15[%swap3A_417] {strides = array<i32>} : memref<8192xf32, #tpu.memory_space<vmem>>, vector<16xf32>,
          tpu.vector_store %arg15[%swap3A_417], %add3A_409 {strides = array<i32>} : memref<8192xf32, #tpu.memory_space<vmem>>, vector<16xf32>,
        }
        %scan3A_175 = arith.constant 4 : i32
      }
      %scan3A_120 = arith.constant 16 : i32
      %mul3A_121 = arith.constant 131072 : i32
      %mul3A_122 = arith.muli %add3A, %mul3A_121 : i32
      %mul3A_123 = arith.constant 2048 : i32
      %mul3A_124 = arith.muli %mul3A_87, %mul3A_123 : i32
      %add3A_125 = arith.addi %mul3A_122, %mul3A_124 : i32
      %mul3A_126 = arith.constant 4 : i32
      %mul3A_127 = arith.muli %mul3A_126, %add3A_125 : i32
      "tpu.region"() ({
        %run_scoped3A = tpu.sem_alloc : memref<!tpu.dma_semaphore, #tpu.memory_space<semaphore_mem>>
        %dma_start3A = tpu.memref_slice %arg4[%mul3A_127] : memref<16777216xf32, #tpu.memory_space<hbm>> -> memref<8192xf32, #tpu.memory_space<hbm>>
        %dma_start3A_170 = tpu.memref_slice %arg4[%mul3A_127] : memref<16777216xf32, #tpu.memory_space<hbm>> -> memref<8192xf32, #tpu.memory_space<hbm>>
        tpu.enqueue_dma source(%arg15 : memref<8192xf32, #tpu.memory_space<vmem>>) target(%dma_start3A_170 : memref<8192xf32, #tpu.memory_space<hbm>>) target_semaphore(%run_scoped3A : memref<!tpu.dma_semaphore, #tpu.memory_space<semaphore_mem>>)
        %dma_wait3A = tpu.memref_slice %arg4[%mul3A_127] : memref<16777216xf32, #tpu.memory_space<hbm>> -> memref<8192xf32, #tpu.memory_space<hbm>>
        %dma_wait3A_171 = tpu.memref_slice %arg4[%mul3A_127] : memref<16777216xf32, #tpu.memory_space<hbm>> -> memref<8192xf32, #tpu.memory_space<hbm>>
        tpu.wait_dma2 semaphore(%run_scoped3A : memref<!tpu.dma_semaphore, #tpu.memory_space<semaphore_mem>>) src(%arg15 : memref<8192xf32, #tpu.memory_space<vmem>>) dst(%dma_wait3A_171 : memref<8192xf32, #tpu.memory_space<hbm>>)
        tpu.yield
      }) : () -> ()
      %add3A_128 = arith.constant 2 : i32
      %add3A_129 = arith.addi %mul3A_87, %add3A_128 : i32
      %mul3A_130 = arith.constant 131072 : i32
      %mul3A_131 = arith.muli %add3A, %mul3A_130 : i32
      %mul3A_132 = arith.constant 2048 : i32
      %mul3A_133 = arith.muli %add3A_129, %mul3A_132 : i32
      %add3A_134 = arith.addi %mul3A_131, %mul3A_133 : i32
      %mul3A_135 = arith.constant 2 : i32
      %mul3A_136 = arith.muli %mul3A_135, %add3A_134 : i32
      "tpu.region"() ({
        %run_scoped3A = tpu.sem_alloc : memref<!tpu.dma_semaphore, #tpu.memory_space<semaphore_mem>>
        %dma_start3A = tpu.memref_slice %arg3[%mul3A_136] : memref<8388608xf32, #tpu.memory_space<hbm>> -> memref<4096xf32, #tpu.memory_space<hbm>>
        %dma_start3A_170 = tpu.memref_slice %arg3[%mul3A_136] : memref<8388608xf32, #tpu.memory_space<hbm>> -> memref<4096xf32, #tpu.memory_space<hbm>>
        tpu.enqueue_dma source(%dma_start3A_170 : memref<4096xf32, #tpu.memory_space<hbm>>) target(%arg5 : memref<4096xf32, #tpu.memory_space<vmem>>) target_semaphore(%run_scoped3A : memref<!tpu.dma_semaphore, #tpu.memory_space<semaphore_mem>>)
        %dma_wait3A = tpu.memref_slice %arg3[%mul3A_136] : memref<8388608xf32, #tpu.memory_space<hbm>> -> memref<4096xf32, #tpu.memory_space<hbm>>
        %dma_wait3A_171 = tpu.memref_slice %arg3[%mul3A_136] : memref<8388608xf32, #tpu.memory_space<hbm>> -> memref<4096xf32, #tpu.memory_space<hbm>>
        tpu.wait_dma2 semaphore(%run_scoped3A : memref<!tpu.dma_semaphore, #tpu.memory_space<semaphore_mem>>) src(%dma_wait3A_171 : memref<4096xf32, #tpu.memory_space<hbm>>) dst(%arg5 : memref<4096xf32, #tpu.memory_space<vmem>>)
        tpu.yield
      }) : () -> ()
      %scan3A_137 = arith.constant 0 : i32
      %scan3A_138 = arith.constant 0 : i32
      %scan3A_139 = arith.constant 16 : i32
      %scan3A_140 = arith.addi %scan3A_138, %scan3A_139 : i32
      %scan3A_141 = arith.constant 1 : i32
      scf.for %scan3A_170 = %scan3A_138 to %scan3A_140 step %scan3A_141  : i32 {
        %scan3A_171 = arith.constant 0 : i32
        %scan3A_172 = arith.constant 8 : i32
        %scan3A_173 = arith.addi %scan3A_171, %scan3A_172 : i32
        %scan3A_174 = arith.constant 1 : i32
        scf.for %scan3A_176 = %scan3A_171 to %scan3A_173 step %scan3A_174  : i32 {
          %mul3A_177 = arith.constant 8 : i32
          %mul3A_178 = arith.muli %scan3A_170, %mul3A_177 : i32
          %add3A_179 = arith.addi %mul3A_178, %scan3A_176 : i32
          %mul3A_180 = arith.constant 256 : i32
          %mul3A_181 = arith.muli %mul3A_180, %scan3A_170 : i32
          %mul3A_182 = arith.constant 16 : i32
          %mul3A_183 = arith.muli %mul3A_182, %scan3A_176 : i32
          %add3A_184 = arith.addi %mul3A_181, %mul3A_183 : i32
          %get3A = arith.index_cast %add3A_184 : i32 to index
          %get3A_185 = tpu.vector_load %arg5[%get3A] {strides = array<i32>} : memref<4096xf32, #tpu.memory_space<vmem>>, vector<16xf32>,
          %add3A_186 = arith.constant 128 : i32
          %add3A_187 = arith.addi %add3A_184, %add3A_186 : i32
          %get3A_188 = arith.index_cast %add3A_187 : i32 to index
          %get3A_189 = tpu.vector_load %arg5[%get3A_188] {strides = array<i32>} : memref<4096xf32, #tpu.memory_space<vmem>>, vector<16xf32>,
          %max3A = arith.maximumf %get3A_185, %broadcast_in_dim3A_5 : vector<16xf32>
          %max3A_190 = arith.maximumf %get3A_189, %broadcast_in_dim3A_5 : vector<16xf32>
          %convert_element_type3A = arith.fptosi %max3A : vector<16xf32> to vector<16xi32>
          %min3A = arith.minsi %convert_element_type3A, %broadcast_in_dim3A_1 : vector<16xi32>
          %convert_element_type3A_191 = arith.fptosi %max3A_190 : vector<16xf32> to vector<16xi32>
          %min3A_192 = arith.minsi %convert_element_type3A_191, %broadcast_in_dim3A_3 : vector<16xi32>
          %convert_element_type3A_193 = arith.sitofp %min3A : vector<16xi32> to vector<16xf32>
          %sub3A = arith.subf %max3A, %convert_element_type3A_193 : vector<16xf32>
          %mul3A_194 = arith.constant 16 : i32
          %mul3A_195 = arith.muli %add3A_179, %mul3A_194 : i32
          %swap3A = arith.index_cast %mul3A_195 : i32 to index
          %swap3A_196 = tpu.vector_load %arg7[%swap3A] {strides = array<i32>} : memref<2048xf32, #tpu.memory_space<vmem>>, vector<16xf32>,
          tpu.vector_store %arg7[%swap3A], %sub3A {strides = array<i32>} : memref<2048xf32, #tpu.memory_space<vmem>>, vector<16xf32>,
          %convert_element_type3A_197 = arith.sitofp %min3A_192 : vector<16xi32> to vector<16xf32>
          %sub3A_198 = arith.subf %max3A_190, %convert_element_type3A_197 : vector<16xf32>
          %mul3A_199 = arith.constant 16 : i32
          %mul3A_200 = arith.muli %add3A_179, %mul3A_199 : i32
          %swap3A_201 = arith.index_cast %mul3A_200 : i32 to index
          %swap3A_202 = tpu.vector_load %arg9[%swap3A_201] {strides = array<i32>} : memref<2048xf32, #tpu.memory_space<vmem>>, vector<16xf32>,
          tpu.vector_store %arg9[%swap3A_201], %sub3A_198 {strides = array<i32>} : memref<2048xf32, #tpu.memory_space<vmem>>, vector<16xf32>,
          %mul3A_203 = arith.constant 512 : i32
          %mul3A_204 = vector.broadcast %mul3A_203 : i32 to vector<16xi32>
          %mul3A_205 = arith.muli %min3A, %mul3A_204 : vector<16xi32>
          %add3A_206 = arith.addi %mul3A_205, %min3A_192 : vector<16xi32>
          %mul3A_207 = arith.constant 16 : i32
          %mul3A_208 = arith.muli %mul3A_207, %scan3A_176 : i32
          %swap3A_209 = arith.index_cast %scan3A_170 : i32 to index
          %swap3A_210 = arith.index_cast %mul3A_208 : i32 to index
          %swap3A_211 = tpu.vector_load %arg11[%swap3A_209, %swap3A_210] {strides = array<i32>} : memref<32x128xi32, #tpu.memory_space<vmem>>, vector<16xi32>,
          tpu.vector_store %arg11[%swap3A_209, %swap3A_210], %add3A_206 {strides = array<i32>} : memref<32x128xi32, #tpu.memory_space<vmem>>, vector<16xi32>,
          %add3A_212 = arith.constant 512 : i32
          %add3A_213 = vector.broadcast %add3A_212 : i32 to vector<16xi32>
          %add3A_214 = arith.addi %add3A_206, %add3A_213 : vector<16xi32>
          %add3A_215 = arith.constant 16 : i32
          %add3A_216 = arith.addi %scan3A_170, %add3A_215 : i32
          %mul3A_217 = arith.constant 16 : i32
          %mul3A_218 = arith.muli %mul3A_217, %scan3A_176 : i32
          %swap3A_219 = arith.index_cast %add3A_216 : i32 to index
          %swap3A_220 = arith.index_cast %mul3A_218 : i32 to index
          %swap3A_221 = tpu.vector_load %arg11[%swap3A_219, %swap3A_220] {strides = array<i32>} : memref<32x128xi32, #tpu.memory_space<vmem>>, vector<16xi32>,
          tpu.vector_store %arg11[%swap3A_219, %swap3A_220], %add3A_214 {strides = array<i32>} : memref<32x128xi32, #tpu.memory_space<vmem>>, vector<16xi32>,
        }
        %scan3A_175 = arith.constant 8 : i32
      }
      %scan3A_142 = arith.constant 16 : i32
      %scan3A_143 = arith.constant 0 : i32
      %scan3A_144 = arith.constant 0 : i32
      %scan3A_145 = arith.constant 32 : i32
      %scan3A_146 = arith.addi %scan3A_144, %scan3A_145 : i32
      %scan3A_147 = arith.constant 1 : i32
      scf.for %scan3A_170 = %scan3A_144 to %scan3A_146 step %scan3A_147  : i32 {
        %mul3A_171 = arith.constant 128 : i32
        %mul3A_172 = arith.muli %scan3A_170, %mul3A_171 : i32
        %dma_start3A = arith.constant 0 : i32
        %dma_start3A_173 = tpu.memref_slice %arg13[%mul3A_172, %dma_start3A] : memref<4096x8xf32, #tpu.memory_space<vmem>> -> memref<128x8xf32, #tpu.memory_space<vmem>>
        %dma_start3A_174 = arith.constant 0 : i32
        %dma_start3A_175 = tpu.memref_slice %arg11[%scan3A_170, %dma_start3A_174] : memref<32x128xi32, #tpu.memory_space<vmem>> -> memref<1x128xi32, #tpu.memory_space<vmem>>
        %dma_start3A_176 = tpu.memref_squeeze %dma_start3A_175 : memref<1x128xi32, #tpu.memory_space<vmem>> -> memref<128xi32, #tpu.memory_space<vmem>>
        %dma_start3A_177 = arith.constant 0 : i32
        %dma_start3A_178 = arith.constant 0 : i32
        %dma_start3A_179 = tpu.memref_slice %arg2[%dma_start3A_177, %dma_start3A_178] : memref<262143x8xf32, #tpu.memory_space<hbm>> -> memref<262143x8xf32, #tpu.memory_space<hbm>>
        tpu.enqueue_indirect_dma source(%dma_start3A_179 : memref<262143x8xf32, #tpu.memory_space<hbm>>) target(%dma_start3A_173 : memref<128x8xf32, #tpu.memory_space<vmem>>) offsets(%dma_start3A_176 : memref<128xi32, #tpu.memory_space<vmem>>) semaphore(%arg17 : memref<!tpu.dma_semaphore, #tpu.memory_space<semaphore_mem>>)
      }
      %scan3A_148 = arith.constant 32 : i32
      %add3A_149 = arith.constant 1 : i32
      %add3A_150 = arith.addi %mul3A_87, %add3A_149 : i32
      %scan3A_151 = arith.constant 0 : i32
      %scan3A_152 = arith.constant 0 : i32
      %scan3A_153 = arith.constant 32 : i32
      %scan3A_154 = arith.addi %scan3A_152, %scan3A_153 : i32
      %scan3A_155 = arith.constant 1 : i32
      scf.for %scan3A_170 = %scan3A_152 to %scan3A_154 step %scan3A_155  : i32 {
        %mul3A_171 = arith.constant 128 : i32
        %mul3A_172 = arith.muli %scan3A_170, %mul3A_171 : i32
        %dma_wait3A = arith.constant 0 : i32
        %dma_wait3A_173 = tpu.memref_slice %arg14[%mul3A_172, %dma_wait3A] : memref<4096x8xf32, #tpu.memory_space<vmem>> -> memref<128x8xf32, #tpu.memory_space<vmem>>
        %dma_wait3A_174 = arith.constant 0 : i32
        %dma_wait3A_175 = arith.constant 0 : i32
        %dma_wait3A_176 = tpu.memref_slice %arg2[%dma_wait3A_174, %dma_wait3A_175] : memref<262143x8xf32, #tpu.memory_space<hbm>> -> memref<128x8xf32, #tpu.memory_space<hbm>>
        %dma_wait3A_177 = arith.constant 0 : i32
        %dma_wait3A_178 = tpu.memref_slice %arg14[%mul3A_172, %dma_wait3A_177] : memref<4096x8xf32, #tpu.memory_space<vmem>> -> memref<128x8xf32, #tpu.memory_space<vmem>>
        %dma_wait3A_179 = arith.constant 0 : i32
        %dma_wait3A_180 = arith.constant 0 : i32
        %dma_wait3A_181 = tpu.memref_slice %arg2[%dma_wait3A_179, %dma_wait3A_180] : memref<262143x8xf32, #tpu.memory_space<hbm>> -> memref<128x8xf32, #tpu.memory_space<hbm>>
        tpu.wait_dma2 semaphore(%arg18 : memref<!tpu.dma_semaphore, #tpu.memory_space<semaphore_mem>>) src(%dma_wait3A_181 : memref<128x8xf32, #tpu.memory_space<hbm>>) dst(%dma_wait3A_178 : memref<128x8xf32, #tpu.memory_space<vmem>>)
      }
      %scan3A_156 = arith.constant 32 : i32
      %scan3A_157 = arith.constant 0 : i32
      %scan3A_158 = arith.constant 0 : i32
      %scan3A_159 = arith.constant 16 : i32
      %scan3A_160 = arith.addi %scan3A_158, %scan3A_159 : i32
      %scan3A_161 = arith.constant 1 : i32
      scf.for %scan3A_170 = %scan3A_158 to %scan3A_160 step %scan3A_161  : i32 {
        %scan3A_171 = arith.constant 0 : i32
        %scan3A_172 = arith.constant 4 : i32
        %scan3A_173 = arith.addi %scan3A_171, %scan3A_172 : i32
        %scan3A_174 = arith.constant 1 : i32
        scf.for %scan3A_176 = %scan3A_171 to %scan3A_173 step %scan3A_174  : i32 {
          %mul3A_177 = arith.constant 2 : i32
          %mul3A_178 = arith.muli %scan3A_176, %mul3A_177 : i32
          %add3A_179 = arith.constant 0 : i32
          %add3A_180 = arith.addi %mul3A_178, %add3A_179 : i32
          %mul3A_181 = arith.constant 8 : i32
          %mul3A_182 = arith.muli %scan3A_170, %mul3A_181 : i32
          %add3A_183 = arith.addi %mul3A_182, %add3A_180 : i32
          %mul3A_184 = arith.constant 16 : i32
          %mul3A_185 = arith.muli %add3A_183, %mul3A_184 : i32
          %get3A = arith.index_cast %mul3A_185 : i32 to index
          %get3A_186 = tpu.vector_load %arg8[%get3A] {strides = array<i32>} : memref<2048xf32, #tpu.memory_space<vmem>>, vector<16xf32>,
          %mul3A_187 = arith.constant 16 : i32
          %mul3A_188 = arith.muli %add3A_183, %mul3A_187 : i32
          %get3A_189 = arith.index_cast %mul3A_188 : i32 to index
          %get3A_190 = tpu.vector_load %arg10[%get3A_189] {strides = array<i32>} : memref<2048xf32, #tpu.memory_space<vmem>>, vector<16xf32>,
          %mul3A_191 = arith.mulf %get3A_186, %get3A_190 : vector<16xf32>
          %sub3A = arith.subf %get3A_186, %mul3A_191 : vector<16xf32>
          %sub3A_192 = arith.subf %get3A_190, %mul3A_191 : vector<16xf32>
          %sub3A_193 = arith.subf %broadcast_in_dim3A_7, %get3A_186 : vector<16xf32>
          %sub3A_194 = arith.subf %sub3A_193, %sub3A_192 : vector<16xf32>
          %mul3A_195 = arith.constant 16 : i32
          %mul3A_196 = arith.muli %add3A_183, %mul3A_195 : i32
          %add3A_197 = vector.broadcast %mul3A_196 : i32 to vector<16xi32>
          %add3A_198 = arith.addi %add3A_197, %iota3A : vector<16xi32>
          %add3A_199 = arith.constant 2048 : i32
          %add3A_200 = vector.broadcast %add3A_199 : i32 to vector<16xi32>
          %add3A_201 = arith.addi %add3A_198, %add3A_200 : vector<16xi32>
          %broadcast_in_dim3A_202 = arith.constant 0 : i32
          %broadcast_in_dim3A_203 = vector.broadcast %broadcast_in_dim3A_202 : i32 to vector<16xi32>
          %broadcast_in_dim3A_204 = arith.constant 4 : i32
          %broadcast_in_dim3A_205 = vector.broadcast %broadcast_in_dim3A_204 : i32 to vector<16xi32>
          %gather3A = tpu.vector_load_idx %arg14[%add3A_198, %broadcast_in_dim3A_203] : memref<4096x8xf32, #tpu.memory_space<vmem>>[vector<16xi32>, vector<16xi32>], vector<16xf32>,
          %gather3A_206 = tpu.vector_load_idx %arg14[%add3A_198, %broadcast_in_dim3A_205] : memref<4096x8xf32, #tpu.memory_space<vmem>>[vector<16xi32>, vector<16xi32>], vector<16xf32>,
          %gather3A_207 = tpu.vector_load_idx %arg14[%add3A_201, %broadcast_in_dim3A_203] : memref<4096x8xf32, #tpu.memory_space<vmem>>[vector<16xi32>, vector<16xi32>], vector<16xf32>,
          %gather3A_208 = tpu.vector_load_idx %arg14[%add3A_201, %broadcast_in_dim3A_205] : memref<4096x8xf32, #tpu.memory_space<vmem>>[vector<16xi32>, vector<16xi32>], vector<16xf32>,
          %mul3A_209 = arith.mulf %gather3A, %sub3A_194 : vector<16xf32>
          %mul3A_210 = arith.mulf %gather3A_206, %sub3A_192 : vector<16xf32>
          %add3A_211 = arith.addf %mul3A_209, %mul3A_210 : vector<16xf32>
          %mul3A_212 = arith.mulf %gather3A_207, %sub3A : vector<16xf32>
          %add3A_213 = arith.addf %add3A_211, %mul3A_212 : vector<16xf32>
          %mul3A_214 = arith.mulf %gather3A_208, %mul3A_191 : vector<16xf32>
          %add3A_215 = arith.addf %add3A_213, %mul3A_214 : vector<16xf32>
          %mul3A_216 = arith.constant 512 : i32
          %mul3A_217 = arith.muli %mul3A_216, %scan3A_170 : i32
          %add3A_218 = arith.constant 0 : i32
          %add3A_219 = arith.addi %mul3A_217, %add3A_218 : i32
          %mul3A_220 = arith.constant 16 : i32
          %mul3A_221 = arith.muli %mul3A_220, %add3A_180 : i32
          %add3A_222 = arith.addi %add3A_219, %mul3A_221 : i32
          %swap3A = arith.index_cast %add3A_222 : i32 to index
          %swap3A_223 = tpu.vector_load %arg16[%swap3A] {strides = array<i32>} : memref<8192xf32, #tpu.memory_space<vmem>>, vector<16xf32>,
          tpu.vector_store %arg16[%swap3A], %add3A_215 {strides = array<i32>} : memref<8192xf32, #tpu.memory_space<vmem>>, vector<16xf32>,
          %broadcast_in_dim3A_224 = arith.constant 1 : i32
          %broadcast_in_dim3A_225 = vector.broadcast %broadcast_in_dim3A_224 : i32 to vector<16xi32>
          %broadcast_in_dim3A_226 = arith.constant 5 : i32
          %broadcast_in_dim3A_227 = vector.broadcast %broadcast_in_dim3A_226 : i32 to vector<16xi32>
          %gather3A_228 = tpu.vector_load_idx %arg14[%add3A_198, %broadcast_in_dim3A_225] : memref<4096x8xf32, #tpu.memory_space<vmem>>[vector<16xi32>, vector<16xi32>], vector<16xf32>,
          %gather3A_229 = tpu.vector_load_idx %arg14[%add3A_198, %broadcast_in_dim3A_227] : memref<4096x8xf32, #tpu.memory_space<vmem>>[vector<16xi32>, vector<16xi32>], vector<16xf32>,
          %gather3A_230 = tpu.vector_load_idx %arg14[%add3A_201, %broadcast_in_dim3A_225] : memref<4096x8xf32, #tpu.memory_space<vmem>>[vector<16xi32>, vector<16xi32>], vector<16xf32>,
          %gather3A_231 = tpu.vector_load_idx %arg14[%add3A_201, %broadcast_in_dim3A_227] : memref<4096x8xf32, #tpu.memory_space<vmem>>[vector<16xi32>, vector<16xi32>], vector<16xf32>,
          %mul3A_232 = arith.mulf %gather3A_228, %sub3A_194 : vector<16xf32>
          %mul3A_233 = arith.mulf %gather3A_229, %sub3A_192 : vector<16xf32>
          %add3A_234 = arith.addf %mul3A_232, %mul3A_233 : vector<16xf32>
          %mul3A_235 = arith.mulf %gather3A_230, %sub3A : vector<16xf32>
          %add3A_236 = arith.addf %add3A_234, %mul3A_235 : vector<16xf32>
          %mul3A_237 = arith.mulf %gather3A_231, %mul3A_191 : vector<16xf32>
          %add3A_238 = arith.addf %add3A_236, %mul3A_237 : vector<16xf32>
          %mul3A_239 = arith.constant 512 : i32
          %mul3A_240 = arith.muli %mul3A_239, %scan3A_170 : i32
          %add3A_241 = arith.constant 128 : i32
          %add3A_242 = arith.addi %mul3A_240, %add3A_241 : i32
          %mul3A_243 = arith.constant 16 : i32
          %mul3A_244 = arith.muli %mul3A_243, %add3A_180 : i32
          %add3A_245 = arith.addi %add3A_242, %mul3A_244 : i32
          %swap3A_246 = arith.index_cast %add3A_245 : i32 to index
          %swap3A_247 = tpu.vector_load %arg16[%swap3A_246] {strides = array<i32>} : memref<8192xf32, #tpu.memory_space<vmem>>, vector<16xf32>,
          tpu.vector_store %arg16[%swap3A_246], %add3A_238 {strides = array<i32>} : memref<8192xf32, #tpu.memory_space<vmem>>, vector<16xf32>,
          %broadcast_in_dim3A_248 = arith.constant 2 : i32
          %broadcast_in_dim3A_249 = vector.broadcast %broadcast_in_dim3A_248 : i32 to vector<16xi32>
          %broadcast_in_dim3A_250 = arith.constant 6 : i32
          %broadcast_in_dim3A_251 = vector.broadcast %broadcast_in_dim3A_250 : i32 to vector<16xi32>
          %gather3A_252 = tpu.vector_load_idx %arg14[%add3A_198, %broadcast_in_dim3A_249] : memref<4096x8xf32, #tpu.memory_space<vmem>>[vector<16xi32>, vector<16xi32>], vector<16xf32>,
          %gather3A_253 = tpu.vector_load_idx %arg14[%add3A_198, %broadcast_in_dim3A_251] : memref<4096x8xf32, #tpu.memory_space<vmem>>[vector<16xi32>, vector<16xi32>], vector<16xf32>,
          %gather3A_254 = tpu.vector_load_idx %arg14[%add3A_201, %broadcast_in_dim3A_249] : memref<4096x8xf32, #tpu.memory_space<vmem>>[vector<16xi32>, vector<16xi32>], vector<16xf32>,
          %gather3A_255 = tpu.vector_load_idx %arg14[%add3A_201, %broadcast_in_dim3A_251] : memref<4096x8xf32, #tpu.memory_space<vmem>>[vector<16xi32>, vector<16xi32>], vector<16xf32>,
          %mul3A_256 = arith.mulf %gather3A_252, %sub3A_194 : vector<16xf32>
          %mul3A_257 = arith.mulf %gather3A_253, %sub3A_192 : vector<16xf32>
          %add3A_258 = arith.addf %mul3A_256, %mul3A_257 : vector<16xf32>
          %mul3A_259 = arith.mulf %gather3A_254, %sub3A : vector<16xf32>
          %add3A_260 = arith.addf %add3A_258, %mul3A_259 : vector<16xf32>
          %mul3A_261 = arith.mulf %gather3A_255, %mul3A_191 : vector<16xf32>
          %add3A_262 = arith.addf %add3A_260, %mul3A_261 : vector<16xf32>
          %mul3A_263 = arith.constant 512 : i32
          %mul3A_264 = arith.muli %mul3A_263, %scan3A_170 : i32
          %add3A_265 = arith.constant 256 : i32
          %add3A_266 = arith.addi %mul3A_264, %add3A_265 : i32
          %mul3A_267 = arith.constant 16 : i32
          %mul3A_268 = arith.muli %mul3A_267, %add3A_180 : i32
          %add3A_269 = arith.addi %add3A_266, %mul3A_268 : i32
          %swap3A_270 = arith.index_cast %add3A_269 : i32 to index
          %swap3A_271 = tpu.vector_load %arg16[%swap3A_270] {strides = array<i32>} : memref<8192xf32, #tpu.memory_space<vmem>>, vector<16xf32>,
          tpu.vector_store %arg16[%swap3A_270], %add3A_262 {strides = array<i32>} : memref<8192xf32, #tpu.memory_space<vmem>>, vector<16xf32>,
          %broadcast_in_dim3A_272 = arith.constant 3 : i32
          %broadcast_in_dim3A_273 = vector.broadcast %broadcast_in_dim3A_272 : i32 to vector<16xi32>
          %broadcast_in_dim3A_274 = arith.constant 7 : i32
          %broadcast_in_dim3A_275 = vector.broadcast %broadcast_in_dim3A_274 : i32 to vector<16xi32>
          %gather3A_276 = tpu.vector_load_idx %arg14[%add3A_198, %broadcast_in_dim3A_273] : memref<4096x8xf32, #tpu.memory_space<vmem>>[vector<16xi32>, vector<16xi32>], vector<16xf32>,
          %gather3A_277 = tpu.vector_load_idx %arg14[%add3A_198, %broadcast_in_dim3A_275] : memref<4096x8xf32, #tpu.memory_space<vmem>>[vector<16xi32>, vector<16xi32>], vector<16xf32>,
          %gather3A_278 = tpu.vector_load_idx %arg14[%add3A_201, %broadcast_in_dim3A_273] : memref<4096x8xf32, #tpu.memory_space<vmem>>[vector<16xi32>, vector<16xi32>], vector<16xf32>,
          %gather3A_279 = tpu.vector_load_idx %arg14[%add3A_201, %broadcast_in_dim3A_275] : memref<4096x8xf32, #tpu.memory_space<vmem>>[vector<16xi32>, vector<16xi32>], vector<16xf32>,
          %mul3A_280 = arith.mulf %gather3A_276, %sub3A_194 : vector<16xf32>
          %mul3A_281 = arith.mulf %gather3A_277, %sub3A_192 : vector<16xf32>
          %add3A_282 = arith.addf %mul3A_280, %mul3A_281 : vector<16xf32>
          %mul3A_283 = arith.mulf %gather3A_278, %sub3A : vector<16xf32>
          %add3A_284 = arith.addf %add3A_282, %mul3A_283 : vector<16xf32>
          %mul3A_285 = arith.mulf %gather3A_279, %mul3A_191 : vector<16xf32>
          %add3A_286 = arith.addf %add3A_284, %mul3A_285 : vector<16xf32>
          %mul3A_287 = arith.constant 512 : i32
          %mul3A_288 = arith.muli %mul3A_287, %scan3A_170 : i32
          %add3A_289 = arith.constant 384 : i32
          %add3A_290 = arith.addi %mul3A_288, %add3A_289 : i32
          %mul3A_291 = arith.constant 16 : i32
          %mul3A_292 = arith.muli %mul3A_291, %add3A_180 : i32
          %add3A_293 = arith.addi %add3A_290, %mul3A_292 : i32
          %swap3A_294 = arith.index_cast %add3A_293 : i32 to index
          %swap3A_295 = tpu.vector_load %arg16[%swap3A_294] {strides = array<i32>} : memref<8192xf32, #tpu.memory_space<vmem>>, vector<16xf32>,
          tpu.vector_store %arg16[%swap3A_294], %add3A_286 {strides = array<i32>} : memref<8192xf32, #tpu.memory_space<vmem>>, vector<16xf32>,
          %mul3A_296 = arith.constant 2 : i32
          %mul3A_297 = arith.muli %scan3A_176, %mul3A_296 : i32
          %add3A_298 = arith.constant 1 : i32
          %add3A_299 = arith.addi %mul3A_297, %add3A_298 : i32
          %mul3A_300 = arith.constant 8 : i32
          %mul3A_301 = arith.muli %scan3A_170, %mul3A_300 : i32
          %add3A_302 = arith.addi %mul3A_301, %add3A_299 : i32
          %mul3A_303 = arith.constant 16 : i32
          %mul3A_304 = arith.muli %add3A_302, %mul3A_303 : i32
          %get3A_305 = arith.index_cast %mul3A_304 : i32 to index
          %get3A_306 = tpu.vector_load %arg8[%get3A_305] {strides = array<i32>} : memref<2048xf32, #tpu.memory_space<vmem>>, vector<16xf32>,
          %mul3A_307 = arith.constant 16 : i32
          %mul3A_308 = arith.muli %add3A_302, %mul3A_307 : i32
          %get3A_309 = arith.index_cast %mul3A_308 : i32 to index
          %get3A_310 = tpu.vector_load %arg10[%get3A_309] {strides = array<i32>} : memref<2048xf32, #tpu.memory_space<vmem>>, vector<16xf32>,
          %mul3A_311 = arith.mulf %get3A_306, %get3A_310 : vector<16xf32>
          %sub3A_312 = arith.subf %get3A_306, %mul3A_311 : vector<16xf32>
          %sub3A_313 = arith.subf %get3A_310, %mul3A_311 : vector<16xf32>
          %sub3A_314 = arith.subf %broadcast_in_dim3A_7, %get3A_306 : vector<16xf32>
          %sub3A_315 = arith.subf %sub3A_314, %sub3A_313 : vector<16xf32>
          %mul3A_316 = arith.constant 16 : i32
          %mul3A_317 = arith.muli %add3A_302, %mul3A_316 : i32
          %add3A_318 = vector.broadcast %mul3A_317 : i32 to vector<16xi32>
          %add3A_319 = arith.addi %add3A_318, %iota3A : vector<16xi32>
          %add3A_320 = arith.constant 2048 : i32
          %add3A_321 = vector.broadcast %add3A_320 : i32 to vector<16xi32>
          %add3A_322 = arith.addi %add3A_319, %add3A_321 : vector<16xi32>
          %broadcast_in_dim3A_323 = arith.constant 0 : i32
          %broadcast_in_dim3A_324 = vector.broadcast %broadcast_in_dim3A_323 : i32 to vector<16xi32>
          %broadcast_in_dim3A_325 = arith.constant 4 : i32
          %broadcast_in_dim3A_326 = vector.broadcast %broadcast_in_dim3A_325 : i32 to vector<16xi32>
          %gather3A_327 = tpu.vector_load_idx %arg14[%add3A_319, %broadcast_in_dim3A_324] : memref<4096x8xf32, #tpu.memory_space<vmem>>[vector<16xi32>, vector<16xi32>], vector<16xf32>,
          %gather3A_328 = tpu.vector_load_idx %arg14[%add3A_319, %broadcast_in_dim3A_326] : memref<4096x8xf32, #tpu.memory_space<vmem>>[vector<16xi32>, vector<16xi32>], vector<16xf32>,
          %gather3A_329 = tpu.vector_load_idx %arg14[%add3A_322, %broadcast_in_dim3A_324] : memref<4096x8xf32, #tpu.memory_space<vmem>>[vector<16xi32>, vector<16xi32>], vector<16xf32>,
          %gather3A_330 = tpu.vector_load_idx %arg14[%add3A_322, %broadcast_in_dim3A_326] : memref<4096x8xf32, #tpu.memory_space<vmem>>[vector<16xi32>, vector<16xi32>], vector<16xf32>,
          %mul3A_331 = arith.mulf %gather3A_327, %sub3A_315 : vector<16xf32>
          %mul3A_332 = arith.mulf %gather3A_328, %sub3A_313 : vector<16xf32>
          %add3A_333 = arith.addf %mul3A_331, %mul3A_332 : vector<16xf32>
          %mul3A_334 = arith.mulf %gather3A_329, %sub3A_312 : vector<16xf32>
          %add3A_335 = arith.addf %add3A_333, %mul3A_334 : vector<16xf32>
          %mul3A_336 = arith.mulf %gather3A_330, %mul3A_311 : vector<16xf32>
          %add3A_337 = arith.addf %add3A_335, %mul3A_336 : vector<16xf32>
          %mul3A_338 = arith.constant 512 : i32
          %mul3A_339 = arith.muli %mul3A_338, %scan3A_170 : i32
          %add3A_340 = arith.constant 0 : i32
          %add3A_341 = arith.addi %mul3A_339, %add3A_340 : i32
          %mul3A_342 = arith.constant 16 : i32
          %mul3A_343 = arith.muli %mul3A_342, %add3A_299 : i32
          %add3A_344 = arith.addi %add3A_341, %mul3A_343 : i32
          %swap3A_345 = arith.index_cast %add3A_344 : i32 to index
          %swap3A_346 = tpu.vector_load %arg16[%swap3A_345] {strides = array<i32>} : memref<8192xf32, #tpu.memory_space<vmem>>, vector<16xf32>,
          tpu.vector_store %arg16[%swap3A_345], %add3A_337 {strides = array<i32>} : memref<8192xf32, #tpu.memory_space<vmem>>, vector<16xf32>,
          %broadcast_in_dim3A_347 = arith.constant 1 : i32
          %broadcast_in_dim3A_348 = vector.broadcast %broadcast_in_dim3A_347 : i32 to vector<16xi32>
          %broadcast_in_dim3A_349 = arith.constant 5 : i32
          %broadcast_in_dim3A_350 = vector.broadcast %broadcast_in_dim3A_349 : i32 to vector<16xi32>
          %gather3A_351 = tpu.vector_load_idx %arg14[%add3A_319, %broadcast_in_dim3A_348] : memref<4096x8xf32, #tpu.memory_space<vmem>>[vector<16xi32>, vector<16xi32>], vector<16xf32>,
          %gather3A_352 = tpu.vector_load_idx %arg14[%add3A_319, %broadcast_in_dim3A_350] : memref<4096x8xf32, #tpu.memory_space<vmem>>[vector<16xi32>, vector<16xi32>], vector<16xf32>,
          %gather3A_353 = tpu.vector_load_idx %arg14[%add3A_322, %broadcast_in_dim3A_348] : memref<4096x8xf32, #tpu.memory_space<vmem>>[vector<16xi32>, vector<16xi32>], vector<16xf32>,
          %gather3A_354 = tpu.vector_load_idx %arg14[%add3A_322, %broadcast_in_dim3A_350] : memref<4096x8xf32, #tpu.memory_space<vmem>>[vector<16xi32>, vector<16xi32>], vector<16xf32>,
          %mul3A_355 = arith.mulf %gather3A_351, %sub3A_315 : vector<16xf32>
          %mul3A_356 = arith.mulf %gather3A_352, %sub3A_313 : vector<16xf32>
          %add3A_357 = arith.addf %mul3A_355, %mul3A_356 : vector<16xf32>
          %mul3A_358 = arith.mulf %gather3A_353, %sub3A_312 : vector<16xf32>
          %add3A_359 = arith.addf %add3A_357, %mul3A_358 : vector<16xf32>
          %mul3A_360 = arith.mulf %gather3A_354, %mul3A_311 : vector<16xf32>
          %add3A_361 = arith.addf %add3A_359, %mul3A_360 : vector<16xf32>
          %mul3A_362 = arith.constant 512 : i32
          %mul3A_363 = arith.muli %mul3A_362, %scan3A_170 : i32
          %add3A_364 = arith.constant 128 : i32
          %add3A_365 = arith.addi %mul3A_363, %add3A_364 : i32
          %mul3A_366 = arith.constant 16 : i32
          %mul3A_367 = arith.muli %mul3A_366, %add3A_299 : i32
          %add3A_368 = arith.addi %add3A_365, %mul3A_367 : i32
          %swap3A_369 = arith.index_cast %add3A_368 : i32 to index
          %swap3A_370 = tpu.vector_load %arg16[%swap3A_369] {strides = array<i32>} : memref<8192xf32, #tpu.memory_space<vmem>>, vector<16xf32>,
          tpu.vector_store %arg16[%swap3A_369], %add3A_361 {strides = array<i32>} : memref<8192xf32, #tpu.memory_space<vmem>>, vector<16xf32>,
          %broadcast_in_dim3A_371 = arith.constant 2 : i32
          %broadcast_in_dim3A_372 = vector.broadcast %broadcast_in_dim3A_371 : i32 to vector<16xi32>
          %broadcast_in_dim3A_373 = arith.constant 6 : i32
          %broadcast_in_dim3A_374 = vector.broadcast %broadcast_in_dim3A_373 : i32 to vector<16xi32>
          %gather3A_375 = tpu.vector_load_idx %arg14[%add3A_319, %broadcast_in_dim3A_372] : memref<4096x8xf32, #tpu.memory_space<vmem>>[vector<16xi32>, vector<16xi32>], vector<16xf32>,
          %gather3A_376 = tpu.vector_load_idx %arg14[%add3A_319, %broadcast_in_dim3A_374] : memref<4096x8xf32, #tpu.memory_space<vmem>>[vector<16xi32>, vector<16xi32>], vector<16xf32>,
          %gather3A_377 = tpu.vector_load_idx %arg14[%add3A_322, %broadcast_in_dim3A_372] : memref<4096x8xf32, #tpu.memory_space<vmem>>[vector<16xi32>, vector<16xi32>], vector<16xf32>,
          %gather3A_378 = tpu.vector_load_idx %arg14[%add3A_322, %broadcast_in_dim3A_374] : memref<4096x8xf32, #tpu.memory_space<vmem>>[vector<16xi32>, vector<16xi32>], vector<16xf32>,
          %mul3A_379 = arith.mulf %gather3A_375, %sub3A_315 : vector<16xf32>
          %mul3A_380 = arith.mulf %gather3A_376, %sub3A_313 : vector<16xf32>
          %add3A_381 = arith.addf %mul3A_379, %mul3A_380 : vector<16xf32>
          %mul3A_382 = arith.mulf %gather3A_377, %sub3A_312 : vector<16xf32>
          %add3A_383 = arith.addf %add3A_381, %mul3A_382 : vector<16xf32>
          %mul3A_384 = arith.mulf %gather3A_378, %mul3A_311 : vector<16xf32>
          %add3A_385 = arith.addf %add3A_383, %mul3A_384 : vector<16xf32>
          %mul3A_386 = arith.constant 512 : i32
          %mul3A_387 = arith.muli %mul3A_386, %scan3A_170 : i32
          %add3A_388 = arith.constant 256 : i32
          %add3A_389 = arith.addi %mul3A_387, %add3A_388 : i32
          %mul3A_390 = arith.constant 16 : i32
          %mul3A_391 = arith.muli %mul3A_390, %add3A_299 : i32
          %add3A_392 = arith.addi %add3A_389, %mul3A_391 : i32
          %swap3A_393 = arith.index_cast %add3A_392 : i32 to index
          %swap3A_394 = tpu.vector_load %arg16[%swap3A_393] {strides = array<i32>} : memref<8192xf32, #tpu.memory_space<vmem>>, vector<16xf32>,
          tpu.vector_store %arg16[%swap3A_393], %add3A_385 {strides = array<i32>} : memref<8192xf32, #tpu.memory_space<vmem>>, vector<16xf32>,
          %broadcast_in_dim3A_395 = arith.constant 3 : i32
          %broadcast_in_dim3A_396 = vector.broadcast %broadcast_in_dim3A_395 : i32 to vector<16xi32>
          %broadcast_in_dim3A_397 = arith.constant 7 : i32
          %broadcast_in_dim3A_398 = vector.broadcast %broadcast_in_dim3A_397 : i32 to vector<16xi32>
          %gather3A_399 = tpu.vector_load_idx %arg14[%add3A_319, %broadcast_in_dim3A_396] : memref<4096x8xf32, #tpu.memory_space<vmem>>[vector<16xi32>, vector<16xi32>], vector<16xf32>,
          %gather3A_400 = tpu.vector_load_idx %arg14[%add3A_319, %broadcast_in_dim3A_398] : memref<4096x8xf32, #tpu.memory_space<vmem>>[vector<16xi32>, vector<16xi32>], vector<16xf32>,
          %gather3A_401 = tpu.vector_load_idx %arg14[%add3A_322, %broadcast_in_dim3A_396] : memref<4096x8xf32, #tpu.memory_space<vmem>>[vector<16xi32>, vector<16xi32>], vector<16xf32>,
          %gather3A_402 = tpu.vector_load_idx %arg14[%add3A_322, %broadcast_in_dim3A_398] : memref<4096x8xf32, #tpu.memory_space<vmem>>[vector<16xi32>, vector<16xi32>], vector<16xf32>,
          %mul3A_403 = arith.mulf %gather3A_399, %sub3A_315 : vector<16xf32>
          %mul3A_404 = arith.mulf %gather3A_400, %sub3A_313 : vector<16xf32>
          %add3A_405 = arith.addf %mul3A_403, %mul3A_404 : vector<16xf32>
          %mul3A_406 = arith.mulf %gather3A_401, %sub3A_312 : vector<16xf32>
          %add3A_407 = arith.addf %add3A_405, %mul3A_406 : vector<16xf32>
          %mul3A_408 = arith.mulf %gather3A_402, %mul3A_311 : vector<16xf32>
          %add3A_409 = arith.addf %add3A_407, %mul3A_408 : vector<16xf32>
          %mul3A_410 = arith.constant 512 : i32
          %mul3A_411 = arith.muli %mul3A_410, %scan3A_170 : i32
          %add3A_412 = arith.constant 384 : i32
          %add3A_413 = arith.addi %mul3A_411, %add3A_412 : i32
          %mul3A_414 = arith.constant 16 : i32
          %mul3A_415 = arith.muli %mul3A_414, %add3A_299 : i32
          %add3A_416 = arith.addi %add3A_413, %mul3A_415 : i32
          %swap3A_417 = arith.index_cast %add3A_416 : i32 to index
          %swap3A_418 = tpu.vector_load %arg16[%swap3A_417] {strides = array<i32>} : memref<8192xf32, #tpu.memory_space<vmem>>, vector<16xf32>,
          tpu.vector_store %arg16[%swap3A_417], %add3A_409 {strides = array<i32>} : memref<8192xf32, #tpu.memory_space<vmem>>, vector<16xf32>,
        }
        %scan3A_175 = arith.constant 4 : i32
      }
      %scan3A_162 = arith.constant 16 : i32
      %mul3A_163 = arith.constant 131072 : i32
      %mul3A_164 = arith.muli %add3A, %mul3A_163 : i32
      %mul3A_165 = arith.constant 2048 : i32
      %mul3A_166 = arith.muli %add3A_150, %mul3A_165 : i32
      %add3A_167 = arith.addi %mul3A_164, %mul3A_166 : i32
      %mul3A_168 = arith.constant 4 : i32
      %mul3A_169 = arith.muli %mul3A_168, %add3A_167 : i32
      "tpu.region"() ({
        %run_scoped3A = tpu.sem_alloc : memref<!tpu.dma_semaphore, #tpu.memory_space<semaphore_mem>>
        %dma_start3A = tpu.memref_slice %arg4[%mul3A_169] : memref<16777216xf32, #tpu.memory_space<hbm>> -> memref<8192xf32, #tpu.memory_space<hbm>>
        %dma_start3A_170 = tpu.memref_slice %arg4[%mul3A_169] : memref<16777216xf32, #tpu.memory_space<hbm>> -> memref<8192xf32, #tpu.memory_space<hbm>>
        tpu.enqueue_dma source(%arg16 : memref<8192xf32, #tpu.memory_space<vmem>>) target(%dma_start3A_170 : memref<8192xf32, #tpu.memory_space<hbm>>) target_semaphore(%run_scoped3A : memref<!tpu.dma_semaphore, #tpu.memory_space<semaphore_mem>>)
        %dma_wait3A = tpu.memref_slice %arg4[%mul3A_169] : memref<16777216xf32, #tpu.memory_space<hbm>> -> memref<8192xf32, #tpu.memory_space<hbm>>
        %dma_wait3A_171 = tpu.memref_slice %arg4[%mul3A_169] : memref<16777216xf32, #tpu.memory_space<hbm>> -> memref<8192xf32, #tpu.memory_space<hbm>>
        tpu.wait_dma2 semaphore(%run_scoped3A : memref<!tpu.dma_semaphore, #tpu.memory_space<semaphore_mem>>) src(%arg16 : memref<8192xf32, #tpu.memory_space<vmem>>) dst(%dma_wait3A_171 : memref<8192xf32, #tpu.memory_space<hbm>>)
        tpu.yield
      }) : () -> ()
    }
    %scan3A_30 = arith.constant 31 : i32
    %mul3A_31 = arith.constant 131072 : i32
    %mul3A_32 = arith.muli %add3A, %mul3A_31 : i32
    %add3A_33 = arith.constant 129024 : i32
    %add3A_34 = arith.addi %mul3A_32, %add3A_33 : i32
    %mul3A_35 = arith.constant 2 : i32
    %mul3A_36 = arith.muli %mul3A_35, %add3A_34 : i32
    "tpu.region"() ({
      %run_scoped3A = tpu.sem_alloc : memref<!tpu.dma_semaphore, #tpu.memory_space<semaphore_mem>>
      %dma_start3A = tpu.memref_slice %arg3[%mul3A_36] : memref<8388608xf32, #tpu.memory_space<hbm>> -> memref<4096xf32, #tpu.memory_space<hbm>>
      %dma_start3A_85 = tpu.memref_slice %arg3[%mul3A_36] : memref<8388608xf32, #tpu.memory_space<hbm>> -> memref<4096xf32, #tpu.memory_space<hbm>>
      tpu.enqueue_dma source(%dma_start3A_85 : memref<4096xf32, #tpu.memory_space<hbm>>) target(%arg6 : memref<4096xf32, #tpu.memory_space<vmem>>) target_semaphore(%run_scoped3A : memref<!tpu.dma_semaphore, #tpu.memory_space<semaphore_mem>>)
      %dma_wait3A = tpu.memref_slice %arg3[%mul3A_36] : memref<8388608xf32, #tpu.memory_space<hbm>> -> memref<4096xf32, #tpu.memory_space<hbm>>
      %dma_wait3A_86 = tpu.memref_slice %arg3[%mul3A_36] : memref<8388608xf32, #tpu.memory_space<hbm>> -> memref<4096xf32, #tpu.memory_space<hbm>>
      tpu.wait_dma2 semaphore(%run_scoped3A : memref<!tpu.dma_semaphore, #tpu.memory_space<semaphore_mem>>) src(%dma_wait3A_86 : memref<4096xf32, #tpu.memory_space<hbm>>) dst(%arg6 : memref<4096xf32, #tpu.memory_space<vmem>>)
      tpu.yield
    }) : () -> ()
    %scan3A_37 = arith.constant 0 : i32
    %scan3A_38 = arith.constant 0 : i32
    %scan3A_39 = arith.constant 16 : i32
    %scan3A_40 = arith.addi %scan3A_38, %scan3A_39 : i32
    %scan3A_41 = arith.constant 1 : i32
    scf.for %scan3A_85 = %scan3A_38 to %scan3A_40 step %scan3A_41  : i32 {
      %scan3A_86 = arith.constant 0 : i32
      %scan3A_87 = arith.constant 8 : i32
      %scan3A_88 = arith.addi %scan3A_86, %scan3A_87 : i32
      %scan3A_89 = arith.constant 1 : i32
      scf.for %scan3A_91 = %scan3A_86 to %scan3A_88 step %scan3A_89  : i32 {
        %mul3A_92 = arith.constant 8 : i32
        %mul3A_93 = arith.muli %scan3A_85, %mul3A_92 : i32
        %add3A_94 = arith.addi %mul3A_93, %scan3A_91 : i32
        %mul3A_95 = arith.constant 256 : i32
        %mul3A_96 = arith.muli %mul3A_95, %scan3A_85 : i32
        %mul3A_97 = arith.constant 16 : i32
        %mul3A_98 = arith.muli %mul3A_97, %scan3A_91 : i32
        %add3A_99 = arith.addi %mul3A_96, %mul3A_98 : i32
        %get3A = arith.index_cast %add3A_99 : i32 to index
        %get3A_100 = tpu.vector_load %arg6[%get3A] {strides = array<i32>} : memref<4096xf32, #tpu.memory_space<vmem>>, vector<16xf32>,
        %add3A_101 = arith.constant 128 : i32
        %add3A_102 = arith.addi %add3A_99, %add3A_101 : i32
        %get3A_103 = arith.index_cast %add3A_102 : i32 to index
        %get3A_104 = tpu.vector_load %arg6[%get3A_103] {strides = array<i32>} : memref<4096xf32, #tpu.memory_space<vmem>>, vector<16xf32>,
        %max3A = arith.maximumf %get3A_100, %broadcast_in_dim3A_5 : vector<16xf32>
        %max3A_105 = arith.maximumf %get3A_104, %broadcast_in_dim3A_5 : vector<16xf32>
        %convert_element_type3A = arith.fptosi %max3A : vector<16xf32> to vector<16xi32>
        %min3A = arith.minsi %convert_element_type3A, %broadcast_in_dim3A_1 : vector<16xi32>
        %convert_element_type3A_106 = arith.fptosi %max3A_105 : vector<16xf32> to vector<16xi32>
        %min3A_107 = arith.minsi %convert_element_type3A_106, %broadcast_in_dim3A_3 : vector<16xi32>
        %convert_element_type3A_108 = arith.sitofp %min3A : vector<16xi32> to vector<16xf32>
        %sub3A = arith.subf %max3A, %convert_element_type3A_108 : vector<16xf32>
        %mul3A_109 = arith.constant 16 : i32
        %mul3A_110 = arith.muli %add3A_94, %mul3A_109 : i32
        %swap3A = arith.index_cast %mul3A_110 : i32 to index
        %swap3A_111 = tpu.vector_load %arg8[%swap3A] {strides = array<i32>} : memref<2048xf32, #tpu.memory_space<vmem>>, vector<16xf32>,
        tpu.vector_store %arg8[%swap3A], %sub3A {strides = array<i32>} : memref<2048xf32, #tpu.memory_space<vmem>>, vector<16xf32>,
        %convert_element_type3A_112 = arith.sitofp %min3A_107 : vector<16xi32> to vector<16xf32>
        %sub3A_113 = arith.subf %max3A_105, %convert_element_type3A_112 : vector<16xf32>
        %mul3A_114 = arith.constant 16 : i32
        %mul3A_115 = arith.muli %add3A_94, %mul3A_114 : i32
        %swap3A_116 = arith.index_cast %mul3A_115 : i32 to index
        %swap3A_117 = tpu.vector_load %arg10[%swap3A_116] {strides = array<i32>} : memref<2048xf32, #tpu.memory_space<vmem>>, vector<16xf32>,
        tpu.vector_store %arg10[%swap3A_116], %sub3A_113 {strides = array<i32>} : memref<2048xf32, #tpu.memory_space<vmem>>, vector<16xf32>,
        %mul3A_118 = arith.constant 512 : i32
        %mul3A_119 = vector.broadcast %mul3A_118 : i32 to vector<16xi32>
        %mul3A_120 = arith.muli %min3A, %mul3A_119 : vector<16xi32>
        %add3A_121 = arith.addi %mul3A_120, %min3A_107 : vector<16xi32>
        %mul3A_122 = arith.constant 16 : i32
        %mul3A_123 = arith.muli %mul3A_122, %scan3A_91 : i32
        %swap3A_124 = arith.index_cast %scan3A_85 : i32 to index
        %swap3A_125 = arith.index_cast %mul3A_123 : i32 to index
        %swap3A_126 = tpu.vector_load %arg12[%swap3A_124, %swap3A_125] {strides = array<i32>} : memref<32x128xi32, #tpu.memory_space<vmem>>, vector<16xi32>,
        tpu.vector_store %arg12[%swap3A_124, %swap3A_125], %add3A_121 {strides = array<i32>} : memref<32x128xi32, #tpu.memory_space<vmem>>, vector<16xi32>,
        %add3A_127 = arith.constant 512 : i32
        %add3A_128 = vector.broadcast %add3A_127 : i32 to vector<16xi32>
        %add3A_129 = arith.addi %add3A_121, %add3A_128 : vector<16xi32>
        %add3A_130 = arith.constant 16 : i32
        %add3A_131 = arith.addi %scan3A_85, %add3A_130 : i32
        %mul3A_132 = arith.constant 16 : i32
        %mul3A_133 = arith.muli %mul3A_132, %scan3A_91 : i32
        %swap3A_134 = arith.index_cast %add3A_131 : i32 to index
        %swap3A_135 = arith.index_cast %mul3A_133 : i32 to index
        %swap3A_136 = tpu.vector_load %arg12[%swap3A_134, %swap3A_135] {strides = array<i32>} : memref<32x128xi32, #tpu.memory_space<vmem>>, vector<16xi32>,
        tpu.vector_store %arg12[%swap3A_134, %swap3A_135], %add3A_129 {strides = array<i32>} : memref<32x128xi32, #tpu.memory_space<vmem>>, vector<16xi32>,
      }
      %scan3A_90 = arith.constant 8 : i32
    }
    %scan3A_42 = arith.constant 16 : i32
    %scan3A_43 = arith.constant 0 : i32
    %scan3A_44 = arith.constant 0 : i32
    %scan3A_45 = arith.constant 32 : i32
    %scan3A_46 = arith.addi %scan3A_44, %scan3A_45 : i32
    %scan3A_47 = arith.constant 1 : i32
    scf.for %scan3A_85 = %scan3A_44 to %scan3A_46 step %scan3A_47  : i32 {
      %mul3A_86 = arith.constant 128 : i32
      %mul3A_87 = arith.muli %scan3A_85, %mul3A_86 : i32
      %dma_start3A = arith.constant 0 : i32
      %dma_start3A_88 = tpu.memref_slice %arg14[%mul3A_87, %dma_start3A] : memref<4096x8xf32, #tpu.memory_space<vmem>> -> memref<128x8xf32, #tpu.memory_space<vmem>>
      %dma_start3A_89 = arith.constant 0 : i32
      %dma_start3A_90 = tpu.memref_slice %arg12[%scan3A_85, %dma_start3A_89] : memref<32x128xi32, #tpu.memory_space<vmem>> -> memref<1x128xi32, #tpu.memory_space<vmem>>
      %dma_start3A_91 = tpu.memref_squeeze %dma_start3A_90 : memref<1x128xi32, #tpu.memory_space<vmem>> -> memref<128xi32, #tpu.memory_space<vmem>>
      %dma_start3A_92 = arith.constant 0 : i32
      %dma_start3A_93 = arith.constant 0 : i32
      %dma_start3A_94 = tpu.memref_slice %arg2[%dma_start3A_92, %dma_start3A_93] : memref<262143x8xf32, #tpu.memory_space<hbm>> -> memref<262143x8xf32, #tpu.memory_space<hbm>>
      tpu.enqueue_indirect_dma source(%dma_start3A_94 : memref<262143x8xf32, #tpu.memory_space<hbm>>) target(%dma_start3A_88 : memref<128x8xf32, #tpu.memory_space<vmem>>) offsets(%dma_start3A_91 : memref<128xi32, #tpu.memory_space<vmem>>) semaphore(%arg18 : memref<!tpu.dma_semaphore, #tpu.memory_space<semaphore_mem>>)
    }
    %scan3A_48 = arith.constant 32 : i32
    %scan3A_49 = arith.constant 0 : i32
    %scan3A_50 = arith.constant 0 : i32
    %scan3A_51 = arith.constant 32 : i32
    %scan3A_52 = arith.addi %scan3A_50, %scan3A_51 : i32
    %scan3A_53 = arith.constant 1 : i32
    scf.for %scan3A_85 = %scan3A_50 to %scan3A_52 step %scan3A_53  : i32 {
      %mul3A_86 = arith.constant 128 : i32
      %mul3A_87 = arith.muli %scan3A_85, %mul3A_86 : i32
      %dma_wait3A = arith.constant 0 : i32
      %dma_wait3A_88 = tpu.memref_slice %arg13[%mul3A_87, %dma_wait3A] : memref<4096x8xf32, #tpu.memory_space<vmem>> -> memref<128x8xf32, #tpu.memory_space<vmem>>
      %dma_wait3A_89 = arith.constant 0 : i32
      %dma_wait3A_90 = arith.constant 0 : i32
      %dma_wait3A_91 = tpu.memref_slice %arg2[%dma_wait3A_89, %dma_wait3A_90] : memref<262143x8xf32, #tpu.memory_space<hbm>> -> memref<128x8xf32, #tpu.memory_space<hbm>>
      %dma_wait3A_92 = arith.constant 0 : i32
      %dma_wait3A_93 = tpu.memref_slice %arg13[%mul3A_87, %dma_wait3A_92] : memref<4096x8xf32, #tpu.memory_space<vmem>> -> memref<128x8xf32, #tpu.memory_space<vmem>>
      %dma_wait3A_94 = arith.constant 0 : i32
      %dma_wait3A_95 = arith.constant 0 : i32
      %dma_wait3A_96 = tpu.memref_slice %arg2[%dma_wait3A_94, %dma_wait3A_95] : memref<262143x8xf32, #tpu.memory_space<hbm>> -> memref<128x8xf32, #tpu.memory_space<hbm>>
      tpu.wait_dma2 semaphore(%arg17 : memref<!tpu.dma_semaphore, #tpu.memory_space<semaphore_mem>>) src(%dma_wait3A_96 : memref<128x8xf32, #tpu.memory_space<hbm>>) dst(%dma_wait3A_93 : memref<128x8xf32, #tpu.memory_space<vmem>>)
    }
    %scan3A_54 = arith.constant 32 : i32
    %scan3A_55 = arith.constant 0 : i32
    %scan3A_56 = arith.constant 0 : i32
    %scan3A_57 = arith.constant 16 : i32
    %scan3A_58 = arith.addi %scan3A_56, %scan3A_57 : i32
    %scan3A_59 = arith.constant 1 : i32
    scf.for %scan3A_85 = %scan3A_56 to %scan3A_58 step %scan3A_59  : i32 {
      %scan3A_86 = arith.constant 0 : i32
      %scan3A_87 = arith.constant 4 : i32
      %scan3A_88 = arith.addi %scan3A_86, %scan3A_87 : i32
      %scan3A_89 = arith.constant 1 : i32
      scf.for %scan3A_91 = %scan3A_86 to %scan3A_88 step %scan3A_89  : i32 {
        %mul3A_92 = arith.constant 2 : i32
        %mul3A_93 = arith.muli %scan3A_91, %mul3A_92 : i32
        %add3A_94 = arith.constant 0 : i32
        %add3A_95 = arith.addi %mul3A_93, %add3A_94 : i32
        %mul3A_96 = arith.constant 8 : i32
        %mul3A_97 = arith.muli %scan3A_85, %mul3A_96 : i32
        %add3A_98 = arith.addi %mul3A_97, %add3A_95 : i32
        %mul3A_99 = arith.constant 16 : i32
        %mul3A_100 = arith.muli %add3A_98, %mul3A_99 : i32
        %get3A = arith.index_cast %mul3A_100 : i32 to index
        %get3A_101 = tpu.vector_load %arg7[%get3A] {strides = array<i32>} : memref<2048xf32, #tpu.memory_space<vmem>>, vector<16xf32>,
        %mul3A_102 = arith.constant 16 : i32
        %mul3A_103 = arith.muli %add3A_98, %mul3A_102 : i32
        %get3A_104 = arith.index_cast %mul3A_103 : i32 to index
        %get3A_105 = tpu.vector_load %arg9[%get3A_104] {strides = array<i32>} : memref<2048xf32, #tpu.memory_space<vmem>>, vector<16xf32>,
        %mul3A_106 = arith.mulf %get3A_101, %get3A_105 : vector<16xf32>
        %sub3A = arith.subf %get3A_101, %mul3A_106 : vector<16xf32>
        %sub3A_107 = arith.subf %get3A_105, %mul3A_106 : vector<16xf32>
        %sub3A_108 = arith.subf %broadcast_in_dim3A_7, %get3A_101 : vector<16xf32>
        %sub3A_109 = arith.subf %sub3A_108, %sub3A_107 : vector<16xf32>
        %mul3A_110 = arith.constant 16 : i32
        %mul3A_111 = arith.muli %add3A_98, %mul3A_110 : i32
        %add3A_112 = vector.broadcast %mul3A_111 : i32 to vector<16xi32>
        %add3A_113 = arith.addi %add3A_112, %iota3A : vector<16xi32>
        %add3A_114 = arith.constant 2048 : i32
        %add3A_115 = vector.broadcast %add3A_114 : i32 to vector<16xi32>
        %add3A_116 = arith.addi %add3A_113, %add3A_115 : vector<16xi32>
        %broadcast_in_dim3A_117 = arith.constant 0 : i32
        %broadcast_in_dim3A_118 = vector.broadcast %broadcast_in_dim3A_117 : i32 to vector<16xi32>
        %broadcast_in_dim3A_119 = arith.constant 4 : i32
        %broadcast_in_dim3A_120 = vector.broadcast %broadcast_in_dim3A_119 : i32 to vector<16xi32>
        %gather3A = tpu.vector_load_idx %arg13[%add3A_113, %broadcast_in_dim3A_118] : memref<4096x8xf32, #tpu.memory_space<vmem>>[vector<16xi32>, vector<16xi32>], vector<16xf32>,
        %gather3A_121 = tpu.vector_load_idx %arg13[%add3A_113, %broadcast_in_dim3A_120] : memref<4096x8xf32, #tpu.memory_space<vmem>>[vector<16xi32>, vector<16xi32>], vector<16xf32>,
        %gather3A_122 = tpu.vector_load_idx %arg13[%add3A_116, %broadcast_in_dim3A_118] : memref<4096x8xf32, #tpu.memory_space<vmem>>[vector<16xi32>, vector<16xi32>], vector<16xf32>,
        %gather3A_123 = tpu.vector_load_idx %arg13[%add3A_116, %broadcast_in_dim3A_120] : memref<4096x8xf32, #tpu.memory_space<vmem>>[vector<16xi32>, vector<16xi32>], vector<16xf32>,
        %mul3A_124 = arith.mulf %gather3A, %sub3A_109 : vector<16xf32>
        %mul3A_125 = arith.mulf %gather3A_121, %sub3A_107 : vector<16xf32>
        %add3A_126 = arith.addf %mul3A_124, %mul3A_125 : vector<16xf32>
        %mul3A_127 = arith.mulf %gather3A_122, %sub3A : vector<16xf32>
        %add3A_128 = arith.addf %add3A_126, %mul3A_127 : vector<16xf32>
        %mul3A_129 = arith.mulf %gather3A_123, %mul3A_106 : vector<16xf32>
        %add3A_130 = arith.addf %add3A_128, %mul3A_129 : vector<16xf32>
        %mul3A_131 = arith.constant 512 : i32
        %mul3A_132 = arith.muli %mul3A_131, %scan3A_85 : i32
        %add3A_133 = arith.constant 0 : i32
        %add3A_134 = arith.addi %mul3A_132, %add3A_133 : i32
        %mul3A_135 = arith.constant 16 : i32
        %mul3A_136 = arith.muli %mul3A_135, %add3A_95 : i32
        %add3A_137 = arith.addi %add3A_134, %mul3A_136 : i32
        %swap3A = arith.index_cast %add3A_137 : i32 to index
        %swap3A_138 = tpu.vector_load %arg15[%swap3A] {strides = array<i32>} : memref<8192xf32, #tpu.memory_space<vmem>>, vector<16xf32>,
        tpu.vector_store %arg15[%swap3A], %add3A_130 {strides = array<i32>} : memref<8192xf32, #tpu.memory_space<vmem>>, vector<16xf32>,
        %broadcast_in_dim3A_139 = arith.constant 1 : i32
        %broadcast_in_dim3A_140 = vector.broadcast %broadcast_in_dim3A_139 : i32 to vector<16xi32>
        %broadcast_in_dim3A_141 = arith.constant 5 : i32
        %broadcast_in_dim3A_142 = vector.broadcast %broadcast_in_dim3A_141 : i32 to vector<16xi32>
        %gather3A_143 = tpu.vector_load_idx %arg13[%add3A_113, %broadcast_in_dim3A_140] : memref<4096x8xf32, #tpu.memory_space<vmem>>[vector<16xi32>, vector<16xi32>], vector<16xf32>,
        %gather3A_144 = tpu.vector_load_idx %arg13[%add3A_113, %broadcast_in_dim3A_142] : memref<4096x8xf32, #tpu.memory_space<vmem>>[vector<16xi32>, vector<16xi32>], vector<16xf32>,
        %gather3A_145 = tpu.vector_load_idx %arg13[%add3A_116, %broadcast_in_dim3A_140] : memref<4096x8xf32, #tpu.memory_space<vmem>>[vector<16xi32>, vector<16xi32>], vector<16xf32>,
        %gather3A_146 = tpu.vector_load_idx %arg13[%add3A_116, %broadcast_in_dim3A_142] : memref<4096x8xf32, #tpu.memory_space<vmem>>[vector<16xi32>, vector<16xi32>], vector<16xf32>,
        %mul3A_147 = arith.mulf %gather3A_143, %sub3A_109 : vector<16xf32>
        %mul3A_148 = arith.mulf %gather3A_144, %sub3A_107 : vector<16xf32>
        %add3A_149 = arith.addf %mul3A_147, %mul3A_148 : vector<16xf32>
        %mul3A_150 = arith.mulf %gather3A_145, %sub3A : vector<16xf32>
        %add3A_151 = arith.addf %add3A_149, %mul3A_150 : vector<16xf32>
        %mul3A_152 = arith.mulf %gather3A_146, %mul3A_106 : vector<16xf32>
        %add3A_153 = arith.addf %add3A_151, %mul3A_152 : vector<16xf32>
        %mul3A_154 = arith.constant 512 : i32
        %mul3A_155 = arith.muli %mul3A_154, %scan3A_85 : i32
        %add3A_156 = arith.constant 128 : i32
        %add3A_157 = arith.addi %mul3A_155, %add3A_156 : i32
        %mul3A_158 = arith.constant 16 : i32
        %mul3A_159 = arith.muli %mul3A_158, %add3A_95 : i32
        %add3A_160 = arith.addi %add3A_157, %mul3A_159 : i32
        %swap3A_161 = arith.index_cast %add3A_160 : i32 to index
        %swap3A_162 = tpu.vector_load %arg15[%swap3A_161] {strides = array<i32>} : memref<8192xf32, #tpu.memory_space<vmem>>, vector<16xf32>,
        tpu.vector_store %arg15[%swap3A_161], %add3A_153 {strides = array<i32>} : memref<8192xf32, #tpu.memory_space<vmem>>, vector<16xf32>,
        %broadcast_in_dim3A_163 = arith.constant 2 : i32
        %broadcast_in_dim3A_164 = vector.broadcast %broadcast_in_dim3A_163 : i32 to vector<16xi32>
        %broadcast_in_dim3A_165 = arith.constant 6 : i32
        %broadcast_in_dim3A_166 = vector.broadcast %broadcast_in_dim3A_165 : i32 to vector<16xi32>
        %gather3A_167 = tpu.vector_load_idx %arg13[%add3A_113, %broadcast_in_dim3A_164] : memref<4096x8xf32, #tpu.memory_space<vmem>>[vector<16xi32>, vector<16xi32>], vector<16xf32>,
        %gather3A_168 = tpu.vector_load_idx %arg13[%add3A_113, %broadcast_in_dim3A_166] : memref<4096x8xf32, #tpu.memory_space<vmem>>[vector<16xi32>, vector<16xi32>], vector<16xf32>,
        %gather3A_169 = tpu.vector_load_idx %arg13[%add3A_116, %broadcast_in_dim3A_164] : memref<4096x8xf32, #tpu.memory_space<vmem>>[vector<16xi32>, vector<16xi32>], vector<16xf32>,
        %gather3A_170 = tpu.vector_load_idx %arg13[%add3A_116, %broadcast_in_dim3A_166] : memref<4096x8xf32, #tpu.memory_space<vmem>>[vector<16xi32>, vector<16xi32>], vector<16xf32>,
        %mul3A_171 = arith.mulf %gather3A_167, %sub3A_109 : vector<16xf32>
        %mul3A_172 = arith.mulf %gather3A_168, %sub3A_107 : vector<16xf32>
        %add3A_173 = arith.addf %mul3A_171, %mul3A_172 : vector<16xf32>
        %mul3A_174 = arith.mulf %gather3A_169, %sub3A : vector<16xf32>
        %add3A_175 = arith.addf %add3A_173, %mul3A_174 : vector<16xf32>
        %mul3A_176 = arith.mulf %gather3A_170, %mul3A_106 : vector<16xf32>
        %add3A_177 = arith.addf %add3A_175, %mul3A_176 : vector<16xf32>
        %mul3A_178 = arith.constant 512 : i32
        %mul3A_179 = arith.muli %mul3A_178, %scan3A_85 : i32
        %add3A_180 = arith.constant 256 : i32
        %add3A_181 = arith.addi %mul3A_179, %add3A_180 : i32
        %mul3A_182 = arith.constant 16 : i32
        %mul3A_183 = arith.muli %mul3A_182, %add3A_95 : i32
        %add3A_184 = arith.addi %add3A_181, %mul3A_183 : i32
        %swap3A_185 = arith.index_cast %add3A_184 : i32 to index
        %swap3A_186 = tpu.vector_load %arg15[%swap3A_185] {strides = array<i32>} : memref<8192xf32, #tpu.memory_space<vmem>>, vector<16xf32>,
        tpu.vector_store %arg15[%swap3A_185], %add3A_177 {strides = array<i32>} : memref<8192xf32, #tpu.memory_space<vmem>>, vector<16xf32>,
        %broadcast_in_dim3A_187 = arith.constant 3 : i32
        %broadcast_in_dim3A_188 = vector.broadcast %broadcast_in_dim3A_187 : i32 to vector<16xi32>
        %broadcast_in_dim3A_189 = arith.constant 7 : i32
        %broadcast_in_dim3A_190 = vector.broadcast %broadcast_in_dim3A_189 : i32 to vector<16xi32>
        %gather3A_191 = tpu.vector_load_idx %arg13[%add3A_113, %broadcast_in_dim3A_188] : memref<4096x8xf32, #tpu.memory_space<vmem>>[vector<16xi32>, vector<16xi32>], vector<16xf32>,
        %gather3A_192 = tpu.vector_load_idx %arg13[%add3A_113, %broadcast_in_dim3A_190] : memref<4096x8xf32, #tpu.memory_space<vmem>>[vector<16xi32>, vector<16xi32>], vector<16xf32>,
        %gather3A_193 = tpu.vector_load_idx %arg13[%add3A_116, %broadcast_in_dim3A_188] : memref<4096x8xf32, #tpu.memory_space<vmem>>[vector<16xi32>, vector<16xi32>], vector<16xf32>,
        %gather3A_194 = tpu.vector_load_idx %arg13[%add3A_116, %broadcast_in_dim3A_190] : memref<4096x8xf32, #tpu.memory_space<vmem>>[vector<16xi32>, vector<16xi32>], vector<16xf32>,
        %mul3A_195 = arith.mulf %gather3A_191, %sub3A_109 : vector<16xf32>
        %mul3A_196 = arith.mulf %gather3A_192, %sub3A_107 : vector<16xf32>
        %add3A_197 = arith.addf %mul3A_195, %mul3A_196 : vector<16xf32>
        %mul3A_198 = arith.mulf %gather3A_193, %sub3A : vector<16xf32>
        %add3A_199 = arith.addf %add3A_197, %mul3A_198 : vector<16xf32>
        %mul3A_200 = arith.mulf %gather3A_194, %mul3A_106 : vector<16xf32>
        %add3A_201 = arith.addf %add3A_199, %mul3A_200 : vector<16xf32>
        %mul3A_202 = arith.constant 512 : i32
        %mul3A_203 = arith.muli %mul3A_202, %scan3A_85 : i32
        %add3A_204 = arith.constant 384 : i32
        %add3A_205 = arith.addi %mul3A_203, %add3A_204 : i32
        %mul3A_206 = arith.constant 16 : i32
        %mul3A_207 = arith.muli %mul3A_206, %add3A_95 : i32
        %add3A_208 = arith.addi %add3A_205, %mul3A_207 : i32
        %swap3A_209 = arith.index_cast %add3A_208 : i32 to index
        %swap3A_210 = tpu.vector_load %arg15[%swap3A_209] {strides = array<i32>} : memref<8192xf32, #tpu.memory_space<vmem>>, vector<16xf32>,
        tpu.vector_store %arg15[%swap3A_209], %add3A_201 {strides = array<i32>} : memref<8192xf32, #tpu.memory_space<vmem>>, vector<16xf32>,
        %mul3A_211 = arith.constant 2 : i32
        %mul3A_212 = arith.muli %scan3A_91, %mul3A_211 : i32
        %add3A_213 = arith.constant 1 : i32
        %add3A_214 = arith.addi %mul3A_212, %add3A_213 : i32
        %mul3A_215 = arith.constant 8 : i32
        %mul3A_216 = arith.muli %scan3A_85, %mul3A_215 : i32
        %add3A_217 = arith.addi %mul3A_216, %add3A_214 : i32
        %mul3A_218 = arith.constant 16 : i32
        %mul3A_219 = arith.muli %add3A_217, %mul3A_218 : i32
        %get3A_220 = arith.index_cast %mul3A_219 : i32 to index
        %get3A_221 = tpu.vector_load %arg7[%get3A_220] {strides = array<i32>} : memref<2048xf32, #tpu.memory_space<vmem>>, vector<16xf32>,
        %mul3A_222 = arith.constant 16 : i32
        %mul3A_223 = arith.muli %add3A_217, %mul3A_222 : i32
        %get3A_224 = arith.index_cast %mul3A_223 : i32 to index
        %get3A_225 = tpu.vector_load %arg9[%get3A_224] {strides = array<i32>} : memref<2048xf32, #tpu.memory_space<vmem>>, vector<16xf32>,
        %mul3A_226 = arith.mulf %get3A_221, %get3A_225 : vector<16xf32>
        %sub3A_227 = arith.subf %get3A_221, %mul3A_226 : vector<16xf32>
        %sub3A_228 = arith.subf %get3A_225, %mul3A_226 : vector<16xf32>
        %sub3A_229 = arith.subf %broadcast_in_dim3A_7, %get3A_221 : vector<16xf32>
        %sub3A_230 = arith.subf %sub3A_229, %sub3A_228 : vector<16xf32>
        %mul3A_231 = arith.constant 16 : i32
        %mul3A_232 = arith.muli %add3A_217, %mul3A_231 : i32
        %add3A_233 = vector.broadcast %mul3A_232 : i32 to vector<16xi32>
        %add3A_234 = arith.addi %add3A_233, %iota3A : vector<16xi32>
        %add3A_235 = arith.constant 2048 : i32
        %add3A_236 = vector.broadcast %add3A_235 : i32 to vector<16xi32>
        %add3A_237 = arith.addi %add3A_234, %add3A_236 : vector<16xi32>
        %broadcast_in_dim3A_238 = arith.constant 0 : i32
        %broadcast_in_dim3A_239 = vector.broadcast %broadcast_in_dim3A_238 : i32 to vector<16xi32>
        %broadcast_in_dim3A_240 = arith.constant 4 : i32
        %broadcast_in_dim3A_241 = vector.broadcast %broadcast_in_dim3A_240 : i32 to vector<16xi32>
        %gather3A_242 = tpu.vector_load_idx %arg13[%add3A_234, %broadcast_in_dim3A_239] : memref<4096x8xf32, #tpu.memory_space<vmem>>[vector<16xi32>, vector<16xi32>], vector<16xf32>,
        %gather3A_243 = tpu.vector_load_idx %arg13[%add3A_234, %broadcast_in_dim3A_241] : memref<4096x8xf32, #tpu.memory_space<vmem>>[vector<16xi32>, vector<16xi32>], vector<16xf32>,
        %gather3A_244 = tpu.vector_load_idx %arg13[%add3A_237, %broadcast_in_dim3A_239] : memref<4096x8xf32, #tpu.memory_space<vmem>>[vector<16xi32>, vector<16xi32>], vector<16xf32>,
        %gather3A_245 = tpu.vector_load_idx %arg13[%add3A_237, %broadcast_in_dim3A_241] : memref<4096x8xf32, #tpu.memory_space<vmem>>[vector<16xi32>, vector<16xi32>], vector<16xf32>,
        %mul3A_246 = arith.mulf %gather3A_242, %sub3A_230 : vector<16xf32>
        %mul3A_247 = arith.mulf %gather3A_243, %sub3A_228 : vector<16xf32>
        %add3A_248 = arith.addf %mul3A_246, %mul3A_247 : vector<16xf32>
        %mul3A_249 = arith.mulf %gather3A_244, %sub3A_227 : vector<16xf32>
        %add3A_250 = arith.addf %add3A_248, %mul3A_249 : vector<16xf32>
        %mul3A_251 = arith.mulf %gather3A_245, %mul3A_226 : vector<16xf32>
        %add3A_252 = arith.addf %add3A_250, %mul3A_251 : vector<16xf32>
        %mul3A_253 = arith.constant 512 : i32
        %mul3A_254 = arith.muli %mul3A_253, %scan3A_85 : i32
        %add3A_255 = arith.constant 0 : i32
        %add3A_256 = arith.addi %mul3A_254, %add3A_255 : i32
        %mul3A_257 = arith.constant 16 : i32
        %mul3A_258 = arith.muli %mul3A_257, %add3A_214 : i32
        %add3A_259 = arith.addi %add3A_256, %mul3A_258 : i32
        %swap3A_260 = arith.index_cast %add3A_259 : i32 to index
        %swap3A_261 = tpu.vector_load %arg15[%swap3A_260] {strides = array<i32>} : memref<8192xf32, #tpu.memory_space<vmem>>, vector<16xf32>,
        tpu.vector_store %arg15[%swap3A_260], %add3A_252 {strides = array<i32>} : memref<8192xf32, #tpu.memory_space<vmem>>, vector<16xf32>,
        %broadcast_in_dim3A_262 = arith.constant 1 : i32
        %broadcast_in_dim3A_263 = vector.broadcast %broadcast_in_dim3A_262 : i32 to vector<16xi32>
        %broadcast_in_dim3A_264 = arith.constant 5 : i32
        %broadcast_in_dim3A_265 = vector.broadcast %broadcast_in_dim3A_264 : i32 to vector<16xi32>
        %gather3A_266 = tpu.vector_load_idx %arg13[%add3A_234, %broadcast_in_dim3A_263] : memref<4096x8xf32, #tpu.memory_space<vmem>>[vector<16xi32>, vector<16xi32>], vector<16xf32>,
        %gather3A_267 = tpu.vector_load_idx %arg13[%add3A_234, %broadcast_in_dim3A_265] : memref<4096x8xf32, #tpu.memory_space<vmem>>[vector<16xi32>, vector<16xi32>], vector<16xf32>,
        %gather3A_268 = tpu.vector_load_idx %arg13[%add3A_237, %broadcast_in_dim3A_263] : memref<4096x8xf32, #tpu.memory_space<vmem>>[vector<16xi32>, vector<16xi32>], vector<16xf32>,
        %gather3A_269 = tpu.vector_load_idx %arg13[%add3A_237, %broadcast_in_dim3A_265] : memref<4096x8xf32, #tpu.memory_space<vmem>>[vector<16xi32>, vector<16xi32>], vector<16xf32>,
        %mul3A_270 = arith.mulf %gather3A_266, %sub3A_230 : vector<16xf32>
        %mul3A_271 = arith.mulf %gather3A_267, %sub3A_228 : vector<16xf32>
        %add3A_272 = arith.addf %mul3A_270, %mul3A_271 : vector<16xf32>
        %mul3A_273 = arith.mulf %gather3A_268, %sub3A_227 : vector<16xf32>
        %add3A_274 = arith.addf %add3A_272, %mul3A_273 : vector<16xf32>
        %mul3A_275 = arith.mulf %gather3A_269, %mul3A_226 : vector<16xf32>
        %add3A_276 = arith.addf %add3A_274, %mul3A_275 : vector<16xf32>
        %mul3A_277 = arith.constant 512 : i32
        %mul3A_278 = arith.muli %mul3A_277, %scan3A_85 : i32
        %add3A_279 = arith.constant 128 : i32
        %add3A_280 = arith.addi %mul3A_278, %add3A_279 : i32
        %mul3A_281 = arith.constant 16 : i32
        %mul3A_282 = arith.muli %mul3A_281, %add3A_214 : i32
        %add3A_283 = arith.addi %add3A_280, %mul3A_282 : i32
        %swap3A_284 = arith.index_cast %add3A_283 : i32 to index
        %swap3A_285 = tpu.vector_load %arg15[%swap3A_284] {strides = array<i32>} : memref<8192xf32, #tpu.memory_space<vmem>>, vector<16xf32>,
        tpu.vector_store %arg15[%swap3A_284], %add3A_276 {strides = array<i32>} : memref<8192xf32, #tpu.memory_space<vmem>>, vector<16xf32>,
        %broadcast_in_dim3A_286 = arith.constant 2 : i32
        %broadcast_in_dim3A_287 = vector.broadcast %broadcast_in_dim3A_286 : i32 to vector<16xi32>
        %broadcast_in_dim3A_288 = arith.constant 6 : i32
        %broadcast_in_dim3A_289 = vector.broadcast %broadcast_in_dim3A_288 : i32 to vector<16xi32>
        %gather3A_290 = tpu.vector_load_idx %arg13[%add3A_234, %broadcast_in_dim3A_287] : memref<4096x8xf32, #tpu.memory_space<vmem>>[vector<16xi32>, vector<16xi32>], vector<16xf32>,
        %gather3A_291 = tpu.vector_load_idx %arg13[%add3A_234, %broadcast_in_dim3A_289] : memref<4096x8xf32, #tpu.memory_space<vmem>>[vector<16xi32>, vector<16xi32>], vector<16xf32>,
        %gather3A_292 = tpu.vector_load_idx %arg13[%add3A_237, %broadcast_in_dim3A_287] : memref<4096x8xf32, #tpu.memory_space<vmem>>[vector<16xi32>, vector<16xi32>], vector<16xf32>,
        %gather3A_293 = tpu.vector_load_idx %arg13[%add3A_237, %broadcast_in_dim3A_289] : memref<4096x8xf32, #tpu.memory_space<vmem>>[vector<16xi32>, vector<16xi32>], vector<16xf32>,
        %mul3A_294 = arith.mulf %gather3A_290, %sub3A_230 : vector<16xf32>
        %mul3A_295 = arith.mulf %gather3A_291, %sub3A_228 : vector<16xf32>
        %add3A_296 = arith.addf %mul3A_294, %mul3A_295 : vector<16xf32>
        %mul3A_297 = arith.mulf %gather3A_292, %sub3A_227 : vector<16xf32>
        %add3A_298 = arith.addf %add3A_296, %mul3A_297 : vector<16xf32>
        %mul3A_299 = arith.mulf %gather3A_293, %mul3A_226 : vector<16xf32>
        %add3A_300 = arith.addf %add3A_298, %mul3A_299 : vector<16xf32>
        %mul3A_301 = arith.constant 512 : i32
        %mul3A_302 = arith.muli %mul3A_301, %scan3A_85 : i32
        %add3A_303 = arith.constant 256 : i32
        %add3A_304 = arith.addi %mul3A_302, %add3A_303 : i32
        %mul3A_305 = arith.constant 16 : i32
        %mul3A_306 = arith.muli %mul3A_305, %add3A_214 : i32
        %add3A_307 = arith.addi %add3A_304, %mul3A_306 : i32
        %swap3A_308 = arith.index_cast %add3A_307 : i32 to index
        %swap3A_309 = tpu.vector_load %arg15[%swap3A_308] {strides = array<i32>} : memref<8192xf32, #tpu.memory_space<vmem>>, vector<16xf32>,
        tpu.vector_store %arg15[%swap3A_308], %add3A_300 {strides = array<i32>} : memref<8192xf32, #tpu.memory_space<vmem>>, vector<16xf32>,
        %broadcast_in_dim3A_310 = arith.constant 3 : i32
        %broadcast_in_dim3A_311 = vector.broadcast %broadcast_in_dim3A_310 : i32 to vector<16xi32>
        %broadcast_in_dim3A_312 = arith.constant 7 : i32
        %broadcast_in_dim3A_313 = vector.broadcast %broadcast_in_dim3A_312 : i32 to vector<16xi32>
        %gather3A_314 = tpu.vector_load_idx %arg13[%add3A_234, %broadcast_in_dim3A_311] : memref<4096x8xf32, #tpu.memory_space<vmem>>[vector<16xi32>, vector<16xi32>], vector<16xf32>,
        %gather3A_315 = tpu.vector_load_idx %arg13[%add3A_234, %broadcast_in_dim3A_313] : memref<4096x8xf32, #tpu.memory_space<vmem>>[vector<16xi32>, vector<16xi32>], vector<16xf32>,
        %gather3A_316 = tpu.vector_load_idx %arg13[%add3A_237, %broadcast_in_dim3A_311] : memref<4096x8xf32, #tpu.memory_space<vmem>>[vector<16xi32>, vector<16xi32>], vector<16xf32>,
        %gather3A_317 = tpu.vector_load_idx %arg13[%add3A_237, %broadcast_in_dim3A_313] : memref<4096x8xf32, #tpu.memory_space<vmem>>[vector<16xi32>, vector<16xi32>], vector<16xf32>,
        %mul3A_318 = arith.mulf %gather3A_314, %sub3A_230 : vector<16xf32>
        %mul3A_319 = arith.mulf %gather3A_315, %sub3A_228 : vector<16xf32>
        %add3A_320 = arith.addf %mul3A_318, %mul3A_319 : vector<16xf32>
        %mul3A_321 = arith.mulf %gather3A_316, %sub3A_227 : vector<16xf32>
        %add3A_322 = arith.addf %add3A_320, %mul3A_321 : vector<16xf32>
        %mul3A_323 = arith.mulf %gather3A_317, %mul3A_226 : vector<16xf32>
        %add3A_324 = arith.addf %add3A_322, %mul3A_323 : vector<16xf32>
        %mul3A_325 = arith.constant 512 : i32
        %mul3A_326 = arith.muli %mul3A_325, %scan3A_85 : i32
        %add3A_327 = arith.constant 384 : i32
        %add3A_328 = arith.addi %mul3A_326, %add3A_327 : i32
        %mul3A_329 = arith.constant 16 : i32
        %mul3A_330 = arith.muli %mul3A_329, %add3A_214 : i32
        %add3A_331 = arith.addi %add3A_328, %mul3A_330 : i32
        %swap3A_332 = arith.index_cast %add3A_331 : i32 to index
        %swap3A_333 = tpu.vector_load %arg15[%swap3A_332] {strides = array<i32>} : memref<8192xf32, #tpu.memory_space<vmem>>, vector<16xf32>,
        tpu.vector_store %arg15[%swap3A_332], %add3A_324 {strides = array<i32>} : memref<8192xf32, #tpu.memory_space<vmem>>, vector<16xf32>,
      }
      %scan3A_90 = arith.constant 4 : i32
    }
    %scan3A_60 = arith.constant 16 : i32
    %mul3A_61 = arith.constant 131072 : i32
    %mul3A_62 = arith.muli %add3A, %mul3A_61 : i32
    %add3A_63 = arith.constant 126976 : i32
    %add3A_64 = arith.addi %mul3A_62, %add3A_63 : i32
    %mul3A_65 = arith.constant 4 : i32
    %mul3A_66 = arith.muli %mul3A_65, %add3A_64 : i32
    "tpu.region"() ({
      %run_scoped3A = tpu.sem_alloc : memref<!tpu.dma_semaphore, #tpu.memory_space<semaphore_mem>>
      %dma_start3A = tpu.memref_slice %arg4[%mul3A_66] : memref<16777216xf32, #tpu.memory_space<hbm>> -> memref<8192xf32, #tpu.memory_space<hbm>>
      %dma_start3A_85 = tpu.memref_slice %arg4[%mul3A_66] : memref<16777216xf32, #tpu.memory_space<hbm>> -> memref<8192xf32, #tpu.memory_space<hbm>>
      tpu.enqueue_dma source(%arg15 : memref<8192xf32, #tpu.memory_space<vmem>>) target(%dma_start3A_85 : memref<8192xf32, #tpu.memory_space<hbm>>) target_semaphore(%run_scoped3A : memref<!tpu.dma_semaphore, #tpu.memory_space<semaphore_mem>>)
      %dma_wait3A = tpu.memref_slice %arg4[%mul3A_66] : memref<16777216xf32, #tpu.memory_space<hbm>> -> memref<8192xf32, #tpu.memory_space<hbm>>
      %dma_wait3A_86 = tpu.memref_slice %arg4[%mul3A_66] : memref<16777216xf32, #tpu.memory_space<hbm>> -> memref<8192xf32, #tpu.memory_space<hbm>>
      tpu.wait_dma2 semaphore(%run_scoped3A : memref<!tpu.dma_semaphore, #tpu.memory_space<semaphore_mem>>) src(%arg15 : memref<8192xf32, #tpu.memory_space<vmem>>) dst(%dma_wait3A_86 : memref<8192xf32, #tpu.memory_space<hbm>>)
      tpu.yield
    }) : () -> ()
    %scan3A_67 = arith.constant 0 : i32
    %scan3A_68 = arith.constant 0 : i32
    %scan3A_69 = arith.constant 32 : i32
    %scan3A_70 = arith.addi %scan3A_68, %scan3A_69 : i32
    %scan3A_71 = arith.constant 1 : i32
    scf.for %scan3A_85 = %scan3A_68 to %scan3A_70 step %scan3A_71  : i32 {
      %mul3A_86 = arith.constant 128 : i32
      %mul3A_87 = arith.muli %scan3A_85, %mul3A_86 : i32
      %dma_wait3A = arith.constant 0 : i32
      %dma_wait3A_88 = tpu.memref_slice %arg14[%mul3A_87, %dma_wait3A] : memref<4096x8xf32, #tpu.memory_space<vmem>> -> memref<128x8xf32, #tpu.memory_space<vmem>>
      %dma_wait3A_89 = arith.constant 0 : i32
      %dma_wait3A_90 = arith.constant 0 : i32
      %dma_wait3A_91 = tpu.memref_slice %arg2[%dma_wait3A_89, %dma_wait3A_90] : memref<262143x8xf32, #tpu.memory_space<hbm>> -> memref<128x8xf32, #tpu.memory_space<hbm>>
      %dma_wait3A_92 = arith.constant 0 : i32
      %dma_wait3A_93 = tpu.memref_slice %arg14[%mul3A_87, %dma_wait3A_92] : memref<4096x8xf32, #tpu.memory_space<vmem>> -> memref<128x8xf32, #tpu.memory_space<vmem>>
      %dma_wait3A_94 = arith.constant 0 : i32
      %dma_wait3A_95 = arith.constant 0 : i32
      %dma_wait3A_96 = tpu.memref_slice %arg2[%dma_wait3A_94, %dma_wait3A_95] : memref<262143x8xf32, #tpu.memory_space<hbm>> -> memref<128x8xf32, #tpu.memory_space<hbm>>
      tpu.wait_dma2 semaphore(%arg18 : memref<!tpu.dma_semaphore, #tpu.memory_space<semaphore_mem>>) src(%dma_wait3A_96 : memref<128x8xf32, #tpu.memory_space<hbm>>) dst(%dma_wait3A_93 : memref<128x8xf32, #tpu.memory_space<vmem>>)
    }
    %scan3A_72 = arith.constant 32 : i32
    %scan3A_73 = arith.constant 0 : i32
    %scan3A_74 = arith.constant 0 : i32
    %scan3A_75 = arith.constant 16 : i32
    %scan3A_76 = arith.addi %scan3A_74, %scan3A_75 : i32
    %scan3A_77 = arith.constant 1 : i32
    scf.for %scan3A_85 = %scan3A_74 to %scan3A_76 step %scan3A_77  : i32 {
      %scan3A_86 = arith.constant 0 : i32
      %scan3A_87 = arith.constant 4 : i32
      %scan3A_88 = arith.addi %scan3A_86, %scan3A_87 : i32
      %scan3A_89 = arith.constant 1 : i32
      scf.for %scan3A_91 = %scan3A_86 to %scan3A_88 step %scan3A_89  : i32 {
        %mul3A_92 = arith.constant 2 : i32
        %mul3A_93 = arith.muli %scan3A_91, %mul3A_92 : i32
        %add3A_94 = arith.constant 0 : i32
        %add3A_95 = arith.addi %mul3A_93, %add3A_94 : i32
        %mul3A_96 = arith.constant 8 : i32
        %mul3A_97 = arith.muli %scan3A_85, %mul3A_96 : i32
        %add3A_98 = arith.addi %mul3A_97, %add3A_95 : i32
        %mul3A_99 = arith.constant 16 : i32
        %mul3A_100 = arith.muli %add3A_98, %mul3A_99 : i32
        %get3A = arith.index_cast %mul3A_100 : i32 to index
        %get3A_101 = tpu.vector_load %arg8[%get3A] {strides = array<i32>} : memref<2048xf32, #tpu.memory_space<vmem>>, vector<16xf32>,
        %mul3A_102 = arith.constant 16 : i32
        %mul3A_103 = arith.muli %add3A_98, %mul3A_102 : i32
        %get3A_104 = arith.index_cast %mul3A_103 : i32 to index
        %get3A_105 = tpu.vector_load %arg10[%get3A_104] {strides = array<i32>} : memref<2048xf32, #tpu.memory_space<vmem>>, vector<16xf32>,
        %mul3A_106 = arith.mulf %get3A_101, %get3A_105 : vector<16xf32>
        %sub3A = arith.subf %get3A_101, %mul3A_106 : vector<16xf32>
        %sub3A_107 = arith.subf %get3A_105, %mul3A_106 : vector<16xf32>
        %sub3A_108 = arith.subf %broadcast_in_dim3A_7, %get3A_101 : vector<16xf32>
        %sub3A_109 = arith.subf %sub3A_108, %sub3A_107 : vector<16xf32>
        %mul3A_110 = arith.constant 16 : i32
        %mul3A_111 = arith.muli %add3A_98, %mul3A_110 : i32
        %add3A_112 = vector.broadcast %mul3A_111 : i32 to vector<16xi32>
        %add3A_113 = arith.addi %add3A_112, %iota3A : vector<16xi32>
        %add3A_114 = arith.constant 2048 : i32
        %add3A_115 = vector.broadcast %add3A_114 : i32 to vector<16xi32>
        %add3A_116 = arith.addi %add3A_113, %add3A_115 : vector<16xi32>
        %broadcast_in_dim3A_117 = arith.constant 0 : i32
        %broadcast_in_dim3A_118 = vector.broadcast %broadcast_in_dim3A_117 : i32 to vector<16xi32>
        %broadcast_in_dim3A_119 = arith.constant 4 : i32
        %broadcast_in_dim3A_120 = vector.broadcast %broadcast_in_dim3A_119 : i32 to vector<16xi32>
        %gather3A = tpu.vector_load_idx %arg14[%add3A_113, %broadcast_in_dim3A_118] : memref<4096x8xf32, #tpu.memory_space<vmem>>[vector<16xi32>, vector<16xi32>], vector<16xf32>,
        %gather3A_121 = tpu.vector_load_idx %arg14[%add3A_113, %broadcast_in_dim3A_120] : memref<4096x8xf32, #tpu.memory_space<vmem>>[vector<16xi32>, vector<16xi32>], vector<16xf32>,
        %gather3A_122 = tpu.vector_load_idx %arg14[%add3A_116, %broadcast_in_dim3A_118] : memref<4096x8xf32, #tpu.memory_space<vmem>>[vector<16xi32>, vector<16xi32>], vector<16xf32>,
        %gather3A_123 = tpu.vector_load_idx %arg14[%add3A_116, %broadcast_in_dim3A_120] : memref<4096x8xf32, #tpu.memory_space<vmem>>[vector<16xi32>, vector<16xi32>], vector<16xf32>,
        %mul3A_124 = arith.mulf %gather3A, %sub3A_109 : vector<16xf32>
        %mul3A_125 = arith.mulf %gather3A_121, %sub3A_107 : vector<16xf32>
        %add3A_126 = arith.addf %mul3A_124, %mul3A_125 : vector<16xf32>
        %mul3A_127 = arith.mulf %gather3A_122, %sub3A : vector<16xf32>
        %add3A_128 = arith.addf %add3A_126, %mul3A_127 : vector<16xf32>
        %mul3A_129 = arith.mulf %gather3A_123, %mul3A_106 : vector<16xf32>
        %add3A_130 = arith.addf %add3A_128, %mul3A_129 : vector<16xf32>
        %mul3A_131 = arith.constant 512 : i32
        %mul3A_132 = arith.muli %mul3A_131, %scan3A_85 : i32
        %add3A_133 = arith.constant 0 : i32
        %add3A_134 = arith.addi %mul3A_132, %add3A_133 : i32
        %mul3A_135 = arith.constant 16 : i32
        %mul3A_136 = arith.muli %mul3A_135, %add3A_95 : i32
        %add3A_137 = arith.addi %add3A_134, %mul3A_136 : i32
        %swap3A = arith.index_cast %add3A_137 : i32 to index
        %swap3A_138 = tpu.vector_load %arg16[%swap3A] {strides = array<i32>} : memref<8192xf32, #tpu.memory_space<vmem>>, vector<16xf32>,
        tpu.vector_store %arg16[%swap3A], %add3A_130 {strides = array<i32>} : memref<8192xf32, #tpu.memory_space<vmem>>, vector<16xf32>,
        %broadcast_in_dim3A_139 = arith.constant 1 : i32
        %broadcast_in_dim3A_140 = vector.broadcast %broadcast_in_dim3A_139 : i32 to vector<16xi32>
        %broadcast_in_dim3A_141 = arith.constant 5 : i32
        %broadcast_in_dim3A_142 = vector.broadcast %broadcast_in_dim3A_141 : i32 to vector<16xi32>
        %gather3A_143 = tpu.vector_load_idx %arg14[%add3A_113, %broadcast_in_dim3A_140] : memref<4096x8xf32, #tpu.memory_space<vmem>>[vector<16xi32>, vector<16xi32>], vector<16xf32>,
        %gather3A_144 = tpu.vector_load_idx %arg14[%add3A_113, %broadcast_in_dim3A_142] : memref<4096x8xf32, #tpu.memory_space<vmem>>[vector<16xi32>, vector<16xi32>], vector<16xf32>,
        %gather3A_145 = tpu.vector_load_idx %arg14[%add3A_116, %broadcast_in_dim3A_140] : memref<4096x8xf32, #tpu.memory_space<vmem>>[vector<16xi32>, vector<16xi32>], vector<16xf32>,
        %gather3A_146 = tpu.vector_load_idx %arg14[%add3A_116, %broadcast_in_dim3A_142] : memref<4096x8xf32, #tpu.memory_space<vmem>>[vector<16xi32>, vector<16xi32>], vector<16xf32>,
        %mul3A_147 = arith.mulf %gather3A_143, %sub3A_109 : vector<16xf32>
        %mul3A_148 = arith.mulf %gather3A_144, %sub3A_107 : vector<16xf32>
        %add3A_149 = arith.addf %mul3A_147, %mul3A_148 : vector<16xf32>
        %mul3A_150 = arith.mulf %gather3A_145, %sub3A : vector<16xf32>
        %add3A_151 = arith.addf %add3A_149, %mul3A_150 : vector<16xf32>
        %mul3A_152 = arith.mulf %gather3A_146, %mul3A_106 : vector<16xf32>
        %add3A_153 = arith.addf %add3A_151, %mul3A_152 : vector<16xf32>
        %mul3A_154 = arith.constant 512 : i32
        %mul3A_155 = arith.muli %mul3A_154, %scan3A_85 : i32
        %add3A_156 = arith.constant 128 : i32
        %add3A_157 = arith.addi %mul3A_155, %add3A_156 : i32
        %mul3A_158 = arith.constant 16 : i32
        %mul3A_159 = arith.muli %mul3A_158, %add3A_95 : i32
        %add3A_160 = arith.addi %add3A_157, %mul3A_159 : i32
        %swap3A_161 = arith.index_cast %add3A_160 : i32 to index
        %swap3A_162 = tpu.vector_load %arg16[%swap3A_161] {strides = array<i32>} : memref<8192xf32, #tpu.memory_space<vmem>>, vector<16xf32>,
        tpu.vector_store %arg16[%swap3A_161], %add3A_153 {strides = array<i32>} : memref<8192xf32, #tpu.memory_space<vmem>>, vector<16xf32>,
        %broadcast_in_dim3A_163 = arith.constant 2 : i32
        %broadcast_in_dim3A_164 = vector.broadcast %broadcast_in_dim3A_163 : i32 to vector<16xi32>
        %broadcast_in_dim3A_165 = arith.constant 6 : i32
        %broadcast_in_dim3A_166 = vector.broadcast %broadcast_in_dim3A_165 : i32 to vector<16xi32>
        %gather3A_167 = tpu.vector_load_idx %arg14[%add3A_113, %broadcast_in_dim3A_164] : memref<4096x8xf32, #tpu.memory_space<vmem>>[vector<16xi32>, vector<16xi32>], vector<16xf32>,
        %gather3A_168 = tpu.vector_load_idx %arg14[%add3A_113, %broadcast_in_dim3A_166] : memref<4096x8xf32, #tpu.memory_space<vmem>>[vector<16xi32>, vector<16xi32>], vector<16xf32>,
        %gather3A_169 = tpu.vector_load_idx %arg14[%add3A_116, %broadcast_in_dim3A_164] : memref<4096x8xf32, #tpu.memory_space<vmem>>[vector<16xi32>, vector<16xi32>], vector<16xf32>,
        %gather3A_170 = tpu.vector_load_idx %arg14[%add3A_116, %broadcast_in_dim3A_166] : memref<4096x8xf32, #tpu.memory_space<vmem>>[vector<16xi32>, vector<16xi32>], vector<16xf32>,
        %mul3A_171 = arith.mulf %gather3A_167, %sub3A_109 : vector<16xf32>
        %mul3A_172 = arith.mulf %gather3A_168, %sub3A_107 : vector<16xf32>
        %add3A_173 = arith.addf %mul3A_171, %mul3A_172 : vector<16xf32>
        %mul3A_174 = arith.mulf %gather3A_169, %sub3A : vector<16xf32>
        %add3A_175 = arith.addf %add3A_173, %mul3A_174 : vector<16xf32>
        %mul3A_176 = arith.mulf %gather3A_170, %mul3A_106 : vector<16xf32>
        %add3A_177 = arith.addf %add3A_175, %mul3A_176 : vector<16xf32>
        %mul3A_178 = arith.constant 512 : i32
        %mul3A_179 = arith.muli %mul3A_178, %scan3A_85 : i32
        %add3A_180 = arith.constant 256 : i32
        %add3A_181 = arith.addi %mul3A_179, %add3A_180 : i32
        %mul3A_182 = arith.constant 16 : i32
        %mul3A_183 = arith.muli %mul3A_182, %add3A_95 : i32
        %add3A_184 = arith.addi %add3A_181, %mul3A_183 : i32
        %swap3A_185 = arith.index_cast %add3A_184 : i32 to index
        %swap3A_186 = tpu.vector_load %arg16[%swap3A_185] {strides = array<i32>} : memref<8192xf32, #tpu.memory_space<vmem>>, vector<16xf32>,
        tpu.vector_store %arg16[%swap3A_185], %add3A_177 {strides = array<i32>} : memref<8192xf32, #tpu.memory_space<vmem>>, vector<16xf32>,
        %broadcast_in_dim3A_187 = arith.constant 3 : i32
        %broadcast_in_dim3A_188 = vector.broadcast %broadcast_in_dim3A_187 : i32 to vector<16xi32>
        %broadcast_in_dim3A_189 = arith.constant 7 : i32
        %broadcast_in_dim3A_190 = vector.broadcast %broadcast_in_dim3A_189 : i32 to vector<16xi32>
        %gather3A_191 = tpu.vector_load_idx %arg14[%add3A_113, %broadcast_in_dim3A_188] : memref<4096x8xf32, #tpu.memory_space<vmem>>[vector<16xi32>, vector<16xi32>], vector<16xf32>,
        %gather3A_192 = tpu.vector_load_idx %arg14[%add3A_113, %broadcast_in_dim3A_190] : memref<4096x8xf32, #tpu.memory_space<vmem>>[vector<16xi32>, vector<16xi32>], vector<16xf32>,
        %gather3A_193 = tpu.vector_load_idx %arg14[%add3A_116, %broadcast_in_dim3A_188] : memref<4096x8xf32, #tpu.memory_space<vmem>>[vector<16xi32>, vector<16xi32>], vector<16xf32>,
        %gather3A_194 = tpu.vector_load_idx %arg14[%add3A_116, %broadcast_in_dim3A_190] : memref<4096x8xf32, #tpu.memory_space<vmem>>[vector<16xi32>, vector<16xi32>], vector<16xf32>,
        %mul3A_195 = arith.mulf %gather3A_191, %sub3A_109 : vector<16xf32>
        %mul3A_196 = arith.mulf %gather3A_192, %sub3A_107 : vector<16xf32>
        %add3A_197 = arith.addf %mul3A_195, %mul3A_196 : vector<16xf32>
        %mul3A_198 = arith.mulf %gather3A_193, %sub3A : vector<16xf32>
        %add3A_199 = arith.addf %add3A_197, %mul3A_198 : vector<16xf32>
        %mul3A_200 = arith.mulf %gather3A_194, %mul3A_106 : vector<16xf32>
        %add3A_201 = arith.addf %add3A_199, %mul3A_200 : vector<16xf32>
        %mul3A_202 = arith.constant 512 : i32
        %mul3A_203 = arith.muli %mul3A_202, %scan3A_85 : i32
        %add3A_204 = arith.constant 384 : i32
        %add3A_205 = arith.addi %mul3A_203, %add3A_204 : i32
        %mul3A_206 = arith.constant 16 : i32
        %mul3A_207 = arith.muli %mul3A_206, %add3A_95 : i32
        %add3A_208 = arith.addi %add3A_205, %mul3A_207 : i32
        %swap3A_209 = arith.index_cast %add3A_208 : i32 to index
        %swap3A_210 = tpu.vector_load %arg16[%swap3A_209] {strides = array<i32>} : memref<8192xf32, #tpu.memory_space<vmem>>, vector<16xf32>,
        tpu.vector_store %arg16[%swap3A_209], %add3A_201 {strides = array<i32>} : memref<8192xf32, #tpu.memory_space<vmem>>, vector<16xf32>,
        %mul3A_211 = arith.constant 2 : i32
        %mul3A_212 = arith.muli %scan3A_91, %mul3A_211 : i32
        %add3A_213 = arith.constant 1 : i32
        %add3A_214 = arith.addi %mul3A_212, %add3A_213 : i32
        %mul3A_215 = arith.constant 8 : i32
        %mul3A_216 = arith.muli %scan3A_85, %mul3A_215 : i32
        %add3A_217 = arith.addi %mul3A_216, %add3A_214 : i32
        %mul3A_218 = arith.constant 16 : i32
        %mul3A_219 = arith.muli %add3A_217, %mul3A_218 : i32
        %get3A_220 = arith.index_cast %mul3A_219 : i32 to index
        %get3A_221 = tpu.vector_load %arg8[%get3A_220] {strides = array<i32>} : memref<2048xf32, #tpu.memory_space<vmem>>, vector<16xf32>,
        %mul3A_222 = arith.constant 16 : i32
        %mul3A_223 = arith.muli %add3A_217, %mul3A_222 : i32
        %get3A_224 = arith.index_cast %mul3A_223 : i32 to index
        %get3A_225 = tpu.vector_load %arg10[%get3A_224] {strides = array<i32>} : memref<2048xf32, #tpu.memory_space<vmem>>, vector<16xf32>,
        %mul3A_226 = arith.mulf %get3A_221, %get3A_225 : vector<16xf32>
        %sub3A_227 = arith.subf %get3A_221, %mul3A_226 : vector<16xf32>
        %sub3A_228 = arith.subf %get3A_225, %mul3A_226 : vector<16xf32>
        %sub3A_229 = arith.subf %broadcast_in_dim3A_7, %get3A_221 : vector<16xf32>
        %sub3A_230 = arith.subf %sub3A_229, %sub3A_228 : vector<16xf32>
        %mul3A_231 = arith.constant 16 : i32
        %mul3A_232 = arith.muli %add3A_217, %mul3A_231 : i32
        %add3A_233 = vector.broadcast %mul3A_232 : i32 to vector<16xi32>
        %add3A_234 = arith.addi %add3A_233, %iota3A : vector<16xi32>
        %add3A_235 = arith.constant 2048 : i32
        %add3A_236 = vector.broadcast %add3A_235 : i32 to vector<16xi32>
        %add3A_237 = arith.addi %add3A_234, %add3A_236 : vector<16xi32>
        %broadcast_in_dim3A_238 = arith.constant 0 : i32
        %broadcast_in_dim3A_239 = vector.broadcast %broadcast_in_dim3A_238 : i32 to vector<16xi32>
        %broadcast_in_dim3A_240 = arith.constant 4 : i32
        %broadcast_in_dim3A_241 = vector.broadcast %broadcast_in_dim3A_240 : i32 to vector<16xi32>
        %gather3A_242 = tpu.vector_load_idx %arg14[%add3A_234, %broadcast_in_dim3A_239] : memref<4096x8xf32, #tpu.memory_space<vmem>>[vector<16xi32>, vector<16xi32>], vector<16xf32>,
        %gather3A_243 = tpu.vector_load_idx %arg14[%add3A_234, %broadcast_in_dim3A_241] : memref<4096x8xf32, #tpu.memory_space<vmem>>[vector<16xi32>, vector<16xi32>], vector<16xf32>,
        %gather3A_244 = tpu.vector_load_idx %arg14[%add3A_237, %broadcast_in_dim3A_239] : memref<4096x8xf32, #tpu.memory_space<vmem>>[vector<16xi32>, vector<16xi32>], vector<16xf32>,
        %gather3A_245 = tpu.vector_load_idx %arg14[%add3A_237, %broadcast_in_dim3A_241] : memref<4096x8xf32, #tpu.memory_space<vmem>>[vector<16xi32>, vector<16xi32>], vector<16xf32>,
        %mul3A_246 = arith.mulf %gather3A_242, %sub3A_230 : vector<16xf32>
        %mul3A_247 = arith.mulf %gather3A_243, %sub3A_228 : vector<16xf32>
        %add3A_248 = arith.addf %mul3A_246, %mul3A_247 : vector<16xf32>
        %mul3A_249 = arith.mulf %gather3A_244, %sub3A_227 : vector<16xf32>
        %add3A_250 = arith.addf %add3A_248, %mul3A_249 : vector<16xf32>
        %mul3A_251 = arith.mulf %gather3A_245, %mul3A_226 : vector<16xf32>
        %add3A_252 = arith.addf %add3A_250, %mul3A_251 : vector<16xf32>
        %mul3A_253 = arith.constant 512 : i32
        %mul3A_254 = arith.muli %mul3A_253, %scan3A_85 : i32
        %add3A_255 = arith.constant 0 : i32
        %add3A_256 = arith.addi %mul3A_254, %add3A_255 : i32
        %mul3A_257 = arith.constant 16 : i32
        %mul3A_258 = arith.muli %mul3A_257, %add3A_214 : i32
        %add3A_259 = arith.addi %add3A_256, %mul3A_258 : i32
        %swap3A_260 = arith.index_cast %add3A_259 : i32 to index
        %swap3A_261 = tpu.vector_load %arg16[%swap3A_260] {strides = array<i32>} : memref<8192xf32, #tpu.memory_space<vmem>>, vector<16xf32>,
        tpu.vector_store %arg16[%swap3A_260], %add3A_252 {strides = array<i32>} : memref<8192xf32, #tpu.memory_space<vmem>>, vector<16xf32>,
        %broadcast_in_dim3A_262 = arith.constant 1 : i32
        %broadcast_in_dim3A_263 = vector.broadcast %broadcast_in_dim3A_262 : i32 to vector<16xi32>
        %broadcast_in_dim3A_264 = arith.constant 5 : i32
        %broadcast_in_dim3A_265 = vector.broadcast %broadcast_in_dim3A_264 : i32 to vector<16xi32>
        %gather3A_266 = tpu.vector_load_idx %arg14[%add3A_234, %broadcast_in_dim3A_263] : memref<4096x8xf32, #tpu.memory_space<vmem>>[vector<16xi32>, vector<16xi32>], vector<16xf32>,
        %gather3A_267 = tpu.vector_load_idx %arg14[%add3A_234, %broadcast_in_dim3A_265] : memref<4096x8xf32, #tpu.memory_space<vmem>>[vector<16xi32>, vector<16xi32>], vector<16xf32>,
        %gather3A_268 = tpu.vector_load_idx %arg14[%add3A_237, %broadcast_in_dim3A_263] : memref<4096x8xf32, #tpu.memory_space<vmem>>[vector<16xi32>, vector<16xi32>], vector<16xf32>,
        %gather3A_269 = tpu.vector_load_idx %arg14[%add3A_237, %broadcast_in_dim3A_265] : memref<4096x8xf32, #tpu.memory_space<vmem>>[vector<16xi32>, vector<16xi32>], vector<16xf32>,
        %mul3A_270 = arith.mulf %gather3A_266, %sub3A_230 : vector<16xf32>
        %mul3A_271 = arith.mulf %gather3A_267, %sub3A_228 : vector<16xf32>
        %add3A_272 = arith.addf %mul3A_270, %mul3A_271 : vector<16xf32>
        %mul3A_273 = arith.mulf %gather3A_268, %sub3A_227 : vector<16xf32>
        %add3A_274 = arith.addf %add3A_272, %mul3A_273 : vector<16xf32>
        %mul3A_275 = arith.mulf %gather3A_269, %mul3A_226 : vector<16xf32>
        %add3A_276 = arith.addf %add3A_274, %mul3A_275 : vector<16xf32>
        %mul3A_277 = arith.constant 512 : i32
        %mul3A_278 = arith.muli %mul3A_277, %scan3A_85 : i32
        %add3A_279 = arith.constant 128 : i32
        %add3A_280 = arith.addi %mul3A_278, %add3A_279 : i32
        %mul3A_281 = arith.constant 16 : i32
        %mul3A_282 = arith.muli %mul3A_281, %add3A_214 : i32
        %add3A_283 = arith.addi %add3A_280, %mul3A_282 : i32
        %swap3A_284 = arith.index_cast %add3A_283 : i32 to index
        %swap3A_285 = tpu.vector_load %arg16[%swap3A_284] {strides = array<i32>} : memref<8192xf32, #tpu.memory_space<vmem>>, vector<16xf32>,
        tpu.vector_store %arg16[%swap3A_284], %add3A_276 {strides = array<i32>} : memref<8192xf32, #tpu.memory_space<vmem>>, vector<16xf32>,
        %broadcast_in_dim3A_286 = arith.constant 2 : i32
        %broadcast_in_dim3A_287 = vector.broadcast %broadcast_in_dim3A_286 : i32 to vector<16xi32>
        %broadcast_in_dim3A_288 = arith.constant 6 : i32
        %broadcast_in_dim3A_289 = vector.broadcast %broadcast_in_dim3A_288 : i32 to vector<16xi32>
        %gather3A_290 = tpu.vector_load_idx %arg14[%add3A_234, %broadcast_in_dim3A_287] : memref<4096x8xf32, #tpu.memory_space<vmem>>[vector<16xi32>, vector<16xi32>], vector<16xf32>,
        %gather3A_291 = tpu.vector_load_idx %arg14[%add3A_234, %broadcast_in_dim3A_289] : memref<4096x8xf32, #tpu.memory_space<vmem>>[vector<16xi32>, vector<16xi32>], vector<16xf32>,
        %gather3A_292 = tpu.vector_load_idx %arg14[%add3A_237, %broadcast_in_dim3A_287] : memref<4096x8xf32, #tpu.memory_space<vmem>>[vector<16xi32>, vector<16xi32>], vector<16xf32>,
        %gather3A_293 = tpu.vector_load_idx %arg14[%add3A_237, %broadcast_in_dim3A_289] : memref<4096x8xf32, #tpu.memory_space<vmem>>[vector<16xi32>, vector<16xi32>], vector<16xf32>,
        %mul3A_294 = arith.mulf %gather3A_290, %sub3A_230 : vector<16xf32>
        %mul3A_295 = arith.mulf %gather3A_291, %sub3A_228 : vector<16xf32>
        %add3A_296 = arith.addf %mul3A_294, %mul3A_295 : vector<16xf32>
        %mul3A_297 = arith.mulf %gather3A_292, %sub3A_227 : vector<16xf32>
        %add3A_298 = arith.addf %add3A_296, %mul3A_297 : vector<16xf32>
        %mul3A_299 = arith.mulf %gather3A_293, %mul3A_226 : vector<16xf32>
        %add3A_300 = arith.addf %add3A_298, %mul3A_299 : vector<16xf32>
        %mul3A_301 = arith.constant 512 : i32
        %mul3A_302 = arith.muli %mul3A_301, %scan3A_85 : i32
        %add3A_303 = arith.constant 256 : i32
        %add3A_304 = arith.addi %mul3A_302, %add3A_303 : i32
        %mul3A_305 = arith.constant 16 : i32
        %mul3A_306 = arith.muli %mul3A_305, %add3A_214 : i32
        %add3A_307 = arith.addi %add3A_304, %mul3A_306 : i32
        %swap3A_308 = arith.index_cast %add3A_307 : i32 to index
        %swap3A_309 = tpu.vector_load %arg16[%swap3A_308] {strides = array<i32>} : memref<8192xf32, #tpu.memory_space<vmem>>, vector<16xf32>,
        tpu.vector_store %arg16[%swap3A_308], %add3A_300 {strides = array<i32>} : memref<8192xf32, #tpu.memory_space<vmem>>, vector<16xf32>,
        %broadcast_in_dim3A_310 = arith.constant 3 : i32
        %broadcast_in_dim3A_311 = vector.broadcast %broadcast_in_dim3A_310 : i32 to vector<16xi32>
        %broadcast_in_dim3A_312 = arith.constant 7 : i32
        %broadcast_in_dim3A_313 = vector.broadcast %broadcast_in_dim3A_312 : i32 to vector<16xi32>
        %gather3A_314 = tpu.vector_load_idx %arg14[%add3A_234, %broadcast_in_dim3A_311] : memref<4096x8xf32, #tpu.memory_space<vmem>>[vector<16xi32>, vector<16xi32>], vector<16xf32>,
        %gather3A_315 = tpu.vector_load_idx %arg14[%add3A_234, %broadcast_in_dim3A_313] : memref<4096x8xf32, #tpu.memory_space<vmem>>[vector<16xi32>, vector<16xi32>], vector<16xf32>,
        %gather3A_316 = tpu.vector_load_idx %arg14[%add3A_237, %broadcast_in_dim3A_311] : memref<4096x8xf32, #tpu.memory_space<vmem>>[vector<16xi32>, vector<16xi32>], vector<16xf32>,
        %gather3A_317 = tpu.vector_load_idx %arg14[%add3A_237, %broadcast_in_dim3A_313] : memref<4096x8xf32, #tpu.memory_space<vmem>>[vector<16xi32>, vector<16xi32>], vector<16xf32>,
        %mul3A_318 = arith.mulf %gather3A_314, %sub3A_230 : vector<16xf32>
        %mul3A_319 = arith.mulf %gather3A_315, %sub3A_228 : vector<16xf32>
        %add3A_320 = arith.addf %mul3A_318, %mul3A_319 : vector<16xf32>
        %mul3A_321 = arith.mulf %gather3A_316, %sub3A_227 : vector<16xf32>
        %add3A_322 = arith.addf %add3A_320, %mul3A_321 : vector<16xf32>
        %mul3A_323 = arith.mulf %gather3A_317, %mul3A_226 : vector<16xf32>
        %add3A_324 = arith.addf %add3A_322, %mul3A_323 : vector<16xf32>
        %mul3A_325 = arith.constant 512 : i32
        %mul3A_326 = arith.muli %mul3A_325, %scan3A_85 : i32
        %add3A_327 = arith.constant 384 : i32
        %add3A_328 = arith.addi %mul3A_326, %add3A_327 : i32
        %mul3A_329 = arith.constant 16 : i32
        %mul3A_330 = arith.muli %mul3A_329, %add3A_214 : i32
        %add3A_331 = arith.addi %add3A_328, %mul3A_330 : i32
        %swap3A_332 = arith.index_cast %add3A_331 : i32 to index
        %swap3A_333 = tpu.vector_load %arg16[%swap3A_332] {strides = array<i32>} : memref<8192xf32, #tpu.memory_space<vmem>>, vector<16xf32>,
        tpu.vector_store %arg16[%swap3A_332], %add3A_324 {strides = array<i32>} : memref<8192xf32, #tpu.memory_space<vmem>>, vector<16xf32>,
      }
      %scan3A_90 = arith.constant 4 : i32
    }
    %scan3A_78 = arith.constant 16 : i32
    %mul3A_79 = arith.constant 131072 : i32
    %mul3A_80 = arith.muli %add3A, %mul3A_79 : i32
    %add3A_81 = arith.constant 129024 : i32
    %add3A_82 = arith.addi %mul3A_80, %add3A_81 : i32
    %mul3A_83 = arith.constant 4 : i32
    %mul3A_84 = arith.muli %mul3A_83, %add3A_82 : i32
    "tpu.region"() ({
      %run_scoped3A = tpu.sem_alloc : memref<!tpu.dma_semaphore, #tpu.memory_space<semaphore_mem>>
      %dma_start3A = tpu.memref_slice %arg4[%mul3A_84] : memref<16777216xf32, #tpu.memory_space<hbm>> -> memref<8192xf32, #tpu.memory_space<hbm>>
      %dma_start3A_85 = tpu.memref_slice %arg4[%mul3A_84] : memref<16777216xf32, #tpu.memory_space<hbm>> -> memref<8192xf32, #tpu.memory_space<hbm>>
      tpu.enqueue_dma source(%arg16 : memref<8192xf32, #tpu.memory_space<vmem>>) target(%dma_start3A_85 : memref<8192xf32, #tpu.memory_space<hbm>>) target_semaphore(%run_scoped3A : memref<!tpu.dma_semaphore, #tpu.memory_space<semaphore_mem>>)
      %dma_wait3A = tpu.memref_slice %arg4[%mul3A_84] : memref<16777216xf32, #tpu.memory_space<hbm>> -> memref<8192xf32, #tpu.memory_space<hbm>>
      %dma_wait3A_86 = tpu.memref_slice %arg4[%mul3A_84] : memref<16777216xf32, #tpu.memory_space<hbm>> -> memref<8192xf32, #tpu.memory_space<hbm>>
      tpu.wait_dma2 semaphore(%run_scoped3A : memref<!tpu.dma_semaphore, #tpu.memory_space<semaphore_mem>>) src(%arg16 : memref<8192xf32, #tpu.memory_space<vmem>>) dst(%dma_wait3A_86 : memref<8192xf32, #tpu.memory_space<hbm>>)
      tpu.yield
    }) : () -> ()
    return
  }
}

</mosaic_0001>

<sc_bundles>
// kernel: kernel.3.cloned.1.call-start
scs
__scs_entry_jumppad:
0x0: {  	(pc) =	sbr.rel $0x88, $3  }
0x1: {  	(tag) =	ssettag $0x0;
	lr =	simm.s32 $0x1  }
0x2: {  	[smem:$0x3F9F] =	sst lr;
	_ =	strace $0xD0000000  }
0x3: {  	_ = 	snop  }
0x4: {  	_ = 	snop  }
0x5: {  	_ = 	snop  }
0x6: {  	_ = 	snop  }
0x7: {  	_ = 	snop  }
__scs_overlays_trampoline_lowered:
0x8: {  	[smem:$0x3FAE] =	sst s0  }
0x9: {  	[smem:$0x3FAF] =	sst s1  }
0xa: {  	[smem:$0x3FB0] =	sst s2  }
0xb: {  	[smem:$0x3FB1] =	sst s3  }
0xc: {  	[smem:$0x3FB2] =	sst s4  }
0xd: {  	[smem:$0x3FB3] =	sst s5  }
0xe: {  	[smem:$0x3FB4] =	sst s6  }
0xf: {  	[smem:$0x3FB5] =	sst s7  }
0x10: {  	[smem:$0x3FB6] =	sst s8  }
0x11: {  	[smem:$0x3FB7] =	sst s9;
	s0 =	simm.s32 @!p0 $0x0  }
0x12: {  	s1 =	sld [smem:$0x3F9D];
	s0 =	simm.s32 @p0 $0x1  }
0x13: {  	[smem:$0x3FB8] =	sst s0;
	s0 =	simm.s32 @!p1 $0x0  }
0x14: {  	s2 =	sld [smem:$0x3F9C];
	s0 =	simm.s32 @p1 $0x1  }
0x15: {  	[smem:$0x3FB9] =	sst s0;
	s0 =	simm.s32 @!p2 $0x0  }
0x16: {  	s3 =	sld [smem:$0x3FDB];
	s0 =	simm.s32 @p2 $0x1  }
0x17: {  	s4 =	simm.s32 $0x1BF5;
	[smem:$0x3FBB] =	sst s0  }
0x18: {  	s0 =	sld [smem:$0x3F9E];
	_ =	swait.ge [sflag:s4], $0x0  }
0x19: {  	s7 =	sld [smem:$0x3F9F]  }
0x1a: {  	s8 =	sadd.s32 $0xFFFFE003, lr  }
0x1b: {  	s9 =	sadd.s32 $0xFFFFFEF7, lr;
	s5 =	simm.s32 $0xFFFFFFFF;
	p2 =	slt.u32 s8, $0xFFFFF086  }
0x1c: {  	p1 =	slt.u32 s9, $0xF7A;
	s5 =	simm.s32 @!p2 $0x0  }
0x1d: {  	s5 =	simm.s32 @p1 $0x1;
	p0 =	seq.s32 s7, s2  }
0x1e: {  	s7 =	smul.u32 @!p0 $0xF7A, s2;
	p2 =	seq.s32 @!p0 s5, $0x0  }
0x1f: {  	s9 =	smul.u32 $0xF7A, s1;
	s8 =	simm.s32 @!p0 $0x1BF5;
	p2 =	por !p2, p0  }
0x20: {  	[sflag:s8] =	ssyncset.s32 @!p0 $0xFFFFF086;
	s6 =	sadd.s32 @!p0 s3, s7;
	s7 =	simm.s32 @!p0 $0x108  }
0x21: {  	s3 =	sadd.s32 s3, s9;
	s6 =	sadd.s32 @!p0 $0x88, s6;
	s7 =	simm.s32 @p2 $0x1082  }
0x22: {  	[simem:s7], [sflag:s8] =	dma.local @!p0 [hbm:s6], $0xF7A  }
0x23: {  	s9 =	sor.u32 $0xD0000000, s2;
	s6 =	simm.s32 $0x108;
	_ =	swait.ge @!p0 [sflag:s8], $0x0  }
0x24: {  	s3 =	sadd.s32 $0x88, s3;
	s6 =	simm.s32 @!p1 $0x1082;
	[sflag:s4] =	ssyncset.s32 $0xFFFFF086  }
0x25: {  	[simem:s6], [sflag:s4] =	dma.local [hbm:s3], $0xF7A  }
0x26: {  	[smem:$0x3F9F] =	sst s1;
	(tag) =	ssettag s2;
	_ =	strace s9  }
0x27: {  	s1 =	sld [smem:$0x3FAF]  }
0x28: {  	s2 =	sld [smem:$0x3FB0]  }
0x29: {  	s4 =	sld [smem:$0x3FB2]  }
0x2a: {  	p0 =	seq.s32 s5, $0x0;
	s5 =	sld [smem:$0x3FB3]  }
0x2b: {  	s6 =	sld [smem:$0x3FB4]  }
0x2c: {  	s7 =	sld [smem:$0x3FB5]  }
0x2d: {  	s3 =	simm.s32 $0x108;
	s8 =	sld [smem:$0x3FB6]  }
0x2e: {  	s3 =	simm.s32 @!p0 $0x1082;
	s9 =	sld [smem:$0x3FB7]  }
0x2f: {  	lr =	sadd.s32 s0, s3;
	s0 =	sld [smem:$0x3FAE]  }
0x30: {  	s3 =	sld [smem:$0x3FB1]  }
0x31: {  	[smem:$0x3FBA] =	sst s10  }
0x32: {  	s10 =	sld [smem:$0x3FB8];
	_ =	sdelay $0x3  }
0x33: {  	p0 =	seq.s32 s10, $0x1;
	s10 =	sld [smem:$0x3FBA];
	_ =	sdelay $0x3  }
0x34: {  	[smem:$0x3FBA] =	sst s10  }
0x35: {  	s10 =	sld [smem:$0x3FB9];
	_ =	sdelay $0x3  }
0x36: {  	p1 =	seq.s32 s10, $0x1;
	s10 =	sld [smem:$0x3FBA];
	_ =	sdelay $0x3  }
0x37: {  	[smem:$0x3FBA] =	sst s10  }
0x38: {  	s10 =	sld [smem:$0x3FBB]  }
0x39: {  	_ = 	snop;
	(pc) =	sbr.ind lr, $3  }
0x3a: {  	_ = 	snop  }
0x3b: {  	_ = 	snop  }
0x3c: {  	p2 =	seq.s32 s10, $0x1;
	s10 =	sld [smem:$0x3FBA]  }
0x3d: {  	_ =	shalt  }
0x3e: {  	_ =	shalt  }
0x3f: {  	_ =	shalt  }
0x40: {  	_ =	shalt  }
0x41: {  	_ =	shalt  }
0x42: {  	_ =	shalt  }
0x43: {  	_ =	shalt  }
0x44: {  	_ =	shalt  }
0x45: {  	_ =	shalt  }
0x46: {  	_ =	shalt  }
0x47: {  	_ =	shalt  }
0x48: {  	_ =	shalt  }
0x49: {  	_ =	shalt  }
0x4a: {  	_ =	shalt  }
0x4b: {  	_ =	shalt  }
0x4c: {  	_ =	shalt  }
0x4d: {  	_ =	shalt  }
0x4e: {  	_ =	shalt  }
0x4f: {  	_ =	shalt  }
0x50: {  	_ =	shalt  }
0x51: {  	_ =	shalt  }
0x52: {  	_ =	shalt  }
0x53: {  	_ =	shalt  }
0x54: {  	_ =	shalt  }
0x55: {  	_ =	shalt  }
0x56: {  	_ =	shalt  }
0x57: {  	_ =	shalt  }
0x58: {  	_ =	shalt  }
0x59: {  	_ =	shalt  }
0x5a: {  	_ =	shalt  }
0x5b: {  	_ =	shalt  }
0x5c: {  	_ =	shalt  }
0x5d: {  	_ =	shalt  }
0x5e: {  	_ =	shalt  }
0x5f: {  	_ =	shalt  }
0x60: {  	_ =	shalt  }
0x61: {  	_ =	shalt  }
0x62: {  	_ =	shalt  }
0x63: {  	_ =	shalt  }
0x64: {  	_ =	shalt  }
0x65: {  	_ =	shalt  }
0x66: {  	_ =	shalt  }
0x67: {  	_ =	shalt  }
0x68: {  	_ =	shalt  }
0x69: {  	_ =	shalt  }
0x6a: {  	_ =	shalt  }
0x6b: {  	_ =	shalt  }
0x6c: {  	_ =	shalt  }
0x6d: {  	_ =	shalt  }
0x6e: {  	_ =	shalt  }
0x6f: {  	_ =	shalt  }
0x70: {  	_ =	shalt  }
0x71: {  	_ =	shalt  }
0x72: {  	_ =	shalt  }
0x73: {  	_ =	shalt  }
0x74: {  	_ =	shalt  }
0x75: {  	_ =	shalt  }
0x76: {  	_ =	shalt  }
0x77: {  	_ =	shalt  }
0x78: {  	_ =	shalt  }
0x79: {  	_ =	shalt  }
0x7a: {  	_ =	shalt  }
0x7b: {  	_ =	shalt  }
0x7c: {  	_ =	shalt  }
0x7d: {  	_ =	shalt  }
0x7e: {  	_ =	shalt  }
0x7f: {  	_ =	shalt  }
0x80: {  	_ =	shalt  }
0x81: {  	_ =	shalt  }
0x82: {  	_ =	shalt  }
0x83: {  	_ =	shalt  }
0x84: {  	_ =	shalt  }
0x85: {  	_ =	shalt  }
0x86: {  	_ =	shalt  }
0x87: {  	_ =	shalt  }
.Lfunc_end0:
.L_simem_size_0:
called_computation_lowered:
.L_overlay_start_0:
0x88: {  	s2 =	sld [smem:$0x3FD9]  }
0x89: {  	s3 =	sld [smem:$0x3FFE];
	_ =	sdelay $0x1  }
0x8a: {  	s1 =	srdreg.scid  }
0x8b: {  	s0 =	sand.u32 $0x1, s1  }
0x8c: {  	s17 =	sshll.u32 s0, $0xA;
	s2 =	sadd.s32 s3, s2  }
0x8d: {  	s2 =	sadd.s32 s2, s17  }
0x8e: {  	[smem:$0x3FC6] =	sst s2  }
0x8f: {  	_ = 	snop  }
0x90: {  	s2 =	sld [smem:$0x3FC8]  }
0x91: {  	s18 =	sld [smem:$0x3FD0];
	(tm) =	ssettm $0x1  }
0x92: {  	s4 =	sld [smem:$0x3FFB];
	_ =	sdelay $0x3  }
0x93: {  	_ =	strace s4  }
0x94: {  	s4 =	sld [smem:$0x3FFC];
	_ =	sdelay $0x3  }
0x95: {  	_ =	strace s4  }
0x96: {  	s4 =	sld [smem:$0x3FFD];
	_ =	sdelay $0x3  }
0x97: {  	_ =	strace s4  }
0x98: {  	_ =	strace $0x8FFFFFFF  }
0x99: {  	s19 =	sld [smem:$0x3FDB];
	_ =	sdelay $0x1  }
0x9a: {  	s5 =	simm.s32 $_scs_section_size  }
0x9b: {  	s6 =	simm.s32 $_size__tile_overlayer_lowered;
	s7 =	simm.s32 $_tile_overlayer_lowered  }
0x9c: {  	s22 =	simm.s32 $0x1BFF;
	s21 =	sshll.u32 s7, $0x1;
	s4 =	sadd.s32 s5, s19  }
0x9d: {  	s8 =	simm.s32 $0x0;
	s20 =	sshll.u32 s6, $0x1;
	s6 =	sadd.s32 s21, s4  }
0x9e: {  	[timem:s8], [sflag:s22] =	dma.local [hbm:s6], s20  }
0x9f: {  	_ =	swait.ge [sflag:s22], s20  }
0xa0: {  	s5 =	ssub.s32 $0x0, s20;
	[sflag:s22] =	ssyncset.done $0x0  }
0xa1: {  	[sflag:s22] =	ssyncadd.s32 s5;
	_ =	sdelay $0x1  }
0xa2: {  	s23 =	simm.s32 $0x1B8B  }
0xa3: {  	_ =	swait.ge [sflag:s23], $0x1  }
0xa4: {  	[sflag:s23] =	ssyncset.done $0x0  }
0xa5: {  	s25 =	simm.s32 $0x1B8E;
	s24 =	sld [smem:$0x3FFE];
	[sflag:s23] =	ssyncadd.s32 $0xFFFFFFFF  }
0xa6: {  	s26 =	simm.s32 $execute0_lowered;
	[smem:$0x3FD2] =	sst s25  }
0xa7: {  	s6 =	sshll.u32 s26, $0x1;
	_ =	strace $0x80000046;
	[dreg:$0x1] =	wrdreg $0xFFFFFFFF  }
0xa8: {  	s28 =	simm.s32 $_size_execute0_lowered;
	s4 =	sadd.s32 s4, s6;
	[dreg:$0x0] =	wrdreg $0x0  }
0xa9: {  	s6 =	sshll.u32 s28, $0x1;
	[dreg:$0x2] =	wrdreg s4  }
0xaa: {  	[dreg:$0x3] =	wrdreg s6  }
0xab: {  	[dreg:$0x4] =	wrdreg $0xC0  }
0xac: {  	_ =	task [dreg:s8], $0x5FFFF  }
0xad: {  	[dreg:$0x1] =	wrdreg $0xFFFFFFFF  }
0xae: {  	[dreg:$0x0] =	wrdreg $0x60  }
0xaf: {  	[dreg:$0x2] =	wrdreg s24  }
0xb0: {  	[dreg:$0x3] =	wrdreg s2  }
0xb1: {  	[dreg:$0x4] =	wrdreg s18  }
0xb2: {  	[dreg:$0x5] =	wrdreg $0x9  }
0xb3: {  	_ =	task.clear_ibuf [dreg:s8], $0x6FFFF;
	_ =	strace $0x90000046  }
0xb4: {  	s29 =	simm.s32 $0x9;
	_ =	strace $0x80000048  }
0xb5: {  	_ =	swait.ge [sflag:s29], $0x1  }
0xb6: {  	[sflag:s29] =	ssyncadd.s32 $0xFFFFFFFF  }
0xb7: {  	_ =	strace $0x90000048  }
0xb8: {  	_ =	sfence  }
0xb9: {  	s30 =	sld [smem:$0x0];
	_ =	sdelay $0x2  }
0xba: {  	s31 =	sshll.u32 s1, $0xD;
	s1 =	sshrl.u32 s1, $0x2  }
0xbb: {  	s3 =	sand.u32 $0x4000, s31;
	s1 =	sadd.s32 s1, s30  }
0xbc: {  	s0 =	sor.u32 s3, s0;
	s1 =	sshll.u32 s1, $0x11  }
0xbd: {  	s0 =	sor.u32 s1, s0  }
0xbe: {  	s0 =	sadd.s32 $0x8F2B, s0  }
0xbf: {  	[sflag:s0] =	ssyncadd.remote.s32 $0x1  }
0xc0: {  	_ =	sfence.sel $0xFFFF  }
0xc1: {  	[dreg:$0x0] =	wrdreg $0xFFFFFFFF;
	(pc) =	sbr.abs _section_cstart, $3  }
0xc2: {  	[dreg:$0x1] =	wrdreg $0xFFFFFFFF  }
0xc3: {  	_ =	task.clear_ibuf [dreg:s8], $0x2FFFF;
	_ =	strace $0x9FFFFFFF  }
0xc4: {  	(tm) =	ssettm $0x7FFFFFFF  }
0xc5: {  	_ =	shalt  }
tec
execute0_lowered:
.L_overlay_start_1:
0x0: {  	(tag) =	ssettag $0x1  }
0x1: {  	s0 =	rddreg [dreg:$0x0]  }
0x2: {  	s1 =	rddreg [dreg:$0x1]  }
0x3: {  	s9 =	rddreg [dreg:$0x2];
	s2 =	srdreg.scid;
	s28 =	simm.s32 $0x0  }
0x4: {  	s5 =	stileid.u32;
	s14 =	simm.s32 $0x3;
	s15 =	simm.s32 $0x80  }
0x5: {  	s17 =	simm.s32 $0x6000;
	s10 =	simm.s32 $0x5F80;
	s11 =	simm.s32 $0x15C00  }
0x6: {  	s12 =	simm.s32 $0x1;
	s16 =	simm.s32 $0x16000;
	s18 =	simm.s32 $0x2  }
0x7: {  	s19 =	simm.s32 $0x18000;
	s2 =	sand.u32 $0x1, s2;
	[smem:$0x7FF] =	sst s28  }
0x8: {  	s6 =	sshll.u32 s5, $0x1;
	s5 =	sadd.s32 $0x400600, s0;
	s3 =	ssub.s32 $0x2, s2  }
0x9: {  	_ =	strace $0x80000047;
	s2 =	sor.u32 s2, s6;
	s6 =	simm.s32 $0x5F00  }
0xa: {  	s4 =	sshrl.u32 s3, $0x1;
	s25 =	sshll.u32 s2, $0xF;
	s26 =	sshll.u32 s2, $0x11  }
0xb: {  	s2 =	sshll.u32 s2, $0x10;
	s24 =	ssub.s32 s3, s4;
	s3 =	sadd.s32 s1, s25  }
0xc: {  	s7 =	sadd.s32 s9, s2;
	s29 =	sor.u32 $0x1F800, s26;
	s8 =	sor.u32 $0x1000, s26  }
0xd: {  	s13 =	sor.u32 $0x800, s26;
	[dreg:$0x4] =	wrdreg s3;
	s31 =	sadd.s32 $0xF800, s7  }
0xe: {  	s30 =	sshrl.u32 s29, $0x2;
	s0 =	smax.u32 s24, $0x1;
	[dreg:$0x6] =	wrdreg s31  }
0xf: {  	s2 =	sshrl.u32 s29, $0x1;
	s3 =	sadd.s32 s1, s30;
	[dreg:$0x8] =	wrdreg s0  }
0x10: {  	v0 =	vlaneseq.u32;
	s2 =	sadd.s32 s9, s2;
	s9 =	simm.s32 $0x15800;
	[dreg:$0x5] =	wrdreg s3  }
0x11: {  	v0 =	vmul.u32 $0x8, v0;
	[dreg:$0x7] =	wrdreg s2;
	s2 =	simm.s32 $0xE000;
	s3 =	simm.s32 $0x0  }
.LBB2_1:
0x12: {  	[dreg:$0x9] =	wrdreg s3  }
0x13: {  	s0 =	rddreg [dreg:$0x4]  }
0x14: {  	[tilespmem:s28], [sflag:$0x3] =	stream.linear.gather [hbm4b:s0+s28], $0x1000, $0x38;
	[tilespmem:$0x1A000] =	vst v63  }
0x15: {  	_ =	swait.ge [sflag:s14], $0x1000  }
0x16: {  	[sflag:s14] =	ssyncset.done $0x0  }
0x17: {  	[sflag:s14] =	ssyncadd.s32 $0xFFFFF000  }
0x18: {  	v1 =	vld [tilespmem:s15+$0xFFFFFF80]  }
0x19: {  	v2 =	vld [tilespmem:s15+$0x0];
	_ =	sdelay $0x3  }
0x1a: {  	v1 =	vmax.f32 v1, $0.0e+00  }
0x1b: {  	v2 =	vmax.f32 v2, $0.0e+00;
	v3 =	vtrunc.f32 v1  }
0x1c: {  	v4 =	vtrunc.f32 v2;
	v3 =	vcvt.f32.s32 v3  }
0x1d: {  	v4 =	vcvt.f32.s32 v4  }
0x1e: {  	vm0 =	vlt.s32 v3, $0x1FE  }
0x1f: {  	vm4 =	vlt.s32 v4, $0x1FE;
	v3 =	vnsel vm0, $0x1FE, v3  }
0x20: {  	v4 =	vnsel vm4, $0x1FE, v4;
	v5 =	vcvt.s32.f32 v3;
	v3 =	vshll.u32 v3, $0x9  }
0x21: {  	s4 =	simm.s32 $0x0;
	v6 =	vcvt.s32.f32 v4;
	v3 =	vadd.s32 v4, v3  }
0x22: {  	v1 =	vsub.f32 v1, v5;
	[tilespmem:s4+$0x4000] =	vst v3;
	v3 =	vadd.s32 $0x200, v3  }
0x23: {  	v2 =	vsub.f32 v2, v6;
	[tilespmem:s4+$0x4800] =	vst v3  }
0x24: {  	[tilespmem:s4+$0x2000] =	vst v1  }
0x25: {  	[tilespmem:s4+$0x3000] =	vst v2  }
0x26: {  	v1 =	vld [tilespmem:s15+$0xFFFFFF90]  }
0x27: {  	v2 =	vld [tilespmem:s15+$0x10];
	_ =	sdelay $0x3  }
0x28: {  	v1 =	vmax.f32 v1, $0.0e+00  }
0x29: {  	v2 =	vmax.f32 v2, $0.0e+00;
	v3 =	vtrunc.f32 v1  }
0x2a: {  	v46 =	vtrunc.f32 v2;
	v3 =	vcvt.f32.s32 v3  }
0x2b: {  	v4 =	vcvt.f32.s32 v46  }
0x2c: {  	vm5 =	vlt.s32 v3, $0x1FE  }
0x2d: {  	vm6 =	vlt.s32 v4, $0x1FE;
	v3 =	vnsel vm5, $0x1FE, v3  }
0x2e: {  	v4 =	vnsel vm6, $0x1FE, v4;
	v47 =	vcvt.s32.f32 v3;
	v3 =	vshll.u32 v3, $0x9  }
0x2f: {  	v48 =	vcvt.s32.f32 v4;
	v3 =	vadd.s32 v4, v3  }
0x30: {  	v1 =	vsub.f32 v1, v47;
	[tilespmem:s4+$0x4010] =	vst v3;
	v3 =	vadd.s32 $0x200, v3  }
0x31: {  	v2 =	vsub.f32 v2, v48;
	[tilespmem:s4+$0x4810] =	vst v3  }
0x32: {  	[tilespmem:s4+$0x2010] =	vst v1  }
0x33: {  	[tilespmem:s4+$0x3010] =	vst v2  }
0x34: {  	v1 =	vld [tilespmem:s15+$0xFFFFFFA0]  }
0x35: {  	v2 =	vld [tilespmem:s15+$0x20];
	_ =	sdelay $0x3  }
0x36: {  	v1 =	vmax.f32 v1, $0.0e+00  }
0x37: {  	v2 =	vmax.f32 v2, $0.0e+00;
	v3 =	vtrunc.f32 v1  }
0x38: {  	v49 =	vtrunc.f32 v2;
	v3 =	vcvt.f32.s32 v3  }
0x39: {  	v4 =	vcvt.f32.s32 v49  }
0x3a: {  	vm7 =	vlt.s32 v3, $0x1FE  }
0x3b: {  	vm8 =	vlt.s32 v4, $0x1FE;
	v3 =	vnsel vm7, $0x1FE, v3  }
0x3c: {  	v4 =	vnsel vm8, $0x1FE, v4;
	v50 =	vcvt.s32.f32 v3;
	v3 =	vshll.u32 v3, $0x9  }
0x3d: {  	v51 =	vcvt.s32.f32 v4;
	v3 =	vadd.s32 v4, v3  }
0x3e: {  	v1 =	vsub.f32 v1, v50;
	[tilespmem:s4+$0x4020] =	vst v3;
	v3 =	vadd.s32 $0x200, v3  }
0x3f: {  	v2 =	vsub.f32 v2, v51;
	[tilespmem:s4+$0x4820] =	vst v3  }
0x40: {  	[tilespmem:s4+$0x2020] =	vst v1  }
0x41: {  	[tilespmem:s4+$0x3020] =	vst v2  }
0x42: {  	v1 =	vld [tilespmem:s15+$0xFFFFFFB0]  }
0x43: {  	v2 =	vld [tilespmem:s15+$0x30];
	_ =	sdelay $0x3  }
0x44: {  	v1 =	vmax.f32 v1, $0.0e+00  }
0x45: {  	v2 =	vmax.f32 v2, $0.0e+00;
	v3 =	vtrunc.f32 v1  }
0x46: {  	v52 =	vtrunc.f32 v2;
	v3 =	vcvt.f32.s32 v3  }
0x47: {  	v4 =	vcvt.f32.s32 v52  }
0x48: {  	vm9 =	vlt.s32 v3, $0x1FE  }
0x49: {  	vm10 =	vlt.s32 v4, $0x1FE;
	v3 =	vnsel vm9, $0x1FE, v3  }
0x4a: {  	v4 =	vnsel vm10, $0x1FE, v4;
	v53 =	vcvt.s32.f32 v3;
	v3 =	vshll.u32 v3, $0x9  }
0x4b: {  	v54 =	vcvt.s32.f32 v4;
	v3 =	vadd.s32 v4, v3  }
0x4c: {  	v1 =	vsub.f32 v1, v53;
	[tilespmem:s4+$0x4030] =	vst v3;
	v3 =	vadd.s32 $0x200, v3  }
0x4d: {  	v2 =	vsub.f32 v2, v54;
	[tilespmem:s4+$0x4830] =	vst v3  }
0x4e: {  	[tilespmem:s4+$0x2030] =	vst v1  }
0x4f: {  	[tilespmem:s4+$0x3030] =	vst v2  }
0x50: {  	v1 =	vld [tilespmem:s15+$0xFFFFFFC0]  }
0x51: {  	v2 =	vld [tilespmem:s15+$0x40];
	_ =	sdelay $0x3  }
0x52: {  	v1 =	vmax.f32 v1, $0.0e+00  }
0x53: {  	v2 =	vmax.f32 v2, $0.0e+00;
	v3 =	vtrunc.f32 v1  }
0x54: {  	v55 =	vtrunc.f32 v2;
	v3 =	vcvt.f32.s32 v3  }
0x55: {  	v4 =	vcvt.f32.s32 v55  }
0x56: {  	vm11 =	vlt.s32 v3, $0x1FE  }
0x57: {  	vm1 =	vlt.s32 v4, $0x1FE;
	v3 =	vnsel vm11, $0x1FE, v3  }
0x58: {  	v4 =	vnsel vm1, $0x1FE, v4;
	v56 =	vcvt.s32.f32 v3;
	v3 =	vshll.u32 v3, $0x9  }
0x59: {  	v57 =	vcvt.s32.f32 v4;
	v3 =	vadd.s32 v4, v3  }
0x5a: {  	v1 =	vsub.f32 v1, v56;
	[tilespmem:s4+$0x4040] =	vst v3;
	v3 =	vadd.s32 $0x200, v3  }
0x5b: {  	v2 =	vsub.f32 v2, v57;
	[tilespmem:s4+$0x4840] =	vst v3  }
0x5c: {  	[tilespmem:s4+$0x2040] =	vst v1  }
0x5d: {  	[tilespmem:s4+$0x3040] =	vst v2  }
0x5e: {  	v1 =	vld [tilespmem:s15+$0xFFFFFFD0]  }
0x5f: {  	v2 =	vld [tilespmem:s15+$0x50];
	_ =	sdelay $0x3  }
0x60: {  	v1 =	vmax.f32 v1, $0.0e+00  }
0x61: {  	v2 =	vmax.f32 v2, $0.0e+00;
	v3 =	vtrunc.f32 v1  }
0x62: {  	v58 =	vtrunc.f32 v2;
	v3 =	vcvt.f32.s32 v3  }
0x63: {  	v4 =	vcvt.f32.s32 v58  }
0x64: {  	vm12 =	vlt.s32 v3, $0x1FE  }
0x65: {  	vm13 =	vlt.s32 v4, $0x1FE;
	v3 =	vnsel vm12, $0x1FE, v3  }
0x66: {  	v4 =	vnsel vm13, $0x1FE, v4;
	v59 =	vcvt.s32.f32 v3;
	v3 =	vshll.u32 v3, $0x9  }
0x67: {  	v60 =	vcvt.s32.f32 v4;
	v3 =	vadd.s32 v4, v3  }
0x68: {  	v1 =	vsub.f32 v1, v59;
	[tilespmem:s4+$0x4050] =	vst v3;
	v3 =	vadd.s32 $0x200, v3  }
0x69: {  	v2 =	vsub.f32 v2, v60;
	[tilespmem:s4+$0x4850] =	vst v3  }
0x6a: {  	[tilespmem:s4+$0x2050] =	vst v1  }
0x6b: {  	[tilespmem:s4+$0x3050] =	vst v2  }
0x6c: {  	v1 =	vld [tilespmem:s15+$0xFFFFFFE0]  }
0x6d: {  	v2 =	vld [tilespmem:s15+$0x60];
	_ =	sdelay $0x3  }
0x6e: {  	v1 =	vmax.f32 v1, $0.0e+00  }
0x6f: {  	v2 =	vmax.f32 v2, $0.0e+00;
	v3 =	vtrunc.f32 v1  }
0x70: {  	v61 =	vtrunc.f32 v2;
	v3 =	vcvt.f32.s32 v3  }
0x71: {  	v4 =	vcvt.f32.s32 v61  }
0x72: {  	vm14 =	vlt.s32 v3, $0x1FE  }
0x73: {  	vm15 =	vlt.s32 v4, $0x1FE;
	v3 =	vnsel vm14, $0x1FE, v3  }
0x74: {  	v4 =	vnsel vm15, $0x1FE, v4;
	v62 =	vcvt.s32.f32 v3;
	v3 =	vshll.u32 v3, $0x9  }
0x75: {  	v63 =	vcvt.s32.f32 v4;
	v3 =	vadd.s32 v4, v3  }
0x76: {  	v1 =	vsub.f32 v1, v62;
	[tilespmem:s4+$0x4060] =	vst v3;
	v3 =	vadd.s32 $0x200, v3  }
0x77: {  	v2 =	vsub.f32 v2, v63;
	[tilespmem:s4+$0x4860] =	vst v3  }
0x78: {  	[tilespmem:s4+$0x2060] =	vst v1  }
0x79: {  	[tilespmem:s4+$0x3060] =	vst v2  }
0x7a: {  	v2 =	vld [tilespmem:s15+$0xFFFFFFF0]  }
0x7b: {  	s20 =	simm.s32 $0x200;
	s21 =	simm.s32 $0x80;
	v1 =	vld [tilespmem:s15+$0x70]  }
.LBB2_2:
0x7c: {  	_ =	sdelay $0x1  }
0x7d: {  	p0 =	sne.s32 s20, $0x1E00  }
0x7e: {  	s21 =	sadd.s32 $0x100, s21;
	s22 =	smov.u32 s20;
	s20 =	sadd.s32 $0x200, s20;
	v2 =	vmax.f32 v2, $0.0e+00  }
0x7f: {  	v1 =	vmax.f32 v1, $0.0e+00;
	v3 =	vtrunc.f32 v2  }
0x80: {  	v3 =	vcvt.f32.s32 v3;
	v4 =	vtrunc.f32 v1  }
0x81: {  	v4 =	vcvt.f32.s32 v4  }
0x82: {  	vm0 =	vlt.s32 v3, $0x1FE  }
0x83: {  	v3 =	vnsel vm0, $0x1FE, v3;
	vm0 =	vlt.s32 v4, $0x1FE  }
0x84: {  	v4 =	vnsel vm0, $0x1FE, v4;
	v5 =	vcvt.s32.f32 v3;
	v3 =	vshll.u32 v3, $0x9  }
0x85: {  	v6 =	vcvt.s32.f32 v4;
	v3 =	vadd.s32 v4, v3  }
0x86: {  	v2 =	vsub.f32 v2, v5;
	[tilespmem:s4+$0x4070] =	vst v3;
	v3 =	vadd.s32 $0x200, v3  }
0x87: {  	v1 =	vsub.f32 v1, v6;
	[tilespmem:s4+$0x4870] =	vst v3  }
0x88: {  	[tilespmem:s4+$0x2070] =	vst v2  }
0x89: {  	[tilespmem:s4+$0x3070] =	vst v1  }
0x8a: {  	v1 =	vld [tilespmem:s21+$0xFFFFFF80]  }
0x8b: {  	v2 =	vld [tilespmem:s21+$0x0];
	_ =	sdelay $0x3  }
0x8c: {  	v1 =	vmax.f32 v1, $0.0e+00  }
0x8d: {  	v2 =	vmax.f32 v2, $0.0e+00;
	v3 =	vtrunc.f32 v1  }
0x8e: {  	v3 =	vcvt.f32.s32 v3;
	v4 =	vtrunc.f32 v2  }
0x8f: {  	v4 =	vcvt.f32.s32 v4  }
0x90: {  	vm0 =	vlt.s32 v3, $0x1FE  }
0x91: {  	v3 =	vnsel vm0, $0x1FE, v3;
	vm0 =	vlt.s32 v4, $0x1FE  }
0x92: {  	v4 =	vnsel vm0, $0x1FE, v4;
	v5 =	vcvt.s32.f32 v3;
	v3 =	vshll.u32 v3, $0x9  }
0x93: {  	s4 =	sshra.s32 s22, $0x2;
	v6 =	vcvt.s32.f32 v4;
	v3 =	vadd.s32 v4, v3  }
0x94: {  	v1 =	vsub.f32 v1, v5;
	[tilespmem:s4+$0x4000] =	vst v3;
	v3 =	vadd.s32 $0x200, v3  }
0x95: {  	v2 =	vsub.f32 v2, v6;
	[tilespmem:s4+$0x4800] =	vst v3  }
0x96: {  	[tilespmem:s4+$0x2000] =	vst v1  }
0x97: {  	[tilespmem:s4+$0x3000] =	vst v2  }
0x98: {  	v1 =	vld [tilespmem:s21+$0xFFFFFF90]  }
0x99: {  	v2 =	vld [tilespmem:s21+$0x10];
	_ =	sdelay $0x3  }
0x9a: {  	v1 =	vmax.f32 v1, $0.0e+00  }
0x9b: {  	v2 =	vmax.f32 v2, $0.0e+00;
	v3 =	vtrunc.f32 v1  }
0x9c: {  	v3 =	vcvt.f32.s32 v3;
	v4 =	vtrunc.f32 v2  }
0x9d: {  	v4 =	vcvt.f32.s32 v4  }
0x9e: {  	vm0 =	vlt.s32 v3, $0x1FE  }
0x9f: {  	v3 =	vnsel vm0, $0x1FE, v3;
	vm0 =	vlt.s32 v4, $0x1FE  }
0xa0: {  	v4 =	vnsel vm0, $0x1FE, v4;
	v5 =	vcvt.s32.f32 v3;
	v3 =	vshll.u32 v3, $0x9  }
0xa1: {  	v6 =	vcvt.s32.f32 v4;
	v3 =	vadd.s32 v4, v3  }
0xa2: {  	v1 =	vsub.f32 v1, v5;
	[tilespmem:s4+$0x4010] =	vst v3;
	v3 =	vadd.s32 $0x200, v3  }
0xa3: {  	v2 =	vsub.f32 v2, v6;
	[tilespmem:s4+$0x4810] =	vst v3  }
0xa4: {  	[tilespmem:s4+$0x2010] =	vst v1  }
0xa5: {  	[tilespmem:s4+$0x3010] =	vst v2  }
0xa6: {  	v1 =	vld [tilespmem:s21+$0xFFFFFFA0]  }
0xa7: {  	v2 =	vld [tilespmem:s21+$0x20];
	_ =	sdelay $0x3  }
0xa8: {  	v1 =	vmax.f32 v1, $0.0e+00  }
0xa9: {  	v2 =	vmax.f32 v2, $0.0e+00;
	v3 =	vtrunc.f32 v1  }
0xaa: {  	v3 =	vcvt.f32.s32 v3;
	v4 =	vtrunc.f32 v2  }
0xab: {  	v4 =	vcvt.f32.s32 v4  }
0xac: {  	vm0 =	vlt.s32 v3, $0x1FE  }
0xad: {  	v3 =	vnsel vm0, $0x1FE, v3;
	vm0 =	vlt.s32 v4, $0x1FE  }
0xae: {  	v4 =	vnsel vm0, $0x1FE, v4;
	v5 =	vcvt.s32.f32 v3;
	v3 =	vshll.u32 v3, $0x9  }
0xaf: {  	v6 =	vcvt.s32.f32 v4;
	v3 =	vadd.s32 v4, v3  }
0xb0: {  	v1 =	vsub.f32 v1, v5;
	[tilespmem:s4+$0x4020] =	vst v3;
	v3 =	vadd.s32 $0x200, v3  }
0xb1: {  	v2 =	vsub.f32 v2, v6;
	[tilespmem:s4+$0x4820] =	vst v3  }
0xb2: {  	[tilespmem:s4+$0x2020] =	vst v1  }
0xb3: {  	[tilespmem:s4+$0x3020] =	vst v2  }
0xb4: {  	v1 =	vld [tilespmem:s21+$0xFFFFFFB0]  }
0xb5: {  	v2 =	vld [tilespmem:s21+$0x30];
	_ =	sdelay $0x3  }
0xb6: {  	v1 =	vmax.f32 v1, $0.0e+00  }
0xb7: {  	v2 =	vmax.f32 v2, $0.0e+00;
	v3 =	vtrunc.f32 v1  }
0xb8: {  	v3 =	vcvt.f32.s32 v3;
	v4 =	vtrunc.f32 v2  }
0xb9: {  	v4 =	vcvt.f32.s32 v4  }
0xba: {  	vm0 =	vlt.s32 v3, $0x1FE  }
0xbb: {  	v3 =	vnsel vm0, $0x1FE, v3;
	vm0 =	vlt.s32 v4, $0x1FE  }
0xbc: {  	v4 =	vnsel vm0, $0x1FE, v4;
	v5 =	vcvt.s32.f32 v3;
	v3 =	vshll.u32 v3, $0x9  }
0xbd: {  	v6 =	vcvt.s32.f32 v4;
	v3 =	vadd.s32 v4, v3  }
0xbe: {  	v1 =	vsub.f32 v1, v5;
	[tilespmem:s4+$0x4030] =	vst v3;
	v3 =	vadd.s32 $0x200, v3  }
0xbf: {  	v2 =	vsub.f32 v2, v6;
	[tilespmem:s4+$0x4830] =	vst v3  }
0xc0: {  	[tilespmem:s4+$0x2030] =	vst v1  }
0xc1: {  	[tilespmem:s4+$0x3030] =	vst v2  }
0xc2: {  	v1 =	vld [tilespmem:s21+$0x40]  }
0xc3: {  	v2 =	vld [tilespmem:s21+$0xFFFFFFC0];
	_ =	sdelay $0x3  }
0xc4: {  	v1 =	vmax.f32 v1, $0.0e+00  }
0xc5: {  	v2 =	vmax.f32 v2, $0.0e+00;
	v3 =	vtrunc.f32 v1  }
0xc6: {  	v4 =	vtrunc.f32 v2;
	v3 =	vcvt.f32.s32 v3  }
0xc7: {  	v4 =	vcvt.f32.s32 v4  }
0xc8: {  	vm0 =	vlt.s32 v3, $0x1FE  }
0xc9: {  	vm1 =	vlt.s32 v4, $0x1FE;
	v3 =	vnsel vm0, $0x1FE, v3  }
0xca: {  	v4 =	vnsel vm1, $0x1FE, v4;
	v5 =	vcvt.s32.f32 v3  }
0xcb: {  	v6 =	vcvt.s32.f32 v4;
	v4 =	vshll.u32 v4, $0x9  }
0xcc: {  	v1 =	vsub.f32 v1, v5;
	v3 =	vadd.s32 v3, v4  }
0xcd: {  	v2 =	vsub.f32 v2, v6;
	[tilespmem:s4+$0x4040] =	vst v3;
	v3 =	vadd.s32 $0x200, v3  }
0xce: {  	[tilespmem:s4+$0x4840] =	vst v3  }
0xcf: {  	[tilespmem:s4+$0x2040] =	vst v2  }
0xd0: {  	[tilespmem:s4+$0x3040] =	vst v1  }
0xd1: {  	v1 =	vld [tilespmem:s21+$0xFFFFFFD0]  }
0xd2: {  	v2 =	vld [tilespmem:s21+$0x50];
	_ =	sdelay $0x3  }
0xd3: {  	v1 =	vmax.f32 v1, $0.0e+00  }
0xd4: {  	v2 =	vmax.f32 v2, $0.0e+00;
	v3 =	vtrunc.f32 v1  }
0xd5: {  	v3 =	vcvt.f32.s32 v3;
	v4 =	vtrunc.f32 v2  }
0xd6: {  	v4 =	vcvt.f32.s32 v4  }
0xd7: {  	vm0 =	vlt.s32 v3, $0x1FE  }
0xd8: {  	v3 =	vnsel vm0, $0x1FE, v3;
	vm0 =	vlt.s32 v4, $0x1FE  }
0xd9: {  	v4 =	vnsel vm0, $0x1FE, v4;
	v5 =	vcvt.s32.f32 v3;
	v3 =	vshll.u32 v3, $0x9  }
0xda: {  	v6 =	vcvt.s32.f32 v4;
	v3 =	vadd.s32 v4, v3  }
0xdb: {  	v1 =	vsub.f32 v1, v5;
	[tilespmem:s4+$0x4050] =	vst v3;
	v3 =	vadd.s32 $0x200, v3  }
0xdc: {  	v2 =	vsub.f32 v2, v6;
	[tilespmem:s4+$0x4850] =	vst v3  }
0xdd: {  	[tilespmem:s4+$0x2050] =	vst v1  }
0xde: {  	[tilespmem:s4+$0x3050] =	vst v2  }
0xdf: {  	v1 =	vld [tilespmem:s21+$0xFFFFFFE0]  }
0xe0: {  	v2 =	vld [tilespmem:s21+$0x60];
	_ =	sdelay $0x3  }
0xe1: {  	v1 =	vmax.f32 v1, $0.0e+00  }
0xe2: {  	v2 =	vmax.f32 v2, $0.0e+00;
	v3 =	vtrunc.f32 v1  }
0xe3: {  	v3 =	vcvt.f32.s32 v3;
	v4 =	vtrunc.f32 v2  }
0xe4: {  	v4 =	vcvt.f32.s32 v4  }
0xe5: {  	vm0 =	vlt.s32 v3, $0x1FE  }
0xe6: {  	v3 =	vnsel vm0, $0x1FE, v3;
	vm0 =	vlt.s32 v4, $0x1FE  }
0xe7: {  	v4 =	vnsel vm0, $0x1FE, v4;
	v5 =	vcvt.s32.f32 v3;
	v3 =	vshll.u32 v3, $0x9  }
0xe8: {  	v6 =	vcvt.s32.f32 v4;
	v3 =	vadd.s32 v4, v3  }
0xe9: {  	v1 =	vsub.f32 v1, v5;
	[tilespmem:s4+$0x4060] =	vst v3;
	v3 =	vadd.s32 $0x200, v3  }
.Ltmp0:
0xea: {  	v2 =	vsub.f32 v2, v6;
	[tilespmem:s4+$0x4860] =	vst v3;
	(pc) =	sbr.rel @p0 .LBB2_2-.Ltmp0, $4  }
0xeb: {  	[tilespmem:s4+$0x2060] =	vst v1  }
0xec: {  	[tilespmem:s4+$0x3060] =	vst v2  }
0xed: {  	v2 =	vld [tilespmem:s21+$0xFFFFFFF0]  }
0xee: {  	v1 =	vld [tilespmem:s21+$0x70]  }
0xef: {  	_ =	sdelay $0x2  }
0xf0: {  	v2 =	vmax.f32 v2, $0.0e+00  }
0xf1: {  	v1 =	vmax.f32 v1, $0.0e+00;
	v3 =	vtrunc.f32 v2  }
0xf2: {  	v3 =	vcvt.f32.s32 v3;
	v4 =	vtrunc.f32 v1  }
0xf3: {  	v4 =	vcvt.f32.s32 v4  }
0xf4: {  	vm0 =	vlt.s32 v3, $0x1FE  }
0xf5: {  	v3 =	vnsel vm0, $0x1FE, v3;
	vm15 =	vlt.s32 v4, $0x1FE  }
0xf6: {  	v4 =	vnsel vm15, $0x1FE, v4;
	v5 =	vcvt.s32.f32 v3;
	v3 =	vshll.u32 v3, $0x9  }
0xf7: {  	v6 =	vcvt.s32.f32 v4;
	v3 =	vadd.s32 v4, v3  }
0xf8: {  	v2 =	vsub.f32 v2, v5;
	[tilespmem:s4+$0x4070] =	vst v3;
	v3 =	vadd.s32 $0x200, v3  }
0xf9: {  	v1 =	vsub.f32 v1, v6;
	[tilespmem:s4+$0x4870] =	vst v3  }
0xfa: {  	[tilespmem:s4+$0x2070] =	vst v2  }
0xfb: {  	s0 =	simm.s32 $0x4000;
	[tilespmem:s4+$0x3070] =	vst v1  }
0xfc: {  	[tilespmem:s17], [sflag:$0x1] =	stream.indirect.gather [hbm4b:s5+s15], $0x8, s0, s15, $0xb8;
	[tilespmem:$0x1A000] =	vst v63  }
0xfd: {  	s31 =	simm.s32 $0x4080;
	s3 =	simm.s32 $0x6400  }
0xfe: {  	[tilespmem:s3], [sflag:$0x1] =	stream.indirect.gather [hbm4b:s5+s15], $0x8, s31, s15, $0xb8;
	[tilespmem:$0x1A000] =	vst v63  }
0xff: {  	s20 =	simm.s32 $0x6800;
	s4 =	simm.s32 $0x4100  }
0x100: {  	[tilespmem:s20], [sflag:$0x1] =	stream.indirect.gather [hbm4b:s5+s15], $0x8, s4, s15, $0xb8;
	[tilespmem:$0x1A000] =	vst v63  }
0x101: {  	s21 =	simm.s32 $0x4180;
	s22 =	simm.s32 $0x6C00  }
0x102: {  	[tilespmem:s22], [sflag:$0x1] =	stream.indirect.gather [hbm4b:s5+s15], $0x8, s21, s15, $0xb8;
	[tilespmem:$0x1A000] =	vst v63  }
0x103: {  	s23 =	simm.s32 $0x4200;
	s24 =	simm.s32 $0x7000  }
0x104: {  	[tilespmem:s24], [sflag:$0x1] =	stream.indirect.gather [hbm4b:s5+s15], $0x8, s23, s15, $0xb8;
	[tilespmem:$0x1A000] =	vst v63  }
0x105: {  	s25 =	simm.s32 $0x4280;
	s26 =	simm.s32 $0x7400  }
0x106: {  	[tilespmem:s26], [sflag:$0x1] =	stream.indirect.gather [hbm4b:s5+s15], $0x8, s25, s15, $0xb8;
	[tilespmem:$0x1A000] =	vst v63  }
0x107: {  	s28 =	simm.s32 $0x4300;
	s29 =	simm.s32 $0x7800  }
0x108: {  	[tilespmem:s29], [sflag:$0x1] =	stream.indirect.gather [hbm4b:s5+s15], $0x8, s28, s15, $0xb8;
	[tilespmem:$0x1A000] =	vst v63  }
0x109: {  	s30 =	simm.s32 $0x4380;
	s31 =	simm.s32 $0x7C00  }
0x10a: {  	[tilespmem:s31], [sflag:$0x1] =	stream.indirect.gather [hbm4b:s5+s15], $0x8, s30, s15, $0xb8;
	[tilespmem:$0x1A000] =	vst v63  }
0x10b: {  	s4 =	simm.s32 $0x4400;
	s20 =	simm.s32 $0x8000  }
0x10c: {  	[tilespmem:s20], [sflag:$0x1] =	stream.indirect.gather [hbm4b:s5+s15], $0x8, s4, s15, $0xb8;
	[tilespmem:$0x1A000] =	vst v63  }
0x10d: {  	s21 =	simm.s32 $0x4480;
	s22 =	simm.s32 $0x8400  }
0x10e: {  	[tilespmem:s22], [sflag:$0x1] =	stream.indirect.gather [hbm4b:s5+s15], $0x8, s21, s15, $0xb8;
	[tilespmem:$0x1A000] =	vst v63  }
0x10f: {  	s23 =	simm.s32 $0x4500;
	s24 =	simm.s32 $0x8800  }
0x110: {  	[tilespmem:s24], [sflag:$0x1] =	stream.indirect.gather [hbm4b:s5+s15], $0x8, s23, s15, $0xb8;
	[tilespmem:$0x1A000] =	vst v63  }
0x111: {  	s25 =	simm.s32 $0x4580;
	s26 =	simm.s32 $0x8C00  }
0x112: {  	[tilespmem:s26], [sflag:$0x1] =	stream.indirect.gather [hbm4b:s5+s15], $0x8, s25, s15, $0xb8;
	[tilespmem:$0x1A000] =	vst v63  }
0x113: {  	s28 =	simm.s32 $0x4600;
	s29 =	simm.s32 $0x9000  }
0x114: {  	[tilespmem:s29], [sflag:$0x1] =	stream.indirect.gather [hbm4b:s5+s15], $0x8, s28, s15, $0xb8;
	[tilespmem:$0x1A000] =	vst v63  }
0x115: {  	s30 =	simm.s32 $0x4680;
	s31 =	simm.s32 $0x9400  }
0x116: {  	[tilespmem:s31], [sflag:$0x1] =	stream.indirect.gather [hbm4b:s5+s15], $0x8, s30, s15, $0xb8;
	[tilespmem:$0x1A000] =	vst v63  }
0x117: {  	s4 =	simm.s32 $0x4700;
	s20 =	simm.s32 $0x9800  }
0x118: {  	[tilespmem:s20], [sflag:$0x1] =	stream.indirect.gather [hbm4b:s5+s15], $0x8, s4, s15, $0xb8;
	[tilespmem:$0x1A000] =	vst v63  }
0x119: {  	s21 =	simm.s32 $0x4780;
	s22 =	simm.s32 $0x9C00  }
0x11a: {  	[tilespmem:s22], [sflag:$0x1] =	stream.indirect.gather [hbm4b:s5+s15], $0x8, s21, s15, $0xb8;
	[tilespmem:$0x1A000] =	vst v63  }
0x11b: {  	s23 =	simm.s32 $0x4800;
	s24 =	simm.s32 $0xA000  }
0x11c: {  	[tilespmem:s24], [sflag:$0x1] =	stream.indirect.gather [hbm4b:s5+s15], $0x8, s23, s15, $0xb8;
	[tilespmem:$0x1A000] =	vst v63  }
0x11d: {  	s25 =	simm.s32 $0x4880;
	s26 =	simm.s32 $0xA400  }
0x11e: {  	[tilespmem:s26], [sflag:$0x1] =	stream.indirect.gather [hbm4b:s5+s15], $0x8, s25, s15, $0xb8;
	[tilespmem:$0x1A000] =	vst v63  }
0x11f: {  	s28 =	simm.s32 $0x4900;
	s29 =	simm.s32 $0xA800  }
0x120: {  	[tilespmem:s29], [sflag:$0x1] =	stream.indirect.gather [hbm4b:s5+s15], $0x8, s28, s15, $0xb8;
	[tilespmem:$0x1A000] =	vst v63  }
0x121: {  	s30 =	simm.s32 $0x4980;
	s31 =	simm.s32 $0xAC00  }
0x122: {  	[tilespmem:s31], [sflag:$0x1] =	stream.indirect.gather [hbm4b:s5+s15], $0x8, s30, s15, $0xb8;
	[tilespmem:$0x1A000] =	vst v63  }
0x123: {  	s4 =	simm.s32 $0x4A00;
	s20 =	simm.s32 $0xB000  }
0x124: {  	[tilespmem:s20], [sflag:$0x1] =	stream.indirect.gather [hbm4b:s5+s15], $0x8, s4, s15, $0xb8;
	[tilespmem:$0x1A000] =	vst v63  }
0x125: {  	s21 =	simm.s32 $0x4A80;
	s22 =	simm.s32 $0xB400  }
0x126: {  	[tilespmem:s22], [sflag:$0x1] =	stream.indirect.gather [hbm4b:s5+s15], $0x8, s21, s15, $0xb8;
	[tilespmem:$0x1A000] =	vst v63  }
0x127: {  	s23 =	simm.s32 $0x4B00;
	s24 =	simm.s32 $0xB800  }
0x128: {  	[tilespmem:s24], [sflag:$0x1] =	stream.indirect.gather [hbm4b:s5+s15], $0x8, s23, s15, $0xb8;
	[tilespmem:$0x1A000] =	vst v63  }
0x129: {  	s25 =	simm.s32 $0x4B80;
	s26 =	simm.s32 $0xBC00  }
0x12a: {  	[tilespmem:s26], [sflag:$0x1] =	stream.indirect.gather [hbm4b:s5+s15], $0x8, s25, s15, $0xb8;
	[tilespmem:$0x1A000] =	vst v63  }
0x12b: {  	s28 =	simm.s32 $0x4C00;
	s29 =	simm.s32 $0xC000  }
0x12c: {  	[tilespmem:s29], [sflag:$0x1] =	stream.indirect.gather [hbm4b:s5+s15], $0x8, s28, s15, $0xb8;
	[tilespmem:$0x1A000] =	vst v63  }
0x12d: {  	s30 =	simm.s32 $0x4C80;
	s31 =	simm.s32 $0xC400  }
0x12e: {  	[tilespmem:s31], [sflag:$0x1] =	stream.indirect.gather [hbm4b:s5+s15], $0x8, s30, s15, $0xb8;
	[tilespmem:$0x1A000] =	vst v63  }
0x12f: {  	s4 =	simm.s32 $0x4D00;
	s20 =	simm.s32 $0xC800  }
0x130: {  	[tilespmem:s20], [sflag:$0x1] =	stream.indirect.gather [hbm4b:s5+s15], $0x8, s4, s15, $0xb8;
	[tilespmem:$0x1A000] =	vst v63  }
0x131: {  	s21 =	simm.s32 $0x4D80;
	s22 =	simm.s32 $0xCC00  }
0x132: {  	[tilespmem:s22], [sflag:$0x1] =	stream.indirect.gather [hbm4b:s5+s15], $0x8, s21, s15, $0xb8;
	[tilespmem:$0x1A000] =	vst v63  }
0x133: {  	s23 =	simm.s32 $0x4E00;
	s24 =	simm.s32 $0xD000  }
0x134: {  	[tilespmem:s24], [sflag:$0x1] =	stream.indirect.gather [hbm4b:s5+s15], $0x8, s23, s15, $0xb8;
	[tilespmem:$0x1A000] =	vst v63  }
0x135: {  	s25 =	simm.s32 $0x4E80;
	s26 =	simm.s32 $0xD400  }
0x136: {  	[tilespmem:s26], [sflag:$0x1] =	stream.indirect.gather [hbm4b:s5+s15], $0x8, s25, s15, $0xb8;
	[tilespmem:$0x1A000] =	vst v63  }
0x137: {  	s28 =	simm.s32 $0x4F00;
	s29 =	simm.s32 $0xD800;
	s30 =	simm.s32 $0x4F80  }
0x138: {  	[tilespmem:s29], [sflag:$0x1] =	stream.indirect.gather [hbm4b:s5+s15], $0x8, s28, s15, $0xb8;
	[tilespmem:$0x1A000] =	vst v63  }
0x139: {  	s31 =	simm.s32 $0xDC00;
	s20 =	simm.s32 $0x0;
	s21 =	simm.s32 $0x0  }
0x13a: {  	[tilespmem:s31], [sflag:$0x1] =	stream.indirect.gather [hbm4b:s5+s15], $0x8, s30, s15, $0xb8;
	[tilespmem:$0x1A000] =	vst v63  }
.LBB2_4:
0x13b: {  	s4 =	sshll.u32 s21, $0xC  }
0x13c: {  	s22 =	sor.u32 s13, s4  }
0x13d: {  	s23 =	sshrl.u32 s22, $0x2  }
0x13e: {  	s0 =	simm.s32 $0x1000;
	s23 =	sadd.s32 s1, s23  }
0x13f: {  	[tilespmem:s0], [sflag:$0x3] =	stream.linear.gather [hbm4b:s23+s20], $0x1000, $0x38;
	[tilespmem:$0x1A000] =	vst v63  }
0x140: {  	_ =	swait.ge [sflag:s14], $0x1000  }
0x141: {  	[sflag:s14] =	ssyncset.done $0x0  }
0x142: {  	s23 =	simm.s32 $0x1080;
	[sflag:s14] =	ssyncadd.s32 $0xFFFFF000  }
0x143: {  	v1 =	vld [tilespmem:s23+$0xFFFFFF80]  }
0x144: {  	v2 =	vld [tilespmem:s23+$0x0];
	_ =	sdelay $0x3  }
0x145: {  	v1 =	vmax.f32 v1, $0.0e+00  }
0x146: {  	v2 =	vmax.f32 v2, $0.0e+00;
	v3 =	vtrunc.f32 v1  }
0x147: {  	v4 =	vtrunc.f32 v2;
	v3 =	vcvt.f32.s32 v3  }
0x148: {  	v4 =	vcvt.f32.s32 v4  }
0x149: {  	vm0 =	vlt.s32 v3, $0x1FE  }
0x14a: {  	vm4 =	vlt.s32 v4, $0x1FE;
	v3 =	vnsel vm0, $0x1FE, v3  }
0x14b: {  	v4 =	vnsel vm4, $0x1FE, v4;
	v5 =	vcvt.s32.f32 v3;
	v3 =	vshll.u32 v3, $0x9  }
0x14c: {  	s24 =	simm.s32 $0x0;
	v6 =	vcvt.s32.f32 v4;
	v3 =	vadd.s32 v4, v3  }
0x14d: {  	v1 =	vsub.f32 v1, v5;
	[tilespmem:s24+$0x5000] =	vst v3;
	v3 =	vadd.s32 $0x200, v3  }
0x14e: {  	v2 =	vsub.f32 v2, v6;
	[tilespmem:s24+$0x5800] =	vst v3  }
0x14f: {  	[tilespmem:s24+$0x2800] =	vst v1  }
0x150: {  	[tilespmem:s24+$0x3800] =	vst v2  }
0x151: {  	v1 =	vld [tilespmem:s23+$0xFFFFFF90]  }
0x152: {  	v2 =	vld [tilespmem:s23+$0x10];
	_ =	sdelay $0x3  }
0x153: {  	v1 =	vmax.f32 v1, $0.0e+00  }
0x154: {  	v2 =	vmax.f32 v2, $0.0e+00;
	v3 =	vtrunc.f32 v1  }
0x155: {  	v46 =	vtrunc.f32 v2;
	v3 =	vcvt.f32.s32 v3  }
0x156: {  	v4 =	vcvt.f32.s32 v46  }
0x157: {  	vm5 =	vlt.s32 v3, $0x1FE  }
0x158: {  	vm6 =	vlt.s32 v4, $0x1FE;
	v3 =	vnsel vm5, $0x1FE, v3  }
0x159: {  	v4 =	vnsel vm6, $0x1FE, v4;
	v47 =	vcvt.s32.f32 v3;
	v3 =	vshll.u32 v3, $0x9  }
0x15a: {  	v48 =	vcvt.s32.f32 v4;
	v3 =	vadd.s32 v4, v3  }
0x15b: {  	v1 =	vsub.f32 v1, v47;
	[tilespmem:s24+$0x5010] =	vst v3;
	v3 =	vadd.s32 $0x200, v3  }
0x15c: {  	v2 =	vsub.f32 v2, v48;
	[tilespmem:s24+$0x5810] =	vst v3  }
0x15d: {  	[tilespmem:s24+$0x2810] =	vst v1  }
0x15e: {  	[tilespmem:s24+$0x3810] =	vst v2  }
0x15f: {  	v1 =	vld [tilespmem:s23+$0xFFFFFFA0]  }
0x160: {  	v2 =	vld [tilespmem:s23+$0x20];
	_ =	sdelay $0x3  }
0x161: {  	v1 =	vmax.f32 v1, $0.0e+00  }
0x162: {  	v2 =	vmax.f32 v2, $0.0e+00;
	v3 =	vtrunc.f32 v1  }
0x163: {  	v49 =	vtrunc.f32 v2;
	v3 =	vcvt.f32.s32 v3  }
0x164: {  	v4 =	vcvt.f32.s32 v49  }
0x165: {  	vm7 =	vlt.s32 v3, $0x1FE  }
0x166: {  	vm8 =	vlt.s32 v4, $0x1FE;
	v3 =	vnsel vm7, $0x1FE, v3  }
0x167: {  	v4 =	vnsel vm8, $0x1FE, v4;
	v50 =	vcvt.s32.f32 v3;
	v3 =	vshll.u32 v3, $0x9  }
0x168: {  	v51 =	vcvt.s32.f32 v4;
	v3 =	vadd.s32 v4, v3  }
0x169: {  	v1 =	vsub.f32 v1, v50;
	[tilespmem:s24+$0x5020] =	vst v3;
	v3 =	vadd.s32 $0x200, v3  }
0x16a: {  	v2 =	vsub.f32 v2, v51;
	[tilespmem:s24+$0x5820] =	vst v3  }
0x16b: {  	[tilespmem:s24+$0x2820] =	vst v1  }
0x16c: {  	[tilespmem:s24+$0x3820] =	vst v2  }
0x16d: {  	v1 =	vld [tilespmem:s23+$0xFFFFFFB0]  }
0x16e: {  	v2 =	vld [tilespmem:s23+$0x30];
	_ =	sdelay $0x3  }
0x16f: {  	v1 =	vmax.f32 v1, $0.0e+00  }
0x170: {  	v2 =	vmax.f32 v2, $0.0e+00;
	v3 =	vtrunc.f32 v1  }
0x171: {  	v52 =	vtrunc.f32 v2;
	v3 =	vcvt.f32.s32 v3  }
0x172: {  	v4 =	vcvt.f32.s32 v52  }
0x173: {  	vm9 =	vlt.s32 v3, $0x1FE  }
0x174: {  	vm10 =	vlt.s32 v4, $0x1FE;
	v3 =	vnsel vm9, $0x1FE, v3  }
0x175: {  	v4 =	vnsel vm10, $0x1FE, v4;
	v53 =	vcvt.s32.f32 v3;
	v3 =	vshll.u32 v3, $0x9  }
0x176: {  	v54 =	vcvt.s32.f32 v4;
	v3 =	vadd.s32 v4, v3  }
0x177: {  	v1 =	vsub.f32 v1, v53;
	[tilespmem:s24+$0x5030] =	vst v3;
	v3 =	vadd.s32 $0x200, v3  }
0x178: {  	v2 =	vsub.f32 v2, v54;
	[tilespmem:s24+$0x5830] =	vst v3  }
0x179: {  	[tilespmem:s24+$0x2830] =	vst v1  }
0x17a: {  	[tilespmem:s24+$0x3830] =	vst v2  }
0x17b: {  	v1 =	vld [tilespmem:s23+$0xFFFFFFC0]  }
0x17c: {  	v2 =	vld [tilespmem:s23+$0x40];
	_ =	sdelay $0x3  }
0x17d: {  	v1 =	vmax.f32 v1, $0.0e+00  }
0x17e: {  	v2 =	vmax.f32 v2, $0.0e+00;
	v3 =	vtrunc.f32 v1  }
0x17f: {  	v55 =	vtrunc.f32 v2;
	v3 =	vcvt.f32.s32 v3  }
0x180: {  	v4 =	vcvt.f32.s32 v55  }
0x181: {  	vm11 =	vlt.s32 v3, $0x1FE  }
0x182: {  	vm1 =	vlt.s32 v4, $0x1FE;
	v3 =	vnsel vm11, $0x1FE, v3  }
0x183: {  	v4 =	vnsel vm1, $0x1FE, v4;
	v56 =	vcvt.s32.f32 v3;
	v3 =	vshll.u32 v3, $0x9  }
0x184: {  	v57 =	vcvt.s32.f32 v4;
	v3 =	vadd.s32 v4, v3  }
0x185: {  	v1 =	vsub.f32 v1, v56;
	[tilespmem:s24+$0x5040] =	vst v3;
	v3 =	vadd.s32 $0x200, v3  }
0x186: {  	v2 =	vsub.f32 v2, v57;
	[tilespmem:s24+$0x5840] =	vst v3  }
0x187: {  	[tilespmem:s24+$0x2840] =	vst v1  }
0x188: {  	[tilespmem:s24+$0x3840] =	vst v2  }
0x189: {  	v1 =	vld [tilespmem:s23+$0xFFFFFFD0]  }
0x18a: {  	v2 =	vld [tilespmem:s23+$0x50];
	_ =	sdelay $0x3  }
0x18b: {  	v1 =	vmax.f32 v1, $0.0e+00  }
0x18c: {  	v2 =	vmax.f32 v2, $0.0e+00;
	v3 =	vtrunc.f32 v1  }
0x18d: {  	v58 =	vtrunc.f32 v2;
	v3 =	vcvt.f32.s32 v3  }
0x18e: {  	v4 =	vcvt.f32.s32 v58  }
0x18f: {  	vm12 =	vlt.s32 v3, $0x1FE  }
0x190: {  	vm13 =	vlt.s32 v4, $0x1FE;
	v3 =	vnsel vm12, $0x1FE, v3  }
0x191: {  	v4 =	vnsel vm13, $0x1FE, v4;
	v59 =	vcvt.s32.f32 v3;
	v3 =	vshll.u32 v3, $0x9  }
0x192: {  	v60 =	vcvt.s32.f32 v4;
	v3 =	vadd.s32 v4, v3  }
0x193: {  	v1 =	vsub.f32 v1, v59;
	[tilespmem:s24+$0x5050] =	vst v3;
	v3 =	vadd.s32 $0x200, v3  }
0x194: {  	v2 =	vsub.f32 v2, v60;
	[tilespmem:s24+$0x5850] =	vst v3  }
0x195: {  	[tilespmem:s24+$0x2850] =	vst v1  }
0x196: {  	[tilespmem:s24+$0x3850] =	vst v2  }
0x197: {  	v1 =	vld [tilespmem:s23+$0xFFFFFFE0]  }
0x198: {  	v2 =	vld [tilespmem:s23+$0x60];
	_ =	sdelay $0x3  }
0x199: {  	v1 =	vmax.f32 v1, $0.0e+00  }
0x19a: {  	v2 =	vmax.f32 v2, $0.0e+00;
	v3 =	vtrunc.f32 v1  }
0x19b: {  	v61 =	vtrunc.f32 v2;
	v3 =	vcvt.f32.s32 v3  }
0x19c: {  	v4 =	vcvt.f32.s32 v61  }
0x19d: {  	vm14 =	vlt.s32 v3, $0x1FE  }
0x19e: {  	vm15 =	vlt.s32 v4, $0x1FE;
	v3 =	vnsel vm14, $0x1FE, v3  }
0x19f: {  	v4 =	vnsel vm15, $0x1FE, v4;
	v62 =	vcvt.s32.f32 v3;
	v3 =	vshll.u32 v3, $0x9  }
0x1a0: {  	v63 =	vcvt.s32.f32 v4;
	v3 =	vadd.s32 v4, v3  }
0x1a1: {  	v1 =	vsub.f32 v1, v62;
	[tilespmem:s24+$0x5060] =	vst v3;
	v3 =	vadd.s32 $0x200, v3  }
0x1a2: {  	v2 =	vsub.f32 v2, v63;
	[tilespmem:s24+$0x5860] =	vst v3  }
0x1a3: {  	[tilespmem:s24+$0x2860] =	vst v1  }
0x1a4: {  	[tilespmem:s24+$0x3860] =	vst v2  }
0x1a5: {  	v2 =	vld [tilespmem:s23+$0xFFFFFFF0]  }
0x1a6: {  	s25 =	simm.s32 $0x200;
	v1 =	vld [tilespmem:s23+$0x70]  }
.LBB2_5:
0x1a7: {  	_ =	sdelay $0x1  }
0x1a8: {  	p0 =	sne.s32 s25, $0x1E00  }
0x1a9: {  	s23 =	sadd.s32 $0x100, s23;
	s26 =	smov.u32 s25;
	s25 =	sadd.s32 $0x200, s25;
	v2 =	vmax.f32 v2, $0.0e+00  }
0x1aa: {  	v1 =	vmax.f32 v1, $0.0e+00;
	v3 =	vtrunc.f32 v2  }
0x1ab: {  	v3 =	vcvt.f32.s32 v3;
	v4 =	vtrunc.f32 v1  }
0x1ac: {  	v4 =	vcvt.f32.s32 v4  }
0x1ad: {  	vm0 =	vlt.s32 v3, $0x1FE  }
0x1ae: {  	v3 =	vnsel vm0, $0x1FE, v3;
	vm0 =	vlt.s32 v4, $0x1FE  }
0x1af: {  	v4 =	vnsel vm0, $0x1FE, v4;
	v5 =	vcvt.s32.f32 v3;
	v3 =	vshll.u32 v3, $0x9  }
0x1b0: {  	v6 =	vcvt.s32.f32 v4;
	v3 =	vadd.s32 v4, v3  }
0x1b1: {  	v2 =	vsub.f32 v2, v5;
	[tilespmem:s24+$0x5070] =	vst v3;
	v3 =	vadd.s32 $0x200, v3  }
0x1b2: {  	v1 =	vsub.f32 v1, v6;
	[tilespmem:s24+$0x5870] =	vst v3  }
0x1b3: {  	[tilespmem:s24+$0x2870] =	vst v2  }
0x1b4: {  	[tilespmem:s24+$0x3870] =	vst v1  }
0x1b5: {  	v1 =	vld [tilespmem:s23+$0xFFFFFF80]  }
0x1b6: {  	v2 =	vld [tilespmem:s23+$0x0];
	_ =	sdelay $0x3  }
0x1b7: {  	v1 =	vmax.f32 v1, $0.0e+00  }
0x1b8: {  	v2 =	vmax.f32 v2, $0.0e+00;
	v3 =	vtrunc.f32 v1  }
0x1b9: {  	v3 =	vcvt.f32.s32 v3;
	v4 =	vtrunc.f32 v2  }
0x1ba: {  	v4 =	vcvt.f32.s32 v4  }
0x1bb: {  	vm0 =	vlt.s32 v3, $0x1FE  }
0x1bc: {  	v3 =	vnsel vm0, $0x1FE, v3;
	vm0 =	vlt.s32 v4, $0x1FE  }
0x1bd: {  	v4 =	vnsel vm0, $0x1FE, v4;
	v5 =	vcvt.s32.f32 v3;
	v3 =	vshll.u32 v3, $0x9  }
0x1be: {  	s24 =	sshra.s32 s26, $0x2;
	v6 =	vcvt.s32.f32 v4;
	v3 =	vadd.s32 v4, v3  }
0x1bf: {  	v1 =	vsub.f32 v1, v5;
	[tilespmem:s24+$0x5000] =	vst v3;
	v3 =	vadd.s32 $0x200, v3  }
0x1c0: {  	v2 =	vsub.f32 v2, v6;
	[tilespmem:s24+$0x5800] =	vst v3  }
0x1c1: {  	[tilespmem:s24+$0x2800] =	vst v1  }
0x1c2: {  	[tilespmem:s24+$0x3800] =	vst v2  }
0x1c3: {  	v1 =	vld [tilespmem:s23+$0xFFFFFF90]  }
0x1c4: {  	v2 =	vld [tilespmem:s23+$0x10];
	_ =	sdelay $0x3  }
0x1c5: {  	v1 =	vmax.f32 v1, $0.0e+00  }
0x1c6: {  	v2 =	vmax.f32 v2, $0.0e+00;
	v3 =	vtrunc.f32 v1  }
0x1c7: {  	v3 =	vcvt.f32.s32 v3;
	v4 =	vtrunc.f32 v2  }
0x1c8: {  	v4 =	vcvt.f32.s32 v4  }
0x1c9: {  	vm0 =	vlt.s32 v3, $0x1FE  }
0x1ca: {  	v3 =	vnsel vm0, $0x1FE, v3;
	vm0 =	vlt.s32 v4, $0x1FE  }
0x1cb: {  	v4 =	vnsel vm0, $0x1FE, v4;
	v5 =	vcvt.s32.f32 v3;
	v3 =	vshll.u32 v3, $0x9  }
0x1cc: {  	v6 =	vcvt.s32.f32 v4;
	v3 =	vadd.s32 v4, v3  }
0x1cd: {  	v1 =	vsub.f32 v1, v5;
	[tilespmem:s24+$0x5010] =	vst v3;
	v3 =	vadd.s32 $0x200, v3  }
0x1ce: {  	v2 =	vsub.f32 v2, v6;
	[tilespmem:s24+$0x5810] =	vst v3  }
0x1cf: {  	[tilespmem:s24+$0x2810] =	vst v1  }
0x1d0: {  	[tilespmem:s24+$0x3810] =	vst v2  }
0x1d1: {  	v1 =	vld [tilespmem:s23+$0xFFFFFFA0]  }
0x1d2: {  	v2 =	vld [tilespmem:s23+$0x20];
	_ =	sdelay $0x3  }
0x1d3: {  	v1 =	vmax.f32 v1, $0.0e+00  }
0x1d4: {  	v2 =	vmax.f32 v2, $0.0e+00;
	v3 =	vtrunc.f32 v1  }
0x1d5: {  	v3 =	vcvt.f32.s32 v3;
	v4 =	vtrunc.f32 v2  }
0x1d6: {  	v4 =	vcvt.f32.s32 v4  }
0x1d7: {  	vm0 =	vlt.s32 v3, $0x1FE  }
0x1d8: {  	v3 =	vnsel vm0, $0x1FE, v3;
	vm0 =	vlt.s32 v4, $0x1FE  }
0x1d9: {  	v4 =	vnsel vm0, $0x1FE, v4;
	v5 =	vcvt.s32.f32 v3;
	v3 =	vshll.u32 v3, $0x9  }
0x1da: {  	v6 =	vcvt.s32.f32 v4;
	v3 =	vadd.s32 v4, v3  }
0x1db: {  	v1 =	vsub.f32 v1, v5;
	[tilespmem:s24+$0x5020] =	vst v3;
	v3 =	vadd.s32 $0x200, v3  }
0x1dc: {  	v2 =	vsub.f32 v2, v6;
	[tilespmem:s24+$0x5820] =	vst v3  }
0x1dd: {  	[tilespmem:s24+$0x2820] =	vst v1  }
0x1de: {  	[tilespmem:s24+$0x3820] =	vst v2  }
0x1df: {  	v1 =	vld [tilespmem:s23+$0xFFFFFFB0]  }
0x1e0: {  	v2 =	vld [tilespmem:s23+$0x30];
	_ =	sdelay $0x3  }
0x1e1: {  	v1 =	vmax.f32 v1, $0.0e+00  }
0x1e2: {  	v2 =	vmax.f32 v2, $0.0e+00;
	v3 =	vtrunc.f32 v1  }
0x1e3: {  	v3 =	vcvt.f32.s32 v3;
	v4 =	vtrunc.f32 v2  }
0x1e4: {  	v4 =	vcvt.f32.s32 v4  }
0x1e5: {  	vm0 =	vlt.s32 v3, $0x1FE  }
0x1e6: {  	v3 =	vnsel vm0, $0x1FE, v3;
	vm0 =	vlt.s32 v4, $0x1FE  }
0x1e7: {  	v4 =	vnsel vm0, $0x1FE, v4;
	v5 =	vcvt.s32.f32 v3;
	v3 =	vshll.u32 v3, $0x9  }
0x1e8: {  	v6 =	vcvt.s32.f32 v4;
	v3 =	vadd.s32 v4, v3  }
0x1e9: {  	v1 =	vsub.f32 v1, v5;
	[tilespmem:s24+$0x5030] =	vst v3;
	v3 =	vadd.s32 $0x200, v3  }
0x1ea: {  	v2 =	vsub.f32 v2, v6;
	[tilespmem:s24+$0x5830] =	vst v3  }
0x1eb: {  	[tilespmem:s24+$0x2830] =	vst v1  }
0x1ec: {  	[tilespmem:s24+$0x3830] =	vst v2  }
0x1ed: {  	v1 =	vld [tilespmem:s23+$0x40]  }
0x1ee: {  	v2 =	vld [tilespmem:s23+$0xFFFFFFC0];
	_ =	sdelay $0x3  }
0x1ef: {  	v1 =	vmax.f32 v1, $0.0e+00  }
0x1f0: {  	v2 =	vmax.f32 v2, $0.0e+00;
	v3 =	vtrunc.f32 v1  }
0x1f1: {  	v4 =	vtrunc.f32 v2;
	v3 =	vcvt.f32.s32 v3  }
0x1f2: {  	v4 =	vcvt.f32.s32 v4  }
0x1f3: {  	vm0 =	vlt.s32 v3, $0x1FE  }
0x1f4: {  	vm1 =	vlt.s32 v4, $0x1FE;
	v3 =	vnsel vm0, $0x1FE, v3  }
0x1f5: {  	v4 =	vnsel vm1, $0x1FE, v4;
	v5 =	vcvt.s32.f32 v3  }
0x1f6: {  	v6 =	vcvt.s32.f32 v4;
	v4 =	vshll.u32 v4, $0x9  }
0x1f7: {  	v1 =	vsub.f32 v1, v5;
	v3 =	vadd.s32 v3, v4  }
0x1f8: {  	v2 =	vsub.f32 v2, v6;
	[tilespmem:s24+$0x5040] =	vst v3;
	v3 =	vadd.s32 $0x200, v3  }
0x1f9: {  	[tilespmem:s24+$0x5840] =	vst v3  }
0x1fa: {  	[tilespmem:s24+$0x2840] =	vst v2  }
0x1fb: {  	[tilespmem:s24+$0x3840] =	vst v1  }
0x1fc: {  	v1 =	vld [tilespmem:s23+$0xFFFFFFD0]  }
0x1fd: {  	v2 =	vld [tilespmem:s23+$0x50];
	_ =	sdelay $0x3  }
0x1fe: {  	v1 =	vmax.f32 v1, $0.0e+00  }
0x1ff: {  	v2 =	vmax.f32 v2, $0.0e+00;
	v3 =	vtrunc.f32 v1  }
0x200: {  	v3 =	vcvt.f32.s32 v3;
	v4 =	vtrunc.f32 v2  }
0x201: {  	v4 =	vcvt.f32.s32 v4  }
0x202: {  	vm0 =	vlt.s32 v3, $0x1FE  }
0x203: {  	v3 =	vnsel vm0, $0x1FE, v3;
	vm0 =	vlt.s32 v4, $0x1FE  }
0x204: {  	v4 =	vnsel vm0, $0x1FE, v4;
	v5 =	vcvt.s32.f32 v3;
	v3 =	vshll.u32 v3, $0x9  }
0x205: {  	v6 =	vcvt.s32.f32 v4;
	v3 =	vadd.s32 v4, v3  }
0x206: {  	v1 =	vsub.f32 v1, v5;
	[tilespmem:s24+$0x5050] =	vst v3;
	v3 =	vadd.s32 $0x200, v3  }
0x207: {  	v2 =	vsub.f32 v2, v6;
	[tilespmem:s24+$0x5850] =	vst v3  }
0x208: {  	[tilespmem:s24+$0x2850] =	vst v1  }
0x209: {  	[tilespmem:s24+$0x3850] =	vst v2  }
0x20a: {  	v1 =	vld [tilespmem:s23+$0xFFFFFFE0]  }
0x20b: {  	v2 =	vld [tilespmem:s23+$0x60];
	_ =	sdelay $0x3  }
0x20c: {  	v1 =	vmax.f32 v1, $0.0e+00  }
0x20d: {  	v2 =	vmax.f32 v2, $0.0e+00;
	v3 =	vtrunc.f32 v1  }
0x20e: {  	v3 =	vcvt.f32.s32 v3;
	v4 =	vtrunc.f32 v2  }
0x20f: {  	v4 =	vcvt.f32.s32 v4  }
0x210: {  	vm0 =	vlt.s32 v3, $0x1FE  }
0x211: {  	v3 =	vnsel vm0, $0x1FE, v3;
	vm0 =	vlt.s32 v4, $0x1FE  }
0x212: {  	v4 =	vnsel vm0, $0x1FE, v4;
	v5 =	vcvt.s32.f32 v3;
	v3 =	vshll.u32 v3, $0x9  }
0x213: {  	v6 =	vcvt.s32.f32 v4;
	v3 =	vadd.s32 v4, v3  }
0x214: {  	v1 =	vsub.f32 v1, v5;
	[tilespmem:s24+$0x5060] =	vst v3;
	v3 =	vadd.s32 $0x200, v3  }
.Ltmp1:
0x215: {  	v2 =	vsub.f32 v2, v6;
	[tilespmem:s24+$0x5860] =	vst v3;
	(pc) =	sbr.rel @p0 .LBB2_5-.Ltmp1, $4  }
0x216: {  	[tilespmem:s24+$0x2860] =	vst v1  }
0x217: {  	[tilespmem:s24+$0x3860] =	vst v2  }
0x218: {  	v2 =	vld [tilespmem:s23+$0xFFFFFFF0]  }
0x219: {  	v1 =	vld [tilespmem:s23+$0x70]  }
0x21a: {  	_ =	sdelay $0x2  }
0x21b: {  	v2 =	vmax.f32 v2, $0.0e+00  }
0x21c: {  	v1 =	vmax.f32 v1, $0.0e+00;
	v3 =	vtrunc.f32 v2  }
0x21d: {  	v3 =	vcvt.f32.s32 v3;
	v4 =	vtrunc.f32 v1  }
0x21e: {  	v4 =	vcvt.f32.s32 v4  }
0x21f: {  	vm0 =	vlt.s32 v3, $0x1FE  }
0x220: {  	v3 =	vnsel vm0, $0x1FE, v3;
	vm15 =	vlt.s32 v4, $0x1FE  }
0x221: {  	v4 =	vnsel vm15, $0x1FE, v4;
	v5 =	vcvt.s32.f32 v3;
	v3 =	vshll.u32 v3, $0x9  }
0x222: {  	v6 =	vcvt.s32.f32 v4;
	v3 =	vadd.s32 v4, v3  }
0x223: {  	v2 =	vsub.f32 v2, v5;
	[tilespmem:s24+$0x5070] =	vst v3;
	v3 =	vadd.s32 $0x200, v3  }
0x224: {  	v1 =	vsub.f32 v1, v6;
	[tilespmem:s24+$0x5870] =	vst v3  }
0x225: {  	[tilespmem:s24+$0x2870] =	vst v2  }
0x226: {  	s0 =	simm.s32 $0x5000;
	[tilespmem:s24+$0x3870] =	vst v1  }
0x227: {  	[tilespmem:s2], [sflag:$0x2] =	stream.indirect.gather [hbm4b:s5+s15], $0x8, s0, s15, $0xb8;
	[tilespmem:$0x1A000] =	vst v63  }
0x228: {  	s26 =	simm.s32 $0x5080;
	s3 =	simm.s32 $0xE400  }
0x229: {  	[tilespmem:s3], [sflag:$0x2] =	stream.indirect.gather [hbm4b:s5+s15], $0x8, s26, s15, $0xb8;
	[tilespmem:$0x1A000] =	vst v63  }
0x22a: {  	s29 =	simm.s32 $0x5100;
	s30 =	simm.s32 $0xE800  }
0x22b: {  	[tilespmem:s30], [sflag:$0x2] =	stream.indirect.gather [hbm4b:s5+s15], $0x8, s29, s15, $0xb8;
	[tilespmem:$0x1A000] =	vst v63  }
0x22c: {  	s23 =	simm.s32 $0x5180;
	s24 =	simm.s32 $0xEC00  }
0x22d: {  	[tilespmem:s24], [sflag:$0x2] =	stream.indirect.gather [hbm4b:s5+s15], $0x8, s23, s15, $0xb8;
	[tilespmem:$0x1A000] =	vst v63  }
0x22e: {  	s25 =	simm.s32 $0x5200;
	s26 =	simm.s32 $0xF000  }
0x22f: {  	[tilespmem:s26], [sflag:$0x2] =	stream.indirect.gather [hbm4b:s5+s15], $0x8, s25, s15, $0xb8;
	[tilespmem:$0x1A000] =	vst v63  }
0x230: {  	s29 =	simm.s32 $0x5280;
	s30 =	simm.s32 $0xF400  }
0x231: {  	[tilespmem:s30], [sflag:$0x2] =	stream.indirect.gather [hbm4b:s5+s15], $0x8, s29, s15, $0xb8;
	[tilespmem:$0x1A000] =	vst v63  }
0x232: {  	s23 =	simm.s32 $0x5300;
	s24 =	simm.s32 $0xF800  }
0x233: {  	[tilespmem:s24], [sflag:$0x2] =	stream.indirect.gather [hbm4b:s5+s15], $0x8, s23, s15, $0xb8;
	[tilespmem:$0x1A000] =	vst v63  }
0x234: {  	s25 =	simm.s32 $0x5380;
	s26 =	simm.s32 $0xFC00  }
0x235: {  	[tilespmem:s26], [sflag:$0x2] =	stream.indirect.gather [hbm4b:s5+s15], $0x8, s25, s15, $0xb8;
	[tilespmem:$0x1A000] =	vst v63  }
0x236: {  	s29 =	simm.s32 $0x5400;
	s30 =	simm.s32 $0x10000  }
0x237: {  	[tilespmem:s30], [sflag:$0x2] =	stream.indirect.gather [hbm4b:s5+s15], $0x8, s29, s15, $0xb8;
	[tilespmem:$0x1A000] =	vst v63  }
0x238: {  	s23 =	simm.s32 $0x5480;
	s24 =	simm.s32 $0x10400  }
0x239: {  	[tilespmem:s24], [sflag:$0x2] =	stream.indirect.gather [hbm4b:s5+s15], $0x8, s23, s15, $0xb8;
	[tilespmem:$0x1A000] =	vst v63  }
0x23a: {  	s25 =	simm.s32 $0x5500;
	s26 =	simm.s32 $0x10800  }
0x23b: {  	[tilespmem:s26], [sflag:$0x2] =	stream.indirect.gather [hbm4b:s5+s15], $0x8, s25, s15, $0xb8;
	[tilespmem:$0x1A000] =	vst v63  }
0x23c: {  	s29 =	simm.s32 $0x5580;
	s30 =	simm.s32 $0x10C00  }
0x23d: {  	[tilespmem:s30], [sflag:$0x2] =	stream.indirect.gather [hbm4b:s5+s15], $0x8, s29, s15, $0xb8;
	[tilespmem:$0x1A000] =	vst v63  }
0x23e: {  	s23 =	simm.s32 $0x5600;
	s24 =	simm.s32 $0x11000  }
0x23f: {  	[tilespmem:s24], [sflag:$0x2] =	stream.indirect.gather [hbm4b:s5+s15], $0x8, s23, s15, $0xb8;
	[tilespmem:$0x1A000] =	vst v63  }
0x240: {  	s25 =	simm.s32 $0x5680;
	s26 =	simm.s32 $0x11400  }
0x241: {  	[tilespmem:s26], [sflag:$0x2] =	stream.indirect.gather [hbm4b:s5+s15], $0x8, s25, s15, $0xb8;
	[tilespmem:$0x1A000] =	vst v63  }
0x242: {  	s29 =	simm.s32 $0x5700;
	s30 =	simm.s32 $0x11800  }
0x243: {  	[tilespmem:s30], [sflag:$0x2] =	stream.indirect.gather [hbm4b:s5+s15], $0x8, s29, s15, $0xb8;
	[tilespmem:$0x1A000] =	vst v63  }
0x244: {  	s23 =	simm.s32 $0x5780;
	s24 =	simm.s32 $0x11C00  }
0x245: {  	[tilespmem:s24], [sflag:$0x2] =	stream.indirect.gather [hbm4b:s5+s15], $0x8, s23, s15, $0xb8;
	[tilespmem:$0x1A000] =	vst v63  }
0x246: {  	s25 =	simm.s32 $0x5800;
	s26 =	simm.s32 $0x12000  }
0x247: {  	[tilespmem:s26], [sflag:$0x2] =	stream.indirect.gather [hbm4b:s5+s15], $0x8, s25, s15, $0xb8;
	[tilespmem:$0x1A000] =	vst v63  }
0x248: {  	s29 =	simm.s32 $0x5880;
	s30 =	simm.s32 $0x12400  }
0x249: {  	[tilespmem:s30], [sflag:$0x2] =	stream.indirect.gather [hbm4b:s5+s15], $0x8, s29, s15, $0xb8;
	[tilespmem:$0x1A000] =	vst v63  }
0x24a: {  	s23 =	simm.s32 $0x5900;
	s24 =	simm.s32 $0x12800  }
0x24b: {  	[tilespmem:s24], [sflag:$0x2] =	stream.indirect.gather [hbm4b:s5+s15], $0x8, s23, s15, $0xb8;
	[tilespmem:$0x1A000] =	vst v63  }
0x24c: {  	s25 =	simm.s32 $0x5980;
	s26 =	simm.s32 $0x12C00  }
0x24d: {  	[tilespmem:s26], [sflag:$0x2] =	stream.indirect.gather [hbm4b:s5+s15], $0x8, s25, s15, $0xb8;
	[tilespmem:$0x1A000] =	vst v63  }
0x24e: {  	s29 =	simm.s32 $0x5A00;
	s30 =	simm.s32 $0x13000  }
0x24f: {  	[tilespmem:s30], [sflag:$0x2] =	stream.indirect.gather [hbm4b:s5+s15], $0x8, s29, s15, $0xb8;
	[tilespmem:$0x1A000] =	vst v63  }
0x250: {  	s23 =	simm.s32 $0x5A80;
	s24 =	simm.s32 $0x13400  }
0x251: {  	[tilespmem:s24], [sflag:$0x2] =	stream.indirect.gather [hbm4b:s5+s15], $0x8, s23, s15, $0xb8;
	[tilespmem:$0x1A000] =	vst v63  }
0x252: {  	s25 =	simm.s32 $0x5B00;
	s26 =	simm.s32 $0x13800  }
0x253: {  	[tilespmem:s26], [sflag:$0x2] =	stream.indirect.gather [hbm4b:s5+s15], $0x8, s25, s15, $0xb8;
	[tilespmem:$0x1A000] =	vst v63  }
0x254: {  	s29 =	simm.s32 $0x5B80;
	s30 =	simm.s32 $0x13C00  }
0x255: {  	[tilespmem:s30], [sflag:$0x2] =	stream.indirect.gather [hbm4b:s5+s15], $0x8, s29, s15, $0xb8;
	[tilespmem:$0x1A000] =	vst v63  }
0x256: {  	s23 =	simm.s32 $0x5C00;
	s24 =	simm.s32 $0x14000  }
0x257: {  	[tilespmem:s24], [sflag:$0x2] =	stream.indirect.gather [hbm4b:s5+s15], $0x8, s23, s15, $0xb8;
	[tilespmem:$0x1A000] =	vst v63  }
0x258: {  	s25 =	simm.s32 $0x5C80;
	s26 =	simm.s32 $0x14400  }
0x259: {  	[tilespmem:s26], [sflag:$0x2] =	stream.indirect.gather [hbm4b:s5+s15], $0x8, s25, s15, $0xb8;
	[tilespmem:$0x1A000] =	vst v63  }
0x25a: {  	s29 =	simm.s32 $0x5D00;
	s30 =	simm.s32 $0x14800  }
0x25b: {  	[tilespmem:s30], [sflag:$0x2] =	stream.indirect.gather [hbm4b:s5+s15], $0x8, s29, s15, $0xb8;
	[tilespmem:$0x1A000] =	vst v63  }
0x25c: {  	s23 =	simm.s32 $0x5D80;
	s24 =	simm.s32 $0x14C00  }
0x25d: {  	[tilespmem:s24], [sflag:$0x2] =	stream.indirect.gather [hbm4b:s5+s15], $0x8, s23, s15, $0xb8;
	[tilespmem:$0x1A000] =	vst v63  }
0x25e: {  	s25 =	simm.s32 $0x5E00;
	s26 =	simm.s32 $0x15000  }
0x25f: {  	[tilespmem:s26], [sflag:$0x2] =	stream.indirect.gather [hbm4b:s5+s15], $0x8, s25, s15, $0xb8;
	[tilespmem:$0x1A000] =	vst v63  }
0x260: {  	s29 =	simm.s32 $0x5E80;
	s30 =	simm.s32 $0x15400  }
0x261: {  	[tilespmem:s30], [sflag:$0x2] =	stream.indirect.gather [hbm4b:s5+s15], $0x8, s29, s15, $0xb8;
	[tilespmem:$0x1A000] =	vst v63  }
0x262: {  	_ = 	snop  }
0x263: {  	[tilespmem:s9], [sflag:$0x2] =	stream.indirect.gather [hbm4b:s5+s15], $0x8, s6, s15, $0xb8;
	[tilespmem:$0x1A000] =	vst v63  }
0x264: {  	_ = 	snop  }
0x265: {  	[tilespmem:s11], [sflag:$0x2] =	stream.indirect.gather [hbm4b:s5+s15], $0x8, s10, s15, $0xb8;
	[tilespmem:$0x1A000] =	vst v63  }
0x266: {  	_ =	swait.ge [sflag:s12], $0x400  }
0x267: {  	[sflag:s12] =	ssyncset.done $0x0  }
0x268: {  	[sflag:s12] =	ssyncadd.s32 $0xFFFFFC00  }
0x269: {  	_ =	swait.ge [sflag:s12], $0x400  }
0x26a: {  	[sflag:s12] =	ssyncset.done $0x0  }
0x26b: {  	[sflag:s12] =	ssyncadd.s32 $0xFFFFFC00  }
0x26c: {  	_ =	swait.ge [sflag:s12], $0x400  }
0x26d: {  	[sflag:s12] =	ssyncset.done $0x0  }
0x26e: {  	[sflag:s12] =	ssyncadd.s32 $0xFFFFFC00  }
0x26f: {  	_ =	swait.ge [sflag:s12], $0x400  }
0x270: {  	[sflag:s12] =	ssyncset.done $0x0  }
0x271: {  	[sflag:s12] =	ssyncadd.s32 $0xFFFFFC00  }
0x272: {  	_ =	swait.ge [sflag:s12], $0x400  }
0x273: {  	[sflag:s12] =	ssyncset.done $0x0  }
0x274: {  	[sflag:s12] =	ssyncadd.s32 $0xFFFFFC00  }
0x275: {  	_ =	swait.ge [sflag:s12], $0x400  }
0x276: {  	[sflag:s12] =	ssyncset.done $0x0  }
0x277: {  	[sflag:s12] =	ssyncadd.s32 $0xFFFFFC00  }
0x278: {  	_ =	swait.ge [sflag:s12], $0x400  }
0x279: {  	[sflag:s12] =	ssyncset.done $0x0  }
0x27a: {  	[sflag:s12] =	ssyncadd.s32 $0xFFFFFC00  }
0x27b: {  	_ =	swait.ge [sflag:s12], $0x400  }
0x27c: {  	[sflag:s12] =	ssyncset.done $0x0  }
0x27d: {  	[sflag:s12] =	ssyncadd.s32 $0xFFFFFC00  }
0x27e: {  	_ =	swait.ge [sflag:s12], $0x400  }
0x27f: {  	[sflag:s12] =	ssyncset.done $0x0  }
0x280: {  	[sflag:s12] =	ssyncadd.s32 $0xFFFFFC00  }
0x281: {  	_ =	swait.ge [sflag:s12], $0x400  }
0x282: {  	[sflag:s12] =	ssyncset.done $0x0  }
0x283: {  	[sflag:s12] =	ssyncadd.s32 $0xFFFFFC00  }
0x284: {  	_ =	swait.ge [sflag:s12], $0x400  }
0x285: {  	[sflag:s12] =	ssyncset.done $0x0  }
0x286: {  	[sflag:s12] =	ssyncadd.s32 $0xFFFFFC00  }
0x287: {  	_ =	swait.ge [sflag:s12], $0x400  }
0x288: {  	[sflag:s12] =	ssyncset.done $0x0  }
0x289: {  	[sflag:s12] =	ssyncadd.s32 $0xFFFFFC00  }
0x28a: {  	_ =	swait.ge [sflag:s12], $0x400  }
0x28b: {  	[sflag:s12] =	ssyncset.done $0x0  }
0x28c: {  	[sflag:s12] =	ssyncadd.s32 $0xFFFFFC00  }
0x28d: {  	_ =	swait.ge [sflag:s12], $0x400  }
0x28e: {  	[sflag:s12] =	ssyncset.done $0x0  }
0x28f: {  	[sflag:s12] =	ssyncadd.s32 $0xFFFFFC00  }
0x290: {  	_ =	swait.ge [sflag:s12], $0x400  }
0x291: {  	[sflag:s12] =	ssyncset.done $0x0  }
0x292: {  	[sflag:s12] =	ssyncadd.s32 $0xFFFFFC00  }
0x293: {  	_ =	swait.ge [sflag:s12], $0x400  }
0x294: {  	[sflag:s12] =	ssyncset.done $0x0  }
0x295: {  	[sflag:s12] =	ssyncadd.s32 $0xFFFFFC00  }
0x296: {  	_ =	swait.ge [sflag:s12], $0x400  }
0x297: {  	[sflag:s12] =	ssyncset.done $0x0  }
0x298: {  	[sflag:s12] =	ssyncadd.s32 $0xFFFFFC00  }
0x299: {  	_ =	swait.ge [sflag:s12], $0x400  }
0x29a: {  	[sflag:s12] =	ssyncset.done $0x0  }
0x29b: {  	[sflag:s12] =	ssyncadd.s32 $0xFFFFFC00  }
0x29c: {  	_ =	swait.ge [sflag:s12], $0x400  }
0x29d: {  	[sflag:s12] =	ssyncset.done $0x0  }
0x29e: {  	[sflag:s12] =	ssyncadd.s32 $0xFFFFFC00  }
0x29f: {  	_ =	swait.ge [sflag:s12], $0x400  }
0x2a0: {  	[sflag:s12] =	ssyncset.done $0x0  }
0x2a1: {  	[sflag:s12] =	ssyncadd.s32 $0xFFFFFC00  }
0x2a2: {  	_ =	swait.ge [sflag:s12], $0x400  }
0x2a3: {  	[sflag:s12] =	ssyncset.done $0x0  }
0x2a4: {  	[sflag:s12] =	ssyncadd.s32 $0xFFFFFC00  }
0x2a5: {  	_ =	swait.ge [sflag:s12], $0x400  }
0x2a6: {  	[sflag:s12] =	ssyncset.done $0x0  }
0x2a7: {  	[sflag:s12] =	ssyncadd.s32 $0xFFFFFC00  }
0x2a8: {  	_ =	swait.ge [sflag:s12], $0x400  }
0x2a9: {  	[sflag:s12] =	ssyncset.done $0x0  }
0x2aa: {  	[sflag:s12] =	ssyncadd.s32 $0xFFFFFC00  }
0x2ab: {  	_ =	swait.ge [sflag:s12], $0x400  }
0x2ac: {  	[sflag:s12] =	ssyncset.done $0x0  }
0x2ad: {  	[sflag:s12] =	ssyncadd.s32 $0xFFFFFC00  }
0x2ae: {  	_ =	swait.ge [sflag:s12], $0x400  }
0x2af: {  	[sflag:s12] =	ssyncset.done $0x0  }
0x2b0: {  	[sflag:s12] =	ssyncadd.s32 $0xFFFFFC00  }
0x2b1: {  	_ =	swait.ge [sflag:s12], $0x400  }
0x2b2: {  	[sflag:s12] =	ssyncset.done $0x0  }
0x2b3: {  	[sflag:s12] =	ssyncadd.s32 $0xFFFFFC00  }
0x2b4: {  	_ =	swait.ge [sflag:s12], $0x400  }
0x2b5: {  	[sflag:s12] =	ssyncset.done $0x0  }
0x2b6: {  	[sflag:s12] =	ssyncadd.s32 $0xFFFFFC00  }
0x2b7: {  	_ =	swait.ge [sflag:s12], $0x400  }
0x2b8: {  	[sflag:s12] =	ssyncset.done $0x0  }
0x2b9: {  	[sflag:s12] =	ssyncadd.s32 $0xFFFFFC00  }
0x2ba: {  	_ =	swait.ge [sflag:s12], $0x400  }
0x2bb: {  	[sflag:s12] =	ssyncset.done $0x0  }
0x2bc: {  	[sflag:s12] =	ssyncadd.s32 $0xFFFFFC00  }
0x2bd: {  	_ =	swait.ge [sflag:s12], $0x400  }
0x2be: {  	[sflag:s12] =	ssyncset.done $0x0  }
0x2bf: {  	[sflag:s12] =	ssyncadd.s32 $0xFFFFFC00  }
0x2c0: {  	_ =	swait.ge [sflag:s12], $0x400  }
0x2c1: {  	[sflag:s12] =	ssyncset.done $0x0  }
0x2c2: {  	[sflag:s12] =	ssyncadd.s32 $0xFFFFFC00  }
0x2c3: {  	s31 =	simm.s32 $0x10;
	_ =	swait.ge [sflag:s12], $0x400  }
0x2c4: {  	s28 =	simm.s32 $0x2000;
	s23 =	simm.s32 $0x0;
	[sflag:s12] =	ssyncset.done $0x0  }
0x2c5: {  	s25 =	simm.s32 $0x3000;
	s26 =	simm.s32 $0x16000;
	[sflag:s12] =	ssyncadd.s32 $0xFFFFFC00  }
.LBB2_7:
0x2c6: {  	v2 =	vmov s28  }
0x2c7: {  	v3 =	vmov s25;
	_ =	sdelay $0x1  }
0x2c8: {  	s24 =	sadd.s32 $0xFFFFFFF0, s31  }
0x2c9: {  	s29 =	simm.s32 $0x0;
	v1 =	vmov s24  }
0x2ca: {  	v4 =	vshll.u32 v1, $0x3;
	v5 =	vld.idx.msk [tilespmem:v2+s29+$0x0 ss:$0x1], $0xffff  }
0x2cb: {  	v6 =	vor.u32 v0, v4;
	v7 =	vld.idx.msk [tilespmem:v3+s29+$0x0 ss:$0x1], $0xffff  }
0x2cc: {  	v8 =	vor.u32 $0x4, v6  }
0x2cd: {  	v1 =	vor.u32 $0x4000, v0  }
0x2ce: {  	v9 =	vor.u32 v1, v4;
	_ =	sdelay $0x1  }
0x2cf: {  	v4 =	vor.u32 $0x4, v9;
	v10 =	vld.idx.msk [tilespmem:v6+s17+$0x0], $0xffff;
	v11 =	vmul.f32 v7, v5  }
0x2d0: {  	v8 =	vld.idx.msk [tilespmem:v8+s17+$0x0], $0xffff  }
0x2d1: {  	v12 =	vsub.f32 $1.000000000e+00, v5;
	v7 =	vsub.f32 v7, v11  }
0x2d2: {  	v13 =	vld.idx.msk [tilespmem:v9+s17+$0x0], $0xffff  }
0x2d3: {  	v12 =	vsub.f32 v12, v7  }
0x2d4: {  	v14 =	vld.idx.msk [tilespmem:v4+s17+$0x0], $0xffff  }
0x2d5: {  	v5 =	vsub.f32 v5, v11;
	v4 =	vmul.f32 v7, v8;
	v8 =	vmul.f32 v12, v10;
	_ =	sdelay $0x1  }
0x2d6: {  	v10 =	vmul.f32 v13, v5;
	v8 =	vadd.f32 v8, v4  }
0x2d7: {  	v4 =	vmov s26  }
0x2d8: {  	v48 =	vmul.f32 v14, v11;
	v8 =	vadd.f32 v8, v10;
	v10 =	vor.u32 $0x1, v6  }
0x2d9: {  	v49 =	vor.u32 $0x5, v6  }
0x2da: {  	v8 =	vadd.f32 v8, v48  }
0x2db: {  	v50 =	vor.u32 $0x1, v9  }
0x2dc: {  	[tilespmem:v4+s29+$0x0 ss:$0x1] =	vst.idx.msk $0xffff, v8  }
0x2dd: {  	v8 =	vld.idx.msk [tilespmem:v10+s17+$0x0], $0xffff;
	v10 =	vor.u32 $0x5, v9  }
0x2de: {  	v14 =	vld.idx.msk [tilespmem:v49+s17+$0x0], $0xffff;
	_ =	sdelay $0x1  }
0x2df: {  	v13 =	vld.idx.msk [tilespmem:v50+s17+$0x0], $0xffff;
	_ =	sdelay $0x1  }
0x2e0: {  	v10 =	vld.idx.msk [tilespmem:v10+s17+$0x0], $0xffff  }
0x2e1: {  	v8 =	vmul.f32 v8, v12;
	v14 =	vmul.f32 v14, v7;
	_ =	sdelay $0x1  }
0x2e2: {  	v13 =	vmul.f32 v13, v5;
	v8 =	vadd.f32 v14, v8;
	_ =	sdelay $0x1  }
0x2e3: {  	v51 =	vor.u32 $0x2, v6;
	v8 =	vadd.f32 v13, v8;
	v10 =	vmul.f32 v10, v11  }
0x2e4: {  	v52 =	vor.u32 $0x6, v6  }
0x2e5: {  	v8 =	vadd.f32 v10, v8  }
0x2e6: {  	v10 =	vor.u32 $0x2, v9  }
0x2e7: {  	[tilespmem:v4+s29+$0x80 ss:$0x1] =	vst.idx.msk $0xffff, v8  }
0x2e8: {  	v53 =	vor.u32 $0x6, v9;
	v8 =	vld.idx.msk [tilespmem:v51+s17+$0x0], $0xffff  }
0x2e9: {  	v14 =	vld.idx.msk [tilespmem:v52+s17+$0x0], $0xffff;
	_ =	sdelay $0x1  }
0x2ea: {  	v10 =	vld.idx.msk [tilespmem:v10+s17+$0x0], $0xffff;
	_ =	sdelay $0x1  }
0x2eb: {  	v13 =	vld.idx.msk [tilespmem:v53+s17+$0x0], $0xffff  }
0x2ec: {  	v8 =	vmul.f32 v8, v12;
	v14 =	vmul.f32 v14, v7;
	_ =	sdelay $0x1  }
0x2ed: {  	v8 =	vadd.f32 v14, v8;
	v10 =	vmul.f32 v10, v5;
	_ =	sdelay $0x1  }
0x2ee: {  	v54 =	vor.u32 $0x3, v6;
	v8 =	vadd.f32 v10, v8;
	v10 =	vmul.f32 v13, v11  }
0x2ef: {  	v6 =	vor.u32 $0x7, v6  }
0x2f0: {  	v8 =	vadd.f32 v10, v8  }
0x2f1: {  	v10 =	vor.u32 $0x3, v9  }
0x2f2: {  	[tilespmem:v4+s29+$0x100 ss:$0x1] =	vst.idx.msk $0xffff, v8  }
0x2f3: {  	v9 =	vor.u32 $0x7, v9;
	v8 =	vld.idx.msk [tilespmem:v54+s17+$0x0], $0xffff  }
0x2f4: {  	v6 =	vld.idx.msk [tilespmem:v6+s17+$0x0], $0xffff;
	_ =	sdelay $0x1  }
0x2f5: {  	v10 =	vld.idx.msk [tilespmem:v10+s17+$0x0], $0xffff;
	_ =	sdelay $0x1  }
0x2f6: {  	v9 =	vld.idx.msk [tilespmem:v9+s17+$0x0], $0xffff  }
0x2f7: {  	v8 =	vmul.f32 v8, v12;
	v6 =	vmul.f32 v6, v7;
	_ =	sdelay $0x1  }
0x2f8: {  	v6 =	vadd.f32 v6, v8;
	v5 =	vmul.f32 v10, v5;
	_ =	sdelay $0x1  }
0x2f9: {  	v5 =	vadd.f32 v5, v6;
	v6 =	vmul.f32 v9, v11;
	_ =	sdelay $0x1  }
0x2fa: {  	v5 =	vadd.f32 v6, v5;
	_ =	sdelay $0x1  }
0x2fb: {  	v6 =	vmov s31;
	[tilespmem:v4+s29+$0x180 ss:$0x1] =	vst.idx.msk $0xffff, v5  }
0x2fc: {  	v5 =	vshll.u32 v6, $0x3;
	v7 =	vld.idx.msk [tilespmem:v2+s29+$0x10 ss:$0x1], $0xffff  }
0x2fd: {  	v8 =	vor.u32 v0, v5;
	v6 =	vld.idx.msk [tilespmem:v3+s29+$0x10 ss:$0x1], $0xffff  }
0x2fe: {  	v9 =	vor.u32 $0x4, v8;
	_ =	sdelay $0x1  }
0x2ff: {  	v10 =	vor.u32 v1, v5;
	_ =	sdelay $0x1  }
0x300: {  	v11 =	vor.u32 $0x4, v10;
	v5 =	vmul.f32 v6, v7;
	v55 =	vld.idx.msk [tilespmem:v8+s17+$0x0], $0xffff  }
0x301: {  	v9 =	vld.idx.msk [tilespmem:v9+s17+$0x0], $0xffff  }
0x302: {  	v56 =	vsub.f32 $1.000000000e+00, v7;
	v6 =	vsub.f32 v6, v5  }
0x303: {  	v57 =	vld.idx.msk [tilespmem:v10+s17+$0x0], $0xffff  }
0x304: {  	v13 =	vsub.f32 v56, v6  }
0x305: {  	v11 =	vld.idx.msk [tilespmem:v11+s17+$0x0], $0xffff  }
0x306: {  	v7 =	vsub.f32 v7, v5;
	v12 =	vmul.f32 v13, v55;
	v9 =	vmul.f32 v6, v9;
	_ =	sdelay $0x1  }
0x307: {  	v58 =	vmul.f32 v57, v7;
	v9 =	vadd.f32 v12, v9;
	_ =	sdelay $0x1  }
0x308: {  	v59 =	vor.u32 $0x1, v8;
	v11 =	vmul.f32 v11, v5;
	v9 =	vadd.f32 v9, v58  }
0x309: {  	v60 =	vor.u32 $0x5, v8  }
0x30a: {  	v9 =	vadd.f32 v9, v11  }
0x30b: {  	v11 =	vor.u32 $0x1, v10  }
0x30c: {  	[tilespmem:v4+s29+$0x10 ss:$0x1] =	vst.idx.msk $0xffff, v9  }
0x30d: {  	v9 =	vor.u32 $0x5, v10;
	v12 =	vld.idx.msk [tilespmem:v59+s17+$0x0], $0xffff  }
0x30e: {  	v14 =	vld.idx.msk [tilespmem:v60+s17+$0x0], $0xffff;
	_ =	sdelay $0x1  }
0x30f: {  	v11 =	vld.idx.msk [tilespmem:v11+s17+$0x0], $0xffff;
	_ =	sdelay $0x1  }
0x310: {  	v9 =	vld.idx.msk [tilespmem:v9+s17+$0x0], $0xffff  }
0x311: {  	v12 =	vmul.f32 v12, v13;
	v14 =	vmul.f32 v14, v6;
	_ =	sdelay $0x1  }
0x312: {  	v12 =	vadd.f32 v14, v12;
	v11 =	vmul.f32 v11, v7;
	_ =	sdelay $0x1  }
0x313: {  	v61 =	vor.u32 $0x6, v8;
	v9 =	vmul.f32 v9, v5;
	v11 =	vadd.f32 v11, v12  }
0x314: {  	v62 =	vor.u32 $0x2, v8  }
0x315: {  	v9 =	vadd.f32 v9, v11  }
0x316: {  	v11 =	vor.u32 $0x2, v10  }
0x317: {  	[tilespmem:v4+s29+$0x90 ss:$0x1] =	vst.idx.msk $0xffff, v9  }
0x318: {  	v9 =	vor.u32 $0x6, v10;
	v12 =	vld.idx.msk [tilespmem:v61+s17+$0x0], $0xffff  }
0x319: {  	v14 =	vld.idx.msk [tilespmem:v62+s17+$0x0], $0xffff;
	_ =	sdelay $0x1  }
0x31a: {  	v11 =	vld.idx.msk [tilespmem:v11+s17+$0x0], $0xffff;
	_ =	sdelay $0x1  }
0x31b: {  	v9 =	vld.idx.msk [tilespmem:v9+s17+$0x0], $0xffff  }
0x31c: {  	v12 =	vmul.f32 v12, v6;
	v14 =	vmul.f32 v14, v13;
	_ =	sdelay $0x1  }
0x31d: {  	v12 =	vadd.f32 v12, v14;
	v11 =	vmul.f32 v11, v7;
	_ =	sdelay $0x1  }
0x31e: {  	v63 =	vor.u32 $0x3, v8;
	v9 =	vmul.f32 v9, v5;
	v11 =	vadd.f32 v11, v12;
	_ =	sdelay $0x1  }
0x31f: {  	v8 =	vor.u32 $0x7, v8;
	v9 =	vadd.f32 v9, v11  }
0x320: {  	v11 =	vor.u32 $0x3, v10  }
0x321: {  	[tilespmem:v4+s29+$0x110 ss:$0x1] =	vst.idx.msk $0xffff, v9;
	v9 =	vor.u32 $0x7, v10  }
0x322: {  	v12 =	vld.idx.msk [tilespmem:v63+s17+$0x0], $0xffff;
	_ =	sdelay $0x1  }
0x323: {  	v10 =	vld.idx.msk [tilespmem:v8+s17+$0x0], $0xffff  }
0x324: {  	v8 =	vld.idx.msk [tilespmem:v11+s17+$0x0], $0xffff  }
0x325: {  	v9 =	vld.idx.msk [tilespmem:v9+s17+$0x0], $0xffff  }
0x326: {  	s30 =	simm.s32 $0x80;
	s24 =	smov.u32 s31;
	v11 =	vmul.f32 v12, v13  }
.LBB2_8:
0x327: {  	p0 =	sne.s32 s30, $0x180  }
0x328: {  	v6 =	vmul.f32 v10, v6;
	s24 =	sadd.s32 $0x20, s24;
	s0 =	smov.u32 s30;
	s30 =	sadd.s32 $0x80, s30  }
0x329: {  	_ = 	snop  }
0x32a: {  	v7 =	vmul.f32 v8, v7;
	v5 =	vmul.f32 v9, v5;
	v6 =	vadd.f32 v6, v11;
	_ =	sdelay $0x1  }
0x32b: {  	v6 =	vadd.f32 v7, v6;
	_ =	sdelay $0x1  }
0x32c: {  	s3 =	sadd.s32 $0xFFFFFFF0, s24;
	v5 =	vadd.f32 v5, v6  }
0x32d: {  	v6 =	vmov s3  }
0x32e: {  	v6 =	vshll.u32 v6, $0x3;
	[tilespmem:v4+s29+$0x190 ss:$0x1] =	vst.idx.msk $0xffff, v5;
	s29 =	sshra.s32 s0, $0x2  }
0x32f: {  	v7 =	vor.u32 v0, v6;
	v6 =	vor.u32 v1, v6;
	v5 =	vld.idx.msk [tilespmem:v2+s29+$0x0 ss:$0x1], $0xffff  }
0x330: {  	v9 =	vor.u32 $0x4, v7;
	v10 =	vor.u32 $0x4, v6;
	v8 =	vld.idx.msk [tilespmem:v3+s29+$0x0 ss:$0x1], $0xffff;
	_ =	sdelay $0x3  }
0x331: {  	v11 =	vld.idx.msk [tilespmem:v7+s17+$0x0], $0xffff  }
0x332: {  	v9 =	vld.idx.msk [tilespmem:v9+s17+$0x0], $0xffff  }
0x333: {  	v12 =	vmul.f32 v8, v5  }
0x334: {  	v13 =	vsub.f32 $1.000000000e+00, v5;
	v14 =	vld.idx.msk [tilespmem:v6+s17+$0x0], $0xffff  }
0x335: {  	v5 =	vsub.f32 v5, v12;
	v8 =	vsub.f32 v8, v12  }
0x336: {  	v10 =	vld.idx.msk [tilespmem:v10+s17+$0x0], $0xffff  }
0x337: {  	v13 =	vsub.f32 v13, v8  }
0x338: {  	v9 =	vmul.f32 v8, v9  }
0x339: {  	v11 =	vmul.f32 v13, v11;
	_ =	sdelay $0x1  }
0x33a: {  	v9 =	vadd.f32 v11, v9;
	v11 =	vmul.f32 v14, v5  }
0x33b: {  	v10 =	vmul.f32 v10, v12  }
0x33c: {  	v9 =	vadd.f32 v9, v11;
	v11 =	vor.u32 $0x1, v7  }
0x33d: {  	v14 =	vor.u32 $0x5, v7  }
0x33e: {  	v9 =	vadd.f32 v9, v10  }
0x33f: {  	v10 =	vor.u32 $0x1, v6  }
0x340: {  	[tilespmem:v4+s29+$0x0 ss:$0x1] =	vst.idx.msk $0xffff, v9  }
0x341: {  	v9 =	vld.idx.msk [tilespmem:v11+s17+$0x0], $0xffff;
	v11 =	vor.u32 $0x5, v6  }
0x342: {  	v14 =	vld.idx.msk [tilespmem:v14+s17+$0x0], $0xffff;
	_ =	sdelay $0x1  }
0x343: {  	v10 =	vld.idx.msk [tilespmem:v10+s17+$0x0], $0xffff;
	_ =	sdelay $0x1  }
0x344: {  	v11 =	vld.idx.msk [tilespmem:v11+s17+$0x0], $0xffff  }
0x345: {  	v9 =	vmul.f32 v9, v13  }
0x346: {  	v14 =	vmul.f32 v14, v8;
	_ =	sdelay $0x1  }
0x347: {  	v9 =	vadd.f32 v14, v9;
	v10 =	vmul.f32 v10, v5;
	_ =	sdelay $0x1  }
0x348: {  	v9 =	vadd.f32 v10, v9;
	v10 =	vmul.f32 v11, v12;
	v11 =	vor.u32 $0x2, v7  }
0x349: {  	v14 =	vor.u32 $0x6, v7  }
0x34a: {  	v9 =	vadd.f32 v10, v9  }
0x34b: {  	v10 =	vor.u32 $0x2, v6  }
0x34c: {  	[tilespmem:v4+s29+$0x80 ss:$0x1] =	vst.idx.msk $0xffff, v9  }
0x34d: {  	v9 =	vld.idx.msk [tilespmem:v11+s17+$0x0], $0xffff;
	v11 =	vor.u32 $0x6, v6  }
0x34e: {  	v14 =	vld.idx.msk [tilespmem:v14+s17+$0x0], $0xffff;
	_ =	sdelay $0x1  }
0x34f: {  	v10 =	vld.idx.msk [tilespmem:v10+s17+$0x0], $0xffff;
	_ =	sdelay $0x1  }
0x350: {  	v11 =	vld.idx.msk [tilespmem:v11+s17+$0x0], $0xffff  }
0x351: {  	v9 =	vmul.f32 v9, v13  }
0x352: {  	v14 =	vmul.f32 v14, v8;
	_ =	sdelay $0x1  }
0x353: {  	v9 =	vadd.f32 v14, v9;
	v10 =	vmul.f32 v10, v5;
	_ =	sdelay $0x1  }
0x354: {  	v9 =	vadd.f32 v10, v9;
	v10 =	vmul.f32 v11, v12;
	v11 =	vor.u32 $0x3, v7  }
0x355: {  	v7 =	vor.u32 $0x7, v7  }
0x356: {  	v9 =	vadd.f32 v10, v9  }
0x357: {  	v10 =	vor.u32 $0x3, v6  }
0x358: {  	[tilespmem:v4+s29+$0x100 ss:$0x1] =	vst.idx.msk $0xffff, v9  }
0x359: {  	v6 =	vor.u32 $0x7, v6;
	v9 =	vld.idx.msk [tilespmem:v11+s17+$0x0], $0xffff  }
0x35a: {  	v7 =	vld.idx.msk [tilespmem:v7+s17+$0x0], $0xffff;
	_ =	sdelay $0x1  }
0x35b: {  	v10 =	vld.idx.msk [tilespmem:v10+s17+$0x0], $0xffff;
	_ =	sdelay $0x1  }
0x35c: {  	v6 =	vld.idx.msk [tilespmem:v6+s17+$0x0], $0xffff  }
0x35d: {  	v9 =	vmul.f32 v9, v13  }
0x35e: {  	v7 =	vmul.f32 v7, v8;
	_ =	sdelay $0x1  }
0x35f: {  	v7 =	vadd.f32 v7, v9;
	v5 =	vmul.f32 v10, v5;
	_ =	sdelay $0x1  }
0x360: {  	v5 =	vadd.f32 v5, v7;
	v6 =	vmul.f32 v6, v12;
	_ =	sdelay $0x1  }
0x361: {  	v5 =	vadd.f32 v6, v5  }
0x362: {  	v6 =	vmov s24  }
0x363: {  	[tilespmem:v4+s29+$0x180 ss:$0x1] =	vst.idx.msk $0xffff, v5;
	v5 =	vshll.u32 v6, $0x3  }
0x364: {  	v7 =	vld.idx.msk [tilespmem:v2+s29+$0x10 ss:$0x1], $0xffff;
	v8 =	vor.u32 v0, v5  }
0x365: {  	v6 =	vld.idx.msk [tilespmem:v3+s29+$0x10 ss:$0x1], $0xffff;
	v9 =	vor.u32 $0x4, v8;
	_ =	sdelay $0x2  }
0x366: {  	v10 =	vor.u32 v1, v5;
	_ =	sdelay $0x1  }
0x367: {  	v11 =	vor.u32 $0x4, v10;
	v9 =	vld.idx.msk [tilespmem:v9+s17+$0x0], $0xffff  }
0x368: {  	v5 =	vmul.f32 v6, v7;
	v12 =	vld.idx.msk [tilespmem:v8+s17+$0x0], $0xffff;
	_ =	sdelay $0x1  }
0x369: {  	v13 =	vsub.f32 $1.000000000e+00, v7;
	v6 =	vsub.f32 v6, v5;
	v14 =	vld.idx.msk [tilespmem:v10+s17+$0x0], $0xffff;
	_ =	sdelay $0x1  }
0x36a: {  	v13 =	vsub.f32 v13, v6;
	v11 =	vld.idx.msk [tilespmem:v11+s17+$0x0], $0xffff;
	_ =	sdelay $0x1  }
0x36b: {  	v7 =	vsub.f32 v7, v5;
	v9 =	vmul.f32 v6, v9;
	v12 =	vmul.f32 v13, v12;
	_ =	sdelay $0x1  }
0x36c: {  	v9 =	vadd.f32 v12, v9;
	v12 =	vmul.f32 v14, v7;
	_ =	sdelay $0x1  }
0x36d: {  	v9 =	vadd.f32 v9, v12;
	v11 =	vmul.f32 v11, v5;
	v12 =	vor.u32 $0x1, v8  }
0x36e: {  	v14 =	vor.u32 $0x5, v8  }
0x36f: {  	v9 =	vadd.f32 v9, v11;
	v11 =	vor.u32 $0x1, v10  }
0x370: {  	v15 =	vor.u32 $0x5, v10  }
0x371: {  	[tilespmem:v4+s29+$0x10 ss:$0x1] =	vst.idx.msk $0xffff, v9  }
0x372: {  	v9 =	vld.idx.msk [tilespmem:v12+s17+$0x0], $0xffff  }
0x373: {  	v12 =	vld.idx.msk [tilespmem:v14+s17+$0x0], $0xffff  }
0x374: {  	v11 =	vld.idx.msk [tilespmem:v11+s17+$0x0], $0xffff  }
0x375: {  	v14 =	vld.idx.msk [tilespmem:v15+s17+$0x0], $0xffff;
	_ =	sdelay $0x2  }
0x376: {  	v9 =	vmul.f32 v9, v13  }
0x377: {  	v12 =	vmul.f32 v12, v6;
	_ =	sdelay $0x1  }
0x378: {  	v11 =	vmul.f32 v11, v7;
	v9 =	vadd.f32 v12, v9;
	v12 =	vmul.f32 v14, v5;
	_ =	sdelay $0x1  }
0x379: {  	v9 =	vadd.f32 v11, v9;
	v11 =	vor.u32 $0x6, v8  }
0x37a: {  	v14 =	vor.u32 $0x2, v8  }
0x37b: {  	v9 =	vadd.f32 v12, v9;
	v12 =	vor.u32 $0x2, v10  }
0x37c: {  	v15 =	vor.u32 $0x6, v10  }
0x37d: {  	[tilespmem:v4+s29+$0x90 ss:$0x1] =	vst.idx.msk $0xffff, v9  }
0x37e: {  	v9 =	vld.idx.msk [tilespmem:v11+s17+$0x0], $0xffff  }
0x37f: {  	v11 =	vld.idx.msk [tilespmem:v14+s17+$0x0], $0xffff  }
0x380: {  	v12 =	vld.idx.msk [tilespmem:v12+s17+$0x0], $0xffff  }
0x381: {  	v14 =	vld.idx.msk [tilespmem:v15+s17+$0x0], $0xffff;
	_ =	sdelay $0x2  }
0x382: {  	v9 =	vmul.f32 v9, v6  }
0x383: {  	v11 =	vmul.f32 v11, v13;
	_ =	sdelay $0x1  }
0x384: {  	v9 =	vadd.f32 v9, v11;
	v11 =	vmul.f32 v12, v7;
	v12 =	vmul.f32 v14, v5;
	_ =	sdelay $0x1  }
0x385: {  	v9 =	vadd.f32 v11, v9;
	v11 =	vor.u32 $0x3, v8  }
0x386: {  	v8 =	vor.u32 $0x7, v8  }
0x387: {  	v9 =	vadd.f32 v12, v9;
	v12 =	vor.u32 $0x3, v10  }
0x388: {  	v14 =	vor.u32 $0x7, v10  }
0x389: {  	[tilespmem:v4+s29+$0x110 ss:$0x1] =	vst.idx.msk $0xffff, v9  }
0x38a: {  	v11 =	vld.idx.msk [tilespmem:v11+s17+$0x0], $0xffff  }
0x38b: {  	v10 =	vld.idx.msk [tilespmem:v8+s17+$0x0], $0xffff  }
.Ltmp2:
0x38c: {  	v8 =	vld.idx.msk [tilespmem:v12+s17+$0x0], $0xffff;
	(pc) =	sbr.rel @p0 .LBB2_8-.Ltmp2, $2  }
0x38d: {  	v9 =	vld.idx.msk [tilespmem:v14+s17+$0x0], $0xffff;
	_ =	sdelay $0x2  }
0x38e: {  	v11 =	vmul.f32 v11, v13  }
0x38f: {  	v2 =	vmul.f32 v10, v6;
	_ =	sdelay $0x1  }
0x390: {  	v3 =	vmul.f32 v8, v7;
	s23 =	sadd.s32 $0x1, s23;
	v2 =	vadd.f32 v2, v11  }
0x391: {  	p0 =	sne.s32 s23, $0x10  }
.Ltmp3:
0x392: {  	v5 =	vmul.f32 v9, v5;
	v2 =	vadd.f32 v3, v2;
	(pc) =	sbr.rel @p0 .LBB2_7-.Ltmp3, $4  }
0x393: {  	_ = 	snop  }
0x394: {  	v2 =	vadd.f32 v5, v2  }
0x395: {  	s31 =	sadd.s32 $0x80, s31  }
0x396: {  	s25 =	sadd.s32 $0x80, s25;
	s26 =	sadd.s32 $0x200, s26;
	s28 =	sadd.s32 $0x80, s28;
	[tilespmem:v4+s29+$0x190 ss:$0x1] =	vst.idx.msk $0xffff, v2  }
0x397: {  	s0 =	sshll.u32 s21, $0xB  }
0x398: {  	s3 =	simm.s32 $0x0;
	s0 =	sadd.s32 s0, s7  }
0x399: {  	[hbm4b:s0+s3] =	stream.linear.scatter [tilespmem:s16], [sflag:$0x3], $0x2000, $0x38;
	[tilespmem:$0x1A000] =	vst v63  }
0x39a: {  	s31 =	sadd.s32 s4, s8;
	_ =	swait.ge [sflag:s14], $0x2000  }
0x39b: {  	s0 =	sshrl.u32 s31, $0x2;
	[sflag:s14] =	ssyncset.done $0x0  }
0x39c: {  	s0 =	sadd.s32 s1, s0;
	[sflag:s14] =	ssyncadd.s32 $0xFFFFE000  }
0x39d: {  	[tilespmem:s3], [sflag:$0x3] =	stream.linear.gather [hbm4b:s0+s3], $0x1000, $0x38;
	[tilespmem:$0x1A000] =	vst v63  }
0x39e: {  	_ =	swait.ge [sflag:s14], $0x1000  }
0x39f: {  	[sflag:s14] =	ssyncset.done $0x0  }
0x3a0: {  	s4 =	simm.s32 $0x80;
	[sflag:s14] =	ssyncadd.s32 $0xFFFFF000  }
0x3a1: {  	v2 =	vld [tilespmem:s4+$0xFFFFFF80]  }
0x3a2: {  	v3 =	vld [tilespmem:s4+$0x0];
	_ =	sdelay $0x3  }
0x3a3: {  	v2 =	vmax.f32 v2, $0.0e+00  }
0x3a4: {  	v3 =	vmax.f32 v3, $0.0e+00;
	v4 =	vtrunc.f32 v2  }
0x3a5: {  	v5 =	vtrunc.f32 v3;
	v4 =	vcvt.f32.s32 v4  }
0x3a6: {  	v5 =	vcvt.f32.s32 v5  }
0x3a7: {  	vm0 =	vlt.s32 v4, $0x1FE  }
0x3a8: {  	vm4 =	vlt.s32 v5, $0x1FE;
	v4 =	vnsel vm0, $0x1FE, v4  }
0x3a9: {  	v5 =	vnsel vm4, $0x1FE, v5;
	v6 =	vcvt.s32.f32 v4;
	v4 =	vshll.u32 v4, $0x9  }
0x3aa: {  	s23 =	simm.s32 $0x0;
	v7 =	vcvt.s32.f32 v5;
	v4 =	vadd.s32 v5, v4  }
0x3ab: {  	v2 =	vsub.f32 v2, v6;
	[tilespmem:s23+$0x4000] =	vst v4;
	v4 =	vadd.s32 $0x200, v4  }
0x3ac: {  	v3 =	vsub.f32 v3, v7;
	[tilespmem:s23+$0x4800] =	vst v4  }
0x3ad: {  	[tilespmem:s23+$0x2000] =	vst v2  }
0x3ae: {  	[tilespmem:s23+$0x3000] =	vst v3  }
0x3af: {  	v2 =	vld [tilespmem:s4+$0xFFFFFF90]  }
0x3b0: {  	v3 =	vld [tilespmem:s4+$0x10];
	_ =	sdelay $0x3  }
0x3b1: {  	v2 =	vmax.f32 v2, $0.0e+00  }
0x3b2: {  	v3 =	vmax.f32 v3, $0.0e+00;
	v4 =	vtrunc.f32 v2  }
0x3b3: {  	v5 =	vtrunc.f32 v3;
	v4 =	vcvt.f32.s32 v4  }
0x3b4: {  	v5 =	vcvt.f32.s32 v5  }
0x3b5: {  	vm5 =	vlt.s32 v4, $0x1FE  }
0x3b6: {  	vm6 =	vlt.s32 v5, $0x1FE;
	v4 =	vnsel vm5, $0x1FE, v4  }
0x3b7: {  	v5 =	vnsel vm6, $0x1FE, v5;
	v52 =	vcvt.s32.f32 v4;
	v4 =	vshll.u32 v4, $0x9  }
0x3b8: {  	v53 =	vcvt.s32.f32 v5;
	v4 =	vadd.s32 v5, v4  }
0x3b9: {  	v2 =	vsub.f32 v2, v52;
	[tilespmem:s23+$0x4010] =	vst v4;
	v4 =	vadd.s32 $0x200, v4  }
0x3ba: {  	v3 =	vsub.f32 v3, v53;
	[tilespmem:s23+$0x4810] =	vst v4  }
0x3bb: {  	[tilespmem:s23+$0x2010] =	vst v2  }
0x3bc: {  	[tilespmem:s23+$0x3010] =	vst v3  }
0x3bd: {  	v2 =	vld [tilespmem:s4+$0xFFFFFFA0]  }
0x3be: {  	v3 =	vld [tilespmem:s4+$0x20];
	_ =	sdelay $0x3  }
0x3bf: {  	v2 =	vmax.f32 v2, $0.0e+00  }
0x3c0: {  	v3 =	vmax.f32 v3, $0.0e+00;
	v4 =	vtrunc.f32 v2  }
0x3c1: {  	v5 =	vtrunc.f32 v3;
	v4 =	vcvt.f32.s32 v4  }
0x3c2: {  	v5 =	vcvt.f32.s32 v5  }
0x3c3: {  	vm7 =	vlt.s32 v4, $0x1FE  }
0x3c4: {  	vm8 =	vlt.s32 v5, $0x1FE;
	v4 =	vnsel vm7, $0x1FE, v4  }
0x3c5: {  	v5 =	vnsel vm8, $0x1FE, v5;
	v54 =	vcvt.s32.f32 v4;
	v4 =	vshll.u32 v4, $0x9  }
0x3c6: {  	v55 =	vcvt.s32.f32 v5;
	v4 =	vadd.s32 v5, v4  }
0x3c7: {  	v2 =	vsub.f32 v2, v54;
	[tilespmem:s23+$0x4020] =	vst v4;
	v4 =	vadd.s32 $0x200, v4  }
0x3c8: {  	v3 =	vsub.f32 v3, v55;
	[tilespmem:s23+$0x4820] =	vst v4  }
0x3c9: {  	[tilespmem:s23+$0x2020] =	vst v2  }
0x3ca: {  	[tilespmem:s23+$0x3020] =	vst v3  }
0x3cb: {  	v2 =	vld [tilespmem:s4+$0xFFFFFFB0]  }
0x3cc: {  	v3 =	vld [tilespmem:s4+$0x30];
	_ =	sdelay $0x3  }
0x3cd: {  	v2 =	vmax.f32 v2, $0.0e+00  }
0x3ce: {  	v3 =	vmax.f32 v3, $0.0e+00;
	v4 =	vtrunc.f32 v2  }
0x3cf: {  	v5 =	vtrunc.f32 v3;
	v4 =	vcvt.f32.s32 v4  }
0x3d0: {  	v5 =	vcvt.f32.s32 v5  }
0x3d1: {  	vm9 =	vlt.s32 v4, $0x1FE  }
0x3d2: {  	vm10 =	vlt.s32 v5, $0x1FE;
	v4 =	vnsel vm9, $0x1FE, v4  }
0x3d3: {  	v5 =	vnsel vm10, $0x1FE, v5;
	v56 =	vcvt.s32.f32 v4;
	v4 =	vshll.u32 v4, $0x9  }
0x3d4: {  	v57 =	vcvt.s32.f32 v5;
	v4 =	vadd.s32 v5, v4  }
0x3d5: {  	v2 =	vsub.f32 v2, v56;
	[tilespmem:s23+$0x4030] =	vst v4;
	v4 =	vadd.s32 $0x200, v4  }
0x3d6: {  	v3 =	vsub.f32 v3, v57;
	[tilespmem:s23+$0x4830] =	vst v4  }
0x3d7: {  	[tilespmem:s23+$0x2030] =	vst v2  }
0x3d8: {  	[tilespmem:s23+$0x3030] =	vst v3  }
0x3d9: {  	v2 =	vld [tilespmem:s4+$0xFFFFFFC0]  }
0x3da: {  	v3 =	vld [tilespmem:s4+$0x40];
	_ =	sdelay $0x3  }
0x3db: {  	v2 =	vmax.f32 v2, $0.0e+00  }
0x3dc: {  	v3 =	vmax.f32 v3, $0.0e+00;
	v4 =	vtrunc.f32 v2  }
0x3dd: {  	v5 =	vtrunc.f32 v3;
	v4 =	vcvt.f32.s32 v4  }
0x3de: {  	v5 =	vcvt.f32.s32 v5  }
0x3df: {  	vm11 =	vlt.s32 v4, $0x1FE  }
0x3e0: {  	vm1 =	vlt.s32 v5, $0x1FE;
	v4 =	vnsel vm11, $0x1FE, v4  }
0x3e1: {  	v5 =	vnsel vm1, $0x1FE, v5;
	v58 =	vcvt.s32.f32 v4;
	v4 =	vshll.u32 v4, $0x9  }
0x3e2: {  	v59 =	vcvt.s32.f32 v5;
	v4 =	vadd.s32 v5, v4  }
0x3e3: {  	v2 =	vsub.f32 v2, v58;
	[tilespmem:s23+$0x4040] =	vst v4;
	v4 =	vadd.s32 $0x200, v4  }
0x3e4: {  	v3 =	vsub.f32 v3, v59;
	[tilespmem:s23+$0x4840] =	vst v4  }
0x3e5: {  	[tilespmem:s23+$0x2040] =	vst v2  }
0x3e6: {  	[tilespmem:s23+$0x3040] =	vst v3  }
0x3e7: {  	v2 =	vld [tilespmem:s4+$0xFFFFFFD0]  }
0x3e8: {  	v3 =	vld [tilespmem:s4+$0x50];
	_ =	sdelay $0x3  }
0x3e9: {  	v2 =	vmax.f32 v2, $0.0e+00  }
0x3ea: {  	v3 =	vmax.f32 v3, $0.0e+00;
	v4 =	vtrunc.f32 v2  }
0x3eb: {  	v5 =	vtrunc.f32 v3;
	v4 =	vcvt.f32.s32 v4  }
0x3ec: {  	v5 =	vcvt.f32.s32 v5  }
0x3ed: {  	vm12 =	vlt.s32 v4, $0x1FE  }
0x3ee: {  	vm13 =	vlt.s32 v5, $0x1FE;
	v4 =	vnsel vm12, $0x1FE, v4  }
0x3ef: {  	v5 =	vnsel vm13, $0x1FE, v5;
	v60 =	vcvt.s32.f32 v4;
	v4 =	vshll.u32 v4, $0x9  }
0x3f0: {  	v61 =	vcvt.s32.f32 v5;
	v4 =	vadd.s32 v5, v4  }
0x3f1: {  	v2 =	vsub.f32 v2, v60;
	[tilespmem:s23+$0x4050] =	vst v4;
	v4 =	vadd.s32 $0x200, v4  }
0x3f2: {  	v3 =	vsub.f32 v3, v61;
	[tilespmem:s23+$0x4850] =	vst v4  }
0x3f3: {  	[tilespmem:s23+$0x2050] =	vst v2  }
0x3f4: {  	[tilespmem:s23+$0x3050] =	vst v3  }
0x3f5: {  	v2 =	vld [tilespmem:s4+$0xFFFFFFE0]  }
0x3f6: {  	v3 =	vld [tilespmem:s4+$0x60];
	_ =	sdelay $0x3  }
0x3f7: {  	v2 =	vmax.f32 v2, $0.0e+00  }
0x3f8: {  	v3 =	vmax.f32 v3, $0.0e+00;
	v4 =	vtrunc.f32 v2  }
0x3f9: {  	v5 =	vtrunc.f32 v3;
	v4 =	vcvt.f32.s32 v4  }
0x3fa: {  	v5 =	vcvt.f32.s32 v5  }
0x3fb: {  	vm14 =	vlt.s32 v4, $0x1FE  }
0x3fc: {  	vm15 =	vlt.s32 v5, $0x1FE;
	v4 =	vnsel vm14, $0x1FE, v4  }
0x3fd: {  	v5 =	vnsel vm15, $0x1FE, v5;
	v62 =	vcvt.s32.f32 v4;
	v4 =	vshll.u32 v4, $0x9  }
0x3fe: {  	v63 =	vcvt.s32.f32 v5;
	v4 =	vadd.s32 v5, v4  }
0x3ff: {  	v2 =	vsub.f32 v2, v62;
	[tilespmem:s23+$0x4060] =	vst v4;
	v4 =	vadd.s32 $0x200, v4  }
0x400: {  	v3 =	vsub.f32 v3, v63;
	[tilespmem:s23+$0x4860] =	vst v4  }
0x401: {  	[tilespmem:s23+$0x2060] =	vst v2  }
0x402: {  	[tilespmem:s23+$0x3060] =	vst v3  }
0x403: {  	v3 =	vld [tilespmem:s4+$0xFFFFFFF0]  }
0x404: {  	s24 =	simm.s32 $0x200;
	v2 =	vld [tilespmem:s4+$0x70]  }
.LBB2_11:
0x405: {  	_ =	sdelay $0x1  }
0x406: {  	p0 =	sne.s32 s24, $0x1E00  }
0x407: {  	s4 =	sadd.s32 $0x100, s4;
	s0 =	smov.u32 s24;
	s24 =	sadd.s32 $0x200, s24;
	v3 =	vmax.f32 v3, $0.0e+00  }
0x408: {  	v2 =	vmax.f32 v2, $0.0e+00;
	v4 =	vtrunc.f32 v3  }
0x409: {  	v4 =	vcvt.f32.s32 v4;
	v5 =	vtrunc.f32 v2  }
0x40a: {  	v5 =	vcvt.f32.s32 v5  }
0x40b: {  	vm0 =	vlt.s32 v4, $0x1FE  }
0x40c: {  	v4 =	vnsel vm0, $0x1FE, v4;
	vm0 =	vlt.s32 v5, $0x1FE  }
0x40d: {  	v5 =	vnsel vm0, $0x1FE, v5;
	v6 =	vcvt.s32.f32 v4;
	v4 =	vshll.u32 v4, $0x9  }
0x40e: {  	v7 =	vcvt.s32.f32 v5;
	v4 =	vadd.s32 v5, v4  }
0x40f: {  	v3 =	vsub.f32 v3, v6;
	[tilespmem:s23+$0x4070] =	vst v4;
	v4 =	vadd.s32 $0x200, v4  }
0x410: {  	v2 =	vsub.f32 v2, v7;
	[tilespmem:s23+$0x4870] =	vst v4  }
0x411: {  	[tilespmem:s23+$0x2070] =	vst v3  }
0x412: {  	[tilespmem:s23+$0x3070] =	vst v2  }
0x413: {  	v2 =	vld [tilespmem:s4+$0xFFFFFF80]  }
0x414: {  	v3 =	vld [tilespmem:s4+$0x0];
	_ =	sdelay $0x3  }
0x415: {  	v2 =	vmax.f32 v2, $0.0e+00  }
0x416: {  	v3 =	vmax.f32 v3, $0.0e+00;
	v4 =	vtrunc.f32 v2  }
0x417: {  	v4 =	vcvt.f32.s32 v4;
	v5 =	vtrunc.f32 v3  }
0x418: {  	v5 =	vcvt.f32.s32 v5  }
0x419: {  	vm0 =	vlt.s32 v4, $0x1FE  }
0x41a: {  	v4 =	vnsel vm0, $0x1FE, v4;
	vm0 =	vlt.s32 v5, $0x1FE  }
0x41b: {  	v5 =	vnsel vm0, $0x1FE, v5;
	v6 =	vcvt.s32.f32 v4;
	v4 =	vshll.u32 v4, $0x9  }
0x41c: {  	s23 =	sshra.s32 s0, $0x2;
	v7 =	vcvt.s32.f32 v5;
	v4 =	vadd.s32 v5, v4  }
0x41d: {  	v2 =	vsub.f32 v2, v6;
	[tilespmem:s23+$0x4000] =	vst v4;
	v4 =	vadd.s32 $0x200, v4  }
0x41e: {  	v3 =	vsub.f32 v3, v7;
	[tilespmem:s23+$0x4800] =	vst v4  }
0x41f: {  	[tilespmem:s23+$0x2000] =	vst v2  }
0x420: {  	[tilespmem:s23+$0x3000] =	vst v3  }
0x421: {  	v2 =	vld [tilespmem:s4+$0xFFFFFF90]  }
0x422: {  	v3 =	vld [tilespmem:s4+$0x10];
	_ =	sdelay $0x3  }
0x423: {  	v2 =	vmax.f32 v2, $0.0e+00  }
0x424: {  	v3 =	vmax.f32 v3, $0.0e+00;
	v4 =	vtrunc.f32 v2  }
0x425: {  	v4 =	vcvt.f32.s32 v4;
	v5 =	vtrunc.f32 v3  }
0x426: {  	v5 =	vcvt.f32.s32 v5  }
0x427: {  	vm0 =	vlt.s32 v4, $0x1FE  }
0x428: {  	v4 =	vnsel vm0, $0x1FE, v4;
	vm0 =	vlt.s32 v5, $0x1FE  }
0x429: {  	v5 =	vnsel vm0, $0x1FE, v5;
	v6 =	vcvt.s32.f32 v4;
	v4 =	vshll.u32 v4, $0x9  }
0x42a: {  	v7 =	vcvt.s32.f32 v5;
	v4 =	vadd.s32 v5, v4  }
0x42b: {  	v2 =	vsub.f32 v2, v6;
	[tilespmem:s23+$0x4010] =	vst v4;
	v4 =	vadd.s32 $0x200, v4  }
0x42c: {  	v3 =	vsub.f32 v3, v7;
	[tilespmem:s23+$0x4810] =	vst v4  }
0x42d: {  	[tilespmem:s23+$0x2010] =	vst v2  }
0x42e: {  	[tilespmem:s23+$0x3010] =	vst v3  }
0x42f: {  	v2 =	vld [tilespmem:s4+$0xFFFFFFA0]  }
0x430: {  	v3 =	vld [tilespmem:s4+$0x20];
	_ =	sdelay $0x3  }
0x431: {  	v2 =	vmax.f32 v2, $0.0e+00  }
0x432: {  	v3 =	vmax.f32 v3, $0.0e+00;
	v4 =	vtrunc.f32 v2  }
0x433: {  	v4 =	vcvt.f32.s32 v4;
	v5 =	vtrunc.f32 v3  }
0x434: {  	v5 =	vcvt.f32.s32 v5  }
0x435: {  	vm0 =	vlt.s32 v4, $0x1FE  }
0x436: {  	v4 =	vnsel vm0, $0x1FE, v4;
	vm0 =	vlt.s32 v5, $0x1FE  }
0x437: {  	v5 =	vnsel vm0, $0x1FE, v5;
	v6 =	vcvt.s32.f32 v4;
	v4 =	vshll.u32 v4, $0x9  }
0x438: {  	v7 =	vcvt.s32.f32 v5;
	v4 =	vadd.s32 v5, v4  }
0x439: {  	v2 =	vsub.f32 v2, v6;
	[tilespmem:s23+$0x4020] =	vst v4;
	v4 =	vadd.s32 $0x200, v4  }
0x43a: {  	v3 =	vsub.f32 v3, v7;
	[tilespmem:s23+$0x4820] =	vst v4  }
0x43b: {  	[tilespmem:s23+$0x2020] =	vst v2  }
0x43c: {  	[tilespmem:s23+$0x3020] =	vst v3  }
0x43d: {  	v2 =	vld [tilespmem:s4+$0xFFFFFFB0]  }
0x43e: {  	v3 =	vld [tilespmem:s4+$0x30];
	_ =	sdelay $0x3  }
0x43f: {  	v2 =	vmax.f32 v2, $0.0e+00  }
0x440: {  	v3 =	vmax.f32 v3, $0.0e+00;
	v4 =	vtrunc.f32 v2  }
0x441: {  	v4 =	vcvt.f32.s32 v4;
	v5 =	vtrunc.f32 v3  }
0x442: {  	v5 =	vcvt.f32.s32 v5  }
0x443: {  	vm0 =	vlt.s32 v4, $0x1FE  }
0x444: {  	v4 =	vnsel vm0, $0x1FE, v4;
	vm0 =	vlt.s32 v5, $0x1FE  }
0x445: {  	v5 =	vnsel vm0, $0x1FE, v5;
	v6 =	vcvt.s32.f32 v4;
	v4 =	vshll.u32 v4, $0x9  }
0x446: {  	v7 =	vcvt.s32.f32 v5;
	v4 =	vadd.s32 v5, v4  }
0x447: {  	v2 =	vsub.f32 v2, v6;
	[tilespmem:s23+$0x4030] =	vst v4;
	v4 =	vadd.s32 $0x200, v4  }
0x448: {  	v3 =	vsub.f32 v3, v7;
	[tilespmem:s23+$0x4830] =	vst v4  }
0x449: {  	[tilespmem:s23+$0x2030] =	vst v2  }
0x44a: {  	[tilespmem:s23+$0x3030] =	vst v3  }
0x44b: {  	v2 =	vld [tilespmem:s4+$0x40]  }
0x44c: {  	v3 =	vld [tilespmem:s4+$0xFFFFFFC0];
	_ =	sdelay $0x3  }
0x44d: {  	v2 =	vmax.f32 v2, $0.0e+00  }
0x44e: {  	v3 =	vmax.f32 v3, $0.0e+00;
	v4 =	vtrunc.f32 v2  }
0x44f: {  	v5 =	vtrunc.f32 v3;
	v4 =	vcvt.f32.s32 v4  }
0x450: {  	v5 =	vcvt.f32.s32 v5  }
0x451: {  	vm0 =	vlt.s32 v4, $0x1FE  }
0x452: {  	vm1 =	vlt.s32 v5, $0x1FE;
	v4 =	vnsel vm0, $0x1FE, v4  }
0x453: {  	v5 =	vnsel vm1, $0x1FE, v5;
	v6 =	vcvt.s32.f32 v4  }
0x454: {  	v7 =	vcvt.s32.f32 v5;
	v5 =	vshll.u32 v5, $0x9  }
0x455: {  	v2 =	vsub.f32 v2, v6;
	v4 =	vadd.s32 v4, v5  }
0x456: {  	v3 =	vsub.f32 v3, v7;
	[tilespmem:s23+$0x4040] =	vst v4;
	v4 =	vadd.s32 $0x200, v4  }
0x457: {  	[tilespmem:s23+$0x4840] =	vst v4  }
0x458: {  	[tilespmem:s23+$0x2040] =	vst v3  }
0x459: {  	[tilespmem:s23+$0x3040] =	vst v2  }
0x45a: {  	v2 =	vld [tilespmem:s4+$0xFFFFFFD0]  }
0x45b: {  	v3 =	vld [tilespmem:s4+$0x50];
	_ =	sdelay $0x3  }
0x45c: {  	v2 =	vmax.f32 v2, $0.0e+00  }
0x45d: {  	v3 =	vmax.f32 v3, $0.0e+00;
	v4 =	vtrunc.f32 v2  }
0x45e: {  	v4 =	vcvt.f32.s32 v4;
	v5 =	vtrunc.f32 v3  }
0x45f: {  	v5 =	vcvt.f32.s32 v5  }
0x460: {  	vm0 =	vlt.s32 v4, $0x1FE  }
0x461: {  	v4 =	vnsel vm0, $0x1FE, v4;
	vm0 =	vlt.s32 v5, $0x1FE  }
0x462: {  	v5 =	vnsel vm0, $0x1FE, v5;
	v6 =	vcvt.s32.f32 v4;
	v4 =	vshll.u32 v4, $0x9  }
0x463: {  	v7 =	vcvt.s32.f32 v5;
	v4 =	vadd.s32 v5, v4  }
0x464: {  	v2 =	vsub.f32 v2, v6;
	[tilespmem:s23+$0x4050] =	vst v4;
	v4 =	vadd.s32 $0x200, v4  }
0x465: {  	v3 =	vsub.f32 v3, v7;
	[tilespmem:s23+$0x4850] =	vst v4  }
0x466: {  	[tilespmem:s23+$0x2050] =	vst v2  }
0x467: {  	[tilespmem:s23+$0x3050] =	vst v3  }
0x468: {  	v2 =	vld [tilespmem:s4+$0xFFFFFFE0]  }
0x469: {  	v3 =	vld [tilespmem:s4+$0x60];
	_ =	sdelay $0x3  }
0x46a: {  	v2 =	vmax.f32 v2, $0.0e+00  }
0x46b: {  	v3 =	vmax.f32 v3, $0.0e+00;
	v4 =	vtrunc.f32 v2  }
0x46c: {  	v4 =	vcvt.f32.s32 v4;
	v5 =	vtrunc.f32 v3  }
0x46d: {  	v5 =	vcvt.f32.s32 v5  }
0x46e: {  	vm0 =	vlt.s32 v4, $0x1FE  }
0x46f: {  	v4 =	vnsel vm0, $0x1FE, v4;
	vm0 =	vlt.s32 v5, $0x1FE  }
0x470: {  	v5 =	vnsel vm0, $0x1FE, v5;
	v6 =	vcvt.s32.f32 v4;
	v4 =	vshll.u32 v4, $0x9  }
0x471: {  	v7 =	vcvt.s32.f32 v5;
	v4 =	vadd.s32 v5, v4  }
0x472: {  	v2 =	vsub.f32 v2, v6;
	[tilespmem:s23+$0x4060] =	vst v4;
	v4 =	vadd.s32 $0x200, v4  }
.Ltmp4:
0x473: {  	v3 =	vsub.f32 v3, v7;
	[tilespmem:s23+$0x4860] =	vst v4;
	(pc) =	sbr.rel @p0 .LBB2_11-.Ltmp4, $4  }
0x474: {  	[tilespmem:s23+$0x2060] =	vst v2  }
0x475: {  	[tilespmem:s23+$0x3060] =	vst v3  }
0x476: {  	v3 =	vld [tilespmem:s4+$0xFFFFFFF0]  }
0x477: {  	v2 =	vld [tilespmem:s4+$0x70]  }
0x478: {  	_ =	sdelay $0x2  }
0x479: {  	v3 =	vmax.f32 v3, $0.0e+00  }
0x47a: {  	v2 =	vmax.f32 v2, $0.0e+00;
	v4 =	vtrunc.f32 v3  }
0x47b: {  	v4 =	vcvt.f32.s32 v4;
	v5 =	vtrunc.f32 v2  }
0x47c: {  	v5 =	vcvt.f32.s32 v5  }
0x47d: {  	vm0 =	vlt.s32 v4, $0x1FE  }
0x47e: {  	v4 =	vnsel vm0, $0x1FE, v4;
	vm15 =	vlt.s32 v5, $0x1FE  }
0x47f: {  	v5 =	vnsel vm15, $0x1FE, v5;
	v6 =	vcvt.s32.f32 v4;
	v4 =	vshll.u32 v4, $0x9  }
0x480: {  	v7 =	vcvt.s32.f32 v5;
	v4 =	vadd.s32 v5, v4  }
0x481: {  	v3 =	vsub.f32 v3, v6;
	[tilespmem:s23+$0x4070] =	vst v4;
	v4 =	vadd.s32 $0x200, v4  }
0x482: {  	v2 =	vsub.f32 v2, v7;
	[tilespmem:s23+$0x4870] =	vst v4  }
0x483: {  	[tilespmem:s23+$0x2070] =	vst v3  }
0x484: {  	s0 =	simm.s32 $0x4000;
	[tilespmem:s23+$0x3070] =	vst v2  }
0x485: {  	[tilespmem:s17], [sflag:$0x1] =	stream.indirect.gather [hbm4b:s5+s15], $0x8, s0, s15, $0xb8;
	[tilespmem:$0x1A000] =	vst v63  }
0x486: {  	s31 =	simm.s32 $0x4080;
	s3 =	simm.s32 $0x6400  }
0x487: {  	[tilespmem:s3], [sflag:$0x1] =	stream.indirect.gather [hbm4b:s5+s15], $0x8, s31, s15, $0xb8;
	[tilespmem:$0x1A000] =	vst v63  }
0x488: {  	s4 =	simm.s32 $0x6800;
	s3 =	simm.s32 $0x4100  }
0x489: {  	[tilespmem:s4], [sflag:$0x1] =	stream.indirect.gather [hbm4b:s5+s15], $0x8, s3, s15, $0xb8;
	[tilespmem:$0x1A000] =	vst v63  }
0x48a: {  	s24 =	simm.s32 $0x6C00;
	s23 =	simm.s32 $0x4180  }
0x48b: {  	[tilespmem:s24], [sflag:$0x1] =	stream.indirect.gather [hbm4b:s5+s15], $0x8, s23, s15, $0xb8;
	[tilespmem:$0x1A000] =	vst v63  }
0x48c: {  	s25 =	simm.s32 $0x4200;
	s26 =	simm.s32 $0x7000  }
0x48d: {  	[tilespmem:s26], [sflag:$0x1] =	stream.indirect.gather [hbm4b:s5+s15], $0x8, s25, s15, $0xb8;
	[tilespmem:$0x1A000] =	vst v63  }
0x48e: {  	s28 =	simm.s32 $0x4280;
	s29 =	simm.s32 $0x7400  }
0x48f: {  	[tilespmem:s29], [sflag:$0x1] =	stream.indirect.gather [hbm4b:s5+s15], $0x8, s28, s15, $0xb8;
	[tilespmem:$0x1A000] =	vst v63  }
0x490: {  	s30 =	simm.s32 $0x4300;
	s31 =	simm.s32 $0x7800  }
0x491: {  	[tilespmem:s31], [sflag:$0x1] =	stream.indirect.gather [hbm4b:s5+s15], $0x8, s30, s15, $0xb8;
	[tilespmem:$0x1A000] =	vst v63  }
0x492: {  	s3 =	simm.s32 $0x4380;
	s4 =	simm.s32 $0x7C00  }
0x493: {  	[tilespmem:s4], [sflag:$0x1] =	stream.indirect.gather [hbm4b:s5+s15], $0x8, s3, s15, $0xb8;
	[tilespmem:$0x1A000] =	vst v63  }
0x494: {  	s23 =	simm.s32 $0x4400;
	s24 =	simm.s32 $0x8000  }
0x495: {  	[tilespmem:s24], [sflag:$0x1] =	stream.indirect.gather [hbm4b:s5+s15], $0x8, s23, s15, $0xb8;
	[tilespmem:$0x1A000] =	vst v63  }
0x496: {  	s25 =	simm.s32 $0x4480;
	s26 =	simm.s32 $0x8400  }
0x497: {  	[tilespmem:s26], [sflag:$0x1] =	stream.indirect.gather [hbm4b:s5+s15], $0x8, s25, s15, $0xb8;
	[tilespmem:$0x1A000] =	vst v63  }
0x498: {  	s28 =	simm.s32 $0x4500;
	s29 =	simm.s32 $0x8800  }
0x499: {  	[tilespmem:s29], [sflag:$0x1] =	stream.indirect.gather [hbm4b:s5+s15], $0x8, s28, s15, $0xb8;
	[tilespmem:$0x1A000] =	vst v63  }
0x49a: {  	s30 =	simm.s32 $0x4580;
	s31 =	simm.s32 $0x8C00  }
0x49b: {  	[tilespmem:s31], [sflag:$0x1] =	stream.indirect.gather [hbm4b:s5+s15], $0x8, s30, s15, $0xb8;
	[tilespmem:$0x1A000] =	vst v63  }
0x49c: {  	s3 =	simm.s32 $0x4600;
	s4 =	simm.s32 $0x9000  }
0x49d: {  	[tilespmem:s4], [sflag:$0x1] =	stream.indirect.gather [hbm4b:s5+s15], $0x8, s3, s15, $0xb8;
	[tilespmem:$0x1A000] =	vst v63  }
0x49e: {  	s23 =	simm.s32 $0x4680;
	s24 =	simm.s32 $0x9400  }
0x49f: {  	[tilespmem:s24], [sflag:$0x1] =	stream.indirect.gather [hbm4b:s5+s15], $0x8, s23, s15, $0xb8;
	[tilespmem:$0x1A000] =	vst v63  }
0x4a0: {  	s25 =	simm.s32 $0x4700;
	s26 =	simm.s32 $0x9800  }
0x4a1: {  	[tilespmem:s26], [sflag:$0x1] =	stream.indirect.gather [hbm4b:s5+s15], $0x8, s25, s15, $0xb8;
	[tilespmem:$0x1A000] =	vst v63  }
0x4a2: {  	s28 =	simm.s32 $0x4780;
	s29 =	simm.s32 $0x9C00  }
0x4a3: {  	[tilespmem:s29], [sflag:$0x1] =	stream.indirect.gather [hbm4b:s5+s15], $0x8, s28, s15, $0xb8;
	[tilespmem:$0x1A000] =	vst v63  }
0x4a4: {  	s30 =	simm.s32 $0x4800;
	s31 =	simm.s32 $0xA000  }
0x4a5: {  	[tilespmem:s31], [sflag:$0x1] =	stream.indirect.gather [hbm4b:s5+s15], $0x8, s30, s15, $0xb8;
	[tilespmem:$0x1A000] =	vst v63  }
0x4a6: {  	s3 =	simm.s32 $0x4880;
	s4 =	simm.s32 $0xA400  }
0x4a7: {  	[tilespmem:s4], [sflag:$0x1] =	stream.indirect.gather [hbm4b:s5+s15], $0x8, s3, s15, $0xb8;
	[tilespmem:$0x1A000] =	vst v63  }
0x4a8: {  	s23 =	simm.s32 $0x4900;
	s24 =	simm.s32 $0xA800  }
0x4a9: {  	[tilespmem:s24], [sflag:$0x1] =	stream.indirect.gather [hbm4b:s5+s15], $0x8, s23, s15, $0xb8;
	[tilespmem:$0x1A000] =	vst v63  }
0x4aa: {  	s25 =	simm.s32 $0x4980;
	s26 =	simm.s32 $0xAC00  }
0x4ab: {  	[tilespmem:s26], [sflag:$0x1] =	stream.indirect.gather [hbm4b:s5+s15], $0x8, s25, s15, $0xb8;
	[tilespmem:$0x1A000] =	vst v63  }
0x4ac: {  	s28 =	simm.s32 $0x4A00;
	s29 =	simm.s32 $0xB000  }
0x4ad: {  	[tilespmem:s29], [sflag:$0x1] =	stream.indirect.gather [hbm4b:s5+s15], $0x8, s28, s15, $0xb8;
	[tilespmem:$0x1A000] =	vst v63  }
0x4ae: {  	s30 =	simm.s32 $0x4A80;
	s31 =	simm.s32 $0xB400  }
0x4af: {  	[tilespmem:s31], [sflag:$0x1] =	stream.indirect.gather [hbm4b:s5+s15], $0x8, s30, s15, $0xb8;
	[tilespmem:$0x1A000] =	vst v63  }
0x4b0: {  	s3 =	simm.s32 $0x4B00;
	s4 =	simm.s32 $0xB800  }
0x4b1: {  	[tilespmem:s4], [sflag:$0x1] =	stream.indirect.gather [hbm4b:s5+s15], $0x8, s3, s15, $0xb8;
	[tilespmem:$0x1A000] =	vst v63  }
0x4b2: {  	s23 =	simm.s32 $0x4B80;
	s24 =	simm.s32 $0xBC00  }
0x4b3: {  	[tilespmem:s24], [sflag:$0x1] =	stream.indirect.gather [hbm4b:s5+s15], $0x8, s23, s15, $0xb8;
	[tilespmem:$0x1A000] =	vst v63  }
0x4b4: {  	s25 =	simm.s32 $0x4C00;
	s26 =	simm.s32 $0xC000  }
0x4b5: {  	[tilespmem:s26], [sflag:$0x1] =	stream.indirect.gather [hbm4b:s5+s15], $0x8, s25, s15, $0xb8;
	[tilespmem:$0x1A000] =	vst v63  }
0x4b6: {  	s28 =	simm.s32 $0x4C80;
	s29 =	simm.s32 $0xC400  }
0x4b7: {  	[tilespmem:s29], [sflag:$0x1] =	stream.indirect.gather [hbm4b:s5+s15], $0x8, s28, s15, $0xb8;
	[tilespmem:$0x1A000] =	vst v63  }
0x4b8: {  	s30 =	simm.s32 $0x4D00;
	s31 =	simm.s32 $0xC800  }
0x4b9: {  	[tilespmem:s31], [sflag:$0x1] =	stream.indirect.gather [hbm4b:s5+s15], $0x8, s30, s15, $0xb8;
	[tilespmem:$0x1A000] =	vst v63  }
0x4ba: {  	s3 =	simm.s32 $0x4D80;
	s4 =	simm.s32 $0xCC00  }
0x4bb: {  	[tilespmem:s4], [sflag:$0x1] =	stream.indirect.gather [hbm4b:s5+s15], $0x8, s3, s15, $0xb8;
	[tilespmem:$0x1A000] =	vst v63  }
0x4bc: {  	s23 =	simm.s32 $0x4E00;
	s24 =	simm.s32 $0xD000  }
0x4bd: {  	[tilespmem:s24], [sflag:$0x1] =	stream.indirect.gather [hbm4b:s5+s15], $0x8, s23, s15, $0xb8;
	[tilespmem:$0x1A000] =	vst v63  }
0x4be: {  	s25 =	simm.s32 $0x4E80;
	s26 =	simm.s32 $0xD400  }
0x4bf: {  	[tilespmem:s26], [sflag:$0x1] =	stream.indirect.gather [hbm4b:s5+s15], $0x8, s25, s15, $0xb8;
	[tilespmem:$0x1A000] =	vst v63  }
0x4c0: {  	s28 =	simm.s32 $0x4F00;
	s29 =	simm.s32 $0xD800  }
0x4c1: {  	[tilespmem:s29], [sflag:$0x1] =	stream.indirect.gather [hbm4b:s5+s15], $0x8, s28, s15, $0xb8;
	[tilespmem:$0x1A000] =	vst v63  }
0x4c2: {  	s30 =	simm.s32 $0x4F80;
	s31 =	simm.s32 $0xDC00  }
0x4c3: {  	[tilespmem:s31], [sflag:$0x1] =	stream.indirect.gather [hbm4b:s5+s15], $0x8, s30, s15, $0xb8;
	[tilespmem:$0x1A000] =	vst v63  }
0x4c4: {  	_ =	swait.ge [sflag:s18], $0x400  }
0x4c5: {  	[sflag:s18] =	ssyncset.done $0x0  }
0x4c6: {  	[sflag:s18] =	ssyncadd.s32 $0xFFFFFC00  }
0x4c7: {  	_ =	swait.ge [sflag:s18], $0x400  }
0x4c8: {  	[sflag:s18] =	ssyncset.done $0x0  }
0x4c9: {  	[sflag:s18] =	ssyncadd.s32 $0xFFFFFC00  }
0x4ca: {  	_ =	swait.ge [sflag:s18], $0x400  }
0x4cb: {  	[sflag:s18] =	ssyncset.done $0x0  }
0x4cc: {  	[sflag:s18] =	ssyncadd.s32 $0xFFFFFC00  }
0x4cd: {  	_ =	swait.ge [sflag:s18], $0x400  }
0x4ce: {  	[sflag:s18] =	ssyncset.done $0x0  }
0x4cf: {  	[sflag:s18] =	ssyncadd.s32 $0xFFFFFC00  }
0x4d0: {  	_ =	swait.ge [sflag:s18], $0x400  }
0x4d1: {  	[sflag:s18] =	ssyncset.done $0x0  }
0x4d2: {  	[sflag:s18] =	ssyncadd.s32 $0xFFFFFC00  }
0x4d3: {  	_ =	swait.ge [sflag:s18], $0x400  }
0x4d4: {  	[sflag:s18] =	ssyncset.done $0x0  }
0x4d5: {  	[sflag:s18] =	ssyncadd.s32 $0xFFFFFC00  }
0x4d6: {  	_ =	swait.ge [sflag:s18], $0x400  }
0x4d7: {  	[sflag:s18] =	ssyncset.done $0x0  }
0x4d8: {  	[sflag:s18] =	ssyncadd.s32 $0xFFFFFC00  }
0x4d9: {  	_ =	swait.ge [sflag:s18], $0x400  }
0x4da: {  	[sflag:s18] =	ssyncset.done $0x0  }
0x4db: {  	[sflag:s18] =	ssyncadd.s32 $0xFFFFFC00  }
0x4dc: {  	_ =	swait.ge [sflag:s18], $0x400  }
0x4dd: {  	[sflag:s18] =	ssyncset.done $0x0  }
0x4de: {  	[sflag:s18] =	ssyncadd.s32 $0xFFFFFC00  }
0x4df: {  	_ =	swait.ge [sflag:s18], $0x400  }
0x4e0: {  	[sflag:s18] =	ssyncset.done $0x0  }
0x4e1: {  	[sflag:s18] =	ssyncadd.s32 $0xFFFFFC00  }
0x4e2: {  	_ =	swait.ge [sflag:s18], $0x400  }
0x4e3: {  	[sflag:s18] =	ssyncset.done $0x0  }
0x4e4: {  	[sflag:s18] =	ssyncadd.s32 $0xFFFFFC00  }
0x4e5: {  	_ =	swait.ge [sflag:s18], $0x400  }
0x4e6: {  	[sflag:s18] =	ssyncset.done $0x0  }
0x4e7: {  	[sflag:s18] =	ssyncadd.s32 $0xFFFFFC00  }
0x4e8: {  	_ =	swait.ge [sflag:s18], $0x400  }
0x4e9: {  	[sflag:s18] =	ssyncset.done $0x0  }
0x4ea: {  	[sflag:s18] =	ssyncadd.s32 $0xFFFFFC00  }
0x4eb: {  	_ =	swait.ge [sflag:s18], $0x400  }
0x4ec: {  	[sflag:s18] =	ssyncset.done $0x0  }
0x4ed: {  	[sflag:s18] =	ssyncadd.s32 $0xFFFFFC00  }
0x4ee: {  	_ =	swait.ge [sflag:s18], $0x400  }
0x4ef: {  	[sflag:s18] =	ssyncset.done $0x0  }
0x4f0: {  	[sflag:s18] =	ssyncadd.s32 $0xFFFFFC00  }
0x4f1: {  	_ =	swait.ge [sflag:s18], $0x400  }
0x4f2: {  	[sflag:s18] =	ssyncset.done $0x0  }
0x4f3: {  	[sflag:s18] =	ssyncadd.s32 $0xFFFFFC00  }
0x4f4: {  	_ =	swait.ge [sflag:s18], $0x400  }
0x4f5: {  	[sflag:s18] =	ssyncset.done $0x0  }
0x4f6: {  	[sflag:s18] =	ssyncadd.s32 $0xFFFFFC00  }
0x4f7: {  	_ =	swait.ge [sflag:s18], $0x400  }
0x4f8: {  	[sflag:s18] =	ssyncset.done $0x0  }
0x4f9: {  	[sflag:s18] =	ssyncadd.s32 $0xFFFFFC00  }
0x4fa: {  	_ =	swait.ge [sflag:s18], $0x400  }
0x4fb: {  	[sflag:s18] =	ssyncset.done $0x0  }
0x4fc: {  	[sflag:s18] =	ssyncadd.s32 $0xFFFFFC00  }
0x4fd: {  	_ =	swait.ge [sflag:s18], $0x400  }
0x4fe: {  	[sflag:s18] =	ssyncset.done $0x0  }
0x4ff: {  	[sflag:s18] =	ssyncadd.s32 $0xFFFFFC00  }
0x500: {  	_ =	swait.ge [sflag:s18], $0x400  }
0x501: {  	[sflag:s18] =	ssyncset.done $0x0  }
0x502: {  	[sflag:s18] =	ssyncadd.s32 $0xFFFFFC00  }
0x503: {  	_ =	swait.ge [sflag:s18], $0x400  }
0x504: {  	[sflag:s18] =	ssyncset.done $0x0  }
0x505: {  	[sflag:s18] =	ssyncadd.s32 $0xFFFFFC00  }
0x506: {  	_ =	swait.ge [sflag:s18], $0x400  }
0x507: {  	[sflag:s18] =	ssyncset.done $0x0  }
0x508: {  	[sflag:s18] =	ssyncadd.s32 $0xFFFFFC00  }
0x509: {  	_ =	swait.ge [sflag:s18], $0x400  }
0x50a: {  	[sflag:s18] =	ssyncset.done $0x0  }
0x50b: {  	[sflag:s18] =	ssyncadd.s32 $0xFFFFFC00  }
0x50c: {  	_ =	swait.ge [sflag:s18], $0x400  }
0x50d: {  	[sflag:s18] =	ssyncset.done $0x0  }
0x50e: {  	[sflag:s18] =	ssyncadd.s32 $0xFFFFFC00  }
0x50f: {  	_ =	swait.ge [sflag:s18], $0x400  }
0x510: {  	[sflag:s18] =	ssyncset.done $0x0  }
0x511: {  	[sflag:s18] =	ssyncadd.s32 $0xFFFFFC00  }
0x512: {  	_ =	swait.ge [sflag:s18], $0x400  }
0x513: {  	[sflag:s18] =	ssyncset.done $0x0  }
0x514: {  	[sflag:s18] =	ssyncadd.s32 $0xFFFFFC00  }
0x515: {  	_ =	swait.ge [sflag:s18], $0x400  }
0x516: {  	[sflag:s18] =	ssyncset.done $0x0  }
0x517: {  	[sflag:s18] =	ssyncadd.s32 $0xFFFFFC00  }
0x518: {  	_ =	swait.ge [sflag:s18], $0x400  }
0x519: {  	[sflag:s18] =	ssyncset.done $0x0  }
0x51a: {  	[sflag:s18] =	ssyncadd.s32 $0xFFFFFC00  }
0x51b: {  	_ =	swait.ge [sflag:s18], $0x400  }
0x51c: {  	[sflag:s18] =	ssyncset.done $0x0  }
0x51d: {  	[sflag:s18] =	ssyncadd.s32 $0xFFFFFC00  }
0x51e: {  	_ =	swait.ge [sflag:s18], $0x400  }
0x51f: {  	[sflag:s18] =	ssyncset.done $0x0  }
0x520: {  	[sflag:s18] =	ssyncadd.s32 $0xFFFFFC00  }
0x521: {  	s4 =	simm.s32 $0x0;
	_ =	swait.ge [sflag:s18], $0x400  }
0x522: {  	s23 =	simm.s32 $0x10;
	s24 =	simm.s32 $0x3800;
	[sflag:s18] =	ssyncset.done $0x0  }
0x523: {  	s25 =	simm.s32 $0x18000;
	s26 =	simm.s32 $0x2800;
	[sflag:s18] =	ssyncadd.s32 $0xFFFFFC00  }
.LBB2_13:
0x524: {  	v2 =	vmov s26  }
0x525: {  	v3 =	vmov s24;
	_ =	sdelay $0x1  }
0x526: {  	s0 =	sadd.s32 $0xFFFFFFF0, s23  }
0x527: {  	s28 =	simm.s32 $0x0;
	v4 =	vmov s0  }
0x528: {  	v4 =	vshll.u32 v4, $0x3;
	v5 =	vld.idx.msk [tilespmem:v2+s28+$0x0 ss:$0x1], $0xffff  }
0x529: {  	v6 =	vor.u32 v0, v4;
	v7 =	vld.idx.msk [tilespmem:v3+s28+$0x0 ss:$0x1], $0xffff  }
0x52a: {  	v8 =	vor.u32 $0x4, v6;
	_ =	sdelay $0x1  }
0x52b: {  	v9 =	vor.u32 v1, v4;
	_ =	sdelay $0x1  }
0x52c: {  	v4 =	vor.u32 $0x4, v9;
	v10 =	vld.idx.msk [tilespmem:v6+s2+$0x0], $0xffff;
	v11 =	vmul.f32 v7, v5  }
0x52d: {  	v8 =	vld.idx.msk [tilespmem:v8+s2+$0x0], $0xffff  }
0x52e: {  	v12 =	vsub.f32 $1.000000000e+00, v5;
	v7 =	vsub.f32 v7, v11  }
0x52f: {  	v13 =	vld.idx.msk [tilespmem:v9+s2+$0x0], $0xffff  }
0x530: {  	v12 =	vsub.f32 v12, v7  }
0x531: {  	v14 =	vld.idx.msk [tilespmem:v4+s2+$0x0], $0xffff  }
0x532: {  	v5 =	vsub.f32 v5, v11;
	v4 =	vmul.f32 v7, v8;
	v8 =	vmul.f32 v12, v10;
	_ =	sdelay $0x1  }
0x533: {  	v10 =	vmul.f32 v13, v5;
	v8 =	vadd.f32 v8, v4  }
0x534: {  	v4 =	vmov s25  }
0x535: {  	v47 =	vmul.f32 v14, v11;
	v8 =	vadd.f32 v8, v10;
	v10 =	vor.u32 $0x1, v6  }
0x536: {  	v48 =	vor.u32 $0x5, v6  }
0x537: {  	v8 =	vadd.f32 v8, v47  }
0x538: {  	v49 =	vor.u32 $0x1, v9  }
0x539: {  	[tilespmem:v4+s28+$0x0 ss:$0x1] =	vst.idx.msk $0xffff, v8  }
0x53a: {  	v8 =	vld.idx.msk [tilespmem:v10+s2+$0x0], $0xffff;
	v10 =	vor.u32 $0x5, v9  }
0x53b: {  	v14 =	vld.idx.msk [tilespmem:v48+s2+$0x0], $0xffff;
	_ =	sdelay $0x1  }
0x53c: {  	v13 =	vld.idx.msk [tilespmem:v49+s2+$0x0], $0xffff;
	_ =	sdelay $0x1  }
0x53d: {  	v10 =	vld.idx.msk [tilespmem:v10+s2+$0x0], $0xffff  }
0x53e: {  	v8 =	vmul.f32 v8, v12;
	v14 =	vmul.f32 v14, v7;
	_ =	sdelay $0x1  }
0x53f: {  	v13 =	vmul.f32 v13, v5;
	v8 =	vadd.f32 v14, v8;
	_ =	sdelay $0x1  }
0x540: {  	v50 =	vor.u32 $0x2, v6;
	v8 =	vadd.f32 v13, v8;
	v10 =	vmul.f32 v10, v11  }
0x541: {  	v51 =	vor.u32 $0x6, v6  }
0x542: {  	v8 =	vadd.f32 v10, v8  }
0x543: {  	v10 =	vor.u32 $0x2, v9  }
0x544: {  	[tilespmem:v4+s28+$0x80 ss:$0x1] =	vst.idx.msk $0xffff, v8  }
0x545: {  	v52 =	vor.u32 $0x6, v9;
	v8 =	vld.idx.msk [tilespmem:v50+s2+$0x0], $0xffff  }
0x546: {  	v14 =	vld.idx.msk [tilespmem:v51+s2+$0x0], $0xffff;
	_ =	sdelay $0x1  }
0x547: {  	v10 =	vld.idx.msk [tilespmem:v10+s2+$0x0], $0xffff;
	_ =	sdelay $0x1  }
0x548: {  	v13 =	vld.idx.msk [tilespmem:v52+s2+$0x0], $0xffff  }
0x549: {  	v8 =	vmul.f32 v8, v12;
	v14 =	vmul.f32 v14, v7;
	_ =	sdelay $0x1  }
0x54a: {  	v8 =	vadd.f32 v14, v8;
	v10 =	vmul.f32 v10, v5;
	_ =	sdelay $0x1  }
0x54b: {  	v53 =	vor.u32 $0x7, v6;
	v8 =	vadd.f32 v10, v8;
	v10 =	vmul.f32 v13, v11  }
0x54c: {  	v6 =	vor.u32 $0x3, v6  }
0x54d: {  	v8 =	vadd.f32 v10, v8  }
0x54e: {  	v10 =	vor.u32 $0x3, v9  }
0x54f: {  	[tilespmem:v4+s28+$0x100 ss:$0x1] =	vst.idx.msk $0xffff, v8  }
0x550: {  	v9 =	vor.u32 $0x7, v9;
	v8 =	vld.idx.msk [tilespmem:v53+s2+$0x0], $0xffff  }
0x551: {  	v6 =	vld.idx.msk [tilespmem:v6+s2+$0x0], $0xffff;
	_ =	sdelay $0x1  }
0x552: {  	v10 =	vld.idx.msk [tilespmem:v10+s2+$0x0], $0xffff;
	_ =	sdelay $0x1  }
0x553: {  	v9 =	vld.idx.msk [tilespmem:v9+s2+$0x0], $0xffff  }
0x554: {  	v7 =	vmul.f32 v8, v7;
	v6 =	vmul.f32 v6, v12;
	_ =	sdelay $0x1  }
0x555: {  	v6 =	vadd.f32 v7, v6;
	v5 =	vmul.f32 v10, v5;
	_ =	sdelay $0x1  }
0x556: {  	v5 =	vadd.f32 v5, v6;
	v6 =	vmul.f32 v9, v11;
	_ =	sdelay $0x1  }
0x557: {  	v5 =	vadd.f32 v6, v5;
	_ =	sdelay $0x1  }
0x558: {  	v6 =	vmov s23;
	[tilespmem:v4+s28+$0x180 ss:$0x1] =	vst.idx.msk $0xffff, v5  }
0x559: {  	v5 =	vshll.u32 v6, $0x3;
	v7 =	vld.idx.msk [tilespmem:v2+s28+$0x10 ss:$0x1], $0xffff  }
0x55a: {  	v8 =	vor.u32 v0, v5;
	v6 =	vld.idx.msk [tilespmem:v3+s28+$0x10 ss:$0x1], $0xffff  }
0x55b: {  	v9 =	vor.u32 $0x4, v8;
	_ =	sdelay $0x1  }
0x55c: {  	v10 =	vor.u32 v1, v5;
	_ =	sdelay $0x1  }
0x55d: {  	v11 =	vor.u32 $0x4, v10;
	v5 =	vmul.f32 v6, v7;
	v54 =	vld.idx.msk [tilespmem:v8+s2+$0x0], $0xffff  }
0x55e: {  	v9 =	vld.idx.msk [tilespmem:v9+s2+$0x0], $0xffff  }
0x55f: {  	v55 =	vsub.f32 $1.000000000e+00, v7;
	v6 =	vsub.f32 v6, v5  }
0x560: {  	v56 =	vld.idx.msk [tilespmem:v10+s2+$0x0], $0xffff  }
0x561: {  	v13 =	vsub.f32 v55, v6  }
0x562: {  	v11 =	vld.idx.msk [tilespmem:v11+s2+$0x0], $0xffff  }
0x563: {  	v7 =	vsub.f32 v7, v5;
	v12 =	vmul.f32 v13, v54;
	v9 =	vmul.f32 v6, v9;
	_ =	sdelay $0x1  }
0x564: {  	v57 =	vmul.f32 v56, v7;
	v9 =	vadd.f32 v12, v9;
	_ =	sdelay $0x1  }
0x565: {  	v58 =	vor.u32 $0x1, v8;
	v11 =	vmul.f32 v11, v5;
	v9 =	vadd.f32 v9, v57  }
0x566: {  	v59 =	vor.u32 $0x5, v8  }
0x567: {  	v9 =	vadd.f32 v9, v11  }
0x568: {  	v11 =	vor.u32 $0x1, v10  }
0x569: {  	[tilespmem:v4+s28+$0x10 ss:$0x1] =	vst.idx.msk $0xffff, v9  }
0x56a: {  	v9 =	vor.u32 $0x5, v10;
	v12 =	vld.idx.msk [tilespmem:v58+s2+$0x0], $0xffff  }
0x56b: {  	v14 =	vld.idx.msk [tilespmem:v59+s2+$0x0], $0xffff;
	_ =	sdelay $0x1  }
0x56c: {  	v11 =	vld.idx.msk [tilespmem:v11+s2+$0x0], $0xffff;
	_ =	sdelay $0x1  }
0x56d: {  	v9 =	vld.idx.msk [tilespmem:v9+s2+$0x0], $0xffff  }
0x56e: {  	v12 =	vmul.f32 v12, v13;
	v14 =	vmul.f32 v14, v6;
	_ =	sdelay $0x1  }
0x56f: {  	v12 =	vadd.f32 v14, v12;
	v11 =	vmul.f32 v11, v7;
	_ =	sdelay $0x1  }
0x570: {  	v60 =	vor.u32 $0x2, v8;
	v9 =	vmul.f32 v9, v5;
	v11 =	vadd.f32 v11, v12  }
0x571: {  	v61 =	vor.u32 $0x6, v8  }
0x572: {  	v9 =	vadd.f32 v9, v11  }
0x573: {  	v11 =	vor.u32 $0x2, v10  }
0x574: {  	[tilespmem:v4+s28+$0x90 ss:$0x1] =	vst.idx.msk $0xffff, v9  }
0x575: {  	v9 =	vor.u32 $0x6, v10;
	v12 =	vld.idx.msk [tilespmem:v60+s2+$0x0], $0xffff  }
0x576: {  	v14 =	vld.idx.msk [tilespmem:v61+s2+$0x0], $0xffff;
	_ =	sdelay $0x1  }
0x577: {  	v11 =	vld.idx.msk [tilespmem:v11+s2+$0x0], $0xffff;
	_ =	sdelay $0x1  }
0x578: {  	v9 =	vld.idx.msk [tilespmem:v9+s2+$0x0], $0xffff  }
0x579: {  	v12 =	vmul.f32 v12, v13;
	v14 =	vmul.f32 v14, v6;
	_ =	sdelay $0x1  }
0x57a: {  	v12 =	vadd.f32 v14, v12;
	v11 =	vmul.f32 v11, v7;
	_ =	sdelay $0x1  }
0x57b: {  	v62 =	vor.u32 $0x3, v8;
	v9 =	vmul.f32 v9, v5;
	v11 =	vadd.f32 v11, v12;
	_ =	sdelay $0x1  }
0x57c: {  	v8 =	vor.u32 $0x7, v8;
	v9 =	vadd.f32 v9, v11  }
0x57d: {  	v11 =	vor.u32 $0x3, v10  }
0x57e: {  	v63 =	vor.u32 $0x7, v10;
	[tilespmem:v4+s28+$0x110 ss:$0x1] =	vst.idx.msk $0xffff, v9  }
0x57f: {  	v12 =	vld.idx.msk [tilespmem:v62+s2+$0x0], $0xffff;
	_ =	sdelay $0x1  }
0x580: {  	v10 =	vld.idx.msk [tilespmem:v8+s2+$0x0], $0xffff  }
0x581: {  	v9 =	vld.idx.msk [tilespmem:v11+s2+$0x0], $0xffff  }
0x582: {  	v8 =	vld.idx.msk [tilespmem:v63+s2+$0x0], $0xffff  }
0x583: {  	s29 =	simm.s32 $0x80;
	s30 =	smov.u32 s23;
	v11 =	vmul.f32 v12, v13  }
.LBB2_14:
0x584: {  	p0 =	sne.s32 s29, $0x180  }
0x585: {  	v6 =	vmul.f32 v10, v6;
	s30 =	sadd.s32 $0x20, s30;
	s0 =	smov.u32 s29;
	s29 =	sadd.s32 $0x80, s29  }
0x586: {  	v7 =	vmul.f32 v9, v7  }
0x587: {  	v5 =	vmul.f32 v8, v5;
	v6 =	vadd.f32 v6, v11;
	_ =	sdelay $0x1  }
0x588: {  	v6 =	vadd.f32 v7, v6;
	_ =	sdelay $0x1  }
0x589: {  	s3 =	sadd.s32 $0xFFFFFFF0, s30;
	v5 =	vadd.f32 v5, v6  }
0x58a: {  	v6 =	vmov s3  }
0x58b: {  	v6 =	vshll.u32 v6, $0x3;
	[tilespmem:v4+s28+$0x190 ss:$0x1] =	vst.idx.msk $0xffff, v5;
	s28 =	sshra.s32 s0, $0x2  }
0x58c: {  	v7 =	vor.u32 v0, v6;
	v6 =	vor.u32 v1, v6;
	v5 =	vld.idx.msk [tilespmem:v2+s28+$0x0 ss:$0x1], $0xffff  }
0x58d: {  	v9 =	vor.u32 $0x4, v7;
	v10 =	vor.u32 $0x4, v6;
	v8 =	vld.idx.msk [tilespmem:v3+s28+$0x0 ss:$0x1], $0xffff;
	_ =	sdelay $0x3  }
0x58e: {  	v11 =	vld.idx.msk [tilespmem:v7+s2+$0x0], $0xffff  }
0x58f: {  	v9 =	vld.idx.msk [tilespmem:v9+s2+$0x0], $0xffff  }
0x590: {  	v12 =	vmul.f32 v8, v5  }
0x591: {  	v13 =	vsub.f32 $1.000000000e+00, v5;
	v14 =	vld.idx.msk [tilespmem:v6+s2+$0x0], $0xffff  }
0x592: {  	v8 =	vsub.f32 v8, v12  }
0x593: {  	v10 =	vld.idx.msk [tilespmem:v10+s2+$0x0], $0xffff  }
0x594: {  	v13 =	vsub.f32 v13, v8  }
0x595: {  	v9 =	vmul.f32 v8, v9  }
0x596: {  	v5 =	vsub.f32 v5, v12;
	v11 =	vmul.f32 v13, v11;
	_ =	sdelay $0x1  }
0x597: {  	v9 =	vadd.f32 v11, v9;
	v11 =	vmul.f32 v14, v5  }
0x598: {  	v10 =	vmul.f32 v10, v12  }
0x599: {  	v9 =	vadd.f32 v9, v11;
	v11 =	vor.u32 $0x1, v7  }
0x59a: {  	v14 =	vor.u32 $0x5, v7  }
0x59b: {  	v9 =	vadd.f32 v9, v10  }
0x59c: {  	v10 =	vor.u32 $0x1, v6  }
0x59d: {  	[tilespmem:v4+s28+$0x0 ss:$0x1] =	vst.idx.msk $0xffff, v9  }
0x59e: {  	v9 =	vld.idx.msk [tilespmem:v11+s2+$0x0], $0xffff;
	v11 =	vor.u32 $0x5, v6  }
0x59f: {  	v14 =	vld.idx.msk [tilespmem:v14+s2+$0x0], $0xffff;
	_ =	sdelay $0x1  }
0x5a0: {  	v10 =	vld.idx.msk [tilespmem:v10+s2+$0x0], $0xffff;
	_ =	sdelay $0x1  }
0x5a1: {  	v11 =	vld.idx.msk [tilespmem:v11+s2+$0x0], $0xffff  }
0x5a2: {  	v9 =	vmul.f32 v9, v13  }
0x5a3: {  	v14 =	vmul.f32 v14, v8;
	_ =	sdelay $0x1  }
0x5a4: {  	v9 =	vadd.f32 v14, v9;
	v10 =	vmul.f32 v10, v5;
	_ =	sdelay $0x1  }
0x5a5: {  	v9 =	vadd.f32 v10, v9;
	v10 =	vmul.f32 v11, v12;
	v11 =	vor.u32 $0x2, v7  }
0x5a6: {  	v14 =	vor.u32 $0x6, v7  }
0x5a7: {  	v9 =	vadd.f32 v10, v9  }
0x5a8: {  	v10 =	vor.u32 $0x2, v6  }
0x5a9: {  	[tilespmem:v4+s28+$0x80 ss:$0x1] =	vst.idx.msk $0xffff, v9  }
0x5aa: {  	v9 =	vld.idx.msk [tilespmem:v11+s2+$0x0], $0xffff;
	v11 =	vor.u32 $0x6, v6  }
0x5ab: {  	v14 =	vld.idx.msk [tilespmem:v14+s2+$0x0], $0xffff;
	_ =	sdelay $0x1  }
0x5ac: {  	v10 =	vld.idx.msk [tilespmem:v10+s2+$0x0], $0xffff;
	_ =	sdelay $0x1  }
0x5ad: {  	v11 =	vld.idx.msk [tilespmem:v11+s2+$0x0], $0xffff  }
0x5ae: {  	v9 =	vmul.f32 v9, v13  }
0x5af: {  	v14 =	vmul.f32 v14, v8;
	_ =	sdelay $0x1  }
0x5b0: {  	v9 =	vadd.f32 v14, v9;
	v10 =	vmul.f32 v10, v5;
	_ =	sdelay $0x1  }
0x5b1: {  	v9 =	vadd.f32 v10, v9;
	v10 =	vmul.f32 v11, v12;
	v11 =	vor.u32 $0x7, v7  }
0x5b2: {  	v7 =	vor.u32 $0x3, v7  }
0x5b3: {  	v9 =	vadd.f32 v10, v9;
	v10 =	vor.u32 $0x3, v6;
	_ =	sdelay $0x1  }
0x5b4: {  	[tilespmem:v4+s28+$0x100 ss:$0x1] =	vst.idx.msk $0xffff, v9  }
0x5b5: {  	v6 =	vor.u32 $0x7, v6;
	v9 =	vld.idx.msk [tilespmem:v11+s2+$0x0], $0xffff  }
0x5b6: {  	v7 =	vld.idx.msk [tilespmem:v7+s2+$0x0], $0xffff  }
0x5b7: {  	v10 =	vld.idx.msk [tilespmem:v10+s2+$0x0], $0xffff;
	_ =	sdelay $0x2  }
0x5b8: {  	v6 =	vld.idx.msk [tilespmem:v6+s2+$0x0], $0xffff  }
0x5b9: {  	v8 =	vmul.f32 v9, v8  }
0x5ba: {  	v7 =	vmul.f32 v7, v13;
	_ =	sdelay $0x1  }
0x5bb: {  	v5 =	vmul.f32 v10, v5;
	v7 =	vadd.f32 v8, v7;
	_ =	sdelay $0x1  }
0x5bc: {  	v5 =	vadd.f32 v5, v7;
	v6 =	vmul.f32 v6, v12;
	_ =	sdelay $0x1  }
0x5bd: {  	v5 =	vadd.f32 v6, v5  }
0x5be: {  	v6 =	vmov s30  }
0x5bf: {  	[tilespmem:v4+s28+$0x180 ss:$0x1] =	vst.idx.msk $0xffff, v5;
	v5 =	vshll.u32 v6, $0x3  }
0x5c0: {  	v7 =	vld.idx.msk [tilespmem:v2+s28+$0x10 ss:$0x1], $0xffff;
	v8 =	vor.u32 v0, v5  }
0x5c1: {  	v6 =	vld.idx.msk [tilespmem:v3+s28+$0x10 ss:$0x1], $0xffff;
	v9 =	vor.u32 $0x4, v8;
	_ =	sdelay $0x2  }
0x5c2: {  	v10 =	vor.u32 v1, v5;
	_ =	sdelay $0x1  }
0x5c3: {  	v11 =	vor.u32 $0x4, v10;
	v9 =	vld.idx.msk [tilespmem:v9+s2+$0x0], $0xffff  }
0x5c4: {  	v5 =	vmul.f32 v6, v7;
	v12 =	vld.idx.msk [tilespmem:v8+s2+$0x0], $0xffff;
	_ =	sdelay $0x1  }
0x5c5: {  	v13 =	vsub.f32 $1.000000000e+00, v7;
	v6 =	vsub.f32 v6, v5;
	v14 =	vld.idx.msk [tilespmem:v10+s2+$0x0], $0xffff;
	_ =	sdelay $0x1  }
0x5c6: {  	v13 =	vsub.f32 v13, v6;
	v11 =	vld.idx.msk [tilespmem:v11+s2+$0x0], $0xffff;
	_ =	sdelay $0x1  }
0x5c7: {  	v7 =	vsub.f32 v7, v5;
	v9 =	vmul.f32 v6, v9;
	v12 =	vmul.f32 v13, v12;
	_ =	sdelay $0x1  }
0x5c8: {  	v9 =	vadd.f32 v12, v9;
	v12 =	vmul.f32 v14, v7;
	_ =	sdelay $0x1  }
0x5c9: {  	v9 =	vadd.f32 v9, v12;
	v11 =	vmul.f32 v11, v5;
	v12 =	vor.u32 $0x1, v8  }
0x5ca: {  	v14 =	vor.u32 $0x5, v8  }
0x5cb: {  	v9 =	vadd.f32 v9, v11;
	v11 =	vor.u32 $0x1, v10  }
0x5cc: {  	v15 =	vor.u32 $0x5, v10  }
0x5cd: {  	[tilespmem:v4+s28+$0x10 ss:$0x1] =	vst.idx.msk $0xffff, v9  }
0x5ce: {  	v9 =	vld.idx.msk [tilespmem:v12+s2+$0x0], $0xffff  }
0x5cf: {  	v12 =	vld.idx.msk [tilespmem:v14+s2+$0x0], $0xffff  }
0x5d0: {  	v11 =	vld.idx.msk [tilespmem:v11+s2+$0x0], $0xffff  }
0x5d1: {  	v14 =	vld.idx.msk [tilespmem:v15+s2+$0x0], $0xffff;
	_ =	sdelay $0x2  }
0x5d2: {  	v9 =	vmul.f32 v9, v13  }
0x5d3: {  	v12 =	vmul.f32 v12, v6;
	_ =	sdelay $0x1  }
0x5d4: {  	v11 =	vmul.f32 v11, v7;
	v9 =	vadd.f32 v12, v9;
	v12 =	vmul.f32 v14, v5;
	_ =	sdelay $0x1  }
0x5d5: {  	v9 =	vadd.f32 v11, v9;
	v11 =	vor.u32 $0x2, v8  }
0x5d6: {  	v14 =	vor.u32 $0x6, v8  }
0x5d7: {  	v9 =	vadd.f32 v12, v9;
	v12 =	vor.u32 $0x2, v10  }
0x5d8: {  	v15 =	vor.u32 $0x6, v10  }
0x5d9: {  	[tilespmem:v4+s28+$0x90 ss:$0x1] =	vst.idx.msk $0xffff, v9  }
0x5da: {  	v9 =	vld.idx.msk [tilespmem:v11+s2+$0x0], $0xffff  }
0x5db: {  	v11 =	vld.idx.msk [tilespmem:v14+s2+$0x0], $0xffff  }
0x5dc: {  	v12 =	vld.idx.msk [tilespmem:v12+s2+$0x0], $0xffff  }
0x5dd: {  	v14 =	vld.idx.msk [tilespmem:v15+s2+$0x0], $0xffff;
	_ =	sdelay $0x2  }
0x5de: {  	v9 =	vmul.f32 v9, v13  }
0x5df: {  	v11 =	vmul.f32 v11, v6;
	_ =	sdelay $0x1  }
0x5e0: {  	v9 =	vadd.f32 v11, v9;
	v11 =	vmul.f32 v12, v7;
	v12 =	vmul.f32 v14, v5;
	_ =	sdelay $0x1  }
0x5e1: {  	v9 =	vadd.f32 v11, v9;
	v11 =	vor.u32 $0x3, v8  }
0x5e2: {  	v8 =	vor.u32 $0x7, v8  }
0x5e3: {  	v9 =	vadd.f32 v12, v9;
	v12 =	vor.u32 $0x3, v10  }
0x5e4: {  	v14 =	vor.u32 $0x7, v10  }
0x5e5: {  	[tilespmem:v4+s28+$0x110 ss:$0x1] =	vst.idx.msk $0xffff, v9  }
0x5e6: {  	v11 =	vld.idx.msk [tilespmem:v11+s2+$0x0], $0xffff  }
0x5e7: {  	v10 =	vld.idx.msk [tilespmem:v8+s2+$0x0], $0xffff  }
.Ltmp5:
0x5e8: {  	v9 =	vld.idx.msk [tilespmem:v12+s2+$0x0], $0xffff;
	(pc) =	sbr.rel @p0 .LBB2_14-.Ltmp5, $2  }
0x5e9: {  	v8 =	vld.idx.msk [tilespmem:v14+s2+$0x0], $0xffff;
	_ =	sdelay $0x2  }
0x5ea: {  	v11 =	vmul.f32 v11, v13  }
0x5eb: {  	v2 =	vmul.f32 v10, v6;
	_ =	sdelay $0x1  }
0x5ec: {  	v3 =	vmul.f32 v9, v7;
	s4 =	sadd.s32 $0x1, s4;
	v2 =	vadd.f32 v2, v11  }
0x5ed: {  	p0 =	sne.s32 s4, $0x10  }
.Ltmp6:
0x5ee: {  	v5 =	vmul.f32 v8, v5;
	v2 =	vadd.f32 v3, v2;
	(pc) =	sbr.rel @p0 .LBB2_13-.Ltmp6, $4  }
0x5ef: {  	_ = 	snop  }
0x5f0: {  	v2 =	vadd.f32 v5, v2  }
0x5f1: {  	s23 =	sadd.s32 $0x80, s23  }
0x5f2: {  	s24 =	sadd.s32 $0x80, s24;
	s25 =	sadd.s32 $0x200, s25;
	s26 =	sadd.s32 $0x80, s26;
	[tilespmem:v4+s28+$0x190 ss:$0x1] =	vst.idx.msk $0xffff, v2  }
0x5f3: {  	s21 =	sadd.s32 $0x1, s21  }
0x5f4: {  	s0 =	sshrl.u32 s22, $0x1;
	s3 =	rddreg [dreg:$0x2];
	p0 =	sne.s32 s21, $0x1F  }
.Ltmp7:
0x5f5: {  	s28 =	simm.s32 $0x0;
	s0 =	sadd.s32 s3, s0;
	(pc) =	sbr.rel @p0 .LBB2_4-.Ltmp7, $4  }
0x5f6: {  	[hbm4b:s0+s28] =	stream.linear.scatter [tilespmem:s19], [sflag:$0x3], $0x2000, $0x38;
	[tilespmem:$0x1A000] =	vst v63  }
0x5f7: {  	_ =	swait.ge [sflag:s14], $0x2000  }
0x5f8: {  	[sflag:s14] =	ssyncset.done $0x0  }
0x5f9: {  	[sflag:s14] =	ssyncadd.s32 $0xFFFFE000  }
0x5fa: {  	s0 =	simm.s32 $0x0;
	s3 =	rddreg [dreg:$0x5];
	s4 =	simm.s32 $0x1000  }
0x5fb: {  	[tilespmem:s4], [sflag:$0x3] =	stream.linear.gather [hbm4b:s3+s0], $0x1000, $0x38;
	[tilespmem:$0x1A000] =	vst v63  }
0x5fc: {  	_ =	swait.ge [sflag:s14], $0x1000  }
0x5fd: {  	[sflag:s14] =	ssyncset.done $0x0  }
0x5fe: {  	s4 =	simm.s32 $0x1080;
	[sflag:s14] =	ssyncadd.s32 $0xFFFFF000  }
0x5ff: {  	v2 =	vld [tilespmem:s4+$0xFFFFFF80]  }
0x600: {  	v3 =	vld [tilespmem:s4+$0x0];
	_ =	sdelay $0x3  }
0x601: {  	v2 =	vmax.f32 v2, $0.0e+00  }
0x602: {  	v3 =	vmax.f32 v3, $0.0e+00;
	v4 =	vtrunc.f32 v2  }
0x603: {  	v5 =	vtrunc.f32 v3;
	v4 =	vcvt.f32.s32 v4  }
0x604: {  	v5 =	vcvt.f32.s32 v5  }
0x605: {  	vm0 =	vlt.s32 v4, $0x1FE  }
0x606: {  	vm4 =	vlt.s32 v5, $0x1FE;
	v4 =	vnsel vm0, $0x1FE, v4  }
0x607: {  	v5 =	vnsel vm4, $0x1FE, v5;
	v6 =	vcvt.s32.f32 v4;
	v4 =	vshll.u32 v4, $0x9  }
0x608: {  	s20 =	simm.s32 $0x0;
	v7 =	vcvt.s32.f32 v5;
	v4 =	vadd.s32 v5, v4  }
0x609: {  	v2 =	vsub.f32 v2, v6;
	[tilespmem:s20+$0x5000] =	vst v4;
	v4 =	vadd.s32 $0x200, v4  }
0x60a: {  	v3 =	vsub.f32 v3, v7;
	[tilespmem:s20+$0x5800] =	vst v4  }
0x60b: {  	[tilespmem:s20+$0x2800] =	vst v2  }
0x60c: {  	[tilespmem:s20+$0x3800] =	vst v3  }
0x60d: {  	v2 =	vld [tilespmem:s4+$0xFFFFFF90]  }
0x60e: {  	v3 =	vld [tilespmem:s4+$0x10];
	_ =	sdelay $0x3  }
0x60f: {  	v2 =	vmax.f32 v2, $0.0e+00  }
0x610: {  	v3 =	vmax.f32 v3, $0.0e+00;
	v4 =	vtrunc.f32 v2  }
0x611: {  	v5 =	vtrunc.f32 v3;
	v4 =	vcvt.f32.s32 v4  }
0x612: {  	v5 =	vcvt.f32.s32 v5  }
0x613: {  	vm5 =	vlt.s32 v4, $0x1FE  }
0x614: {  	vm6 =	vlt.s32 v5, $0x1FE;
	v4 =	vnsel vm5, $0x1FE, v4  }
0x615: {  	v5 =	vnsel vm6, $0x1FE, v5;
	v52 =	vcvt.s32.f32 v4;
	v4 =	vshll.u32 v4, $0x9  }
0x616: {  	v53 =	vcvt.s32.f32 v5;
	v4 =	vadd.s32 v5, v4  }
0x617: {  	v2 =	vsub.f32 v2, v52;
	[tilespmem:s20+$0x5010] =	vst v4;
	v4 =	vadd.s32 $0x200, v4  }
0x618: {  	v3 =	vsub.f32 v3, v53;
	[tilespmem:s20+$0x5810] =	vst v4  }
0x619: {  	[tilespmem:s20+$0x2810] =	vst v2  }
0x61a: {  	[tilespmem:s20+$0x3810] =	vst v3  }
0x61b: {  	v2 =	vld [tilespmem:s4+$0xFFFFFFA0]  }
0x61c: {  	v3 =	vld [tilespmem:s4+$0x20];
	_ =	sdelay $0x3  }
0x61d: {  	v2 =	vmax.f32 v2, $0.0e+00  }
0x61e: {  	v3 =	vmax.f32 v3, $0.0e+00;
	v4 =	vtrunc.f32 v2  }
0x61f: {  	v5 =	vtrunc.f32 v3;
	v4 =	vcvt.f32.s32 v4  }
0x620: {  	v5 =	vcvt.f32.s32 v5  }
0x621: {  	vm7 =	vlt.s32 v4, $0x1FE  }
0x622: {  	vm8 =	vlt.s32 v5, $0x1FE;
	v4 =	vnsel vm7, $0x1FE, v4  }
0x623: {  	v5 =	vnsel vm8, $0x1FE, v5;
	v54 =	vcvt.s32.f32 v4;
	v4 =	vshll.u32 v4, $0x9  }
0x624: {  	v55 =	vcvt.s32.f32 v5;
	v4 =	vadd.s32 v5, v4  }
0x625: {  	v2 =	vsub.f32 v2, v54;
	[tilespmem:s20+$0x5020] =	vst v4;
	v4 =	vadd.s32 $0x200, v4  }
0x626: {  	v3 =	vsub.f32 v3, v55;
	[tilespmem:s20+$0x5820] =	vst v4  }
0x627: {  	[tilespmem:s20+$0x2820] =	vst v2  }
0x628: {  	[tilespmem:s20+$0x3820] =	vst v3  }
0x629: {  	v2 =	vld [tilespmem:s4+$0xFFFFFFB0]  }
0x62a: {  	v3 =	vld [tilespmem:s4+$0x30];
	_ =	sdelay $0x3  }
0x62b: {  	v2 =	vmax.f32 v2, $0.0e+00  }
0x62c: {  	v3 =	vmax.f32 v3, $0.0e+00;
	v4 =	vtrunc.f32 v2  }
0x62d: {  	v5 =	vtrunc.f32 v3;
	v4 =	vcvt.f32.s32 v4  }
0x62e: {  	v5 =	vcvt.f32.s32 v5  }
0x62f: {  	vm9 =	vlt.s32 v4, $0x1FE  }
0x630: {  	vm10 =	vlt.s32 v5, $0x1FE;
	v4 =	vnsel vm9, $0x1FE, v4  }
0x631: {  	v5 =	vnsel vm10, $0x1FE, v5;
	v56 =	vcvt.s32.f32 v4;
	v4 =	vshll.u32 v4, $0x9  }
0x632: {  	v57 =	vcvt.s32.f32 v5;
	v4 =	vadd.s32 v5, v4  }
0x633: {  	v2 =	vsub.f32 v2, v56;
	[tilespmem:s20+$0x5030] =	vst v4;
	v4 =	vadd.s32 $0x200, v4  }
0x634: {  	v3 =	vsub.f32 v3, v57;
	[tilespmem:s20+$0x5830] =	vst v4  }
0x635: {  	[tilespmem:s20+$0x2830] =	vst v2  }
0x636: {  	[tilespmem:s20+$0x3830] =	vst v3  }
0x637: {  	v2 =	vld [tilespmem:s4+$0xFFFFFFC0]  }
0x638: {  	v3 =	vld [tilespmem:s4+$0x40];
	_ =	sdelay $0x3  }
0x639: {  	v2 =	vmax.f32 v2, $0.0e+00  }
0x63a: {  	v3 =	vmax.f32 v3, $0.0e+00;
	v4 =	vtrunc.f32 v2  }
0x63b: {  	v5 =	vtrunc.f32 v3;
	v4 =	vcvt.f32.s32 v4  }
0x63c: {  	v5 =	vcvt.f32.s32 v5  }
0x63d: {  	vm11 =	vlt.s32 v4, $0x1FE  }
0x63e: {  	vm1 =	vlt.s32 v5, $0x1FE;
	v4 =	vnsel vm11, $0x1FE, v4  }
0x63f: {  	v5 =	vnsel vm1, $0x1FE, v5;
	v58 =	vcvt.s32.f32 v4;
	v4 =	vshll.u32 v4, $0x9  }
0x640: {  	v59 =	vcvt.s32.f32 v5;
	v4 =	vadd.s32 v5, v4  }
0x641: {  	v2 =	vsub.f32 v2, v58;
	[tilespmem:s20+$0x5040] =	vst v4;
	v4 =	vadd.s32 $0x200, v4  }
0x642: {  	v3 =	vsub.f32 v3, v59;
	[tilespmem:s20+$0x5840] =	vst v4  }
0x643: {  	[tilespmem:s20+$0x2840] =	vst v2  }
0x644: {  	[tilespmem:s20+$0x3840] =	vst v3  }
0x645: {  	v2 =	vld [tilespmem:s4+$0xFFFFFFD0]  }
0x646: {  	v3 =	vld [tilespmem:s4+$0x50];
	_ =	sdelay $0x3  }
0x647: {  	v2 =	vmax.f32 v2, $0.0e+00  }
0x648: {  	v3 =	vmax.f32 v3, $0.0e+00;
	v4 =	vtrunc.f32 v2  }
0x649: {  	v5 =	vtrunc.f32 v3;
	v4 =	vcvt.f32.s32 v4  }
0x64a: {  	v5 =	vcvt.f32.s32 v5  }
0x64b: {  	vm12 =	vlt.s32 v4, $0x1FE  }
0x64c: {  	vm13 =	vlt.s32 v5, $0x1FE;
	v4 =	vnsel vm12, $0x1FE, v4  }
0x64d: {  	v5 =	vnsel vm13, $0x1FE, v5;
	v60 =	vcvt.s32.f32 v4;
	v4 =	vshll.u32 v4, $0x9  }
0x64e: {  	v61 =	vcvt.s32.f32 v5;
	v4 =	vadd.s32 v5, v4  }
0x64f: {  	v2 =	vsub.f32 v2, v60;
	[tilespmem:s20+$0x5050] =	vst v4;
	v4 =	vadd.s32 $0x200, v4  }
0x650: {  	v3 =	vsub.f32 v3, v61;
	[tilespmem:s20+$0x5850] =	vst v4  }
0x651: {  	[tilespmem:s20+$0x2850] =	vst v2  }
0x652: {  	[tilespmem:s20+$0x3850] =	vst v3  }
0x653: {  	v2 =	vld [tilespmem:s4+$0xFFFFFFE0]  }
0x654: {  	v3 =	vld [tilespmem:s4+$0x60];
	_ =	sdelay $0x3  }
0x655: {  	v2 =	vmax.f32 v2, $0.0e+00  }
0x656: {  	v3 =	vmax.f32 v3, $0.0e+00;
	v4 =	vtrunc.f32 v2  }
0x657: {  	v5 =	vtrunc.f32 v3;
	v4 =	vcvt.f32.s32 v4  }
0x658: {  	v5 =	vcvt.f32.s32 v5  }
0x659: {  	vm14 =	vlt.s32 v4, $0x1FE  }
0x65a: {  	vm15 =	vlt.s32 v5, $0x1FE;
	v4 =	vnsel vm14, $0x1FE, v4  }
0x65b: {  	v5 =	vnsel vm15, $0x1FE, v5;
	v62 =	vcvt.s32.f32 v4;
	v4 =	vshll.u32 v4, $0x9  }
0x65c: {  	v63 =	vcvt.s32.f32 v5;
	v4 =	vadd.s32 v5, v4  }
0x65d: {  	v2 =	vsub.f32 v2, v62;
	[tilespmem:s20+$0x5060] =	vst v4;
	v4 =	vadd.s32 $0x200, v4  }
0x65e: {  	v3 =	vsub.f32 v3, v63;
	[tilespmem:s20+$0x5860] =	vst v4  }
0x65f: {  	[tilespmem:s20+$0x2860] =	vst v2  }
0x660: {  	[tilespmem:s20+$0x3860] =	vst v3  }
0x661: {  	v3 =	vld [tilespmem:s4+$0xFFFFFFF0]  }
0x662: {  	s21 =	simm.s32 $0x200;
	v2 =	vld [tilespmem:s4+$0x70]  }
.LBB2_18:
0x663: {  	_ =	sdelay $0x1  }
0x664: {  	p0 =	sne.s32 s21, $0x1E00  }
0x665: {  	s4 =	sadd.s32 $0x100, s4;
	s0 =	smov.u32 s21;
	s21 =	sadd.s32 $0x200, s21;
	v3 =	vmax.f32 v3, $0.0e+00  }
0x666: {  	v2 =	vmax.f32 v2, $0.0e+00;
	v4 =	vtrunc.f32 v3  }
0x667: {  	v4 =	vcvt.f32.s32 v4;
	v5 =	vtrunc.f32 v2  }
0x668: {  	v5 =	vcvt.f32.s32 v5  }
0x669: {  	vm0 =	vlt.s32 v4, $0x1FE  }
0x66a: {  	v4 =	vnsel vm0, $0x1FE, v4;
	vm0 =	vlt.s32 v5, $0x1FE  }
0x66b: {  	v5 =	vnsel vm0, $0x1FE, v5;
	v6 =	vcvt.s32.f32 v4;
	v4 =	vshll.u32 v4, $0x9  }
0x66c: {  	v7 =	vcvt.s32.f32 v5;
	v4 =	vadd.s32 v5, v4  }
0x66d: {  	v3 =	vsub.f32 v3, v6;
	[tilespmem:s20+$0x5070] =	vst v4;
	v4 =	vadd.s32 $0x200, v4  }
0x66e: {  	v2 =	vsub.f32 v2, v7;
	[tilespmem:s20+$0x5870] =	vst v4  }
0x66f: {  	[tilespmem:s20+$0x2870] =	vst v3  }
0x670: {  	[tilespmem:s20+$0x3870] =	vst v2  }
0x671: {  	v2 =	vld [tilespmem:s4+$0xFFFFFF80]  }
0x672: {  	v3 =	vld [tilespmem:s4+$0x0];
	_ =	sdelay $0x3  }
0x673: {  	v2 =	vmax.f32 v2, $0.0e+00  }
0x674: {  	v3 =	vmax.f32 v3, $0.0e+00;
	v4 =	vtrunc.f32 v2  }
0x675: {  	v4 =	vcvt.f32.s32 v4;
	v5 =	vtrunc.f32 v3  }
0x676: {  	v5 =	vcvt.f32.s32 v5  }
0x677: {  	vm0 =	vlt.s32 v4, $0x1FE  }
0x678: {  	v4 =	vnsel vm0, $0x1FE, v4;
	vm0 =	vlt.s32 v5, $0x1FE  }
0x679: {  	v5 =	vnsel vm0, $0x1FE, v5;
	v6 =	vcvt.s32.f32 v4;
	v4 =	vshll.u32 v4, $0x9  }
0x67a: {  	s20 =	sshra.s32 s0, $0x2;
	v7 =	vcvt.s32.f32 v5;
	v4 =	vadd.s32 v5, v4  }
0x67b: {  	v2 =	vsub.f32 v2, v6;
	[tilespmem:s20+$0x5000] =	vst v4;
	v4 =	vadd.s32 $0x200, v4  }
0x67c: {  	v3 =	vsub.f32 v3, v7;
	[tilespmem:s20+$0x5800] =	vst v4  }
0x67d: {  	[tilespmem:s20+$0x2800] =	vst v2  }
0x67e: {  	[tilespmem:s20+$0x3800] =	vst v3  }
0x67f: {  	v2 =	vld [tilespmem:s4+$0xFFFFFF90]  }
0x680: {  	v3 =	vld [tilespmem:s4+$0x10];
	_ =	sdelay $0x3  }
0x681: {  	v2 =	vmax.f32 v2, $0.0e+00  }
0x682: {  	v3 =	vmax.f32 v3, $0.0e+00;
	v4 =	vtrunc.f32 v2  }
0x683: {  	v4 =	vcvt.f32.s32 v4;
	v5 =	vtrunc.f32 v3  }
0x684: {  	v5 =	vcvt.f32.s32 v5  }
0x685: {  	vm0 =	vlt.s32 v4, $0x1FE  }
0x686: {  	v4 =	vnsel vm0, $0x1FE, v4;
	vm0 =	vlt.s32 v5, $0x1FE  }
0x687: {  	v5 =	vnsel vm0, $0x1FE, v5;
	v6 =	vcvt.s32.f32 v4;
	v4 =	vshll.u32 v4, $0x9  }
0x688: {  	v7 =	vcvt.s32.f32 v5;
	v4 =	vadd.s32 v5, v4  }
0x689: {  	v2 =	vsub.f32 v2, v6;
	[tilespmem:s20+$0x5010] =	vst v4;
	v4 =	vadd.s32 $0x200, v4  }
0x68a: {  	v3 =	vsub.f32 v3, v7;
	[tilespmem:s20+$0x5810] =	vst v4  }
0x68b: {  	[tilespmem:s20+$0x2810] =	vst v2  }
0x68c: {  	[tilespmem:s20+$0x3810] =	vst v3  }
0x68d: {  	v2 =	vld [tilespmem:s4+$0xFFFFFFA0]  }
0x68e: {  	v3 =	vld [tilespmem:s4+$0x20];
	_ =	sdelay $0x3  }
0x68f: {  	v2 =	vmax.f32 v2, $0.0e+00  }
0x690: {  	v3 =	vmax.f32 v3, $0.0e+00;
	v4 =	vtrunc.f32 v2  }
0x691: {  	v4 =	vcvt.f32.s32 v4;
	v5 =	vtrunc.f32 v3  }
0x692: {  	v5 =	vcvt.f32.s32 v5  }
0x693: {  	vm0 =	vlt.s32 v4, $0x1FE  }
0x694: {  	v4 =	vnsel vm0, $0x1FE, v4;
	vm0 =	vlt.s32 v5, $0x1FE  }
0x695: {  	v5 =	vnsel vm0, $0x1FE, v5;
	v6 =	vcvt.s32.f32 v4;
	v4 =	vshll.u32 v4, $0x9  }
0x696: {  	v7 =	vcvt.s32.f32 v5;
	v4 =	vadd.s32 v5, v4  }
0x697: {  	v2 =	vsub.f32 v2, v6;
	[tilespmem:s20+$0x5020] =	vst v4;
	v4 =	vadd.s32 $0x200, v4  }
0x698: {  	v3 =	vsub.f32 v3, v7;
	[tilespmem:s20+$0x5820] =	vst v4  }
0x699: {  	[tilespmem:s20+$0x2820] =	vst v2  }
0x69a: {  	[tilespmem:s20+$0x3820] =	vst v3  }
0x69b: {  	v2 =	vld [tilespmem:s4+$0xFFFFFFB0]  }
0x69c: {  	v3 =	vld [tilespmem:s4+$0x30];
	_ =	sdelay $0x3  }
0x69d: {  	v2 =	vmax.f32 v2, $0.0e+00  }
0x69e: {  	v3 =	vmax.f32 v3, $0.0e+00;
	v4 =	vtrunc.f32 v2  }
0x69f: {  	v4 =	vcvt.f32.s32 v4;
	v5 =	vtrunc.f32 v3  }
0x6a0: {  	v5 =	vcvt.f32.s32 v5  }
0x6a1: {  	vm0 =	vlt.s32 v4, $0x1FE  }
0x6a2: {  	v4 =	vnsel vm0, $0x1FE, v4;
	vm0 =	vlt.s32 v5, $0x1FE  }
0x6a3: {  	v5 =	vnsel vm0, $0x1FE, v5;
	v6 =	vcvt.s32.f32 v4;
	v4 =	vshll.u32 v4, $0x9  }
0x6a4: {  	v7 =	vcvt.s32.f32 v5;
	v4 =	vadd.s32 v5, v4  }
0x6a5: {  	v2 =	vsub.f32 v2, v6;
	[tilespmem:s20+$0x5030] =	vst v4;
	v4 =	vadd.s32 $0x200, v4  }
0x6a6: {  	v3 =	vsub.f32 v3, v7;
	[tilespmem:s20+$0x5830] =	vst v4  }
0x6a7: {  	[tilespmem:s20+$0x2830] =	vst v2  }
0x6a8: {  	[tilespmem:s20+$0x3830] =	vst v3  }
0x6a9: {  	v2 =	vld [tilespmem:s4+$0x40]  }
0x6aa: {  	v3 =	vld [tilespmem:s4+$0xFFFFFFC0];
	_ =	sdelay $0x3  }
0x6ab: {  	v2 =	vmax.f32 v2, $0.0e+00  }
0x6ac: {  	v3 =	vmax.f32 v3, $0.0e+00;
	v4 =	vtrunc.f32 v2  }
0x6ad: {  	v5 =	vtrunc.f32 v3;
	v4 =	vcvt.f32.s32 v4  }
0x6ae: {  	v5 =	vcvt.f32.s32 v5  }
0x6af: {  	vm0 =	vlt.s32 v4, $0x1FE  }
0x6b0: {  	vm1 =	vlt.s32 v5, $0x1FE;
	v4 =	vnsel vm0, $0x1FE, v4  }
0x6b1: {  	v5 =	vnsel vm1, $0x1FE, v5;
	v6 =	vcvt.s32.f32 v4  }
0x6b2: {  	v7 =	vcvt.s32.f32 v5;
	v5 =	vshll.u32 v5, $0x9  }
0x6b3: {  	v2 =	vsub.f32 v2, v6;
	v4 =	vadd.s32 v4, v5  }
0x6b4: {  	v3 =	vsub.f32 v3, v7;
	[tilespmem:s20+$0x5040] =	vst v4;
	v4 =	vadd.s32 $0x200, v4  }
0x6b5: {  	[tilespmem:s20+$0x5840] =	vst v4  }
0x6b6: {  	[tilespmem:s20+$0x2840] =	vst v3  }
0x6b7: {  	[tilespmem:s20+$0x3840] =	vst v2  }
0x6b8: {  	v2 =	vld [tilespmem:s4+$0xFFFFFFD0]  }
0x6b9: {  	v3 =	vld [tilespmem:s4+$0x50];
	_ =	sdelay $0x3  }
0x6ba: {  	v2 =	vmax.f32 v2, $0.0e+00  }
0x6bb: {  	v3 =	vmax.f32 v3, $0.0e+00;
	v4 =	vtrunc.f32 v2  }
0x6bc: {  	v4 =	vcvt.f32.s32 v4;
	v5 =	vtrunc.f32 v3  }
0x6bd: {  	v5 =	vcvt.f32.s32 v5  }
0x6be: {  	vm0 =	vlt.s32 v4, $0x1FE  }
0x6bf: {  	v4 =	vnsel vm0, $0x1FE, v4;
	vm0 =	vlt.s32 v5, $0x1FE  }
0x6c0: {  	v5 =	vnsel vm0, $0x1FE, v5;
	v6 =	vcvt.s32.f32 v4;
	v4 =	vshll.u32 v4, $0x9  }
0x6c1: {  	v7 =	vcvt.s32.f32 v5;
	v4 =	vadd.s32 v5, v4  }
0x6c2: {  	v2 =	vsub.f32 v2, v6;
	[tilespmem:s20+$0x5050] =	vst v4;
	v4 =	vadd.s32 $0x200, v4  }
0x6c3: {  	v3 =	vsub.f32 v3, v7;
	[tilespmem:s20+$0x5850] =	vst v4  }
0x6c4: {  	[tilespmem:s20+$0x2850] =	vst v2  }
0x6c5: {  	[tilespmem:s20+$0x3850] =	vst v3  }
0x6c6: {  	v2 =	vld [tilespmem:s4+$0xFFFFFFE0]  }
0x6c7: {  	v3 =	vld [tilespmem:s4+$0x60];
	_ =	sdelay $0x3  }
0x6c8: {  	v2 =	vmax.f32 v2, $0.0e+00  }
0x6c9: {  	v3 =	vmax.f32 v3, $0.0e+00;
	v4 =	vtrunc.f32 v2  }
0x6ca: {  	v4 =	vcvt.f32.s32 v4;
	v5 =	vtrunc.f32 v3  }
0x6cb: {  	v5 =	vcvt.f32.s32 v5  }
0x6cc: {  	vm0 =	vlt.s32 v4, $0x1FE  }
0x6cd: {  	v4 =	vnsel vm0, $0x1FE, v4;
	vm0 =	vlt.s32 v5, $0x1FE  }
0x6ce: {  	v5 =	vnsel vm0, $0x1FE, v5;
	v6 =	vcvt.s32.f32 v4;
	v4 =	vshll.u32 v4, $0x9  }
0x6cf: {  	v7 =	vcvt.s32.f32 v5;
	v4 =	vadd.s32 v5, v4  }
0x6d0: {  	v2 =	vsub.f32 v2, v6;
	[tilespmem:s20+$0x5060] =	vst v4;
	v4 =	vadd.s32 $0x200, v4  }
.Ltmp8:
0x6d1: {  	v3 =	vsub.f32 v3, v7;
	[tilespmem:s20+$0x5860] =	vst v4;
	(pc) =	sbr.rel @p0 .LBB2_18-.Ltmp8, $4  }
0x6d2: {  	[tilespmem:s20+$0x2860] =	vst v2  }
0x6d3: {  	[tilespmem:s20+$0x3860] =	vst v3  }
0x6d4: {  	v3 =	vld [tilespmem:s4+$0xFFFFFFF0]  }
0x6d5: {  	v2 =	vld [tilespmem:s4+$0x70]  }
0x6d6: {  	_ =	sdelay $0x2  }
0x6d7: {  	v3 =	vmax.f32 v3, $0.0e+00  }
0x6d8: {  	v2 =	vmax.f32 v2, $0.0e+00;
	v4 =	vtrunc.f32 v3  }
0x6d9: {  	v4 =	vcvt.f32.s32 v4;
	v5 =	vtrunc.f32 v2  }
0x6da: {  	v5 =	vcvt.f32.s32 v5  }
0x6db: {  	vm0 =	vlt.s32 v4, $0x1FE  }
0x6dc: {  	v4 =	vnsel vm0, $0x1FE, v4;
	vm15 =	vlt.s32 v5, $0x1FE  }
0x6dd: {  	v5 =	vnsel vm15, $0x1FE, v5;
	v6 =	vcvt.s32.f32 v4;
	v4 =	vshll.u32 v4, $0x9  }
0x6de: {  	v7 =	vcvt.s32.f32 v5;
	v4 =	vadd.s32 v5, v4  }
0x6df: {  	v3 =	vsub.f32 v3, v6;
	[tilespmem:s20+$0x5070] =	vst v4;
	v4 =	vadd.s32 $0x200, v4  }
0x6e0: {  	v2 =	vsub.f32 v2, v7;
	[tilespmem:s20+$0x5870] =	vst v4  }
0x6e1: {  	[tilespmem:s20+$0x2870] =	vst v3  }
0x6e2: {  	s0 =	simm.s32 $0x5000;
	[tilespmem:s20+$0x3870] =	vst v2  }
0x6e3: {  	[tilespmem:s2], [sflag:$0x2] =	stream.indirect.gather [hbm4b:s5+s15], $0x8, s0, s15, $0xb8;
	[tilespmem:$0x1A000] =	vst v63  }
0x6e4: {  	s21 =	simm.s32 $0x5080;
	s3 =	simm.s32 $0xE400  }
0x6e5: {  	[tilespmem:s3], [sflag:$0x2] =	stream.indirect.gather [hbm4b:s5+s15], $0x8, s21, s15, $0xb8;
	[tilespmem:$0x1A000] =	vst v63  }
0x6e6: {  	s22 =	simm.s32 $0x5100;
	s23 =	simm.s32 $0xE800  }
0x6e7: {  	[tilespmem:s23], [sflag:$0x2] =	stream.indirect.gather [hbm4b:s5+s15], $0x8, s22, s15, $0xb8;
	[tilespmem:$0x1A000] =	vst v63  }
0x6e8: {  	s24 =	simm.s32 $0x5180;
	s25 =	simm.s32 $0xEC00  }
0x6e9: {  	[tilespmem:s25], [sflag:$0x2] =	stream.indirect.gather [hbm4b:s5+s15], $0x8, s24, s15, $0xb8;
	[tilespmem:$0x1A000] =	vst v63  }
0x6ea: {  	s26 =	simm.s32 $0x5200;
	s29 =	simm.s32 $0xF000  }
0x6eb: {  	[tilespmem:s29], [sflag:$0x2] =	stream.indirect.gather [hbm4b:s5+s15], $0x8, s26, s15, $0xb8;
	[tilespmem:$0x1A000] =	vst v63  }
0x6ec: {  	s30 =	simm.s32 $0x5280;
	s31 =	simm.s32 $0xF400  }
0x6ed: {  	[tilespmem:s31], [sflag:$0x2] =	stream.indirect.gather [hbm4b:s5+s15], $0x8, s30, s15, $0xb8;
	[tilespmem:$0x1A000] =	vst v63  }
0x6ee: {  	s4 =	simm.s32 $0xF800;
	s3 =	simm.s32 $0x5300  }
0x6ef: {  	[tilespmem:s4], [sflag:$0x2] =	stream.indirect.gather [hbm4b:s5+s15], $0x8, s3, s15, $0xb8;
	[tilespmem:$0x1A000] =	vst v63  }
0x6f0: {  	s20 =	simm.s32 $0x5380;
	s21 =	simm.s32 $0xFC00  }
0x6f1: {  	[tilespmem:s21], [sflag:$0x2] =	stream.indirect.gather [hbm4b:s5+s15], $0x8, s20, s15, $0xb8;
	[tilespmem:$0x1A000] =	vst v63  }
0x6f2: {  	s22 =	simm.s32 $0x5400;
	s23 =	simm.s32 $0x10000  }
0x6f3: {  	[tilespmem:s23], [sflag:$0x2] =	stream.indirect.gather [hbm4b:s5+s15], $0x8, s22, s15, $0xb8;
	[tilespmem:$0x1A000] =	vst v63  }
0x6f4: {  	s24 =	simm.s32 $0x5480;
	s25 =	simm.s32 $0x10400  }
0x6f5: {  	[tilespmem:s25], [sflag:$0x2] =	stream.indirect.gather [hbm4b:s5+s15], $0x8, s24, s15, $0xb8;
	[tilespmem:$0x1A000] =	vst v63  }
0x6f6: {  	s26 =	simm.s32 $0x5500;
	s29 =	simm.s32 $0x10800  }
0x6f7: {  	[tilespmem:s29], [sflag:$0x2] =	stream.indirect.gather [hbm4b:s5+s15], $0x8, s26, s15, $0xb8;
	[tilespmem:$0x1A000] =	vst v63  }
0x6f8: {  	s30 =	simm.s32 $0x5580;
	s31 =	simm.s32 $0x10C00  }
0x6f9: {  	[tilespmem:s31], [sflag:$0x2] =	stream.indirect.gather [hbm4b:s5+s15], $0x8, s30, s15, $0xb8;
	[tilespmem:$0x1A000] =	vst v63  }
0x6fa: {  	s3 =	simm.s32 $0x5600;
	s4 =	simm.s32 $0x11000  }
0x6fb: {  	[tilespmem:s4], [sflag:$0x2] =	stream.indirect.gather [hbm4b:s5+s15], $0x8, s3, s15, $0xb8;
	[tilespmem:$0x1A000] =	vst v63  }
0x6fc: {  	s20 =	simm.s32 $0x5680;
	s21 =	simm.s32 $0x11400  }
0x6fd: {  	[tilespmem:s21], [sflag:$0x2] =	stream.indirect.gather [hbm4b:s5+s15], $0x8, s20, s15, $0xb8;
	[tilespmem:$0x1A000] =	vst v63  }
0x6fe: {  	s22 =	simm.s32 $0x5700;
	s23 =	simm.s32 $0x11800  }
0x6ff: {  	[tilespmem:s23], [sflag:$0x2] =	stream.indirect.gather [hbm4b:s5+s15], $0x8, s22, s15, $0xb8;
	[tilespmem:$0x1A000] =	vst v63  }
0x700: {  	s24 =	simm.s32 $0x5780;
	s25 =	simm.s32 $0x11C00  }
0x701: {  	[tilespmem:s25], [sflag:$0x2] =	stream.indirect.gather [hbm4b:s5+s15], $0x8, s24, s15, $0xb8;
	[tilespmem:$0x1A000] =	vst v63  }
0x702: {  	s26 =	simm.s32 $0x5800;
	s29 =	simm.s32 $0x12000  }
0x703: {  	[tilespmem:s29], [sflag:$0x2] =	stream.indirect.gather [hbm4b:s5+s15], $0x8, s26, s15, $0xb8;
	[tilespmem:$0x1A000] =	vst v63  }
0x704: {  	s30 =	simm.s32 $0x5880;
	s31 =	simm.s32 $0x12400  }
0x705: {  	[tilespmem:s31], [sflag:$0x2] =	stream.indirect.gather [hbm4b:s5+s15], $0x8, s30, s15, $0xb8;
	[tilespmem:$0x1A000] =	vst v63  }
0x706: {  	s3 =	simm.s32 $0x5900;
	s4 =	simm.s32 $0x12800  }
0x707: {  	[tilespmem:s4], [sflag:$0x2] =	stream.indirect.gather [hbm4b:s5+s15], $0x8, s3, s15, $0xb8;
	[tilespmem:$0x1A000] =	vst v63  }
0x708: {  	s20 =	simm.s32 $0x5980;
	s21 =	simm.s32 $0x12C00  }
0x709: {  	[tilespmem:s21], [sflag:$0x2] =	stream.indirect.gather [hbm4b:s5+s15], $0x8, s20, s15, $0xb8;
	[tilespmem:$0x1A000] =	vst v63  }
0x70a: {  	s22 =	simm.s32 $0x5A00;
	s23 =	simm.s32 $0x13000  }
0x70b: {  	[tilespmem:s23], [sflag:$0x2] =	stream.indirect.gather [hbm4b:s5+s15], $0x8, s22, s15, $0xb8;
	[tilespmem:$0x1A000] =	vst v63  }
0x70c: {  	s24 =	simm.s32 $0x5A80;
	s25 =	simm.s32 $0x13400  }
0x70d: {  	[tilespmem:s25], [sflag:$0x2] =	stream.indirect.gather [hbm4b:s5+s15], $0x8, s24, s15, $0xb8;
	[tilespmem:$0x1A000] =	vst v63  }
0x70e: {  	s26 =	simm.s32 $0x5B00;
	s29 =	simm.s32 $0x13800  }
0x70f: {  	[tilespmem:s29], [sflag:$0x2] =	stream.indirect.gather [hbm4b:s5+s15], $0x8, s26, s15, $0xb8;
	[tilespmem:$0x1A000] =	vst v63  }
0x710: {  	s30 =	simm.s32 $0x5B80;
	s31 =	simm.s32 $0x13C00  }
0x711: {  	[tilespmem:s31], [sflag:$0x2] =	stream.indirect.gather [hbm4b:s5+s15], $0x8, s30, s15, $0xb8;
	[tilespmem:$0x1A000] =	vst v63  }
0x712: {  	s3 =	simm.s32 $0x5C00;
	s4 =	simm.s32 $0x14000  }
0x713: {  	[tilespmem:s4], [sflag:$0x2] =	stream.indirect.gather [hbm4b:s5+s15], $0x8, s3, s15, $0xb8;
	[tilespmem:$0x1A000] =	vst v63  }
0x714: {  	s20 =	simm.s32 $0x5C80;
	s21 =	simm.s32 $0x14400  }
0x715: {  	[tilespmem:s21], [sflag:$0x2] =	stream.indirect.gather [hbm4b:s5+s15], $0x8, s20, s15, $0xb8;
	[tilespmem:$0x1A000] =	vst v63  }
0x716: {  	s22 =	simm.s32 $0x5D00;
	s23 =	simm.s32 $0x14800  }
0x717: {  	[tilespmem:s23], [sflag:$0x2] =	stream.indirect.gather [hbm4b:s5+s15], $0x8, s22, s15, $0xb8;
	[tilespmem:$0x1A000] =	vst v63  }
0x718: {  	s24 =	simm.s32 $0x5D80;
	s25 =	simm.s32 $0x14C00  }
0x719: {  	[tilespmem:s25], [sflag:$0x2] =	stream.indirect.gather [hbm4b:s5+s15], $0x8, s24, s15, $0xb8;
	[tilespmem:$0x1A000] =	vst v63  }
0x71a: {  	s26 =	simm.s32 $0x5E00;
	s29 =	simm.s32 $0x15000  }
0x71b: {  	[tilespmem:s29], [sflag:$0x2] =	stream.indirect.gather [hbm4b:s5+s15], $0x8, s26, s15, $0xb8;
	[tilespmem:$0x1A000] =	vst v63  }
0x71c: {  	s30 =	simm.s32 $0x5E80;
	s31 =	simm.s32 $0x15400  }
0x71d: {  	[tilespmem:s31], [sflag:$0x2] =	stream.indirect.gather [hbm4b:s5+s15], $0x8, s30, s15, $0xb8;
	[tilespmem:$0x1A000] =	vst v63  }
0x71e: {  	_ = 	snop  }
0x71f: {  	[tilespmem:s9], [sflag:$0x2] =	stream.indirect.gather [hbm4b:s5+s15], $0x8, s6, s15, $0xb8;
	[tilespmem:$0x1A000] =	vst v63  }
0x720: {  	_ = 	snop  }
0x721: {  	[tilespmem:s11], [sflag:$0x2] =	stream.indirect.gather [hbm4b:s5+s15], $0x8, s10, s15, $0xb8;
	[tilespmem:$0x1A000] =	vst v63  }
0x722: {  	_ =	swait.ge [sflag:s12], $0x400  }
0x723: {  	[sflag:s12] =	ssyncset.done $0x0  }
0x724: {  	[sflag:s12] =	ssyncadd.s32 $0xFFFFFC00  }
0x725: {  	_ =	swait.ge [sflag:s12], $0x400  }
0x726: {  	[sflag:s12] =	ssyncset.done $0x0  }
0x727: {  	[sflag:s12] =	ssyncadd.s32 $0xFFFFFC00  }
0x728: {  	_ =	swait.ge [sflag:s12], $0x400  }
0x729: {  	[sflag:s12] =	ssyncset.done $0x0  }
0x72a: {  	[sflag:s12] =	ssyncadd.s32 $0xFFFFFC00  }
0x72b: {  	_ =	swait.ge [sflag:s12], $0x400  }
0x72c: {  	[sflag:s12] =	ssyncset.done $0x0  }
0x72d: {  	[sflag:s12] =	ssyncadd.s32 $0xFFFFFC00  }
0x72e: {  	_ =	swait.ge [sflag:s12], $0x400  }
0x72f: {  	[sflag:s12] =	ssyncset.done $0x0  }
0x730: {  	[sflag:s12] =	ssyncadd.s32 $0xFFFFFC00  }
0x731: {  	_ =	swait.ge [sflag:s12], $0x400  }
0x732: {  	[sflag:s12] =	ssyncset.done $0x0  }
0x733: {  	[sflag:s12] =	ssyncadd.s32 $0xFFFFFC00  }
0x734: {  	_ =	swait.ge [sflag:s12], $0x400  }
0x735: {  	[sflag:s12] =	ssyncset.done $0x0  }
0x736: {  	[sflag:s12] =	ssyncadd.s32 $0xFFFFFC00  }
0x737: {  	_ =	swait.ge [sflag:s12], $0x400  }
0x738: {  	[sflag:s12] =	ssyncset.done $0x0  }
0x739: {  	[sflag:s12] =	ssyncadd.s32 $0xFFFFFC00  }
0x73a: {  	_ =	swait.ge [sflag:s12], $0x400  }
0x73b: {  	[sflag:s12] =	ssyncset.done $0x0  }
0x73c: {  	[sflag:s12] =	ssyncadd.s32 $0xFFFFFC00  }
0x73d: {  	_ =	swait.ge [sflag:s12], $0x400  }
0x73e: {  	[sflag:s12] =	ssyncset.done $0x0  }
0x73f: {  	[sflag:s12] =	ssyncadd.s32 $0xFFFFFC00  }
0x740: {  	_ =	swait.ge [sflag:s12], $0x400  }
0x741: {  	[sflag:s12] =	ssyncset.done $0x0  }
0x742: {  	[sflag:s12] =	ssyncadd.s32 $0xFFFFFC00  }
0x743: {  	_ =	swait.ge [sflag:s12], $0x400  }
0x744: {  	[sflag:s12] =	ssyncset.done $0x0  }
0x745: {  	[sflag:s12] =	ssyncadd.s32 $0xFFFFFC00  }
0x746: {  	_ =	swait.ge [sflag:s12], $0x400  }
0x747: {  	[sflag:s12] =	ssyncset.done $0x0  }
0x748: {  	[sflag:s12] =	ssyncadd.s32 $0xFFFFFC00  }
0x749: {  	_ =	swait.ge [sflag:s12], $0x400  }
0x74a: {  	[sflag:s12] =	ssyncset.done $0x0  }
0x74b: {  	[sflag:s12] =	ssyncadd.s32 $0xFFFFFC00  }
0x74c: {  	_ =	swait.ge [sflag:s12], $0x400  }
0x74d: {  	[sflag:s12] =	ssyncset.done $0x0  }
0x74e: {  	[sflag:s12] =	ssyncadd.s32 $0xFFFFFC00  }
0x74f: {  	_ =	swait.ge [sflag:s12], $0x400  }
0x750: {  	[sflag:s12] =	ssyncset.done $0x0  }
0x751: {  	[sflag:s12] =	ssyncadd.s32 $0xFFFFFC00  }
0x752: {  	_ =	swait.ge [sflag:s12], $0x400  }
0x753: {  	[sflag:s12] =	ssyncset.done $0x0  }
0x754: {  	[sflag:s12] =	ssyncadd.s32 $0xFFFFFC00  }
0x755: {  	_ =	swait.ge [sflag:s12], $0x400  }
0x756: {  	[sflag:s12] =	ssyncset.done $0x0  }
0x757: {  	[sflag:s12] =	ssyncadd.s32 $0xFFFFFC00  }
0x758: {  	_ =	swait.ge [sflag:s12], $0x400  }
0x759: {  	[sflag:s12] =	ssyncset.done $0x0  }
0x75a: {  	[sflag:s12] =	ssyncadd.s32 $0xFFFFFC00  }
0x75b: {  	_ =	swait.ge [sflag:s12], $0x400  }
0x75c: {  	[sflag:s12] =	ssyncset.done $0x0  }
0x75d: {  	[sflag:s12] =	ssyncadd.s32 $0xFFFFFC00  }
0x75e: {  	_ =	swait.ge [sflag:s12], $0x400  }
0x75f: {  	[sflag:s12] =	ssyncset.done $0x0  }
0x760: {  	[sflag:s12] =	ssyncadd.s32 $0xFFFFFC00  }
0x761: {  	_ =	swait.ge [sflag:s12], $0x400  }
0x762: {  	[sflag:s12] =	ssyncset.done $0x0  }
0x763: {  	[sflag:s12] =	ssyncadd.s32 $0xFFFFFC00  }
0x764: {  	_ =	swait.ge [sflag:s12], $0x400  }
0x765: {  	[sflag:s12] =	ssyncset.done $0x0  }
0x766: {  	[sflag:s12] =	ssyncadd.s32 $0xFFFFFC00  }
0x767: {  	_ =	swait.ge [sflag:s12], $0x400  }
0x768: {  	[sflag:s12] =	ssyncset.done $0x0  }
0x769: {  	[sflag:s12] =	ssyncadd.s32 $0xFFFFFC00  }
0x76a: {  	_ =	swait.ge [sflag:s12], $0x400  }
0x76b: {  	[sflag:s12] =	ssyncset.done $0x0  }
0x76c: {  	[sflag:s12] =	ssyncadd.s32 $0xFFFFFC00  }
0x76d: {  	_ =	swait.ge [sflag:s12], $0x400  }
0x76e: {  	[sflag:s12] =	ssyncset.done $0x0  }
0x76f: {  	[sflag:s12] =	ssyncadd.s32 $0xFFFFFC00  }
0x770: {  	_ =	swait.ge [sflag:s12], $0x400  }
0x771: {  	[sflag:s12] =	ssyncset.done $0x0  }
0x772: {  	[sflag:s12] =	ssyncadd.s32 $0xFFFFFC00  }
0x773: {  	_ =	swait.ge [sflag:s12], $0x400  }
0x774: {  	[sflag:s12] =	ssyncset.done $0x0  }
0x775: {  	[sflag:s12] =	ssyncadd.s32 $0xFFFFFC00  }
0x776: {  	_ =	swait.ge [sflag:s12], $0x400  }
0x777: {  	[sflag:s12] =	ssyncset.done $0x0  }
0x778: {  	[sflag:s12] =	ssyncadd.s32 $0xFFFFFC00  }
0x779: {  	_ =	swait.ge [sflag:s12], $0x400  }
0x77a: {  	[sflag:s12] =	ssyncset.done $0x0  }
0x77b: {  	[sflag:s12] =	ssyncadd.s32 $0xFFFFFC00  }
0x77c: {  	_ =	swait.ge [sflag:s12], $0x400  }
0x77d: {  	[sflag:s12] =	ssyncset.done $0x0  }
0x77e: {  	[sflag:s12] =	ssyncadd.s32 $0xFFFFFC00  }
0x77f: {  	s4 =	simm.s32 $0x0;
	_ =	swait.ge [sflag:s12], $0x400  }
0x780: {  	s20 =	simm.s32 $0x10;
	s21 =	simm.s32 $0x3000;
	[sflag:s12] =	ssyncset.done $0x0  }
0x781: {  	s22 =	simm.s32 $0x16000;
	s23 =	simm.s32 $0x2000;
	[sflag:s12] =	ssyncadd.s32 $0xFFFFFC00  }
.LBB2_20:
0x782: {  	v2 =	vmov s23  }
0x783: {  	v3 =	vmov s21;
	_ =	sdelay $0x1  }
0x784: {  	s0 =	sadd.s32 $0xFFFFFFF0, s20  }
0x785: {  	s24 =	simm.s32 $0x0;
	v4 =	vmov s0  }
0x786: {  	v4 =	vshll.u32 v4, $0x3;
	v5 =	vld.idx.msk [tilespmem:v2+s24+$0x0 ss:$0x1], $0xffff  }
0x787: {  	v6 =	vor.u32 v0, v4;
	v7 =	vld.idx.msk [tilespmem:v3+s24+$0x0 ss:$0x1], $0xffff  }
0x788: {  	v8 =	vor.u32 $0x4, v6;
	_ =	sdelay $0x1  }
0x789: {  	v9 =	vor.u32 v1, v4;
	_ =	sdelay $0x1  }
0x78a: {  	v4 =	vor.u32 $0x4, v9;
	v10 =	vld.idx.msk [tilespmem:v6+s17+$0x0], $0xffff;
	v11 =	vmul.f32 v7, v5  }
0x78b: {  	v8 =	vld.idx.msk [tilespmem:v8+s17+$0x0], $0xffff  }
0x78c: {  	v12 =	vsub.f32 $1.000000000e+00, v5;
	v7 =	vsub.f32 v7, v11  }
0x78d: {  	v13 =	vld.idx.msk [tilespmem:v9+s17+$0x0], $0xffff  }
0x78e: {  	v12 =	vsub.f32 v12, v7  }
0x78f: {  	v14 =	vld.idx.msk [tilespmem:v4+s17+$0x0], $0xffff  }
0x790: {  	v5 =	vsub.f32 v5, v11;
	v4 =	vmul.f32 v7, v8;
	v8 =	vmul.f32 v12, v10;
	_ =	sdelay $0x1  }
0x791: {  	v10 =	vmul.f32 v13, v5;
	v8 =	vadd.f32 v8, v4  }
0x792: {  	v4 =	vmov s22  }
0x793: {  	v47 =	vmul.f32 v14, v11;
	v8 =	vadd.f32 v8, v10;
	v10 =	vor.u32 $0x1, v6  }
0x794: {  	v48 =	vor.u32 $0x5, v6  }
0x795: {  	v8 =	vadd.f32 v8, v47  }
0x796: {  	v49 =	vor.u32 $0x1, v9  }
0x797: {  	[tilespmem:v4+s24+$0x0 ss:$0x1] =	vst.idx.msk $0xffff, v8  }
0x798: {  	v8 =	vld.idx.msk [tilespmem:v10+s17+$0x0], $0xffff;
	v10 =	vor.u32 $0x5, v9  }
0x799: {  	v14 =	vld.idx.msk [tilespmem:v48+s17+$0x0], $0xffff;
	_ =	sdelay $0x1  }
0x79a: {  	v13 =	vld.idx.msk [tilespmem:v49+s17+$0x0], $0xffff;
	_ =	sdelay $0x1  }
0x79b: {  	v10 =	vld.idx.msk [tilespmem:v10+s17+$0x0], $0xffff  }
0x79c: {  	v8 =	vmul.f32 v8, v12;
	v14 =	vmul.f32 v14, v7;
	_ =	sdelay $0x1  }
0x79d: {  	v13 =	vmul.f32 v13, v5;
	v8 =	vadd.f32 v14, v8;
	_ =	sdelay $0x1  }
0x79e: {  	v50 =	vor.u32 $0x2, v6;
	v8 =	vadd.f32 v13, v8;
	v10 =	vmul.f32 v10, v11  }
0x79f: {  	v51 =	vor.u32 $0x6, v6  }
0x7a0: {  	v8 =	vadd.f32 v10, v8  }
0x7a1: {  	v10 =	vor.u32 $0x2, v9  }
0x7a2: {  	[tilespmem:v4+s24+$0x80 ss:$0x1] =	vst.idx.msk $0xffff, v8  }
0x7a3: {  	v52 =	vor.u32 $0x6, v9;
	v8 =	vld.idx.msk [tilespmem:v50+s17+$0x0], $0xffff  }
0x7a4: {  	v14 =	vld.idx.msk [tilespmem:v51+s17+$0x0], $0xffff;
	_ =	sdelay $0x1  }
0x7a5: {  	v10 =	vld.idx.msk [tilespmem:v10+s17+$0x0], $0xffff;
	_ =	sdelay $0x1  }
0x7a6: {  	v13 =	vld.idx.msk [tilespmem:v52+s17+$0x0], $0xffff  }
0x7a7: {  	v8 =	vmul.f32 v8, v12;
	v14 =	vmul.f32 v14, v7;
	_ =	sdelay $0x1  }
0x7a8: {  	v8 =	vadd.f32 v14, v8;
	v10 =	vmul.f32 v10, v5;
	_ =	sdelay $0x1  }
0x7a9: {  	v53 =	vor.u32 $0x7, v6;
	v8 =	vadd.f32 v10, v8;
	v10 =	vmul.f32 v13, v11  }
0x7aa: {  	v6 =	vor.u32 $0x3, v6  }
0x7ab: {  	v8 =	vadd.f32 v10, v8  }
0x7ac: {  	v10 =	vor.u32 $0x3, v9  }
0x7ad: {  	[tilespmem:v4+s24+$0x100 ss:$0x1] =	vst.idx.msk $0xffff, v8  }
0x7ae: {  	v9 =	vor.u32 $0x7, v9;
	v8 =	vld.idx.msk [tilespmem:v53+s17+$0x0], $0xffff  }
0x7af: {  	v6 =	vld.idx.msk [tilespmem:v6+s17+$0x0], $0xffff;
	_ =	sdelay $0x1  }
0x7b0: {  	v10 =	vld.idx.msk [tilespmem:v10+s17+$0x0], $0xffff;
	_ =	sdelay $0x1  }
0x7b1: {  	v9 =	vld.idx.msk [tilespmem:v9+s17+$0x0], $0xffff  }
0x7b2: {  	v7 =	vmul.f32 v8, v7;
	v6 =	vmul.f32 v6, v12;
	_ =	sdelay $0x1  }
0x7b3: {  	v6 =	vadd.f32 v7, v6;
	v5 =	vmul.f32 v10, v5;
	_ =	sdelay $0x1  }
0x7b4: {  	v5 =	vadd.f32 v5, v6;
	v6 =	vmul.f32 v9, v11;
	_ =	sdelay $0x1  }
0x7b5: {  	v5 =	vadd.f32 v6, v5;
	_ =	sdelay $0x1  }
0x7b6: {  	v6 =	vmov s20;
	[tilespmem:v4+s24+$0x180 ss:$0x1] =	vst.idx.msk $0xffff, v5  }
0x7b7: {  	v5 =	vshll.u32 v6, $0x3;
	v7 =	vld.idx.msk [tilespmem:v2+s24+$0x10 ss:$0x1], $0xffff  }
0x7b8: {  	v8 =	vor.u32 v0, v5;
	v6 =	vld.idx.msk [tilespmem:v3+s24+$0x10 ss:$0x1], $0xffff  }
0x7b9: {  	v9 =	vor.u32 $0x4, v8;
	_ =	sdelay $0x1  }
0x7ba: {  	v10 =	vor.u32 v1, v5;
	_ =	sdelay $0x1  }
0x7bb: {  	v11 =	vor.u32 $0x4, v10;
	v5 =	vmul.f32 v6, v7;
	v54 =	vld.idx.msk [tilespmem:v8+s17+$0x0], $0xffff  }
0x7bc: {  	v9 =	vld.idx.msk [tilespmem:v9+s17+$0x0], $0xffff  }
0x7bd: {  	v55 =	vsub.f32 $1.000000000e+00, v7;
	v6 =	vsub.f32 v6, v5  }
0x7be: {  	v56 =	vld.idx.msk [tilespmem:v10+s17+$0x0], $0xffff  }
0x7bf: {  	v13 =	vsub.f32 v55, v6  }
0x7c0: {  	v11 =	vld.idx.msk [tilespmem:v11+s17+$0x0], $0xffff  }
0x7c1: {  	v7 =	vsub.f32 v7, v5;
	v12 =	vmul.f32 v13, v54;
	v9 =	vmul.f32 v6, v9;
	_ =	sdelay $0x1  }
0x7c2: {  	v57 =	vmul.f32 v56, v7;
	v9 =	vadd.f32 v12, v9;
	_ =	sdelay $0x1  }
0x7c3: {  	v58 =	vor.u32 $0x1, v8;
	v11 =	vmul.f32 v11, v5;
	v9 =	vadd.f32 v9, v57  }
0x7c4: {  	v59 =	vor.u32 $0x5, v8  }
0x7c5: {  	v9 =	vadd.f32 v9, v11  }
0x7c6: {  	v11 =	vor.u32 $0x1, v10  }
0x7c7: {  	[tilespmem:v4+s24+$0x10 ss:$0x1] =	vst.idx.msk $0xffff, v9  }
0x7c8: {  	v9 =	vor.u32 $0x5, v10;
	v12 =	vld.idx.msk [tilespmem:v58+s17+$0x0], $0xffff  }
0x7c9: {  	v14 =	vld.idx.msk [tilespmem:v59+s17+$0x0], $0xffff;
	_ =	sdelay $0x1  }
0x7ca: {  	v11 =	vld.idx.msk [tilespmem:v11+s17+$0x0], $0xffff;
	_ =	sdelay $0x1  }
0x7cb: {  	v9 =	vld.idx.msk [tilespmem:v9+s17+$0x0], $0xffff  }
0x7cc: {  	v12 =	vmul.f32 v12, v13;
	v14 =	vmul.f32 v14, v6;
	_ =	sdelay $0x1  }
0x7cd: {  	v12 =	vadd.f32 v14, v12;
	v11 =	vmul.f32 v11, v7;
	_ =	sdelay $0x1  }
0x7ce: {  	v60 =	vor.u32 $0x2, v8;
	v9 =	vmul.f32 v9, v5;
	v11 =	vadd.f32 v11, v12  }
0x7cf: {  	v61 =	vor.u32 $0x6, v8  }
0x7d0: {  	v9 =	vadd.f32 v9, v11  }
0x7d1: {  	v11 =	vor.u32 $0x2, v10  }
0x7d2: {  	[tilespmem:v4+s24+$0x90 ss:$0x1] =	vst.idx.msk $0xffff, v9  }
0x7d3: {  	v9 =	vor.u32 $0x6, v10;
	v12 =	vld.idx.msk [tilespmem:v60+s17+$0x0], $0xffff  }
0x7d4: {  	v14 =	vld.idx.msk [tilespmem:v61+s17+$0x0], $0xffff;
	_ =	sdelay $0x1  }
0x7d5: {  	v11 =	vld.idx.msk [tilespmem:v11+s17+$0x0], $0xffff;
	_ =	sdelay $0x1  }
0x7d6: {  	v9 =	vld.idx.msk [tilespmem:v9+s17+$0x0], $0xffff  }
0x7d7: {  	v12 =	vmul.f32 v12, v13;
	v14 =	vmul.f32 v14, v6;
	_ =	sdelay $0x1  }
0x7d8: {  	v12 =	vadd.f32 v14, v12;
	v11 =	vmul.f32 v11, v7;
	_ =	sdelay $0x1  }
0x7d9: {  	v62 =	vor.u32 $0x3, v8;
	v9 =	vmul.f32 v9, v5;
	v11 =	vadd.f32 v11, v12;
	_ =	sdelay $0x1  }
0x7da: {  	v8 =	vor.u32 $0x7, v8;
	v9 =	vadd.f32 v9, v11  }
0x7db: {  	v11 =	vor.u32 $0x3, v10  }
0x7dc: {  	v63 =	vor.u32 $0x7, v10;
	[tilespmem:v4+s24+$0x110 ss:$0x1] =	vst.idx.msk $0xffff, v9  }
0x7dd: {  	v12 =	vld.idx.msk [tilespmem:v62+s17+$0x0], $0xffff;
	_ =	sdelay $0x1  }
0x7de: {  	v10 =	vld.idx.msk [tilespmem:v8+s17+$0x0], $0xffff  }
0x7df: {  	v9 =	vld.idx.msk [tilespmem:v11+s17+$0x0], $0xffff  }
0x7e0: {  	v8 =	vld.idx.msk [tilespmem:v63+s17+$0x0], $0xffff  }
0x7e1: {  	s25 =	simm.s32 $0x80;
	s26 =	smov.u32 s20;
	v11 =	vmul.f32 v12, v13  }
.LBB2_21:
0x7e2: {  	p0 =	sne.s32 s25, $0x180  }
0x7e3: {  	v6 =	vmul.f32 v10, v6;
	s26 =	sadd.s32 $0x20, s26;
	s0 =	smov.u32 s25;
	s25 =	sadd.s32 $0x80, s25  }
0x7e4: {  	v7 =	vmul.f32 v9, v7  }
0x7e5: {  	v5 =	vmul.f32 v8, v5;
	v6 =	vadd.f32 v6, v11;
	_ =	sdelay $0x1  }
0x7e6: {  	v6 =	vadd.f32 v7, v6;
	_ =	sdelay $0x1  }
0x7e7: {  	s3 =	sadd.s32 $0xFFFFFFF0, s26;
	v5 =	vadd.f32 v5, v6  }
0x7e8: {  	v6 =	vmov s3  }
0x7e9: {  	v6 =	vshll.u32 v6, $0x3;
	[tilespmem:v4+s24+$0x190 ss:$0x1] =	vst.idx.msk $0xffff, v5;
	s24 =	sshra.s32 s0, $0x2  }
0x7ea: {  	v7 =	vor.u32 v0, v6;
	v6 =	vor.u32 v1, v6;
	v5 =	vld.idx.msk [tilespmem:v2+s24+$0x0 ss:$0x1], $0xffff  }
0x7eb: {  	v9 =	vor.u32 $0x4, v7;
	v10 =	vor.u32 $0x4, v6;
	v8 =	vld.idx.msk [tilespmem:v3+s24+$0x0 ss:$0x1], $0xffff;
	_ =	sdelay $0x3  }
0x7ec: {  	v11 =	vld.idx.msk [tilespmem:v7+s17+$0x0], $0xffff  }
0x7ed: {  	v9 =	vld.idx.msk [tilespmem:v9+s17+$0x0], $0xffff  }
0x7ee: {  	v12 =	vmul.f32 v8, v5  }
0x7ef: {  	v13 =	vsub.f32 $1.000000000e+00, v5;
	v14 =	vld.idx.msk [tilespmem:v6+s17+$0x0], $0xffff  }
0x7f0: {  	v8 =	vsub.f32 v8, v12  }
0x7f1: {  	v10 =	vld.idx.msk [tilespmem:v10+s17+$0x0], $0xffff  }
0x7f2: {  	v13 =	vsub.f32 v13, v8  }
0x7f3: {  	v9 =	vmul.f32 v8, v9  }
0x7f4: {  	v5 =	vsub.f32 v5, v12;
	v11 =	vmul.f32 v13, v11;
	_ =	sdelay $0x1  }
0x7f5: {  	v9 =	vadd.f32 v11, v9;
	v11 =	vmul.f32 v14, v5  }
0x7f6: {  	v10 =	vmul.f32 v10, v12  }
0x7f7: {  	v9 =	vadd.f32 v9, v11;
	v11 =	vor.u32 $0x1, v7  }
0x7f8: {  	v14 =	vor.u32 $0x5, v7  }
0x7f9: {  	v9 =	vadd.f32 v9, v10  }
0x7fa: {  	v10 =	vor.u32 $0x1, v6  }
0x7fb: {  	[tilespmem:v4+s24+$0x0 ss:$0x1] =	vst.idx.msk $0xffff, v9  }
0x7fc: {  	v9 =	vld.idx.msk [tilespmem:v11+s17+$0x0], $0xffff;
	v11 =	vor.u32 $0x5, v6  }
0x7fd: {  	v14 =	vld.idx.msk [tilespmem:v14+s17+$0x0], $0xffff;
	_ =	sdelay $0x1  }
0x7fe: {  	v10 =	vld.idx.msk [tilespmem:v10+s17+$0x0], $0xffff;
	_ =	sdelay $0x1  }
0x7ff: {  	v11 =	vld.idx.msk [tilespmem:v11+s17+$0x0], $0xffff  }
0x800: {  	v9 =	vmul.f32 v9, v13  }
0x801: {  	v14 =	vmul.f32 v14, v8;
	_ =	sdelay $0x1  }
0x802: {  	v9 =	vadd.f32 v14, v9;
	v10 =	vmul.f32 v10, v5;
	_ =	sdelay $0x1  }
0x803: {  	v9 =	vadd.f32 v10, v9;
	v10 =	vmul.f32 v11, v12;
	v11 =	vor.u32 $0x2, v7  }
0x804: {  	v14 =	vor.u32 $0x6, v7  }
0x805: {  	v9 =	vadd.f32 v10, v9  }
0x806: {  	v10 =	vor.u32 $0x2, v6  }
0x807: {  	[tilespmem:v4+s24+$0x80 ss:$0x1] =	vst.idx.msk $0xffff, v9  }
0x808: {  	v9 =	vld.idx.msk [tilespmem:v11+s17+$0x0], $0xffff;
	v11 =	vor.u32 $0x6, v6  }
0x809: {  	v14 =	vld.idx.msk [tilespmem:v14+s17+$0x0], $0xffff;
	_ =	sdelay $0x1  }
0x80a: {  	v10 =	vld.idx.msk [tilespmem:v10+s17+$0x0], $0xffff;
	_ =	sdelay $0x1  }
0x80b: {  	v11 =	vld.idx.msk [tilespmem:v11+s17+$0x0], $0xffff  }
0x80c: {  	v9 =	vmul.f32 v9, v13  }
0x80d: {  	v14 =	vmul.f32 v14, v8;
	_ =	sdelay $0x1  }
0x80e: {  	v9 =	vadd.f32 v14, v9;
	v10 =	vmul.f32 v10, v5;
	_ =	sdelay $0x1  }
0x80f: {  	v9 =	vadd.f32 v10, v9;
	v10 =	vmul.f32 v11, v12;
	v11 =	vor.u32 $0x7, v7  }
0x810: {  	v7 =	vor.u32 $0x3, v7  }
0x811: {  	v9 =	vadd.f32 v10, v9;
	v10 =	vor.u32 $0x3, v6;
	_ =	sdelay $0x1  }
0x812: {  	[tilespmem:v4+s24+$0x100 ss:$0x1] =	vst.idx.msk $0xffff, v9  }
0x813: {  	v6 =	vor.u32 $0x7, v6;
	v9 =	vld.idx.msk [tilespmem:v11+s17+$0x0], $0xffff  }
0x814: {  	v7 =	vld.idx.msk [tilespmem:v7+s17+$0x0], $0xffff  }
0x815: {  	v10 =	vld.idx.msk [tilespmem:v10+s17+$0x0], $0xffff;
	_ =	sdelay $0x2  }
0x816: {  	v6 =	vld.idx.msk [tilespmem:v6+s17+$0x0], $0xffff  }
0x817: {  	v8 =	vmul.f32 v9, v8  }
0x818: {  	v7 =	vmul.f32 v7, v13;
	_ =	sdelay $0x1  }
0x819: {  	v5 =	vmul.f32 v10, v5;
	v7 =	vadd.f32 v8, v7;
	_ =	sdelay $0x1  }
0x81a: {  	v5 =	vadd.f32 v5, v7;
	v6 =	vmul.f32 v6, v12;
	_ =	sdelay $0x1  }
0x81b: {  	v5 =	vadd.f32 v6, v5  }
0x81c: {  	v6 =	vmov s26  }
0x81d: {  	[tilespmem:v4+s24+$0x180 ss:$0x1] =	vst.idx.msk $0xffff, v5;
	v5 =	vshll.u32 v6, $0x3  }
0x81e: {  	v7 =	vld.idx.msk [tilespmem:v2+s24+$0x10 ss:$0x1], $0xffff;
	v8 =	vor.u32 v0, v5  }
0x81f: {  	v6 =	vld.idx.msk [tilespmem:v3+s24+$0x10 ss:$0x1], $0xffff;
	v9 =	vor.u32 $0x4, v8;
	_ =	sdelay $0x2  }
0x820: {  	v10 =	vor.u32 v1, v5;
	_ =	sdelay $0x1  }
0x821: {  	v11 =	vor.u32 $0x4, v10;
	v9 =	vld.idx.msk [tilespmem:v9+s17+$0x0], $0xffff  }
0x822: {  	v5 =	vmul.f32 v6, v7;
	v12 =	vld.idx.msk [tilespmem:v8+s17+$0x0], $0xffff;
	_ =	sdelay $0x1  }
0x823: {  	v13 =	vsub.f32 $1.000000000e+00, v7;
	v6 =	vsub.f32 v6, v5;
	v14 =	vld.idx.msk [tilespmem:v10+s17+$0x0], $0xffff;
	_ =	sdelay $0x1  }
0x824: {  	v13 =	vsub.f32 v13, v6;
	v11 =	vld.idx.msk [tilespmem:v11+s17+$0x0], $0xffff;
	_ =	sdelay $0x1  }
0x825: {  	v7 =	vsub.f32 v7, v5;
	v9 =	vmul.f32 v6, v9;
	v12 =	vmul.f32 v13, v12;
	_ =	sdelay $0x1  }
0x826: {  	v9 =	vadd.f32 v12, v9;
	v12 =	vmul.f32 v14, v7;
	_ =	sdelay $0x1  }
0x827: {  	v9 =	vadd.f32 v9, v12;
	v11 =	vmul.f32 v11, v5;
	v12 =	vor.u32 $0x1, v8  }
0x828: {  	v14 =	vor.u32 $0x5, v8  }
0x829: {  	v9 =	vadd.f32 v9, v11;
	v11 =	vor.u32 $0x1, v10  }
0x82a: {  	v15 =	vor.u32 $0x5, v10  }
0x82b: {  	[tilespmem:v4+s24+$0x10 ss:$0x1] =	vst.idx.msk $0xffff, v9  }
0x82c: {  	v9 =	vld.idx.msk [tilespmem:v12+s17+$0x0], $0xffff  }
0x82d: {  	v12 =	vld.idx.msk [tilespmem:v14+s17+$0x0], $0xffff  }
0x82e: {  	v11 =	vld.idx.msk [tilespmem:v11+s17+$0x0], $0xffff  }
0x82f: {  	v14 =	vld.idx.msk [tilespmem:v15+s17+$0x0], $0xffff;
	_ =	sdelay $0x2  }
0x830: {  	v9 =	vmul.f32 v9, v13  }
0x831: {  	v12 =	vmul.f32 v12, v6;
	_ =	sdelay $0x1  }
0x832: {  	v11 =	vmul.f32 v11, v7;
	v9 =	vadd.f32 v12, v9;
	v12 =	vmul.f32 v14, v5;
	_ =	sdelay $0x1  }
0x833: {  	v9 =	vadd.f32 v11, v9;
	v11 =	vor.u32 $0x2, v8  }
0x834: {  	v14 =	vor.u32 $0x6, v8  }
0x835: {  	v9 =	vadd.f32 v12, v9;
	v12 =	vor.u32 $0x2, v10  }
0x836: {  	v15 =	vor.u32 $0x6, v10  }
0x837: {  	[tilespmem:v4+s24+$0x90 ss:$0x1] =	vst.idx.msk $0xffff, v9  }
0x838: {  	v9 =	vld.idx.msk [tilespmem:v11+s17+$0x0], $0xffff  }
0x839: {  	v11 =	vld.idx.msk [tilespmem:v14+s17+$0x0], $0xffff  }
0x83a: {  	v12 =	vld.idx.msk [tilespmem:v12+s17+$0x0], $0xffff  }
0x83b: {  	v14 =	vld.idx.msk [tilespmem:v15+s17+$0x0], $0xffff;
	_ =	sdelay $0x2  }
0x83c: {  	v9 =	vmul.f32 v9, v13  }
0x83d: {  	v11 =	vmul.f32 v11, v6;
	_ =	sdelay $0x1  }
0x83e: {  	v9 =	vadd.f32 v11, v9;
	v11 =	vmul.f32 v12, v7;
	v12 =	vmul.f32 v14, v5;
	_ =	sdelay $0x1  }
0x83f: {  	v9 =	vadd.f32 v11, v9;
	v11 =	vor.u32 $0x3, v8  }
0x840: {  	v8 =	vor.u32 $0x7, v8  }
0x841: {  	v9 =	vadd.f32 v12, v9;
	v12 =	vor.u32 $0x3, v10  }
0x842: {  	v14 =	vor.u32 $0x7, v10  }
0x843: {  	[tilespmem:v4+s24+$0x110 ss:$0x1] =	vst.idx.msk $0xffff, v9  }
0x844: {  	v11 =	vld.idx.msk [tilespmem:v11+s17+$0x0], $0xffff  }
0x845: {  	v10 =	vld.idx.msk [tilespmem:v8+s17+$0x0], $0xffff  }
.Ltmp9:
0x846: {  	v9 =	vld.idx.msk [tilespmem:v12+s17+$0x0], $0xffff;
	(pc) =	sbr.rel @p0 .LBB2_21-.Ltmp9, $2  }
0x847: {  	v8 =	vld.idx.msk [tilespmem:v14+s17+$0x0], $0xffff;
	_ =	sdelay $0x2  }
0x848: {  	v11 =	vmul.f32 v11, v13  }
0x849: {  	v2 =	vmul.f32 v10, v6;
	_ =	sdelay $0x1  }
0x84a: {  	v3 =	vmul.f32 v9, v7;
	s4 =	sadd.s32 $0x1, s4;
	v2 =	vadd.f32 v2, v11  }
0x84b: {  	p0 =	sne.s32 s4, $0x10  }
.Ltmp10:
0x84c: {  	v5 =	vmul.f32 v8, v5;
	v2 =	vadd.f32 v3, v2;
	(pc) =	sbr.rel @p0 .LBB2_20-.Ltmp10, $4  }
0x84d: {  	_ = 	snop  }
0x84e: {  	v2 =	vadd.f32 v5, v2  }
0x84f: {  	s20 =	sadd.s32 $0x80, s20  }
0x850: {  	s21 =	sadd.s32 $0x80, s21;
	s22 =	sadd.s32 $0x200, s22;
	s23 =	sadd.s32 $0x80, s23;
	[tilespmem:v4+s24+$0x190 ss:$0x1] =	vst.idx.msk $0xffff, v2  }
0x851: {  	s4 =	simm.s32 $0x0;
	s0 =	rddreg [dreg:$0x6]  }
0x852: {  	[hbm4b:s0+s4] =	stream.linear.scatter [tilespmem:s16], [sflag:$0x3], $0x2000, $0x38;
	[tilespmem:$0x1A000] =	vst v63  }
0x853: {  	_ =	swait.ge [sflag:s14], $0x2000  }
0x854: {  	[sflag:s14] =	ssyncset.done $0x0  }
0x855: {  	[sflag:s14] =	ssyncadd.s32 $0xFFFFE000  }
0x856: {  	_ =	swait.ge [sflag:s18], $0x400  }
0x857: {  	[sflag:s18] =	ssyncset.done $0x0  }
0x858: {  	[sflag:s18] =	ssyncadd.s32 $0xFFFFFC00  }
0x859: {  	_ =	swait.ge [sflag:s18], $0x400  }
0x85a: {  	[sflag:s18] =	ssyncset.done $0x0  }
0x85b: {  	[sflag:s18] =	ssyncadd.s32 $0xFFFFFC00  }
0x85c: {  	_ =	swait.ge [sflag:s18], $0x400  }
0x85d: {  	[sflag:s18] =	ssyncset.done $0x0  }
0x85e: {  	[sflag:s18] =	ssyncadd.s32 $0xFFFFFC00  }
0x85f: {  	_ =	swait.ge [sflag:s18], $0x400  }
0x860: {  	[sflag:s18] =	ssyncset.done $0x0  }
0x861: {  	[sflag:s18] =	ssyncadd.s32 $0xFFFFFC00  }
0x862: {  	_ =	swait.ge [sflag:s18], $0x400  }
0x863: {  	[sflag:s18] =	ssyncset.done $0x0  }
0x864: {  	[sflag:s18] =	ssyncadd.s32 $0xFFFFFC00  }
0x865: {  	_ =	swait.ge [sflag:s18], $0x400  }
0x866: {  	[sflag:s18] =	ssyncset.done $0x0  }
0x867: {  	[sflag:s18] =	ssyncadd.s32 $0xFFFFFC00  }
0x868: {  	_ =	swait.ge [sflag:s18], $0x400  }
0x869: {  	[sflag:s18] =	ssyncset.done $0x0  }
0x86a: {  	[sflag:s18] =	ssyncadd.s32 $0xFFFFFC00  }
0x86b: {  	_ =	swait.ge [sflag:s18], $0x400  }
0x86c: {  	[sflag:s18] =	ssyncset.done $0x0  }
0x86d: {  	[sflag:s18] =	ssyncadd.s32 $0xFFFFFC00  }
0x86e: {  	_ =	swait.ge [sflag:s18], $0x400  }
0x86f: {  	[sflag:s18] =	ssyncset.done $0x0  }
0x870: {  	[sflag:s18] =	ssyncadd.s32 $0xFFFFFC00  }
0x871: {  	_ =	swait.ge [sflag:s18], $0x400  }
0x872: {  	[sflag:s18] =	ssyncset.done $0x0  }
0x873: {  	[sflag:s18] =	ssyncadd.s32 $0xFFFFFC00  }
0x874: {  	_ =	swait.ge [sflag:s18], $0x400  }
0x875: {  	[sflag:s18] =	ssyncset.done $0x0  }
0x876: {  	[sflag:s18] =	ssyncadd.s32 $0xFFFFFC00  }
0x877: {  	_ =	swait.ge [sflag:s18], $0x400  }
0x878: {  	[sflag:s18] =	ssyncset.done $0x0  }
0x879: {  	[sflag:s18] =	ssyncadd.s32 $0xFFFFFC00  }
0x87a: {  	_ =	swait.ge [sflag:s18], $0x400  }
0x87b: {  	[sflag:s18] =	ssyncset.done $0x0  }
0x87c: {  	[sflag:s18] =	ssyncadd.s32 $0xFFFFFC00  }
0x87d: {  	_ =	swait.ge [sflag:s18], $0x400  }
0x87e: {  	[sflag:s18] =	ssyncset.done $0x0  }
0x87f: {  	[sflag:s18] =	ssyncadd.s32 $0xFFFFFC00  }
0x880: {  	_ =	swait.ge [sflag:s18], $0x400  }
0x881: {  	[sflag:s18] =	ssyncset.done $0x0  }
0x882: {  	[sflag:s18] =	ssyncadd.s32 $0xFFFFFC00  }
0x883: {  	_ =	swait.ge [sflag:s18], $0x400  }
0x884: {  	[sflag:s18] =	ssyncset.done $0x0  }
0x885: {  	[sflag:s18] =	ssyncadd.s32 $0xFFFFFC00  }
0x886: {  	_ =	swait.ge [sflag:s18], $0x400  }
0x887: {  	[sflag:s18] =	ssyncset.done $0x0  }
0x888: {  	[sflag:s18] =	ssyncadd.s32 $0xFFFFFC00  }
0x889: {  	_ =	swait.ge [sflag:s18], $0x400  }
0x88a: {  	[sflag:s18] =	ssyncset.done $0x0  }
0x88b: {  	[sflag:s18] =	ssyncadd.s32 $0xFFFFFC00  }
0x88c: {  	_ =	swait.ge [sflag:s18], $0x400  }
0x88d: {  	[sflag:s18] =	ssyncset.done $0x0  }
0x88e: {  	[sflag:s18] =	ssyncadd.s32 $0xFFFFFC00  }
0x88f: {  	_ =	swait.ge [sflag:s18], $0x400  }
0x890: {  	[sflag:s18] =	ssyncset.done $0x0  }
0x891: {  	[sflag:s18] =	ssyncadd.s32 $0xFFFFFC00  }
0x892: {  	_ =	swait.ge [sflag:s18], $0x400  }
0x893: {  	[sflag:s18] =	ssyncset.done $0x0  }
0x894: {  	[sflag:s18] =	ssyncadd.s32 $0xFFFFFC00  }
0x895: {  	_ =	swait.ge [sflag:s18], $0x400  }
0x896: {  	[sflag:s18] =	ssyncset.done $0x0  }
0x897: {  	[sflag:s18] =	ssyncadd.s32 $0xFFFFFC00  }
0x898: {  	_ =	swait.ge [sflag:s18], $0x400  }
0x899: {  	[sflag:s18] =	ssyncset.done $0x0  }
0x89a: {  	[sflag:s18] =	ssyncadd.s32 $0xFFFFFC00  }
0x89b: {  	_ =	swait.ge [sflag:s18], $0x400  }
0x89c: {  	[sflag:s18] =	ssyncset.done $0x0  }
0x89d: {  	[sflag:s18] =	ssyncadd.s32 $0xFFFFFC00  }
0x89e: {  	_ =	swait.ge [sflag:s18], $0x400  }
0x89f: {  	[sflag:s18] =	ssyncset.done $0x0  }
0x8a0: {  	[sflag:s18] =	ssyncadd.s32 $0xFFFFFC00  }
0x8a1: {  	_ =	swait.ge [sflag:s18], $0x400  }
0x8a2: {  	[sflag:s18] =	ssyncset.done $0x0  }
0x8a3: {  	[sflag:s18] =	ssyncadd.s32 $0xFFFFFC00  }
0x8a4: {  	_ =	swait.ge [sflag:s18], $0x400  }
0x8a5: {  	[sflag:s18] =	ssyncset.done $0x0  }
0x8a6: {  	[sflag:s18] =	ssyncadd.s32 $0xFFFFFC00  }
0x8a7: {  	_ =	swait.ge [sflag:s18], $0x400  }
0x8a8: {  	[sflag:s18] =	ssyncset.done $0x0  }
0x8a9: {  	[sflag:s18] =	ssyncadd.s32 $0xFFFFFC00  }
0x8aa: {  	_ =	swait.ge [sflag:s18], $0x400  }
0x8ab: {  	[sflag:s18] =	ssyncset.done $0x0  }
0x8ac: {  	[sflag:s18] =	ssyncadd.s32 $0xFFFFFC00  }
0x8ad: {  	_ =	swait.ge [sflag:s18], $0x400  }
0x8ae: {  	[sflag:s18] =	ssyncset.done $0x0  }
0x8af: {  	[sflag:s18] =	ssyncadd.s32 $0xFFFFFC00  }
0x8b0: {  	_ =	swait.ge [sflag:s18], $0x400  }
0x8b1: {  	[sflag:s18] =	ssyncset.done $0x0  }
0x8b2: {  	[sflag:s18] =	ssyncadd.s32 $0xFFFFFC00  }
0x8b3: {  	_ =	swait.ge [sflag:s18], $0x400  }
0x8b4: {  	s20 =	simm.s32 $0x10;
	s21 =	simm.s32 $0x3800;
	[sflag:s18] =	ssyncset.done $0x0  }
0x8b5: {  	s22 =	simm.s32 $0x18000;
	s23 =	simm.s32 $0x2800;
	[sflag:s18] =	ssyncadd.s32 $0xFFFFFC00  }
.LBB2_24:
0x8b6: {  	v2 =	vmov s23  }
0x8b7: {  	v3 =	vmov s21;
	_ =	sdelay $0x1  }
0x8b8: {  	s0 =	sadd.s32 $0xFFFFFFF0, s20  }
0x8b9: {  	s24 =	simm.s32 $0x0;
	v4 =	vmov s0  }
0x8ba: {  	v4 =	vshll.u32 v4, $0x3;
	v5 =	vld.idx.msk [tilespmem:v2+s24+$0x0 ss:$0x1], $0xffff  }
0x8bb: {  	v6 =	vor.u32 v0, v4;
	v7 =	vld.idx.msk [tilespmem:v3+s24+$0x0 ss:$0x1], $0xffff  }
0x8bc: {  	v8 =	vor.u32 $0x4, v6;
	_ =	sdelay $0x1  }
0x8bd: {  	v9 =	vor.u32 v1, v4;
	_ =	sdelay $0x1  }
0x8be: {  	v4 =	vor.u32 $0x4, v9;
	v10 =	vld.idx.msk [tilespmem:v6+s2+$0x0], $0xffff;
	v11 =	vmul.f32 v7, v5  }
0x8bf: {  	v8 =	vld.idx.msk [tilespmem:v8+s2+$0x0], $0xffff  }
0x8c0: {  	v12 =	vsub.f32 $1.000000000e+00, v5;
	v7 =	vsub.f32 v7, v11  }
0x8c1: {  	v13 =	vld.idx.msk [tilespmem:v9+s2+$0x0], $0xffff  }
0x8c2: {  	v12 =	vsub.f32 v12, v7  }
0x8c3: {  	v14 =	vld.idx.msk [tilespmem:v4+s2+$0x0], $0xffff  }
0x8c4: {  	v5 =	vsub.f32 v5, v11;
	v4 =	vmul.f32 v7, v8;
	v8 =	vmul.f32 v12, v10;
	_ =	sdelay $0x1  }
0x8c5: {  	v10 =	vmul.f32 v13, v5;
	v8 =	vadd.f32 v8, v4  }
0x8c6: {  	v4 =	vmov s22  }
0x8c7: {  	v47 =	vmul.f32 v14, v11;
	v8 =	vadd.f32 v8, v10;
	v10 =	vor.u32 $0x1, v6  }
0x8c8: {  	v48 =	vor.u32 $0x5, v6  }
0x8c9: {  	v8 =	vadd.f32 v8, v47  }
0x8ca: {  	v49 =	vor.u32 $0x1, v9  }
0x8cb: {  	[tilespmem:v4+s24+$0x0 ss:$0x1] =	vst.idx.msk $0xffff, v8  }
0x8cc: {  	v8 =	vld.idx.msk [tilespmem:v10+s2+$0x0], $0xffff;
	v10 =	vor.u32 $0x5, v9  }
0x8cd: {  	v14 =	vld.idx.msk [tilespmem:v48+s2+$0x0], $0xffff;
	_ =	sdelay $0x1  }
0x8ce: {  	v13 =	vld.idx.msk [tilespmem:v49+s2+$0x0], $0xffff;
	_ =	sdelay $0x1  }
0x8cf: {  	v10 =	vld.idx.msk [tilespmem:v10+s2+$0x0], $0xffff  }
0x8d0: {  	v8 =	vmul.f32 v8, v12;
	v14 =	vmul.f32 v14, v7;
	_ =	sdelay $0x1  }
0x8d1: {  	v13 =	vmul.f32 v13, v5;
	v8 =	vadd.f32 v14, v8;
	_ =	sdelay $0x1  }
0x8d2: {  	v50 =	vor.u32 $0x2, v6;
	v8 =	vadd.f32 v13, v8;
	v10 =	vmul.f32 v10, v11  }
0x8d3: {  	v51 =	vor.u32 $0x6, v6  }
0x8d4: {  	v8 =	vadd.f32 v10, v8  }
0x8d5: {  	v10 =	vor.u32 $0x2, v9  }
0x8d6: {  	[tilespmem:v4+s24+$0x80 ss:$0x1] =	vst.idx.msk $0xffff, v8  }
0x8d7: {  	v52 =	vor.u32 $0x6, v9;
	v8 =	vld.idx.msk [tilespmem:v50+s2+$0x0], $0xffff  }
0x8d8: {  	v14 =	vld.idx.msk [tilespmem:v51+s2+$0x0], $0xffff;
	_ =	sdelay $0x1  }
0x8d9: {  	v10 =	vld.idx.msk [tilespmem:v10+s2+$0x0], $0xffff;
	_ =	sdelay $0x1  }
0x8da: {  	v13 =	vld.idx.msk [tilespmem:v52+s2+$0x0], $0xffff  }
0x8db: {  	v8 =	vmul.f32 v8, v12;
	v14 =	vmul.f32 v14, v7;
	_ =	sdelay $0x1  }
0x8dc: {  	v8 =	vadd.f32 v14, v8;
	v10 =	vmul.f32 v10, v5;
	_ =	sdelay $0x1  }
0x8dd: {  	v53 =	vor.u32 $0x7, v6;
	v8 =	vadd.f32 v10, v8;
	v10 =	vmul.f32 v13, v11  }
0x8de: {  	v6 =	vor.u32 $0x3, v6  }
0x8df: {  	v8 =	vadd.f32 v10, v8  }
0x8e0: {  	v10 =	vor.u32 $0x3, v9  }
0x8e1: {  	[tilespmem:v4+s24+$0x100 ss:$0x1] =	vst.idx.msk $0xffff, v8  }
0x8e2: {  	v9 =	vor.u32 $0x7, v9;
	v8 =	vld.idx.msk [tilespmem:v53+s2+$0x0], $0xffff  }
0x8e3: {  	v6 =	vld.idx.msk [tilespmem:v6+s2+$0x0], $0xffff;
	_ =	sdelay $0x1  }
0x8e4: {  	v10 =	vld.idx.msk [tilespmem:v10+s2+$0x0], $0xffff;
	_ =	sdelay $0x1  }
0x8e5: {  	v9 =	vld.idx.msk [tilespmem:v9+s2+$0x0], $0xffff  }
0x8e6: {  	v7 =	vmul.f32 v8, v7;
	v6 =	vmul.f32 v6, v12;
	_ =	sdelay $0x1  }
0x8e7: {  	v6 =	vadd.f32 v7, v6;
	v5 =	vmul.f32 v10, v5;
	_ =	sdelay $0x1  }
0x8e8: {  	v5 =	vadd.f32 v5, v6;
	v6 =	vmul.f32 v9, v11;
	_ =	sdelay $0x1  }
0x8e9: {  	v5 =	vadd.f32 v6, v5;
	_ =	sdelay $0x1  }
0x8ea: {  	v6 =	vmov s20;
	[tilespmem:v4+s24+$0x180 ss:$0x1] =	vst.idx.msk $0xffff, v5  }
0x8eb: {  	v5 =	vshll.u32 v6, $0x3;
	v7 =	vld.idx.msk [tilespmem:v2+s24+$0x10 ss:$0x1], $0xffff  }
0x8ec: {  	v8 =	vor.u32 v0, v5;
	v6 =	vld.idx.msk [tilespmem:v3+s24+$0x10 ss:$0x1], $0xffff  }
0x8ed: {  	v9 =	vor.u32 $0x4, v8;
	_ =	sdelay $0x1  }
0x8ee: {  	v10 =	vor.u32 v1, v5;
	_ =	sdelay $0x1  }
0x8ef: {  	v11 =	vor.u32 $0x4, v10;
	v5 =	vmul.f32 v6, v7;
	v54 =	vld.idx.msk [tilespmem:v8+s2+$0x0], $0xffff  }
0x8f0: {  	v9 =	vld.idx.msk [tilespmem:v9+s2+$0x0], $0xffff  }
0x8f1: {  	v55 =	vsub.f32 $1.000000000e+00, v7;
	v6 =	vsub.f32 v6, v5  }
0x8f2: {  	v56 =	vld.idx.msk [tilespmem:v10+s2+$0x0], $0xffff  }
0x8f3: {  	v13 =	vsub.f32 v55, v6  }
0x8f4: {  	v11 =	vld.idx.msk [tilespmem:v11+s2+$0x0], $0xffff  }
0x8f5: {  	v7 =	vsub.f32 v7, v5;
	v12 =	vmul.f32 v13, v54;
	v9 =	vmul.f32 v6, v9;
	_ =	sdelay $0x1  }
0x8f6: {  	v57 =	vmul.f32 v56, v7;
	v9 =	vadd.f32 v12, v9;
	_ =	sdelay $0x1  }
0x8f7: {  	v58 =	vor.u32 $0x1, v8;
	v11 =	vmul.f32 v11, v5;
	v9 =	vadd.f32 v9, v57  }
0x8f8: {  	v59 =	vor.u32 $0x5, v8  }
0x8f9: {  	v9 =	vadd.f32 v9, v11  }
0x8fa: {  	v11 =	vor.u32 $0x1, v10  }
0x8fb: {  	[tilespmem:v4+s24+$0x10 ss:$0x1] =	vst.idx.msk $0xffff, v9  }
0x8fc: {  	v9 =	vor.u32 $0x5, v10;
	v12 =	vld.idx.msk [tilespmem:v58+s2+$0x0], $0xffff  }
0x8fd: {  	v14 =	vld.idx.msk [tilespmem:v59+s2+$0x0], $0xffff;
	_ =	sdelay $0x1  }
0x8fe: {  	v11 =	vld.idx.msk [tilespmem:v11+s2+$0x0], $0xffff;
	_ =	sdelay $0x1  }
0x8ff: {  	v9 =	vld.idx.msk [tilespmem:v9+s2+$0x0], $0xffff  }
0x900: {  	v12 =	vmul.f32 v12, v13;
	v14 =	vmul.f32 v14, v6;
	_ =	sdelay $0x1  }
0x901: {  	v12 =	vadd.f32 v14, v12;
	v11 =	vmul.f32 v11, v7;
	_ =	sdelay $0x1  }
0x902: {  	v60 =	vor.u32 $0x2, v8;
	v9 =	vmul.f32 v9, v5;
	v11 =	vadd.f32 v11, v12  }
0x903: {  	v61 =	vor.u32 $0x6, v8  }
0x904: {  	v9 =	vadd.f32 v9, v11  }
0x905: {  	v11 =	vor.u32 $0x2, v10  }
0x906: {  	[tilespmem:v4+s24+$0x90 ss:$0x1] =	vst.idx.msk $0xffff, v9  }
0x907: {  	v9 =	vor.u32 $0x6, v10;
	v12 =	vld.idx.msk [tilespmem:v60+s2+$0x0], $0xffff  }
0x908: {  	v14 =	vld.idx.msk [tilespmem:v61+s2+$0x0], $0xffff;
	_ =	sdelay $0x1  }
0x909: {  	v11 =	vld.idx.msk [tilespmem:v11+s2+$0x0], $0xffff;
	_ =	sdelay $0x1  }
0x90a: {  	v9 =	vld.idx.msk [tilespmem:v9+s2+$0x0], $0xffff  }
0x90b: {  	v12 =	vmul.f32 v12, v13;
	v14 =	vmul.f32 v14, v6;
	_ =	sdelay $0x1  }
0x90c: {  	v12 =	vadd.f32 v14, v12;
	v11 =	vmul.f32 v11, v7;
	_ =	sdelay $0x1  }
0x90d: {  	v62 =	vor.u32 $0x3, v8;
	v9 =	vmul.f32 v9, v5;
	v11 =	vadd.f32 v11, v12;
	_ =	sdelay $0x1  }
0x90e: {  	v8 =	vor.u32 $0x7, v8;
	v9 =	vadd.f32 v9, v11  }
0x90f: {  	v11 =	vor.u32 $0x3, v10  }
0x910: {  	v63 =	vor.u32 $0x7, v10;
	[tilespmem:v4+s24+$0x110 ss:$0x1] =	vst.idx.msk $0xffff, v9  }
0x911: {  	v12 =	vld.idx.msk [tilespmem:v62+s2+$0x0], $0xffff;
	_ =	sdelay $0x1  }
0x912: {  	v10 =	vld.idx.msk [tilespmem:v8+s2+$0x0], $0xffff  }
0x913: {  	v9 =	vld.idx.msk [tilespmem:v11+s2+$0x0], $0xffff  }
0x914: {  	v8 =	vld.idx.msk [tilespmem:v63+s2+$0x0], $0xffff  }
0x915: {  	s25 =	simm.s32 $0x80;
	s26 =	smov.u32 s20;
	v11 =	vmul.f32 v12, v13  }
.LBB2_25:
0x916: {  	p0 =	sne.s32 s25, $0x180  }
0x917: {  	v6 =	vmul.f32 v10, v6;
	s26 =	sadd.s32 $0x20, s26;
	s0 =	smov.u32 s25;
	s25 =	sadd.s32 $0x80, s25  }
0x918: {  	v7 =	vmul.f32 v9, v7  }
0x919: {  	v5 =	vmul.f32 v8, v5;
	v6 =	vadd.f32 v6, v11;
	_ =	sdelay $0x1  }
0x91a: {  	v6 =	vadd.f32 v7, v6;
	_ =	sdelay $0x1  }
0x91b: {  	s3 =	sadd.s32 $0xFFFFFFF0, s26;
	v5 =	vadd.f32 v5, v6  }
0x91c: {  	v6 =	vmov s3  }
0x91d: {  	v6 =	vshll.u32 v6, $0x3;
	[tilespmem:v4+s24+$0x190 ss:$0x1] =	vst.idx.msk $0xffff, v5;
	s24 =	sshra.s32 s0, $0x2  }
0x91e: {  	v7 =	vor.u32 v0, v6;
	v6 =	vor.u32 v1, v6;
	v5 =	vld.idx.msk [tilespmem:v2+s24+$0x0 ss:$0x1], $0xffff  }
0x91f: {  	v9 =	vor.u32 $0x4, v7;
	v10 =	vor.u32 $0x4, v6;
	v8 =	vld.idx.msk [tilespmem:v3+s24+$0x0 ss:$0x1], $0xffff;
	_ =	sdelay $0x3  }
0x920: {  	v11 =	vld.idx.msk [tilespmem:v7+s2+$0x0], $0xffff  }
0x921: {  	v9 =	vld.idx.msk [tilespmem:v9+s2+$0x0], $0xffff  }
0x922: {  	v12 =	vmul.f32 v8, v5  }
0x923: {  	v13 =	vsub.f32 $1.000000000e+00, v5;
	v14 =	vld.idx.msk [tilespmem:v6+s2+$0x0], $0xffff  }
0x924: {  	v8 =	vsub.f32 v8, v12  }
0x925: {  	v10 =	vld.idx.msk [tilespmem:v10+s2+$0x0], $0xffff  }
0x926: {  	v13 =	vsub.f32 v13, v8  }
0x927: {  	v9 =	vmul.f32 v8, v9  }
0x928: {  	v5 =	vsub.f32 v5, v12;
	v11 =	vmul.f32 v13, v11;
	_ =	sdelay $0x1  }
0x929: {  	v9 =	vadd.f32 v11, v9;
	v11 =	vmul.f32 v14, v5  }
0x92a: {  	v10 =	vmul.f32 v10, v12  }
0x92b: {  	v9 =	vadd.f32 v9, v11;
	v11 =	vor.u32 $0x1, v7  }
0x92c: {  	v14 =	vor.u32 $0x5, v7  }
0x92d: {  	v9 =	vadd.f32 v9, v10  }
0x92e: {  	v10 =	vor.u32 $0x1, v6  }
0x92f: {  	[tilespmem:v4+s24+$0x0 ss:$0x1] =	vst.idx.msk $0xffff, v9  }
0x930: {  	v9 =	vld.idx.msk [tilespmem:v11+s2+$0x0], $0xffff;
	v11 =	vor.u32 $0x5, v6  }
0x931: {  	v14 =	vld.idx.msk [tilespmem:v14+s2+$0x0], $0xffff;
	_ =	sdelay $0x1  }
0x932: {  	v10 =	vld.idx.msk [tilespmem:v10+s2+$0x0], $0xffff;
	_ =	sdelay $0x1  }
0x933: {  	v11 =	vld.idx.msk [tilespmem:v11+s2+$0x0], $0xffff  }
0x934: {  	v9 =	vmul.f32 v9, v13  }
0x935: {  	v14 =	vmul.f32 v14, v8;
	_ =	sdelay $0x1  }
0x936: {  	v9 =	vadd.f32 v14, v9;
	v10 =	vmul.f32 v10, v5;
	_ =	sdelay $0x1  }
0x937: {  	v9 =	vadd.f32 v10, v9;
	v10 =	vmul.f32 v11, v12;
	v11 =	vor.u32 $0x2, v7  }
0x938: {  	v14 =	vor.u32 $0x6, v7  }
0x939: {  	v9 =	vadd.f32 v10, v9  }
0x93a: {  	v10 =	vor.u32 $0x2, v6  }
0x93b: {  	[tilespmem:v4+s24+$0x80 ss:$0x1] =	vst.idx.msk $0xffff, v9  }
0x93c: {  	v9 =	vld.idx.msk [tilespmem:v11+s2+$0x0], $0xffff;
	v11 =	vor.u32 $0x6, v6  }
0x93d: {  	v14 =	vld.idx.msk [tilespmem:v14+s2+$0x0], $0xffff;
	_ =	sdelay $0x1  }
0x93e: {  	v10 =	vld.idx.msk [tilespmem:v10+s2+$0x0], $0xffff;
	_ =	sdelay $0x1  }
0x93f: {  	v11 =	vld.idx.msk [tilespmem:v11+s2+$0x0], $0xffff  }
0x940: {  	v9 =	vmul.f32 v9, v13  }
0x941: {  	v14 =	vmul.f32 v14, v8;
	_ =	sdelay $0x1  }
0x942: {  	v9 =	vadd.f32 v14, v9;
	v10 =	vmul.f32 v10, v5;
	_ =	sdelay $0x1  }
0x943: {  	v9 =	vadd.f32 v10, v9;
	v10 =	vmul.f32 v11, v12;
	v11 =	vor.u32 $0x7, v7  }
0x944: {  	v7 =	vor.u32 $0x3, v7  }
0x945: {  	v9 =	vadd.f32 v10, v9;
	v10 =	vor.u32 $0x3, v6;
	_ =	sdelay $0x1  }
0x946: {  	[tilespmem:v4+s24+$0x100 ss:$0x1] =	vst.idx.msk $0xffff, v9  }
0x947: {  	v6 =	vor.u32 $0x7, v6;
	v9 =	vld.idx.msk [tilespmem:v11+s2+$0x0], $0xffff  }
0x948: {  	v7 =	vld.idx.msk [tilespmem:v7+s2+$0x0], $0xffff  }
0x949: {  	v10 =	vld.idx.msk [tilespmem:v10+s2+$0x0], $0xffff;
	_ =	sdelay $0x2  }
0x94a: {  	v6 =	vld.idx.msk [tilespmem:v6+s2+$0x0], $0xffff  }
0x94b: {  	v8 =	vmul.f32 v9, v8  }
0x94c: {  	v7 =	vmul.f32 v7, v13;
	_ =	sdelay $0x1  }
0x94d: {  	v5 =	vmul.f32 v10, v5;
	v7 =	vadd.f32 v8, v7;
	_ =	sdelay $0x1  }
0x94e: {  	v5 =	vadd.f32 v5, v7;
	v6 =	vmul.f32 v6, v12;
	_ =	sdelay $0x1  }
0x94f: {  	v5 =	vadd.f32 v6, v5  }
0x950: {  	v6 =	vmov s26  }
0x951: {  	[tilespmem:v4+s24+$0x180 ss:$0x1] =	vst.idx.msk $0xffff, v5;
	v5 =	vshll.u32 v6, $0x3  }
0x952: {  	v7 =	vld.idx.msk [tilespmem:v2+s24+$0x10 ss:$0x1], $0xffff;
	v8 =	vor.u32 v0, v5  }
0x953: {  	v6 =	vld.idx.msk [tilespmem:v3+s24+$0x10 ss:$0x1], $0xffff;
	v9 =	vor.u32 $0x4, v8;
	_ =	sdelay $0x2  }
0x954: {  	v10 =	vor.u32 v1, v5;
	_ =	sdelay $0x1  }
0x955: {  	v11 =	vor.u32 $0x4, v10;
	v9 =	vld.idx.msk [tilespmem:v9+s2+$0x0], $0xffff  }
0x956: {  	v5 =	vmul.f32 v6, v7;
	v12 =	vld.idx.msk [tilespmem:v8+s2+$0x0], $0xffff;
	_ =	sdelay $0x1  }
0x957: {  	v13 =	vsub.f32 $1.000000000e+00, v7;
	v6 =	vsub.f32 v6, v5;
	v14 =	vld.idx.msk [tilespmem:v10+s2+$0x0], $0xffff;
	_ =	sdelay $0x1  }
0x958: {  	v13 =	vsub.f32 v13, v6;
	v11 =	vld.idx.msk [tilespmem:v11+s2+$0x0], $0xffff;
	_ =	sdelay $0x1  }
0x959: {  	v7 =	vsub.f32 v7, v5;
	v9 =	vmul.f32 v6, v9;
	v12 =	vmul.f32 v13, v12;
	_ =	sdelay $0x1  }
0x95a: {  	v9 =	vadd.f32 v12, v9;
	v12 =	vmul.f32 v14, v7;
	_ =	sdelay $0x1  }
0x95b: {  	v9 =	vadd.f32 v9, v12;
	v11 =	vmul.f32 v11, v5;
	v12 =	vor.u32 $0x1, v8  }
0x95c: {  	v14 =	vor.u32 $0x5, v8  }
0x95d: {  	v9 =	vadd.f32 v9, v11;
	v11 =	vor.u32 $0x1, v10  }
0x95e: {  	v15 =	vor.u32 $0x5, v10  }
0x95f: {  	[tilespmem:v4+s24+$0x10 ss:$0x1] =	vst.idx.msk $0xffff, v9  }
0x960: {  	v9 =	vld.idx.msk [tilespmem:v12+s2+$0x0], $0xffff  }
0x961: {  	v12 =	vld.idx.msk [tilespmem:v14+s2+$0x0], $0xffff  }
0x962: {  	v11 =	vld.idx.msk [tilespmem:v11+s2+$0x0], $0xffff  }
0x963: {  	v14 =	vld.idx.msk [tilespmem:v15+s2+$0x0], $0xffff;
	_ =	sdelay $0x2  }
0x964: {  	v9 =	vmul.f32 v9, v13  }
0x965: {  	v12 =	vmul.f32 v12, v6;
	_ =	sdelay $0x1  }
0x966: {  	v11 =	vmul.f32 v11, v7;
	v9 =	vadd.f32 v12, v9;
	v12 =	vmul.f32 v14, v5;
	_ =	sdelay $0x1  }
0x967: {  	v9 =	vadd.f32 v11, v9;
	v11 =	vor.u32 $0x2, v8  }
0x968: {  	v14 =	vor.u32 $0x6, v8  }
0x969: {  	v9 =	vadd.f32 v12, v9;
	v12 =	vor.u32 $0x2, v10  }
0x96a: {  	v15 =	vor.u32 $0x6, v10  }
0x96b: {  	[tilespmem:v4+s24+$0x90 ss:$0x1] =	vst.idx.msk $0xffff, v9  }
0x96c: {  	v9 =	vld.idx.msk [tilespmem:v11+s2+$0x0], $0xffff  }
0x96d: {  	v11 =	vld.idx.msk [tilespmem:v14+s2+$0x0], $0xffff  }
0x96e: {  	v12 =	vld.idx.msk [tilespmem:v12+s2+$0x0], $0xffff  }
0x96f: {  	v14 =	vld.idx.msk [tilespmem:v15+s2+$0x0], $0xffff;
	_ =	sdelay $0x2  }
0x970: {  	v9 =	vmul.f32 v9, v13  }
0x971: {  	v11 =	vmul.f32 v11, v6;
	_ =	sdelay $0x1  }
0x972: {  	v9 =	vadd.f32 v11, v9;
	v11 =	vmul.f32 v12, v7;
	v12 =	vmul.f32 v14, v5;
	_ =	sdelay $0x1  }
0x973: {  	v9 =	vadd.f32 v11, v9;
	v11 =	vor.u32 $0x3, v8  }
0x974: {  	v8 =	vor.u32 $0x7, v8  }
0x975: {  	v9 =	vadd.f32 v12, v9;
	v12 =	vor.u32 $0x3, v10  }
0x976: {  	v14 =	vor.u32 $0x7, v10  }
0x977: {  	[tilespmem:v4+s24+$0x110 ss:$0x1] =	vst.idx.msk $0xffff, v9  }
0x978: {  	v11 =	vld.idx.msk [tilespmem:v11+s2+$0x0], $0xffff  }
0x979: {  	v10 =	vld.idx.msk [tilespmem:v8+s2+$0x0], $0xffff  }
.Ltmp11:
0x97a: {  	v9 =	vld.idx.msk [tilespmem:v12+s2+$0x0], $0xffff;
	(pc) =	sbr.rel @p0 .LBB2_25-.Ltmp11, $2  }
0x97b: {  	v8 =	vld.idx.msk [tilespmem:v14+s2+$0x0], $0xffff;
	_ =	sdelay $0x2  }
0x97c: {  	v11 =	vmul.f32 v11, v13  }
0x97d: {  	v2 =	vmul.f32 v10, v6;
	_ =	sdelay $0x1  }
0x97e: {  	v3 =	vmul.f32 v9, v7;
	s4 =	sadd.s32 $0x1, s4;
	v2 =	vadd.f32 v2, v11  }
0x97f: {  	p0 =	sne.s32 s4, $0x10  }
.Ltmp12:
0x980: {  	v5 =	vmul.f32 v8, v5;
	v2 =	vadd.f32 v3, v2;
	(pc) =	sbr.rel @p0 .LBB2_24-.Ltmp12, $4  }
0x981: {  	_ = 	snop  }
0x982: {  	v2 =	vadd.f32 v5, v2  }
0x983: {  	s20 =	sadd.s32 $0x80, s20  }
0x984: {  	s21 =	sadd.s32 $0x80, s21;
	s22 =	sadd.s32 $0x200, s22;
	s23 =	sadd.s32 $0x80, s23;
	[tilespmem:v4+s24+$0x190 ss:$0x1] =	vst.idx.msk $0xffff, v2  }
0x985: {  	s0 =	rddreg [dreg:$0x7]  }
0x986: {  	[hbm4b:s0+s28] =	stream.linear.scatter [tilespmem:s19], [sflag:$0x3], $0x2000, $0x38;
	[tilespmem:$0x1A000] =	vst v63  }
0x987: {  	_ =	swait.ge [sflag:s14], $0x2000  }
0x988: {  	s3 =	rddreg [dreg:$0x9]  }
0x989: {  	s31 =	rddreg [dreg:$0x8];
	s3 =	sadd.s32 $0x1, s3  }
0x98a: {  	p0 =	sne.s32 s3, s31  }
.Ltmp13:
0x98b: {  	_ = 	snop;
	(pc) =	sbr.rel @p0 .LBB2_1-.Ltmp13, $3  }
0x98c: {  	_ =	sdelay $0x1  }
0x98d: {  	[sflag:s14] =	ssyncset.done $0x0  }
0x98e: {  	[sflag:s14] =	ssyncadd.s32 $0xFFFFE000  }
0x98f: {  	_ =	sfence.sel $0x180000  }
0x990: {  	[bflag:$0x0] =	sbarrier.arrive $0xFFFF  }
0x991: {  	_ =	strace $0x90000047  }
0x992: {  	s0 =	stileid.u32;
	[bflag:$0x2] =	sbarrier.arrive $0xFFFF  }
0x993: {  	p0 =	sne.s32 s0, $0x0;
	s0 =	rddreg [dreg:$0x3]  }
0x994: {  	s0 =	sadd.s32 @!p0 $0x100000, s0  }
0x995: {  	[sflag:s0] =	ssyncadd.tile.s32 @!p0 $0x1;
	_ =	shalt  }
.Lfunc_end2:
_tile_overlayer_lowered:
.L_overlay_start_2:
0x996: {  	(tag) =	ssettag $0x2  }
0x997: {  	s0 =	rddreg [dreg:$0x0];
	s2 =	stileid.u32  }
0x998: {  	s1 =	rddreg [dreg:$0x1];
	p0 =	sne.s32 s2, $0x0  }
0x999: {  	s3 =	rddreg [dreg:$0x2];
	[bflag:$0x3] =	sbarrier.arrive $0xFFFF;
	s2 =	simm.s32 @!p0 $0x1C03  }
0x99a: {  	[timem:s3], [sflag:s2] =	dma.local @!p0 [hbm:s0], s1  }
0x99b: {  	s0 =	simm.s32 @!p0 $0x3  }
0x99c: {  	_ =	swait.ge @!p0 [sflag:s0], s1  }
0x99d: {  	s1 =	ssub.s32 @!p0 $0x0, s1;
	[sflag:s0] =	ssyncset.done @!p0 $0x0  }
0x99e: {  	[sflag:s0] =	ssyncadd.s32 @!p0 s1  }
0x99f: {  	[bflag:$0x3] =	sbarrier.arrive $0xFFFF  }
0x9a0: {  	_ =	shalt  }

</sc_bundles>
